<compile_context>
chip_gen: v7x
topology: tpu7x:2x2x1
jax: 0.10.2.dev20260603
libtpu: 0.0.44.dev20260713+nightly
codegen_flags: <defaults>
</compile_context>

<pallas_src>
import functools

import jax
import jax.numpy as jnp
from jax import lax
from jax.experimental import pallas as pl
from jax.experimental.pallas import tpu as pltpu
from jax.experimental.pallas import tpu_sc as plsc

B = 16384
F = 26
ND = 13
NC = 2
NS = 16
NW = NC * NS
BPW = B // NW
CHUNK = 128
NSTAGE = BPW // CHUNK
GPS = CHUNK // 16
TPAD = 1000064


def _body(table_hbm, idx_hbm, dense_hbm, wv_hbm, out_hbm,
          idx_v, vals_v, dense_v, w_v, out_v, sem0, sem1, sem2, sem3):
    wid = lax.axis_index("s") * NC + lax.axis_index("c")
    base = wid * BPW

    sems = (sem0, sem1, sem2, sem3)

    def fire(k):
        sem = sems[k]
        return [
            pltpu.async_copy(
                table_hbm.at[idx_v.at[f, pl.ds(k * CHUNK, CHUNK)]],
                vals_v.at[f, pl.ds(k * CHUNK, CHUNK)],
                sem,
            )
            for f in range(F)
        ]

    pending = []
    for k in range(NSTAGE):
        pltpu.sync_copy(idx_hbm.at[:, pl.ds(base + k * CHUNK, CHUNK)],
                        idx_v.at[:, pl.ds(k * CHUNK, CHUNK)])
        pending.append(fire(k))

    pltpu.sync_copy(dense_hbm.at[:, pl.ds(base, BPW)], dense_v)
    pltpu.sync_copy(wv_hbm, w_v)

    w16 = w_v[...]
    wsplat = [
        jnp.take_along_axis(w16, jnp.full((16,), d, jnp.int32), axis=0)
        for d in range(ND + 1)
    ]

    def compute(k):
        @pl.loop(0, GPS)
        def _compute(gg):
            g = k * GPS + gg
            acc = wsplat[ND]
            for f in range(F):
                acc = acc + vals_v[f, pl.ds(g * 16, 16)]
            for d in range(ND):
                acc = acc + wsplat[d] * dense_v[d, pl.ds(g * 16, 16)]
            out_v[pl.ds(g * 16, 16)] = acc

    for k in range(NSTAGE):
        for c in pending[k]:
            c.wait()
        compute(k)

    pltpu.sync_copy(out_v, out_hbm.at[pl.ds(base, BPW)])


@jax.jit
def _lr_sc(table_flat, idx_t, dense_t, wv):
    mesh = plsc.VectorSubcoreMesh(core_axis_name="c", subcore_axis_name="s")
    return pl.kernel(
        _body,
        out_type=jax.ShapeDtypeStruct((B,), jnp.float32),
        mesh=mesh,
        compiler_params=pltpu.CompilerParams(needs_layout_passes=False),
        scratch_types=[
            pltpu.VMEM((F, BPW), jnp.int32),
            pltpu.VMEM((F, BPW), jnp.float32),
            pltpu.VMEM((ND, BPW), jnp.float32),
            pltpu.VMEM((16,), jnp.float32),
            pltpu.VMEM((BPW,), jnp.float32),
            pltpu.SemaphoreType.DMA,
            pltpu.SemaphoreType.DMA,
            pltpu.SemaphoreType.DMA,
            pltpu.SemaphoreType.DMA,
        ],
    )(table_flat, idx_t, dense_t, wv)


def kernel(dense, sparse, sparse_table, dense_W, dense_b, bias):
    idx_t = sparse.astype(jnp.int32).T
    dense_t = dense.T
    table_flat = lax.reshape(sparse_table, (1000000,), dimensions=(1, 0))
    wv = jnp.concatenate(
        [dense_W.reshape(-1),
         (dense_b + bias).reshape(-1),
         jnp.zeros(2, jnp.float32)]
    )
    return _lr_sc(table_flat, idx_t, dense_t, wv)

# --- scband reference (transcript-rebuilt; emitter-appended) ---
"""Pipeline reference for scband-lrmodel-16836271800636 (READ-ONLY COPY).

The authoritative reference and input builder live on the scoring server;
editing this copy changes nothing except your own understanding.
"""

import jax, jax.numpy as jnp
import numpy as np

HASH_SIZE = 1000000
NUM_DENSE = 13
BATCH = 16384
N_FIELDS = 26


def setup_inputs(seed: int = 0) -> dict:
    key = jax.random.key(seed)
    k1, k2, k3, k4, k5 = jax.random.split(key, 5)
    dense = jax.random.normal(k1, (BATCH, NUM_DENSE), dtype=jnp.float32)
    sparse = jax.random.randint(k2, (BATCH, N_FIELDS), 0, HASH_SIZE, dtype=jnp.int64)
    # Learned parameters
    sparse_table = jax.random.normal(k3, (HASH_SIZE, 1), dtype=jnp.float32) * 0.01
    dense_W = jax.random.normal(k4, (NUM_DENSE, 1), dtype=jnp.float32) * (1.0 / np.sqrt(NUM_DENSE))
    dense_b = jnp.zeros((1,), dtype=jnp.float32)
    bias = jnp.zeros((1,), dtype=jnp.float32)
    return {
        "dense": dense,
        "sparse": sparse,
        "sparse_table": sparse_table,
        "dense_W": dense_W,
        "dense_b": dense_b,
        "bias": bias,
    }


def reference(dense, sparse, sparse_table, dense_W, dense_b, bias):
    # dense_logit = nn.Linear(num_dense, 1)(dense) -> [B, 1]
    dense_logit = dense @ dense_W + dense_b
    # sparse_logit = nn.Embedding(hash_size, 1)(sparse).sum(dim=1) -> [B, 1]
    emb = jnp.take(sparse_table, sparse, axis=0)  # [B, F, 1]
    sparse_logit = emb.sum(axis=1)  # [B, 1]
    logit = dense_logit + sparse_logit + bias  # [B, 1]
    return jnp.squeeze(logit, axis=1)  # [B]

if __name__ == "__main__":
    import jax
    _d = setup_inputs()
    print(jax.jit(kernel)(*tuple(_d.values())))

</pallas_src>

<mosaic_0001>
#map = affine_map<(d0, d1) -> (0)>
#map1 = affine_map<(d0, d1) -> (0, 0)>
module attributes {stable_mosaic.version = 14 : i64} {
  func.func @_body(%arg0: i32, %arg1: i32, %arg2: memref<1000000xf32, #tpu.memory_space<hbm>>, %arg3: memref<26x16384xi32, #tpu.memory_space<hbm>>, %arg4: memref<13x16384xf32, #tpu.memory_space<hbm>>, %arg5: memref<16xf32, #tpu.memory_space<hbm>>, %arg6: memref<16384xf32, #tpu.memory_space<hbm>>, %arg7: memref<26x512xi32, #tpu.memory_space<vmem>>, %arg8: memref<26x512xf32, #tpu.memory_space<vmem>>, %arg9: memref<13x512xf32, #tpu.memory_space<vmem>>, %arg10: memref<16xf32, #tpu.memory_space<vmem>>, %arg11: memref<512xf32, #tpu.memory_space<vmem>>, %arg12: memref<!tpu.dma_semaphore, #tpu.memory_space<semaphore_mem>>, %arg13: memref<!tpu.dma_semaphore, #tpu.memory_space<semaphore_mem>>, %arg14: memref<!tpu.dma_semaphore, #tpu.memory_space<semaphore_mem>>, %arg15: memref<!tpu.dma_semaphore, #tpu.memory_space<semaphore_mem>>) attributes {dimension_semantics = [#tpu.dimension_semantics<core_parallel>, #tpu.dimension_semantics<subcore_parallel>], iteration_bounds = array<i64: 2, 16>, scalar_prefetch = 0 : i64, scratch_operands = 9 : i64, tpu.core_type = #tpu.core_type<sc_vector_subcore>, window_params = [{transform_indices = #map}, {transform_indices = #map1}, {transform_indices = #map1}, {transform_indices = #map}, {transform_indices = #map}]} {
    %mul3A = arith.constant 2 : i32
    %mul3A_0 = arith.muli %arg1, %mul3A : i32
    %add3A = arith.addi %mul3A_0, %arg0 : i32
    %mul3A_1 = arith.constant 512 : i32
    %mul3A_2 = arith.muli %add3A, %mul3A_1 : i32
    %add3A_3 = arith.constant 0 : i32
    %add3A_4 = arith.addi %mul3A_2, %add3A_3 : i32
    "tpu.region"() ({
      %run_scoped3A = tpu.sem_alloc : memref<!tpu.dma_semaphore, #tpu.memory_space<semaphore_mem>>
      %dma_start3A_2272 = arith.constant 0 : i32
      %dma_start3A_2273 = arith.constant 0 : i32
      %dma_start3A_2274 = tpu.memref_slice %arg7[%dma_start3A_2272, %dma_start3A_2273] : memref<26x512xi32, #tpu.memory_space<vmem>> -> memref<26x128xi32, #tpu.memory_space<vmem>>
      %dma_start3A_2275 = arith.constant 0 : i32
      %dma_start3A_2276 = tpu.memref_slice %arg3[%dma_start3A_2275, %add3A_4] : memref<26x16384xi32, #tpu.memory_space<hbm>> -> memref<26x128xi32, #tpu.memory_space<hbm>>
      %dma_start3A_2277 = arith.constant 0 : i32
      %dma_start3A_2278 = arith.constant 0 : i32
      %dma_start3A_2279 = tpu.memref_slice %arg7[%dma_start3A_2277, %dma_start3A_2278] : memref<26x512xi32, #tpu.memory_space<vmem>> -> memref<26x128xi32, #tpu.memory_space<vmem>>
      %dma_start3A_2280 = arith.constant 0 : i32
      %dma_start3A_2281 = tpu.memref_slice %arg3[%dma_start3A_2280, %add3A_4] : memref<26x16384xi32, #tpu.memory_space<hbm>> -> memref<26x128xi32, #tpu.memory_space<hbm>>
      tpu.enqueue_dma source(%dma_start3A_2281 : memref<26x128xi32, #tpu.memory_space<hbm>>) target(%dma_start3A_2279 : memref<26x128xi32, #tpu.memory_space<vmem>>) target_semaphore(%run_scoped3A : memref<!tpu.dma_semaphore, #tpu.memory_space<semaphore_mem>>)
      %dma_wait3A_2282 = arith.constant 0 : i32
      %dma_wait3A_2283 = arith.constant 0 : i32
      %dma_wait3A_2284 = tpu.memref_slice %arg7[%dma_wait3A_2282, %dma_wait3A_2283] : memref<26x512xi32, #tpu.memory_space<vmem>> -> memref<26x128xi32, #tpu.memory_space<vmem>>
      %dma_wait3A_2285 = arith.constant 0 : i32
      %dma_wait3A_2286 = tpu.memref_slice %arg3[%dma_wait3A_2285, %add3A_4] : memref<26x16384xi32, #tpu.memory_space<hbm>> -> memref<26x128xi32, #tpu.memory_space<hbm>>
      %dma_wait3A_2287 = arith.constant 0 : i32
      %dma_wait3A_2288 = arith.constant 0 : i32
      %dma_wait3A_2289 = tpu.memref_slice %arg7[%dma_wait3A_2287, %dma_wait3A_2288] : memref<26x512xi32, #tpu.memory_space<vmem>> -> memref<26x128xi32, #tpu.memory_space<vmem>>
      %dma_wait3A_2290 = arith.constant 0 : i32
      %dma_wait3A_2291 = tpu.memref_slice %arg3[%dma_wait3A_2290, %add3A_4] : memref<26x16384xi32, #tpu.memory_space<hbm>> -> memref<26x128xi32, #tpu.memory_space<hbm>>
      tpu.wait_dma2 semaphore(%run_scoped3A : memref<!tpu.dma_semaphore, #tpu.memory_space<semaphore_mem>>) src(%dma_wait3A_2291 : memref<26x128xi32, #tpu.memory_space<hbm>>) dst(%dma_wait3A_2289 : memref<26x128xi32, #tpu.memory_space<vmem>>)
      tpu.yield
    }) : () -> ()
    %dma_start3A = arith.constant 0 : i32
    %dma_start3A_5 = arith.constant 0 : i32
    %dma_start3A_6 = arith.constant 0 : i32
    %dma_start3A_7 = tpu.memref_slice %arg8[%dma_start3A_5, %dma_start3A_6] : memref<26x512xf32, #tpu.memory_space<vmem>> -> memref<1x128xf32, #tpu.memory_space<vmem>>
    %dma_start3A_8 = tpu.memref_squeeze %dma_start3A_7 : memref<1x128xf32, #tpu.memory_space<vmem>> -> memref<128xf32, #tpu.memory_space<vmem>>
    %dma_start3A_9 = arith.constant 0 : i32
    %dma_start3A_10 = tpu.memref_slice %arg7[%dma_start3A, %dma_start3A_9] : memref<26x512xi32, #tpu.memory_space<vmem>> -> memref<1x128xi32, #tpu.memory_space<vmem>>
    %dma_start3A_11 = tpu.memref_squeeze %dma_start3A_10 : memref<1x128xi32, #tpu.memory_space<vmem>> -> memref<128xi32, #tpu.memory_space<vmem>>
    %dma_start3A_12 = arith.constant 0 : i32
    %dma_start3A_13 = tpu.memref_slice %arg2[%dma_start3A_12] : memref<1000000xf32, #tpu.memory_space<hbm>> -> memref<1000000xf32, #tpu.memory_space<hbm>>
    tpu.enqueue_indirect_dma source(%dma_start3A_13 : memref<1000000xf32, #tpu.memory_space<hbm>>) target(%dma_start3A_8 : memref<128xf32, #tpu.memory_space<vmem>>) offsets(%dma_start3A_11 : memref<128xi32, #tpu.memory_space<vmem>>) semaphore(%arg12 : memref<!tpu.dma_semaphore, #tpu.memory_space<semaphore_mem>>)
    %dma_start3A_14 = arith.constant 1 : i32
    %dma_start3A_15 = arith.constant 1 : i32
    %dma_start3A_16 = arith.constant 0 : i32
    %dma_start3A_17 = tpu.memref_slice %arg8[%dma_start3A_15, %dma_start3A_16] : memref<26x512xf32, #tpu.memory_space<vmem>> -> memref<1x128xf32, #tpu.memory_space<vmem>>
    %dma_start3A_18 = tpu.memref_squeeze %dma_start3A_17 : memref<1x128xf32, #tpu.memory_space<vmem>> -> memref<128xf32, #tpu.memory_space<vmem>>
    %dma_start3A_19 = arith.constant 0 : i32
    %dma_start3A_20 = tpu.memref_slice %arg7[%dma_start3A_14, %dma_start3A_19] : memref<26x512xi32, #tpu.memory_space<vmem>> -> memref<1x128xi32, #tpu.memory_space<vmem>>
    %dma_start3A_21 = tpu.memref_squeeze %dma_start3A_20 : memref<1x128xi32, #tpu.memory_space<vmem>> -> memref<128xi32, #tpu.memory_space<vmem>>
    %dma_start3A_22 = arith.constant 0 : i32
    %dma_start3A_23 = tpu.memref_slice %arg2[%dma_start3A_22] : memref<1000000xf32, #tpu.memory_space<hbm>> -> memref<1000000xf32, #tpu.memory_space<hbm>>
    tpu.enqueue_indirect_dma source(%dma_start3A_23 : memref<1000000xf32, #tpu.memory_space<hbm>>) target(%dma_start3A_18 : memref<128xf32, #tpu.memory_space<vmem>>) offsets(%dma_start3A_21 : memref<128xi32, #tpu.memory_space<vmem>>) semaphore(%arg12 : memref<!tpu.dma_semaphore, #tpu.memory_space<semaphore_mem>>)
    %dma_start3A_24 = arith.constant 2 : i32
    %dma_start3A_25 = arith.constant 2 : i32
    %dma_start3A_26 = arith.constant 0 : i32
    %dma_start3A_27 = tpu.memref_slice %arg8[%dma_start3A_25, %dma_start3A_26] : memref<26x512xf32, #tpu.memory_space<vmem>> -> memref<1x128xf32, #tpu.memory_space<vmem>>
    %dma_start3A_28 = tpu.memref_squeeze %dma_start3A_27 : memref<1x128xf32, #tpu.memory_space<vmem>> -> memref<128xf32, #tpu.memory_space<vmem>>
    %dma_start3A_29 = arith.constant 0 : i32
    %dma_start3A_30 = tpu.memref_slice %arg7[%dma_start3A_24, %dma_start3A_29] : memref<26x512xi32, #tpu.memory_space<vmem>> -> memref<1x128xi32, #tpu.memory_space<vmem>>
    %dma_start3A_31 = tpu.memref_squeeze %dma_start3A_30 : memref<1x128xi32, #tpu.memory_space<vmem>> -> memref<128xi32, #tpu.memory_space<vmem>>
    %dma_start3A_32 = arith.constant 0 : i32
    %dma_start3A_33 = tpu.memref_slice %arg2[%dma_start3A_32] : memref<1000000xf32, #tpu.memory_space<hbm>> -> memref<1000000xf32, #tpu.memory_space<hbm>>
    tpu.enqueue_indirect_dma source(%dma_start3A_33 : memref<1000000xf32, #tpu.memory_space<hbm>>) target(%dma_start3A_28 : memref<128xf32, #tpu.memory_space<vmem>>) offsets(%dma_start3A_31 : memref<128xi32, #tpu.memory_space<vmem>>) semaphore(%arg12 : memref<!tpu.dma_semaphore, #tpu.memory_space<semaphore_mem>>)
    %dma_start3A_34 = arith.constant 3 : i32
    %dma_start3A_35 = arith.constant 3 : i32
    %dma_start3A_36 = arith.constant 0 : i32
    %dma_start3A_37 = tpu.memref_slice %arg8[%dma_start3A_35, %dma_start3A_36] : memref<26x512xf32, #tpu.memory_space<vmem>> -> memref<1x128xf32, #tpu.memory_space<vmem>>
    %dma_start3A_38 = tpu.memref_squeeze %dma_start3A_37 : memref<1x128xf32, #tpu.memory_space<vmem>> -> memref<128xf32, #tpu.memory_space<vmem>>
    %dma_start3A_39 = arith.constant 0 : i32
    %dma_start3A_40 = tpu.memref_slice %arg7[%dma_start3A_34, %dma_start3A_39] : memref<26x512xi32, #tpu.memory_space<vmem>> -> memref<1x128xi32, #tpu.memory_space<vmem>>
    %dma_start3A_41 = tpu.memref_squeeze %dma_start3A_40 : memref<1x128xi32, #tpu.memory_space<vmem>> -> memref<128xi32, #tpu.memory_space<vmem>>
    %dma_start3A_42 = arith.constant 0 : i32
    %dma_start3A_43 = tpu.memref_slice %arg2[%dma_start3A_42] : memref<1000000xf32, #tpu.memory_space<hbm>> -> memref<1000000xf32, #tpu.memory_space<hbm>>
    tpu.enqueue_indirect_dma source(%dma_start3A_43 : memref<1000000xf32, #tpu.memory_space<hbm>>) target(%dma_start3A_38 : memref<128xf32, #tpu.memory_space<vmem>>) offsets(%dma_start3A_41 : memref<128xi32, #tpu.memory_space<vmem>>) semaphore(%arg12 : memref<!tpu.dma_semaphore, #tpu.memory_space<semaphore_mem>>)
    %dma_start3A_44 = arith.constant 4 : i32
    %dma_start3A_45 = arith.constant 4 : i32
    %dma_start3A_46 = arith.constant 0 : i32
    %dma_start3A_47 = tpu.memref_slice %arg8[%dma_start3A_45, %dma_start3A_46] : memref<26x512xf32, #tpu.memory_space<vmem>> -> memref<1x128xf32, #tpu.memory_space<vmem>>
    %dma_start3A_48 = tpu.memref_squeeze %dma_start3A_47 : memref<1x128xf32, #tpu.memory_space<vmem>> -> memref<128xf32, #tpu.memory_space<vmem>>
    %dma_start3A_49 = arith.constant 0 : i32
    %dma_start3A_50 = tpu.memref_slice %arg7[%dma_start3A_44, %dma_start3A_49] : memref<26x512xi32, #tpu.memory_space<vmem>> -> memref<1x128xi32, #tpu.memory_space<vmem>>
    %dma_start3A_51 = tpu.memref_squeeze %dma_start3A_50 : memref<1x128xi32, #tpu.memory_space<vmem>> -> memref<128xi32, #tpu.memory_space<vmem>>
    %dma_start3A_52 = arith.constant 0 : i32
    %dma_start3A_53 = tpu.memref_slice %arg2[%dma_start3A_52] : memref<1000000xf32, #tpu.memory_space<hbm>> -> memref<1000000xf32, #tpu.memory_space<hbm>>
    tpu.enqueue_indirect_dma source(%dma_start3A_53 : memref<1000000xf32, #tpu.memory_space<hbm>>) target(%dma_start3A_48 : memref<128xf32, #tpu.memory_space<vmem>>) offsets(%dma_start3A_51 : memref<128xi32, #tpu.memory_space<vmem>>) semaphore(%arg12 : memref<!tpu.dma_semaphore, #tpu.memory_space<semaphore_mem>>)
    %dma_start3A_54 = arith.constant 5 : i32
    %dma_start3A_55 = arith.constant 5 : i32
    %dma_start3A_56 = arith.constant 0 : i32
    %dma_start3A_57 = tpu.memref_slice %arg8[%dma_start3A_55, %dma_start3A_56] : memref<26x512xf32, #tpu.memory_space<vmem>> -> memref<1x128xf32, #tpu.memory_space<vmem>>
    %dma_start3A_58 = tpu.memref_squeeze %dma_start3A_57 : memref<1x128xf32, #tpu.memory_space<vmem>> -> memref<128xf32, #tpu.memory_space<vmem>>
    %dma_start3A_59 = arith.constant 0 : i32
    %dma_start3A_60 = tpu.memref_slice %arg7[%dma_start3A_54, %dma_start3A_59] : memref<26x512xi32, #tpu.memory_space<vmem>> -> memref<1x128xi32, #tpu.memory_space<vmem>>
    %dma_start3A_61 = tpu.memref_squeeze %dma_start3A_60 : memref<1x128xi32, #tpu.memory_space<vmem>> -> memref<128xi32, #tpu.memory_space<vmem>>
    %dma_start3A_62 = arith.constant 0 : i32
    %dma_start3A_63 = tpu.memref_slice %arg2[%dma_start3A_62] : memref<1000000xf32, #tpu.memory_space<hbm>> -> memref<1000000xf32, #tpu.memory_space<hbm>>
    tpu.enqueue_indirect_dma source(%dma_start3A_63 : memref<1000000xf32, #tpu.memory_space<hbm>>) target(%dma_start3A_58 : memref<128xf32, #tpu.memory_space<vmem>>) offsets(%dma_start3A_61 : memref<128xi32, #tpu.memory_space<vmem>>) semaphore(%arg12 : memref<!tpu.dma_semaphore, #tpu.memory_space<semaphore_mem>>)
    %dma_start3A_64 = arith.constant 6 : i32
    %dma_start3A_65 = arith.constant 6 : i32
    %dma_start3A_66 = arith.constant 0 : i32
    %dma_start3A_67 = tpu.memref_slice %arg8[%dma_start3A_65, %dma_start3A_66] : memref<26x512xf32, #tpu.memory_space<vmem>> -> memref<1x128xf32, #tpu.memory_space<vmem>>
    %dma_start3A_68 = tpu.memref_squeeze %dma_start3A_67 : memref<1x128xf32, #tpu.memory_space<vmem>> -> memref<128xf32, #tpu.memory_space<vmem>>
    %dma_start3A_69 = arith.constant 0 : i32
    %dma_start3A_70 = tpu.memref_slice %arg7[%dma_start3A_64, %dma_start3A_69] : memref<26x512xi32, #tpu.memory_space<vmem>> -> memref<1x128xi32, #tpu.memory_space<vmem>>
    %dma_start3A_71 = tpu.memref_squeeze %dma_start3A_70 : memref<1x128xi32, #tpu.memory_space<vmem>> -> memref<128xi32, #tpu.memory_space<vmem>>
    %dma_start3A_72 = arith.constant 0 : i32
    %dma_start3A_73 = tpu.memref_slice %arg2[%dma_start3A_72] : memref<1000000xf32, #tpu.memory_space<hbm>> -> memref<1000000xf32, #tpu.memory_space<hbm>>
    tpu.enqueue_indirect_dma source(%dma_start3A_73 : memref<1000000xf32, #tpu.memory_space<hbm>>) target(%dma_start3A_68 : memref<128xf32, #tpu.memory_space<vmem>>) offsets(%dma_start3A_71 : memref<128xi32, #tpu.memory_space<vmem>>) semaphore(%arg12 : memref<!tpu.dma_semaphore, #tpu.memory_space<semaphore_mem>>)
    %dma_start3A_74 = arith.constant 7 : i32
    %dma_start3A_75 = arith.constant 7 : i32
    %dma_start3A_76 = arith.constant 0 : i32
    %dma_start3A_77 = tpu.memref_slice %arg8[%dma_start3A_75, %dma_start3A_76] : memref<26x512xf32, #tpu.memory_space<vmem>> -> memref<1x128xf32, #tpu.memory_space<vmem>>
    %dma_start3A_78 = tpu.memref_squeeze %dma_start3A_77 : memref<1x128xf32, #tpu.memory_space<vmem>> -> memref<128xf32, #tpu.memory_space<vmem>>
    %dma_start3A_79 = arith.constant 0 : i32
    %dma_start3A_80 = tpu.memref_slice %arg7[%dma_start3A_74, %dma_start3A_79] : memref<26x512xi32, #tpu.memory_space<vmem>> -> memref<1x128xi32, #tpu.memory_space<vmem>>
    %dma_start3A_81 = tpu.memref_squeeze %dma_start3A_80 : memref<1x128xi32, #tpu.memory_space<vmem>> -> memref<128xi32, #tpu.memory_space<vmem>>
    %dma_start3A_82 = arith.constant 0 : i32
    %dma_start3A_83 = tpu.memref_slice %arg2[%dma_start3A_82] : memref<1000000xf32, #tpu.memory_space<hbm>> -> memref<1000000xf32, #tpu.memory_space<hbm>>
    tpu.enqueue_indirect_dma source(%dma_start3A_83 : memref<1000000xf32, #tpu.memory_space<hbm>>) target(%dma_start3A_78 : memref<128xf32, #tpu.memory_space<vmem>>) offsets(%dma_start3A_81 : memref<128xi32, #tpu.memory_space<vmem>>) semaphore(%arg12 : memref<!tpu.dma_semaphore, #tpu.memory_space<semaphore_mem>>)
    %dma_start3A_84 = arith.constant 8 : i32
    %dma_start3A_85 = arith.constant 8 : i32
    %dma_start3A_86 = arith.constant 0 : i32
    %dma_start3A_87 = tpu.memref_slice %arg8[%dma_start3A_85, %dma_start3A_86] : memref<26x512xf32, #tpu.memory_space<vmem>> -> memref<1x128xf32, #tpu.memory_space<vmem>>
    %dma_start3A_88 = tpu.memref_squeeze %dma_start3A_87 : memref<1x128xf32, #tpu.memory_space<vmem>> -> memref<128xf32, #tpu.memory_space<vmem>>
    %dma_start3A_89 = arith.constant 0 : i32
    %dma_start3A_90 = tpu.memref_slice %arg7[%dma_start3A_84, %dma_start3A_89] : memref<26x512xi32, #tpu.memory_space<vmem>> -> memref<1x128xi32, #tpu.memory_space<vmem>>
    %dma_start3A_91 = tpu.memref_squeeze %dma_start3A_90 : memref<1x128xi32, #tpu.memory_space<vmem>> -> memref<128xi32, #tpu.memory_space<vmem>>
    %dma_start3A_92 = arith.constant 0 : i32
    %dma_start3A_93 = tpu.memref_slice %arg2[%dma_start3A_92] : memref<1000000xf32, #tpu.memory_space<hbm>> -> memref<1000000xf32, #tpu.memory_space<hbm>>
    tpu.enqueue_indirect_dma source(%dma_start3A_93 : memref<1000000xf32, #tpu.memory_space<hbm>>) target(%dma_start3A_88 : memref<128xf32, #tpu.memory_space<vmem>>) offsets(%dma_start3A_91 : memref<128xi32, #tpu.memory_space<vmem>>) semaphore(%arg12 : memref<!tpu.dma_semaphore, #tpu.memory_space<semaphore_mem>>)
    %dma_start3A_94 = arith.constant 9 : i32
    %dma_start3A_95 = arith.constant 9 : i32
    %dma_start3A_96 = arith.constant 0 : i32
    %dma_start3A_97 = tpu.memref_slice %arg8[%dma_start3A_95, %dma_start3A_96] : memref<26x512xf32, #tpu.memory_space<vmem>> -> memref<1x128xf32, #tpu.memory_space<vmem>>
    %dma_start3A_98 = tpu.memref_squeeze %dma_start3A_97 : memref<1x128xf32, #tpu.memory_space<vmem>> -> memref<128xf32, #tpu.memory_space<vmem>>
    %dma_start3A_99 = arith.constant 0 : i32
    %dma_start3A_100 = tpu.memref_slice %arg7[%dma_start3A_94, %dma_start3A_99] : memref<26x512xi32, #tpu.memory_space<vmem>> -> memref<1x128xi32, #tpu.memory_space<vmem>>
    %dma_start3A_101 = tpu.memref_squeeze %dma_start3A_100 : memref<1x128xi32, #tpu.memory_space<vmem>> -> memref<128xi32, #tpu.memory_space<vmem>>
    %dma_start3A_102 = arith.constant 0 : i32
    %dma_start3A_103 = tpu.memref_slice %arg2[%dma_start3A_102] : memref<1000000xf32, #tpu.memory_space<hbm>> -> memref<1000000xf32, #tpu.memory_space<hbm>>
    tpu.enqueue_indirect_dma source(%dma_start3A_103 : memref<1000000xf32, #tpu.memory_space<hbm>>) target(%dma_start3A_98 : memref<128xf32, #tpu.memory_space<vmem>>) offsets(%dma_start3A_101 : memref<128xi32, #tpu.memory_space<vmem>>) semaphore(%arg12 : memref<!tpu.dma_semaphore, #tpu.memory_space<semaphore_mem>>)
    %dma_start3A_104 = arith.constant 10 : i32
    %dma_start3A_105 = arith.constant 10 : i32
    %dma_start3A_106 = arith.constant 0 : i32
    %dma_start3A_107 = tpu.memref_slice %arg8[%dma_start3A_105, %dma_start3A_106] : memref<26x512xf32, #tpu.memory_space<vmem>> -> memref<1x128xf32, #tpu.memory_space<vmem>>
    %dma_start3A_108 = tpu.memref_squeeze %dma_start3A_107 : memref<1x128xf32, #tpu.memory_space<vmem>> -> memref<128xf32, #tpu.memory_space<vmem>>
    %dma_start3A_109 = arith.constant 0 : i32
    %dma_start3A_110 = tpu.memref_slice %arg7[%dma_start3A_104, %dma_start3A_109] : memref<26x512xi32, #tpu.memory_space<vmem>> -> memref<1x128xi32, #tpu.memory_space<vmem>>
    %dma_start3A_111 = tpu.memref_squeeze %dma_start3A_110 : memref<1x128xi32, #tpu.memory_space<vmem>> -> memref<128xi32, #tpu.memory_space<vmem>>
    %dma_start3A_112 = arith.constant 0 : i32
    %dma_start3A_113 = tpu.memref_slice %arg2[%dma_start3A_112] : memref<1000000xf32, #tpu.memory_space<hbm>> -> memref<1000000xf32, #tpu.memory_space<hbm>>
    tpu.enqueue_indirect_dma source(%dma_start3A_113 : memref<1000000xf32, #tpu.memory_space<hbm>>) target(%dma_start3A_108 : memref<128xf32, #tpu.memory_space<vmem>>) offsets(%dma_start3A_111 : memref<128xi32, #tpu.memory_space<vmem>>) semaphore(%arg12 : memref<!tpu.dma_semaphore, #tpu.memory_space<semaphore_mem>>)
    %dma_start3A_114 = arith.constant 11 : i32
    %dma_start3A_115 = arith.constant 11 : i32
    %dma_start3A_116 = arith.constant 0 : i32
    %dma_start3A_117 = tpu.memref_slice %arg8[%dma_start3A_115, %dma_start3A_116] : memref<26x512xf32, #tpu.memory_space<vmem>> -> memref<1x128xf32, #tpu.memory_space<vmem>>
    %dma_start3A_118 = tpu.memref_squeeze %dma_start3A_117 : memref<1x128xf32, #tpu.memory_space<vmem>> -> memref<128xf32, #tpu.memory_space<vmem>>
    %dma_start3A_119 = arith.constant 0 : i32
    %dma_start3A_120 = tpu.memref_slice %arg7[%dma_start3A_114, %dma_start3A_119] : memref<26x512xi32, #tpu.memory_space<vmem>> -> memref<1x128xi32, #tpu.memory_space<vmem>>
    %dma_start3A_121 = tpu.memref_squeeze %dma_start3A_120 : memref<1x128xi32, #tpu.memory_space<vmem>> -> memref<128xi32, #tpu.memory_space<vmem>>
    %dma_start3A_122 = arith.constant 0 : i32
    %dma_start3A_123 = tpu.memref_slice %arg2[%dma_start3A_122] : memref<1000000xf32, #tpu.memory_space<hbm>> -> memref<1000000xf32, #tpu.memory_space<hbm>>
    tpu.enqueue_indirect_dma source(%dma_start3A_123 : memref<1000000xf32, #tpu.memory_space<hbm>>) target(%dma_start3A_118 : memref<128xf32, #tpu.memory_space<vmem>>) offsets(%dma_start3A_121 : memref<128xi32, #tpu.memory_space<vmem>>) semaphore(%arg12 : memref<!tpu.dma_semaphore, #tpu.memory_space<semaphore_mem>>)
    %dma_start3A_124 = arith.constant 12 : i32
    %dma_start3A_125 = arith.constant 12 : i32
    %dma_start3A_126 = arith.constant 0 : i32
    %dma_start3A_127 = tpu.memref_slice %arg8[%dma_start3A_125, %dma_start3A_126] : memref<26x512xf32, #tpu.memory_space<vmem>> -> memref<1x128xf32, #tpu.memory_space<vmem>>
    %dma_start3A_128 = tpu.memref_squeeze %dma_start3A_127 : memref<1x128xf32, #tpu.memory_space<vmem>> -> memref<128xf32, #tpu.memory_space<vmem>>
    %dma_start3A_129 = arith.constant 0 : i32
    %dma_start3A_130 = tpu.memref_slice %arg7[%dma_start3A_124, %dma_start3A_129] : memref<26x512xi32, #tpu.memory_space<vmem>> -> memref<1x128xi32, #tpu.memory_space<vmem>>
    %dma_start3A_131 = tpu.memref_squeeze %dma_start3A_130 : memref<1x128xi32, #tpu.memory_space<vmem>> -> memref<128xi32, #tpu.memory_space<vmem>>
    %dma_start3A_132 = arith.constant 0 : i32
    %dma_start3A_133 = tpu.memref_slice %arg2[%dma_start3A_132] : memref<1000000xf32, #tpu.memory_space<hbm>> -> memref<1000000xf32, #tpu.memory_space<hbm>>
    tpu.enqueue_indirect_dma source(%dma_start3A_133 : memref<1000000xf32, #tpu.memory_space<hbm>>) target(%dma_start3A_128 : memref<128xf32, #tpu.memory_space<vmem>>) offsets(%dma_start3A_131 : memref<128xi32, #tpu.memory_space<vmem>>) semaphore(%arg12 : memref<!tpu.dma_semaphore, #tpu.memory_space<semaphore_mem>>)
    %dma_start3A_134 = arith.constant 13 : i32
    %dma_start3A_135 = arith.constant 13 : i32
    %dma_start3A_136 = arith.constant 0 : i32
    %dma_start3A_137 = tpu.memref_slice %arg8[%dma_start3A_135, %dma_start3A_136] : memref<26x512xf32, #tpu.memory_space<vmem>> -> memref<1x128xf32, #tpu.memory_space<vmem>>
    %dma_start3A_138 = tpu.memref_squeeze %dma_start3A_137 : memref<1x128xf32, #tpu.memory_space<vmem>> -> memref<128xf32, #tpu.memory_space<vmem>>
    %dma_start3A_139 = arith.constant 0 : i32
    %dma_start3A_140 = tpu.memref_slice %arg7[%dma_start3A_134, %dma_start3A_139] : memref<26x512xi32, #tpu.memory_space<vmem>> -> memref<1x128xi32, #tpu.memory_space<vmem>>
    %dma_start3A_141 = tpu.memref_squeeze %dma_start3A_140 : memref<1x128xi32, #tpu.memory_space<vmem>> -> memref<128xi32, #tpu.memory_space<vmem>>
    %dma_start3A_142 = arith.constant 0 : i32
    %dma_start3A_143 = tpu.memref_slice %arg2[%dma_start3A_142] : memref<1000000xf32, #tpu.memory_space<hbm>> -> memref<1000000xf32, #tpu.memory_space<hbm>>
    tpu.enqueue_indirect_dma source(%dma_start3A_143 : memref<1000000xf32, #tpu.memory_space<hbm>>) target(%dma_start3A_138 : memref<128xf32, #tpu.memory_space<vmem>>) offsets(%dma_start3A_141 : memref<128xi32, #tpu.memory_space<vmem>>) semaphore(%arg12 : memref<!tpu.dma_semaphore, #tpu.memory_space<semaphore_mem>>)
    %dma_start3A_144 = arith.constant 14 : i32
    %dma_start3A_145 = arith.constant 14 : i32
    %dma_start3A_146 = arith.constant 0 : i32
    %dma_start3A_147 = tpu.memref_slice %arg8[%dma_start3A_145, %dma_start3A_146] : memref<26x512xf32, #tpu.memory_space<vmem>> -> memref<1x128xf32, #tpu.memory_space<vmem>>
    %dma_start3A_148 = tpu.memref_squeeze %dma_start3A_147 : memref<1x128xf32, #tpu.memory_space<vmem>> -> memref<128xf32, #tpu.memory_space<vmem>>
    %dma_start3A_149 = arith.constant 0 : i32
    %dma_start3A_150 = tpu.memref_slice %arg7[%dma_start3A_144, %dma_start3A_149] : memref<26x512xi32, #tpu.memory_space<vmem>> -> memref<1x128xi32, #tpu.memory_space<vmem>>
    %dma_start3A_151 = tpu.memref_squeeze %dma_start3A_150 : memref<1x128xi32, #tpu.memory_space<vmem>> -> memref<128xi32, #tpu.memory_space<vmem>>
    %dma_start3A_152 = arith.constant 0 : i32
    %dma_start3A_153 = tpu.memref_slice %arg2[%dma_start3A_152] : memref<1000000xf32, #tpu.memory_space<hbm>> -> memref<1000000xf32, #tpu.memory_space<hbm>>
    tpu.enqueue_indirect_dma source(%dma_start3A_153 : memref<1000000xf32, #tpu.memory_space<hbm>>) target(%dma_start3A_148 : memref<128xf32, #tpu.memory_space<vmem>>) offsets(%dma_start3A_151 : memref<128xi32, #tpu.memory_space<vmem>>) semaphore(%arg12 : memref<!tpu.dma_semaphore, #tpu.memory_space<semaphore_mem>>)
    %dma_start3A_154 = arith.constant 15 : i32
    %dma_start3A_155 = arith.constant 15 : i32
    %dma_start3A_156 = arith.constant 0 : i32
    %dma_start3A_157 = tpu.memref_slice %arg8[%dma_start3A_155, %dma_start3A_156] : memref<26x512xf32, #tpu.memory_space<vmem>> -> memref<1x128xf32, #tpu.memory_space<vmem>>
    %dma_start3A_158 = tpu.memref_squeeze %dma_start3A_157 : memref<1x128xf32, #tpu.memory_space<vmem>> -> memref<128xf32, #tpu.memory_space<vmem>>
    %dma_start3A_159 = arith.constant 0 : i32
    %dma_start3A_160 = tpu.memref_slice %arg7[%dma_start3A_154, %dma_start3A_159] : memref<26x512xi32, #tpu.memory_space<vmem>> -> memref<1x128xi32, #tpu.memory_space<vmem>>
    %dma_start3A_161 = tpu.memref_squeeze %dma_start3A_160 : memref<1x128xi32, #tpu.memory_space<vmem>> -> memref<128xi32, #tpu.memory_space<vmem>>
    %dma_start3A_162 = arith.constant 0 : i32
    %dma_start3A_163 = tpu.memref_slice %arg2[%dma_start3A_162] : memref<1000000xf32, #tpu.memory_space<hbm>> -> memref<1000000xf32, #tpu.memory_space<hbm>>
    tpu.enqueue_indirect_dma source(%dma_start3A_163 : memref<1000000xf32, #tpu.memory_space<hbm>>) target(%dma_start3A_158 : memref<128xf32, #tpu.memory_space<vmem>>) offsets(%dma_start3A_161 : memref<128xi32, #tpu.memory_space<vmem>>) semaphore(%arg12 : memref<!tpu.dma_semaphore, #tpu.memory_space<semaphore_mem>>)
    %dma_start3A_164 = arith.constant 16 : i32
    %dma_start3A_165 = arith.constant 16 : i32
    %dma_start3A_166 = arith.constant 0 : i32
    %dma_start3A_167 = tpu.memref_slice %arg8[%dma_start3A_165, %dma_start3A_166] : memref<26x512xf32, #tpu.memory_space<vmem>> -> memref<1x128xf32, #tpu.memory_space<vmem>>
    %dma_start3A_168 = tpu.memref_squeeze %dma_start3A_167 : memref<1x128xf32, #tpu.memory_space<vmem>> -> memref<128xf32, #tpu.memory_space<vmem>>
    %dma_start3A_169 = arith.constant 0 : i32
    %dma_start3A_170 = tpu.memref_slice %arg7[%dma_start3A_164, %dma_start3A_169] : memref<26x512xi32, #tpu.memory_space<vmem>> -> memref<1x128xi32, #tpu.memory_space<vmem>>
    %dma_start3A_171 = tpu.memref_squeeze %dma_start3A_170 : memref<1x128xi32, #tpu.memory_space<vmem>> -> memref<128xi32, #tpu.memory_space<vmem>>
    %dma_start3A_172 = arith.constant 0 : i32
    %dma_start3A_173 = tpu.memref_slice %arg2[%dma_start3A_172] : memref<1000000xf32, #tpu.memory_space<hbm>> -> memref<1000000xf32, #tpu.memory_space<hbm>>
    tpu.enqueue_indirect_dma source(%dma_start3A_173 : memref<1000000xf32, #tpu.memory_space<hbm>>) target(%dma_start3A_168 : memref<128xf32, #tpu.memory_space<vmem>>) offsets(%dma_start3A_171 : memref<128xi32, #tpu.memory_space<vmem>>) semaphore(%arg12 : memref<!tpu.dma_semaphore, #tpu.memory_space<semaphore_mem>>)
    %dma_start3A_174 = arith.constant 17 : i32
    %dma_start3A_175 = arith.constant 17 : i32
    %dma_start3A_176 = arith.constant 0 : i32
    %dma_start3A_177 = tpu.memref_slice %arg8[%dma_start3A_175, %dma_start3A_176] : memref<26x512xf32, #tpu.memory_space<vmem>> -> memref<1x128xf32, #tpu.memory_space<vmem>>
    %dma_start3A_178 = tpu.memref_squeeze %dma_start3A_177 : memref<1x128xf32, #tpu.memory_space<vmem>> -> memref<128xf32, #tpu.memory_space<vmem>>
    %dma_start3A_179 = arith.constant 0 : i32
    %dma_start3A_180 = tpu.memref_slice %arg7[%dma_start3A_174, %dma_start3A_179] : memref<26x512xi32, #tpu.memory_space<vmem>> -> memref<1x128xi32, #tpu.memory_space<vmem>>
    %dma_start3A_181 = tpu.memref_squeeze %dma_start3A_180 : memref<1x128xi32, #tpu.memory_space<vmem>> -> memref<128xi32, #tpu.memory_space<vmem>>
    %dma_start3A_182 = arith.constant 0 : i32
    %dma_start3A_183 = tpu.memref_slice %arg2[%dma_start3A_182] : memref<1000000xf32, #tpu.memory_space<hbm>> -> memref<1000000xf32, #tpu.memory_space<hbm>>
    tpu.enqueue_indirect_dma source(%dma_start3A_183 : memref<1000000xf32, #tpu.memory_space<hbm>>) target(%dma_start3A_178 : memref<128xf32, #tpu.memory_space<vmem>>) offsets(%dma_start3A_181 : memref<128xi32, #tpu.memory_space<vmem>>) semaphore(%arg12 : memref<!tpu.dma_semaphore, #tpu.memory_space<semaphore_mem>>)
    %dma_start3A_184 = arith.constant 18 : i32
    %dma_start3A_185 = arith.constant 18 : i32
    %dma_start3A_186 = arith.constant 0 : i32
    %dma_start3A_187 = tpu.memref_slice %arg8[%dma_start3A_185, %dma_start3A_186] : memref<26x512xf32, #tpu.memory_space<vmem>> -> memref<1x128xf32, #tpu.memory_space<vmem>>
    %dma_start3A_188 = tpu.memref_squeeze %dma_start3A_187 : memref<1x128xf32, #tpu.memory_space<vmem>> -> memref<128xf32, #tpu.memory_space<vmem>>
    %dma_start3A_189 = arith.constant 0 : i32
    %dma_start3A_190 = tpu.memref_slice %arg7[%dma_start3A_184, %dma_start3A_189] : memref<26x512xi32, #tpu.memory_space<vmem>> -> memref<1x128xi32, #tpu.memory_space<vmem>>
    %dma_start3A_191 = tpu.memref_squeeze %dma_start3A_190 : memref<1x128xi32, #tpu.memory_space<vmem>> -> memref<128xi32, #tpu.memory_space<vmem>>
    %dma_start3A_192 = arith.constant 0 : i32
    %dma_start3A_193 = tpu.memref_slice %arg2[%dma_start3A_192] : memref<1000000xf32, #tpu.memory_space<hbm>> -> memref<1000000xf32, #tpu.memory_space<hbm>>
    tpu.enqueue_indirect_dma source(%dma_start3A_193 : memref<1000000xf32, #tpu.memory_space<hbm>>) target(%dma_start3A_188 : memref<128xf32, #tpu.memory_space<vmem>>) offsets(%dma_start3A_191 : memref<128xi32, #tpu.memory_space<vmem>>) semaphore(%arg12 : memref<!tpu.dma_semaphore, #tpu.memory_space<semaphore_mem>>)
    %dma_start3A_194 = arith.constant 19 : i32
    %dma_start3A_195 = arith.constant 19 : i32
    %dma_start3A_196 = arith.constant 0 : i32
    %dma_start3A_197 = tpu.memref_slice %arg8[%dma_start3A_195, %dma_start3A_196] : memref<26x512xf32, #tpu.memory_space<vmem>> -> memref<1x128xf32, #tpu.memory_space<vmem>>
    %dma_start3A_198 = tpu.memref_squeeze %dma_start3A_197 : memref<1x128xf32, #tpu.memory_space<vmem>> -> memref<128xf32, #tpu.memory_space<vmem>>
    %dma_start3A_199 = arith.constant 0 : i32
    %dma_start3A_200 = tpu.memref_slice %arg7[%dma_start3A_194, %dma_start3A_199] : memref<26x512xi32, #tpu.memory_space<vmem>> -> memref<1x128xi32, #tpu.memory_space<vmem>>
    %dma_start3A_201 = tpu.memref_squeeze %dma_start3A_200 : memref<1x128xi32, #tpu.memory_space<vmem>> -> memref<128xi32, #tpu.memory_space<vmem>>
    %dma_start3A_202 = arith.constant 0 : i32
    %dma_start3A_203 = tpu.memref_slice %arg2[%dma_start3A_202] : memref<1000000xf32, #tpu.memory_space<hbm>> -> memref<1000000xf32, #tpu.memory_space<hbm>>
    tpu.enqueue_indirect_dma source(%dma_start3A_203 : memref<1000000xf32, #tpu.memory_space<hbm>>) target(%dma_start3A_198 : memref<128xf32, #tpu.memory_space<vmem>>) offsets(%dma_start3A_201 : memref<128xi32, #tpu.memory_space<vmem>>) semaphore(%arg12 : memref<!tpu.dma_semaphore, #tpu.memory_space<semaphore_mem>>)
    %dma_start3A_204 = arith.constant 20 : i32
    %dma_start3A_205 = arith.constant 20 : i32
    %dma_start3A_206 = arith.constant 0 : i32
    %dma_start3A_207 = tpu.memref_slice %arg8[%dma_start3A_205, %dma_start3A_206] : memref<26x512xf32, #tpu.memory_space<vmem>> -> memref<1x128xf32, #tpu.memory_space<vmem>>
    %dma_start3A_208 = tpu.memref_squeeze %dma_start3A_207 : memref<1x128xf32, #tpu.memory_space<vmem>> -> memref<128xf32, #tpu.memory_space<vmem>>
    %dma_start3A_209 = arith.constant 0 : i32
    %dma_start3A_210 = tpu.memref_slice %arg7[%dma_start3A_204, %dma_start3A_209] : memref<26x512xi32, #tpu.memory_space<vmem>> -> memref<1x128xi32, #tpu.memory_space<vmem>>
    %dma_start3A_211 = tpu.memref_squeeze %dma_start3A_210 : memref<1x128xi32, #tpu.memory_space<vmem>> -> memref<128xi32, #tpu.memory_space<vmem>>
    %dma_start3A_212 = arith.constant 0 : i32
    %dma_start3A_213 = tpu.memref_slice %arg2[%dma_start3A_212] : memref<1000000xf32, #tpu.memory_space<hbm>> -> memref<1000000xf32, #tpu.memory_space<hbm>>
    tpu.enqueue_indirect_dma source(%dma_start3A_213 : memref<1000000xf32, #tpu.memory_space<hbm>>) target(%dma_start3A_208 : memref<128xf32, #tpu.memory_space<vmem>>) offsets(%dma_start3A_211 : memref<128xi32, #tpu.memory_space<vmem>>) semaphore(%arg12 : memref<!tpu.dma_semaphore, #tpu.memory_space<semaphore_mem>>)
    %dma_start3A_214 = arith.constant 21 : i32
    %dma_start3A_215 = arith.constant 21 : i32
    %dma_start3A_216 = arith.constant 0 : i32
    %dma_start3A_217 = tpu.memref_slice %arg8[%dma_start3A_215, %dma_start3A_216] : memref<26x512xf32, #tpu.memory_space<vmem>> -> memref<1x128xf32, #tpu.memory_space<vmem>>
    %dma_start3A_218 = tpu.memref_squeeze %dma_start3A_217 : memref<1x128xf32, #tpu.memory_space<vmem>> -> memref<128xf32, #tpu.memory_space<vmem>>
    %dma_start3A_219 = arith.constant 0 : i32
    %dma_start3A_220 = tpu.memref_slice %arg7[%dma_start3A_214, %dma_start3A_219] : memref<26x512xi32, #tpu.memory_space<vmem>> -> memref<1x128xi32, #tpu.memory_space<vmem>>
    %dma_start3A_221 = tpu.memref_squeeze %dma_start3A_220 : memref<1x128xi32, #tpu.memory_space<vmem>> -> memref<128xi32, #tpu.memory_space<vmem>>
    %dma_start3A_222 = arith.constant 0 : i32
    %dma_start3A_223 = tpu.memref_slice %arg2[%dma_start3A_222] : memref<1000000xf32, #tpu.memory_space<hbm>> -> memref<1000000xf32, #tpu.memory_space<hbm>>
    tpu.enqueue_indirect_dma source(%dma_start3A_223 : memref<1000000xf32, #tpu.memory_space<hbm>>) target(%dma_start3A_218 : memref<128xf32, #tpu.memory_space<vmem>>) offsets(%dma_start3A_221 : memref<128xi32, #tpu.memory_space<vmem>>) semaphore(%arg12 : memref<!tpu.dma_semaphore, #tpu.memory_space<semaphore_mem>>)
    %dma_start3A_224 = arith.constant 22 : i32
    %dma_start3A_225 = arith.constant 22 : i32
    %dma_start3A_226 = arith.constant 0 : i32
    %dma_start3A_227 = tpu.memref_slice %arg8[%dma_start3A_225, %dma_start3A_226] : memref<26x512xf32, #tpu.memory_space<vmem>> -> memref<1x128xf32, #tpu.memory_space<vmem>>
    %dma_start3A_228 = tpu.memref_squeeze %dma_start3A_227 : memref<1x128xf32, #tpu.memory_space<vmem>> -> memref<128xf32, #tpu.memory_space<vmem>>
    %dma_start3A_229 = arith.constant 0 : i32
    %dma_start3A_230 = tpu.memref_slice %arg7[%dma_start3A_224, %dma_start3A_229] : memref<26x512xi32, #tpu.memory_space<vmem>> -> memref<1x128xi32, #tpu.memory_space<vmem>>
    %dma_start3A_231 = tpu.memref_squeeze %dma_start3A_230 : memref<1x128xi32, #tpu.memory_space<vmem>> -> memref<128xi32, #tpu.memory_space<vmem>>
    %dma_start3A_232 = arith.constant 0 : i32
    %dma_start3A_233 = tpu.memref_slice %arg2[%dma_start3A_232] : memref<1000000xf32, #tpu.memory_space<hbm>> -> memref<1000000xf32, #tpu.memory_space<hbm>>
    tpu.enqueue_indirect_dma source(%dma_start3A_233 : memref<1000000xf32, #tpu.memory_space<hbm>>) target(%dma_start3A_228 : memref<128xf32, #tpu.memory_space<vmem>>) offsets(%dma_start3A_231 : memref<128xi32, #tpu.memory_space<vmem>>) semaphore(%arg12 : memref<!tpu.dma_semaphore, #tpu.memory_space<semaphore_mem>>)
    %dma_start3A_234 = arith.constant 23 : i32
    %dma_start3A_235 = arith.constant 23 : i32
    %dma_start3A_236 = arith.constant 0 : i32
    %dma_start3A_237 = tpu.memref_slice %arg8[%dma_start3A_235, %dma_start3A_236] : memref<26x512xf32, #tpu.memory_space<vmem>> -> memref<1x128xf32, #tpu.memory_space<vmem>>
    %dma_start3A_238 = tpu.memref_squeeze %dma_start3A_237 : memref<1x128xf32, #tpu.memory_space<vmem>> -> memref<128xf32, #tpu.memory_space<vmem>>
    %dma_start3A_239 = arith.constant 0 : i32
    %dma_start3A_240 = tpu.memref_slice %arg7[%dma_start3A_234, %dma_start3A_239] : memref<26x512xi32, #tpu.memory_space<vmem>> -> memref<1x128xi32, #tpu.memory_space<vmem>>
    %dma_start3A_241 = tpu.memref_squeeze %dma_start3A_240 : memref<1x128xi32, #tpu.memory_space<vmem>> -> memref<128xi32, #tpu.memory_space<vmem>>
    %dma_start3A_242 = arith.constant 0 : i32
    %dma_start3A_243 = tpu.memref_slice %arg2[%dma_start3A_242] : memref<1000000xf32, #tpu.memory_space<hbm>> -> memref<1000000xf32, #tpu.memory_space<hbm>>
    tpu.enqueue_indirect_dma source(%dma_start3A_243 : memref<1000000xf32, #tpu.memory_space<hbm>>) target(%dma_start3A_238 : memref<128xf32, #tpu.memory_space<vmem>>) offsets(%dma_start3A_241 : memref<128xi32, #tpu.memory_space<vmem>>) semaphore(%arg12 : memref<!tpu.dma_semaphore, #tpu.memory_space<semaphore_mem>>)
    %dma_start3A_244 = arith.constant 24 : i32
    %dma_start3A_245 = arith.constant 24 : i32
    %dma_start3A_246 = arith.constant 0 : i32
    %dma_start3A_247 = tpu.memref_slice %arg8[%dma_start3A_245, %dma_start3A_246] : memref<26x512xf32, #tpu.memory_space<vmem>> -> memref<1x128xf32, #tpu.memory_space<vmem>>
    %dma_start3A_248 = tpu.memref_squeeze %dma_start3A_247 : memref<1x128xf32, #tpu.memory_space<vmem>> -> memref<128xf32, #tpu.memory_space<vmem>>
    %dma_start3A_249 = arith.constant 0 : i32
    %dma_start3A_250 = tpu.memref_slice %arg7[%dma_start3A_244, %dma_start3A_249] : memref<26x512xi32, #tpu.memory_space<vmem>> -> memref<1x128xi32, #tpu.memory_space<vmem>>
    %dma_start3A_251 = tpu.memref_squeeze %dma_start3A_250 : memref<1x128xi32, #tpu.memory_space<vmem>> -> memref<128xi32, #tpu.memory_space<vmem>>
    %dma_start3A_252 = arith.constant 0 : i32
    %dma_start3A_253 = tpu.memref_slice %arg2[%dma_start3A_252] : memref<1000000xf32, #tpu.memory_space<hbm>> -> memref<1000000xf32, #tpu.memory_space<hbm>>
    tpu.enqueue_indirect_dma source(%dma_start3A_253 : memref<1000000xf32, #tpu.memory_space<hbm>>) target(%dma_start3A_248 : memref<128xf32, #tpu.memory_space<vmem>>) offsets(%dma_start3A_251 : memref<128xi32, #tpu.memory_space<vmem>>) semaphore(%arg12 : memref<!tpu.dma_semaphore, #tpu.memory_space<semaphore_mem>>)
    %dma_start3A_254 = arith.constant 25 : i32
    %dma_start3A_255 = arith.constant 25 : i32
    %dma_start3A_256 = arith.constant 0 : i32
    %dma_start3A_257 = tpu.memref_slice %arg8[%dma_start3A_255, %dma_start3A_256] : memref<26x512xf32, #tpu.memory_space<vmem>> -> memref<1x128xf32, #tpu.memory_space<vmem>>
    %dma_start3A_258 = tpu.memref_squeeze %dma_start3A_257 : memref<1x128xf32, #tpu.memory_space<vmem>> -> memref<128xf32, #tpu.memory_space<vmem>>
    %dma_start3A_259 = arith.constant 0 : i32
    %dma_start3A_260 = tpu.memref_slice %arg7[%dma_start3A_254, %dma_start3A_259] : memref<26x512xi32, #tpu.memory_space<vmem>> -> memref<1x128xi32, #tpu.memory_space<vmem>>
    %dma_start3A_261 = tpu.memref_squeeze %dma_start3A_260 : memref<1x128xi32, #tpu.memory_space<vmem>> -> memref<128xi32, #tpu.memory_space<vmem>>
    %dma_start3A_262 = arith.constant 0 : i32
    %dma_start3A_263 = tpu.memref_slice %arg2[%dma_start3A_262] : memref<1000000xf32, #tpu.memory_space<hbm>> -> memref<1000000xf32, #tpu.memory_space<hbm>>
    tpu.enqueue_indirect_dma source(%dma_start3A_263 : memref<1000000xf32, #tpu.memory_space<hbm>>) target(%dma_start3A_258 : memref<128xf32, #tpu.memory_space<vmem>>) offsets(%dma_start3A_261 : memref<128xi32, #tpu.memory_space<vmem>>) semaphore(%arg12 : memref<!tpu.dma_semaphore, #tpu.memory_space<semaphore_mem>>)
    %add3A_264 = arith.constant 128 : i32
    %add3A_265 = arith.addi %mul3A_2, %add3A_264 : i32
    "tpu.region"() ({
      %run_scoped3A = tpu.sem_alloc : memref<!tpu.dma_semaphore, #tpu.memory_space<semaphore_mem>>
      %dma_start3A_2272 = arith.constant 0 : i32
      %dma_start3A_2273 = arith.constant 128 : i32
      %dma_start3A_2274 = tpu.memref_slice %arg7[%dma_start3A_2272, %dma_start3A_2273] : memref<26x512xi32, #tpu.memory_space<vmem>> -> memref<26x128xi32, #tpu.memory_space<vmem>>
      %dma_start3A_2275 = arith.constant 0 : i32
      %dma_start3A_2276 = tpu.memref_slice %arg3[%dma_start3A_2275, %add3A_265] : memref<26x16384xi32, #tpu.memory_space<hbm>> -> memref<26x128xi32, #tpu.memory_space<hbm>>
      %dma_start3A_2277 = arith.constant 0 : i32
      %dma_start3A_2278 = arith.constant 128 : i32
      %dma_start3A_2279 = tpu.memref_slice %arg7[%dma_start3A_2277, %dma_start3A_2278] : memref<26x512xi32, #tpu.memory_space<vmem>> -> memref<26x128xi32, #tpu.memory_space<vmem>>
      %dma_start3A_2280 = arith.constant 0 : i32
      %dma_start3A_2281 = tpu.memref_slice %arg3[%dma_start3A_2280, %add3A_265] : memref<26x16384xi32, #tpu.memory_space<hbm>> -> memref<26x128xi32, #tpu.memory_space<hbm>>
      tpu.enqueue_dma source(%dma_start3A_2281 : memref<26x128xi32, #tpu.memory_space<hbm>>) target(%dma_start3A_2279 : memref<26x128xi32, #tpu.memory_space<vmem>>) target_semaphore(%run_scoped3A : memref<!tpu.dma_semaphore, #tpu.memory_space<semaphore_mem>>)
      %dma_wait3A_2282 = arith.constant 0 : i32
      %dma_wait3A_2283 = arith.constant 128 : i32
      %dma_wait3A_2284 = tpu.memref_slice %arg7[%dma_wait3A_2282, %dma_wait3A_2283] : memref<26x512xi32, #tpu.memory_space<vmem>> -> memref<26x128xi32, #tpu.memory_space<vmem>>
      %dma_wait3A_2285 = arith.constant 0 : i32
      %dma_wait3A_2286 = tpu.memref_slice %arg3[%dma_wait3A_2285, %add3A_265] : memref<26x16384xi32, #tpu.memory_space<hbm>> -> memref<26x128xi32, #tpu.memory_space<hbm>>
      %dma_wait3A_2287 = arith.constant 0 : i32
      %dma_wait3A_2288 = arith.constant 128 : i32
      %dma_wait3A_2289 = tpu.memref_slice %arg7[%dma_wait3A_2287, %dma_wait3A_2288] : memref<26x512xi32, #tpu.memory_space<vmem>> -> memref<26x128xi32, #tpu.memory_space<vmem>>
      %dma_wait3A_2290 = arith.constant 0 : i32
      %dma_wait3A_2291 = tpu.memref_slice %arg3[%dma_wait3A_2290, %add3A_265] : memref<26x16384xi32, #tpu.memory_space<hbm>> -> memref<26x128xi32, #tpu.memory_space<hbm>>
      tpu.wait_dma2 semaphore(%run_scoped3A : memref<!tpu.dma_semaphore, #tpu.memory_space<semaphore_mem>>) src(%dma_wait3A_2291 : memref<26x128xi32, #tpu.memory_space<hbm>>) dst(%dma_wait3A_2289 : memref<26x128xi32, #tpu.memory_space<vmem>>)
      tpu.yield
    }) : () -> ()
    %dma_start3A_266 = arith.constant 0 : i32
    %dma_start3A_267 = arith.constant 0 : i32
    %dma_start3A_268 = arith.constant 128 : i32
    %dma_start3A_269 = tpu.memref_slice %arg8[%dma_start3A_267, %dma_start3A_268] : memref<26x512xf32, #tpu.memory_space<vmem>> -> memref<1x128xf32, #tpu.memory_space<vmem>>
    %dma_start3A_270 = tpu.memref_squeeze %dma_start3A_269 : memref<1x128xf32, #tpu.memory_space<vmem>> -> memref<128xf32, #tpu.memory_space<vmem>>
    %dma_start3A_271 = arith.constant 128 : i32
    %dma_start3A_272 = tpu.memref_slice %arg7[%dma_start3A_266, %dma_start3A_271] : memref<26x512xi32, #tpu.memory_space<vmem>> -> memref<1x128xi32, #tpu.memory_space<vmem>>
    %dma_start3A_273 = tpu.memref_squeeze %dma_start3A_272 : memref<1x128xi32, #tpu.memory_space<vmem>> -> memref<128xi32, #tpu.memory_space<vmem>>
    %dma_start3A_274 = arith.constant 0 : i32
    %dma_start3A_275 = tpu.memref_slice %arg2[%dma_start3A_274] : memref<1000000xf32, #tpu.memory_space<hbm>> -> memref<1000000xf32, #tpu.memory_space<hbm>>
    tpu.enqueue_indirect_dma source(%dma_start3A_275 : memref<1000000xf32, #tpu.memory_space<hbm>>) target(%dma_start3A_270 : memref<128xf32, #tpu.memory_space<vmem>>) offsets(%dma_start3A_273 : memref<128xi32, #tpu.memory_space<vmem>>) semaphore(%arg13 : memref<!tpu.dma_semaphore, #tpu.memory_space<semaphore_mem>>)
    %dma_start3A_276 = arith.constant 1 : i32
    %dma_start3A_277 = arith.constant 1 : i32
    %dma_start3A_278 = arith.constant 128 : i32
    %dma_start3A_279 = tpu.memref_slice %arg8[%dma_start3A_277, %dma_start3A_278] : memref<26x512xf32, #tpu.memory_space<vmem>> -> memref<1x128xf32, #tpu.memory_space<vmem>>
    %dma_start3A_280 = tpu.memref_squeeze %dma_start3A_279 : memref<1x128xf32, #tpu.memory_space<vmem>> -> memref<128xf32, #tpu.memory_space<vmem>>
    %dma_start3A_281 = arith.constant 128 : i32
    %dma_start3A_282 = tpu.memref_slice %arg7[%dma_start3A_276, %dma_start3A_281] : memref<26x512xi32, #tpu.memory_space<vmem>> -> memref<1x128xi32, #tpu.memory_space<vmem>>
    %dma_start3A_283 = tpu.memref_squeeze %dma_start3A_282 : memref<1x128xi32, #tpu.memory_space<vmem>> -> memref<128xi32, #tpu.memory_space<vmem>>
    %dma_start3A_284 = arith.constant 0 : i32
    %dma_start3A_285 = tpu.memref_slice %arg2[%dma_start3A_284] : memref<1000000xf32, #tpu.memory_space<hbm>> -> memref<1000000xf32, #tpu.memory_space<hbm>>
    tpu.enqueue_indirect_dma source(%dma_start3A_285 : memref<1000000xf32, #tpu.memory_space<hbm>>) target(%dma_start3A_280 : memref<128xf32, #tpu.memory_space<vmem>>) offsets(%dma_start3A_283 : memref<128xi32, #tpu.memory_space<vmem>>) semaphore(%arg13 : memref<!tpu.dma_semaphore, #tpu.memory_space<semaphore_mem>>)
    %dma_start3A_286 = arith.constant 2 : i32
    %dma_start3A_287 = arith.constant 2 : i32
    %dma_start3A_288 = arith.constant 128 : i32
    %dma_start3A_289 = tpu.memref_slice %arg8[%dma_start3A_287, %dma_start3A_288] : memref<26x512xf32, #tpu.memory_space<vmem>> -> memref<1x128xf32, #tpu.memory_space<vmem>>
    %dma_start3A_290 = tpu.memref_squeeze %dma_start3A_289 : memref<1x128xf32, #tpu.memory_space<vmem>> -> memref<128xf32, #tpu.memory_space<vmem>>
    %dma_start3A_291 = arith.constant 128 : i32
    %dma_start3A_292 = tpu.memref_slice %arg7[%dma_start3A_286, %dma_start3A_291] : memref<26x512xi32, #tpu.memory_space<vmem>> -> memref<1x128xi32, #tpu.memory_space<vmem>>
    %dma_start3A_293 = tpu.memref_squeeze %dma_start3A_292 : memref<1x128xi32, #tpu.memory_space<vmem>> -> memref<128xi32, #tpu.memory_space<vmem>>
    %dma_start3A_294 = arith.constant 0 : i32
    %dma_start3A_295 = tpu.memref_slice %arg2[%dma_start3A_294] : memref<1000000xf32, #tpu.memory_space<hbm>> -> memref<1000000xf32, #tpu.memory_space<hbm>>
    tpu.enqueue_indirect_dma source(%dma_start3A_295 : memref<1000000xf32, #tpu.memory_space<hbm>>) target(%dma_start3A_290 : memref<128xf32, #tpu.memory_space<vmem>>) offsets(%dma_start3A_293 : memref<128xi32, #tpu.memory_space<vmem>>) semaphore(%arg13 : memref<!tpu.dma_semaphore, #tpu.memory_space<semaphore_mem>>)
    %dma_start3A_296 = arith.constant 3 : i32
    %dma_start3A_297 = arith.constant 3 : i32
    %dma_start3A_298 = arith.constant 128 : i32
    %dma_start3A_299 = tpu.memref_slice %arg8[%dma_start3A_297, %dma_start3A_298] : memref<26x512xf32, #tpu.memory_space<vmem>> -> memref<1x128xf32, #tpu.memory_space<vmem>>
    %dma_start3A_300 = tpu.memref_squeeze %dma_start3A_299 : memref<1x128xf32, #tpu.memory_space<vmem>> -> memref<128xf32, #tpu.memory_space<vmem>>
    %dma_start3A_301 = arith.constant 128 : i32
    %dma_start3A_302 = tpu.memref_slice %arg7[%dma_start3A_296, %dma_start3A_301] : memref<26x512xi32, #tpu.memory_space<vmem>> -> memref<1x128xi32, #tpu.memory_space<vmem>>
    %dma_start3A_303 = tpu.memref_squeeze %dma_start3A_302 : memref<1x128xi32, #tpu.memory_space<vmem>> -> memref<128xi32, #tpu.memory_space<vmem>>
    %dma_start3A_304 = arith.constant 0 : i32
    %dma_start3A_305 = tpu.memref_slice %arg2[%dma_start3A_304] : memref<1000000xf32, #tpu.memory_space<hbm>> -> memref<1000000xf32, #tpu.memory_space<hbm>>
    tpu.enqueue_indirect_dma source(%dma_start3A_305 : memref<1000000xf32, #tpu.memory_space<hbm>>) target(%dma_start3A_300 : memref<128xf32, #tpu.memory_space<vmem>>) offsets(%dma_start3A_303 : memref<128xi32, #tpu.memory_space<vmem>>) semaphore(%arg13 : memref<!tpu.dma_semaphore, #tpu.memory_space<semaphore_mem>>)
    %dma_start3A_306 = arith.constant 4 : i32
    %dma_start3A_307 = arith.constant 4 : i32
    %dma_start3A_308 = arith.constant 128 : i32
    %dma_start3A_309 = tpu.memref_slice %arg8[%dma_start3A_307, %dma_start3A_308] : memref<26x512xf32, #tpu.memory_space<vmem>> -> memref<1x128xf32, #tpu.memory_space<vmem>>
    %dma_start3A_310 = tpu.memref_squeeze %dma_start3A_309 : memref<1x128xf32, #tpu.memory_space<vmem>> -> memref<128xf32, #tpu.memory_space<vmem>>
    %dma_start3A_311 = arith.constant 128 : i32
    %dma_start3A_312 = tpu.memref_slice %arg7[%dma_start3A_306, %dma_start3A_311] : memref<26x512xi32, #tpu.memory_space<vmem>> -> memref<1x128xi32, #tpu.memory_space<vmem>>
    %dma_start3A_313 = tpu.memref_squeeze %dma_start3A_312 : memref<1x128xi32, #tpu.memory_space<vmem>> -> memref<128xi32, #tpu.memory_space<vmem>>
    %dma_start3A_314 = arith.constant 0 : i32
    %dma_start3A_315 = tpu.memref_slice %arg2[%dma_start3A_314] : memref<1000000xf32, #tpu.memory_space<hbm>> -> memref<1000000xf32, #tpu.memory_space<hbm>>
    tpu.enqueue_indirect_dma source(%dma_start3A_315 : memref<1000000xf32, #tpu.memory_space<hbm>>) target(%dma_start3A_310 : memref<128xf32, #tpu.memory_space<vmem>>) offsets(%dma_start3A_313 : memref<128xi32, #tpu.memory_space<vmem>>) semaphore(%arg13 : memref<!tpu.dma_semaphore, #tpu.memory_space<semaphore_mem>>)
    %dma_start3A_316 = arith.constant 5 : i32
    %dma_start3A_317 = arith.constant 5 : i32
    %dma_start3A_318 = arith.constant 128 : i32
    %dma_start3A_319 = tpu.memref_slice %arg8[%dma_start3A_317, %dma_start3A_318] : memref<26x512xf32, #tpu.memory_space<vmem>> -> memref<1x128xf32, #tpu.memory_space<vmem>>
    %dma_start3A_320 = tpu.memref_squeeze %dma_start3A_319 : memref<1x128xf32, #tpu.memory_space<vmem>> -> memref<128xf32, #tpu.memory_space<vmem>>
    %dma_start3A_321 = arith.constant 128 : i32
    %dma_start3A_322 = tpu.memref_slice %arg7[%dma_start3A_316, %dma_start3A_321] : memref<26x512xi32, #tpu.memory_space<vmem>> -> memref<1x128xi32, #tpu.memory_space<vmem>>
    %dma_start3A_323 = tpu.memref_squeeze %dma_start3A_322 : memref<1x128xi32, #tpu.memory_space<vmem>> -> memref<128xi32, #tpu.memory_space<vmem>>
    %dma_start3A_324 = arith.constant 0 : i32
    %dma_start3A_325 = tpu.memref_slice %arg2[%dma_start3A_324] : memref<1000000xf32, #tpu.memory_space<hbm>> -> memref<1000000xf32, #tpu.memory_space<hbm>>
    tpu.enqueue_indirect_dma source(%dma_start3A_325 : memref<1000000xf32, #tpu.memory_space<hbm>>) target(%dma_start3A_320 : memref<128xf32, #tpu.memory_space<vmem>>) offsets(%dma_start3A_323 : memref<128xi32, #tpu.memory_space<vmem>>) semaphore(%arg13 : memref<!tpu.dma_semaphore, #tpu.memory_space<semaphore_mem>>)
    %dma_start3A_326 = arith.constant 6 : i32
    %dma_start3A_327 = arith.constant 6 : i32
    %dma_start3A_328 = arith.constant 128 : i32
    %dma_start3A_329 = tpu.memref_slice %arg8[%dma_start3A_327, %dma_start3A_328] : memref<26x512xf32, #tpu.memory_space<vmem>> -> memref<1x128xf32, #tpu.memory_space<vmem>>
    %dma_start3A_330 = tpu.memref_squeeze %dma_start3A_329 : memref<1x128xf32, #tpu.memory_space<vmem>> -> memref<128xf32, #tpu.memory_space<vmem>>
    %dma_start3A_331 = arith.constant 128 : i32
    %dma_start3A_332 = tpu.memref_slice %arg7[%dma_start3A_326, %dma_start3A_331] : memref<26x512xi32, #tpu.memory_space<vmem>> -> memref<1x128xi32, #tpu.memory_space<vmem>>
    %dma_start3A_333 = tpu.memref_squeeze %dma_start3A_332 : memref<1x128xi32, #tpu.memory_space<vmem>> -> memref<128xi32, #tpu.memory_space<vmem>>
    %dma_start3A_334 = arith.constant 0 : i32
    %dma_start3A_335 = tpu.memref_slice %arg2[%dma_start3A_334] : memref<1000000xf32, #tpu.memory_space<hbm>> -> memref<1000000xf32, #tpu.memory_space<hbm>>
    tpu.enqueue_indirect_dma source(%dma_start3A_335 : memref<1000000xf32, #tpu.memory_space<hbm>>) target(%dma_start3A_330 : memref<128xf32, #tpu.memory_space<vmem>>) offsets(%dma_start3A_333 : memref<128xi32, #tpu.memory_space<vmem>>) semaphore(%arg13 : memref<!tpu.dma_semaphore, #tpu.memory_space<semaphore_mem>>)
    %dma_start3A_336 = arith.constant 7 : i32
    %dma_start3A_337 = arith.constant 7 : i32
    %dma_start3A_338 = arith.constant 128 : i32
    %dma_start3A_339 = tpu.memref_slice %arg8[%dma_start3A_337, %dma_start3A_338] : memref<26x512xf32, #tpu.memory_space<vmem>> -> memref<1x128xf32, #tpu.memory_space<vmem>>
    %dma_start3A_340 = tpu.memref_squeeze %dma_start3A_339 : memref<1x128xf32, #tpu.memory_space<vmem>> -> memref<128xf32, #tpu.memory_space<vmem>>
    %dma_start3A_341 = arith.constant 128 : i32
    %dma_start3A_342 = tpu.memref_slice %arg7[%dma_start3A_336, %dma_start3A_341] : memref<26x512xi32, #tpu.memory_space<vmem>> -> memref<1x128xi32, #tpu.memory_space<vmem>>
    %dma_start3A_343 = tpu.memref_squeeze %dma_start3A_342 : memref<1x128xi32, #tpu.memory_space<vmem>> -> memref<128xi32, #tpu.memory_space<vmem>>
    %dma_start3A_344 = arith.constant 0 : i32
    %dma_start3A_345 = tpu.memref_slice %arg2[%dma_start3A_344] : memref<1000000xf32, #tpu.memory_space<hbm>> -> memref<1000000xf32, #tpu.memory_space<hbm>>
    tpu.enqueue_indirect_dma source(%dma_start3A_345 : memref<1000000xf32, #tpu.memory_space<hbm>>) target(%dma_start3A_340 : memref<128xf32, #tpu.memory_space<vmem>>) offsets(%dma_start3A_343 : memref<128xi32, #tpu.memory_space<vmem>>) semaphore(%arg13 : memref<!tpu.dma_semaphore, #tpu.memory_space<semaphore_mem>>)
    %dma_start3A_346 = arith.constant 8 : i32
    %dma_start3A_347 = arith.constant 8 : i32
    %dma_start3A_348 = arith.constant 128 : i32
    %dma_start3A_349 = tpu.memref_slice %arg8[%dma_start3A_347, %dma_start3A_348] : memref<26x512xf32, #tpu.memory_space<vmem>> -> memref<1x128xf32, #tpu.memory_space<vmem>>
    %dma_start3A_350 = tpu.memref_squeeze %dma_start3A_349 : memref<1x128xf32, #tpu.memory_space<vmem>> -> memref<128xf32, #tpu.memory_space<vmem>>
    %dma_start3A_351 = arith.constant 128 : i32
    %dma_start3A_352 = tpu.memref_slice %arg7[%dma_start3A_346, %dma_start3A_351] : memref<26x512xi32, #tpu.memory_space<vmem>> -> memref<1x128xi32, #tpu.memory_space<vmem>>
    %dma_start3A_353 = tpu.memref_squeeze %dma_start3A_352 : memref<1x128xi32, #tpu.memory_space<vmem>> -> memref<128xi32, #tpu.memory_space<vmem>>
    %dma_start3A_354 = arith.constant 0 : i32
    %dma_start3A_355 = tpu.memref_slice %arg2[%dma_start3A_354] : memref<1000000xf32, #tpu.memory_space<hbm>> -> memref<1000000xf32, #tpu.memory_space<hbm>>
    tpu.enqueue_indirect_dma source(%dma_start3A_355 : memref<1000000xf32, #tpu.memory_space<hbm>>) target(%dma_start3A_350 : memref<128xf32, #tpu.memory_space<vmem>>) offsets(%dma_start3A_353 : memref<128xi32, #tpu.memory_space<vmem>>) semaphore(%arg13 : memref<!tpu.dma_semaphore, #tpu.memory_space<semaphore_mem>>)
    %dma_start3A_356 = arith.constant 9 : i32
    %dma_start3A_357 = arith.constant 9 : i32
    %dma_start3A_358 = arith.constant 128 : i32
    %dma_start3A_359 = tpu.memref_slice %arg8[%dma_start3A_357, %dma_start3A_358] : memref<26x512xf32, #tpu.memory_space<vmem>> -> memref<1x128xf32, #tpu.memory_space<vmem>>
    %dma_start3A_360 = tpu.memref_squeeze %dma_start3A_359 : memref<1x128xf32, #tpu.memory_space<vmem>> -> memref<128xf32, #tpu.memory_space<vmem>>
    %dma_start3A_361 = arith.constant 128 : i32
    %dma_start3A_362 = tpu.memref_slice %arg7[%dma_start3A_356, %dma_start3A_361] : memref<26x512xi32, #tpu.memory_space<vmem>> -> memref<1x128xi32, #tpu.memory_space<vmem>>
    %dma_start3A_363 = tpu.memref_squeeze %dma_start3A_362 : memref<1x128xi32, #tpu.memory_space<vmem>> -> memref<128xi32, #tpu.memory_space<vmem>>
    %dma_start3A_364 = arith.constant 0 : i32
    %dma_start3A_365 = tpu.memref_slice %arg2[%dma_start3A_364] : memref<1000000xf32, #tpu.memory_space<hbm>> -> memref<1000000xf32, #tpu.memory_space<hbm>>
    tpu.enqueue_indirect_dma source(%dma_start3A_365 : memref<1000000xf32, #tpu.memory_space<hbm>>) target(%dma_start3A_360 : memref<128xf32, #tpu.memory_space<vmem>>) offsets(%dma_start3A_363 : memref<128xi32, #tpu.memory_space<vmem>>) semaphore(%arg13 : memref<!tpu.dma_semaphore, #tpu.memory_space<semaphore_mem>>)
    %dma_start3A_366 = arith.constant 10 : i32
    %dma_start3A_367 = arith.constant 10 : i32
    %dma_start3A_368 = arith.constant 128 : i32
    %dma_start3A_369 = tpu.memref_slice %arg8[%dma_start3A_367, %dma_start3A_368] : memref<26x512xf32, #tpu.memory_space<vmem>> -> memref<1x128xf32, #tpu.memory_space<vmem>>
    %dma_start3A_370 = tpu.memref_squeeze %dma_start3A_369 : memref<1x128xf32, #tpu.memory_space<vmem>> -> memref<128xf32, #tpu.memory_space<vmem>>
    %dma_start3A_371 = arith.constant 128 : i32
    %dma_start3A_372 = tpu.memref_slice %arg7[%dma_start3A_366, %dma_start3A_371] : memref<26x512xi32, #tpu.memory_space<vmem>> -> memref<1x128xi32, #tpu.memory_space<vmem>>
    %dma_start3A_373 = tpu.memref_squeeze %dma_start3A_372 : memref<1x128xi32, #tpu.memory_space<vmem>> -> memref<128xi32, #tpu.memory_space<vmem>>
    %dma_start3A_374 = arith.constant 0 : i32
    %dma_start3A_375 = tpu.memref_slice %arg2[%dma_start3A_374] : memref<1000000xf32, #tpu.memory_space<hbm>> -> memref<1000000xf32, #tpu.memory_space<hbm>>
    tpu.enqueue_indirect_dma source(%dma_start3A_375 : memref<1000000xf32, #tpu.memory_space<hbm>>) target(%dma_start3A_370 : memref<128xf32, #tpu.memory_space<vmem>>) offsets(%dma_start3A_373 : memref<128xi32, #tpu.memory_space<vmem>>) semaphore(%arg13 : memref<!tpu.dma_semaphore, #tpu.memory_space<semaphore_mem>>)
    %dma_start3A_376 = arith.constant 11 : i32
    %dma_start3A_377 = arith.constant 11 : i32
    %dma_start3A_378 = arith.constant 128 : i32
    %dma_start3A_379 = tpu.memref_slice %arg8[%dma_start3A_377, %dma_start3A_378] : memref<26x512xf32, #tpu.memory_space<vmem>> -> memref<1x128xf32, #tpu.memory_space<vmem>>
    %dma_start3A_380 = tpu.memref_squeeze %dma_start3A_379 : memref<1x128xf32, #tpu.memory_space<vmem>> -> memref<128xf32, #tpu.memory_space<vmem>>
    %dma_start3A_381 = arith.constant 128 : i32
    %dma_start3A_382 = tpu.memref_slice %arg7[%dma_start3A_376, %dma_start3A_381] : memref<26x512xi32, #tpu.memory_space<vmem>> -> memref<1x128xi32, #tpu.memory_space<vmem>>
    %dma_start3A_383 = tpu.memref_squeeze %dma_start3A_382 : memref<1x128xi32, #tpu.memory_space<vmem>> -> memref<128xi32, #tpu.memory_space<vmem>>
    %dma_start3A_384 = arith.constant 0 : i32
    %dma_start3A_385 = tpu.memref_slice %arg2[%dma_start3A_384] : memref<1000000xf32, #tpu.memory_space<hbm>> -> memref<1000000xf32, #tpu.memory_space<hbm>>
    tpu.enqueue_indirect_dma source(%dma_start3A_385 : memref<1000000xf32, #tpu.memory_space<hbm>>) target(%dma_start3A_380 : memref<128xf32, #tpu.memory_space<vmem>>) offsets(%dma_start3A_383 : memref<128xi32, #tpu.memory_space<vmem>>) semaphore(%arg13 : memref<!tpu.dma_semaphore, #tpu.memory_space<semaphore_mem>>)
    %dma_start3A_386 = arith.constant 12 : i32
    %dma_start3A_387 = arith.constant 12 : i32
    %dma_start3A_388 = arith.constant 128 : i32
    %dma_start3A_389 = tpu.memref_slice %arg8[%dma_start3A_387, %dma_start3A_388] : memref<26x512xf32, #tpu.memory_space<vmem>> -> memref<1x128xf32, #tpu.memory_space<vmem>>
    %dma_start3A_390 = tpu.memref_squeeze %dma_start3A_389 : memref<1x128xf32, #tpu.memory_space<vmem>> -> memref<128xf32, #tpu.memory_space<vmem>>
    %dma_start3A_391 = arith.constant 128 : i32
    %dma_start3A_392 = tpu.memref_slice %arg7[%dma_start3A_386, %dma_start3A_391] : memref<26x512xi32, #tpu.memory_space<vmem>> -> memref<1x128xi32, #tpu.memory_space<vmem>>
    %dma_start3A_393 = tpu.memref_squeeze %dma_start3A_392 : memref<1x128xi32, #tpu.memory_space<vmem>> -> memref<128xi32, #tpu.memory_space<vmem>>
    %dma_start3A_394 = arith.constant 0 : i32
    %dma_start3A_395 = tpu.memref_slice %arg2[%dma_start3A_394] : memref<1000000xf32, #tpu.memory_space<hbm>> -> memref<1000000xf32, #tpu.memory_space<hbm>>
    tpu.enqueue_indirect_dma source(%dma_start3A_395 : memref<1000000xf32, #tpu.memory_space<hbm>>) target(%dma_start3A_390 : memref<128xf32, #tpu.memory_space<vmem>>) offsets(%dma_start3A_393 : memref<128xi32, #tpu.memory_space<vmem>>) semaphore(%arg13 : memref<!tpu.dma_semaphore, #tpu.memory_space<semaphore_mem>>)
    %dma_start3A_396 = arith.constant 13 : i32
    %dma_start3A_397 = arith.constant 13 : i32
    %dma_start3A_398 = arith.constant 128 : i32
    %dma_start3A_399 = tpu.memref_slice %arg8[%dma_start3A_397, %dma_start3A_398] : memref<26x512xf32, #tpu.memory_space<vmem>> -> memref<1x128xf32, #tpu.memory_space<vmem>>
    %dma_start3A_400 = tpu.memref_squeeze %dma_start3A_399 : memref<1x128xf32, #tpu.memory_space<vmem>> -> memref<128xf32, #tpu.memory_space<vmem>>
    %dma_start3A_401 = arith.constant 128 : i32
    %dma_start3A_402 = tpu.memref_slice %arg7[%dma_start3A_396, %dma_start3A_401] : memref<26x512xi32, #tpu.memory_space<vmem>> -> memref<1x128xi32, #tpu.memory_space<vmem>>
    %dma_start3A_403 = tpu.memref_squeeze %dma_start3A_402 : memref<1x128xi32, #tpu.memory_space<vmem>> -> memref<128xi32, #tpu.memory_space<vmem>>
    %dma_start3A_404 = arith.constant 0 : i32
    %dma_start3A_405 = tpu.memref_slice %arg2[%dma_start3A_404] : memref<1000000xf32, #tpu.memory_space<hbm>> -> memref<1000000xf32, #tpu.memory_space<hbm>>
    tpu.enqueue_indirect_dma source(%dma_start3A_405 : memref<1000000xf32, #tpu.memory_space<hbm>>) target(%dma_start3A_400 : memref<128xf32, #tpu.memory_space<vmem>>) offsets(%dma_start3A_403 : memref<128xi32, #tpu.memory_space<vmem>>) semaphore(%arg13 : memref<!tpu.dma_semaphore, #tpu.memory_space<semaphore_mem>>)
    %dma_start3A_406 = arith.constant 14 : i32
    %dma_start3A_407 = arith.constant 14 : i32
    %dma_start3A_408 = arith.constant 128 : i32
    %dma_start3A_409 = tpu.memref_slice %arg8[%dma_start3A_407, %dma_start3A_408] : memref<26x512xf32, #tpu.memory_space<vmem>> -> memref<1x128xf32, #tpu.memory_space<vmem>>
    %dma_start3A_410 = tpu.memref_squeeze %dma_start3A_409 : memref<1x128xf32, #tpu.memory_space<vmem>> -> memref<128xf32, #tpu.memory_space<vmem>>
    %dma_start3A_411 = arith.constant 128 : i32
    %dma_start3A_412 = tpu.memref_slice %arg7[%dma_start3A_406, %dma_start3A_411] : memref<26x512xi32, #tpu.memory_space<vmem>> -> memref<1x128xi32, #tpu.memory_space<vmem>>
    %dma_start3A_413 = tpu.memref_squeeze %dma_start3A_412 : memref<1x128xi32, #tpu.memory_space<vmem>> -> memref<128xi32, #tpu.memory_space<vmem>>
    %dma_start3A_414 = arith.constant 0 : i32
    %dma_start3A_415 = tpu.memref_slice %arg2[%dma_start3A_414] : memref<1000000xf32, #tpu.memory_space<hbm>> -> memref<1000000xf32, #tpu.memory_space<hbm>>
    tpu.enqueue_indirect_dma source(%dma_start3A_415 : memref<1000000xf32, #tpu.memory_space<hbm>>) target(%dma_start3A_410 : memref<128xf32, #tpu.memory_space<vmem>>) offsets(%dma_start3A_413 : memref<128xi32, #tpu.memory_space<vmem>>) semaphore(%arg13 : memref<!tpu.dma_semaphore, #tpu.memory_space<semaphore_mem>>)
    %dma_start3A_416 = arith.constant 15 : i32
    %dma_start3A_417 = arith.constant 15 : i32
    %dma_start3A_418 = arith.constant 128 : i32
    %dma_start3A_419 = tpu.memref_slice %arg8[%dma_start3A_417, %dma_start3A_418] : memref<26x512xf32, #tpu.memory_space<vmem>> -> memref<1x128xf32, #tpu.memory_space<vmem>>
    %dma_start3A_420 = tpu.memref_squeeze %dma_start3A_419 : memref<1x128xf32, #tpu.memory_space<vmem>> -> memref<128xf32, #tpu.memory_space<vmem>>
    %dma_start3A_421 = arith.constant 128 : i32
    %dma_start3A_422 = tpu.memref_slice %arg7[%dma_start3A_416, %dma_start3A_421] : memref<26x512xi32, #tpu.memory_space<vmem>> -> memref<1x128xi32, #tpu.memory_space<vmem>>
    %dma_start3A_423 = tpu.memref_squeeze %dma_start3A_422 : memref<1x128xi32, #tpu.memory_space<vmem>> -> memref<128xi32, #tpu.memory_space<vmem>>
    %dma_start3A_424 = arith.constant 0 : i32
    %dma_start3A_425 = tpu.memref_slice %arg2[%dma_start3A_424] : memref<1000000xf32, #tpu.memory_space<hbm>> -> memref<1000000xf32, #tpu.memory_space<hbm>>
    tpu.enqueue_indirect_dma source(%dma_start3A_425 : memref<1000000xf32, #tpu.memory_space<hbm>>) target(%dma_start3A_420 : memref<128xf32, #tpu.memory_space<vmem>>) offsets(%dma_start3A_423 : memref<128xi32, #tpu.memory_space<vmem>>) semaphore(%arg13 : memref<!tpu.dma_semaphore, #tpu.memory_space<semaphore_mem>>)
    %dma_start3A_426 = arith.constant 16 : i32
    %dma_start3A_427 = arith.constant 16 : i32
    %dma_start3A_428 = arith.constant 128 : i32
    %dma_start3A_429 = tpu.memref_slice %arg8[%dma_start3A_427, %dma_start3A_428] : memref<26x512xf32, #tpu.memory_space<vmem>> -> memref<1x128xf32, #tpu.memory_space<vmem>>
    %dma_start3A_430 = tpu.memref_squeeze %dma_start3A_429 : memref<1x128xf32, #tpu.memory_space<vmem>> -> memref<128xf32, #tpu.memory_space<vmem>>
    %dma_start3A_431 = arith.constant 128 : i32
    %dma_start3A_432 = tpu.memref_slice %arg7[%dma_start3A_426, %dma_start3A_431] : memref<26x512xi32, #tpu.memory_space<vmem>> -> memref<1x128xi32, #tpu.memory_space<vmem>>
    %dma_start3A_433 = tpu.memref_squeeze %dma_start3A_432 : memref<1x128xi32, #tpu.memory_space<vmem>> -> memref<128xi32, #tpu.memory_space<vmem>>
    %dma_start3A_434 = arith.constant 0 : i32
    %dma_start3A_435 = tpu.memref_slice %arg2[%dma_start3A_434] : memref<1000000xf32, #tpu.memory_space<hbm>> -> memref<1000000xf32, #tpu.memory_space<hbm>>
    tpu.enqueue_indirect_dma source(%dma_start3A_435 : memref<1000000xf32, #tpu.memory_space<hbm>>) target(%dma_start3A_430 : memref<128xf32, #tpu.memory_space<vmem>>) offsets(%dma_start3A_433 : memref<128xi32, #tpu.memory_space<vmem>>) semaphore(%arg13 : memref<!tpu.dma_semaphore, #tpu.memory_space<semaphore_mem>>)
    %dma_start3A_436 = arith.constant 17 : i32
    %dma_start3A_437 = arith.constant 17 : i32
    %dma_start3A_438 = arith.constant 128 : i32
    %dma_start3A_439 = tpu.memref_slice %arg8[%dma_start3A_437, %dma_start3A_438] : memref<26x512xf32, #tpu.memory_space<vmem>> -> memref<1x128xf32, #tpu.memory_space<vmem>>
    %dma_start3A_440 = tpu.memref_squeeze %dma_start3A_439 : memref<1x128xf32, #tpu.memory_space<vmem>> -> memref<128xf32, #tpu.memory_space<vmem>>
    %dma_start3A_441 = arith.constant 128 : i32
    %dma_start3A_442 = tpu.memref_slice %arg7[%dma_start3A_436, %dma_start3A_441] : memref<26x512xi32, #tpu.memory_space<vmem>> -> memref<1x128xi32, #tpu.memory_space<vmem>>
    %dma_start3A_443 = tpu.memref_squeeze %dma_start3A_442 : memref<1x128xi32, #tpu.memory_space<vmem>> -> memref<128xi32, #tpu.memory_space<vmem>>
    %dma_start3A_444 = arith.constant 0 : i32
    %dma_start3A_445 = tpu.memref_slice %arg2[%dma_start3A_444] : memref<1000000xf32, #tpu.memory_space<hbm>> -> memref<1000000xf32, #tpu.memory_space<hbm>>
    tpu.enqueue_indirect_dma source(%dma_start3A_445 : memref<1000000xf32, #tpu.memory_space<hbm>>) target(%dma_start3A_440 : memref<128xf32, #tpu.memory_space<vmem>>) offsets(%dma_start3A_443 : memref<128xi32, #tpu.memory_space<vmem>>) semaphore(%arg13 : memref<!tpu.dma_semaphore, #tpu.memory_space<semaphore_mem>>)
    %dma_start3A_446 = arith.constant 18 : i32
    %dma_start3A_447 = arith.constant 18 : i32
    %dma_start3A_448 = arith.constant 128 : i32
    %dma_start3A_449 = tpu.memref_slice %arg8[%dma_start3A_447, %dma_start3A_448] : memref<26x512xf32, #tpu.memory_space<vmem>> -> memref<1x128xf32, #tpu.memory_space<vmem>>
    %dma_start3A_450 = tpu.memref_squeeze %dma_start3A_449 : memref<1x128xf32, #tpu.memory_space<vmem>> -> memref<128xf32, #tpu.memory_space<vmem>>
    %dma_start3A_451 = arith.constant 128 : i32
    %dma_start3A_452 = tpu.memref_slice %arg7[%dma_start3A_446, %dma_start3A_451] : memref<26x512xi32, #tpu.memory_space<vmem>> -> memref<1x128xi32, #tpu.memory_space<vmem>>
    %dma_start3A_453 = tpu.memref_squeeze %dma_start3A_452 : memref<1x128xi32, #tpu.memory_space<vmem>> -> memref<128xi32, #tpu.memory_space<vmem>>
    %dma_start3A_454 = arith.constant 0 : i32
    %dma_start3A_455 = tpu.memref_slice %arg2[%dma_start3A_454] : memref<1000000xf32, #tpu.memory_space<hbm>> -> memref<1000000xf32, #tpu.memory_space<hbm>>
    tpu.enqueue_indirect_dma source(%dma_start3A_455 : memref<1000000xf32, #tpu.memory_space<hbm>>) target(%dma_start3A_450 : memref<128xf32, #tpu.memory_space<vmem>>) offsets(%dma_start3A_453 : memref<128xi32, #tpu.memory_space<vmem>>) semaphore(%arg13 : memref<!tpu.dma_semaphore, #tpu.memory_space<semaphore_mem>>)
    %dma_start3A_456 = arith.constant 19 : i32
    %dma_start3A_457 = arith.constant 19 : i32
    %dma_start3A_458 = arith.constant 128 : i32
    %dma_start3A_459 = tpu.memref_slice %arg8[%dma_start3A_457, %dma_start3A_458] : memref<26x512xf32, #tpu.memory_space<vmem>> -> memref<1x128xf32, #tpu.memory_space<vmem>>
    %dma_start3A_460 = tpu.memref_squeeze %dma_start3A_459 : memref<1x128xf32, #tpu.memory_space<vmem>> -> memref<128xf32, #tpu.memory_space<vmem>>
    %dma_start3A_461 = arith.constant 128 : i32
    %dma_start3A_462 = tpu.memref_slice %arg7[%dma_start3A_456, %dma_start3A_461] : memref<26x512xi32, #tpu.memory_space<vmem>> -> memref<1x128xi32, #tpu.memory_space<vmem>>
    %dma_start3A_463 = tpu.memref_squeeze %dma_start3A_462 : memref<1x128xi32, #tpu.memory_space<vmem>> -> memref<128xi32, #tpu.memory_space<vmem>>
    %dma_start3A_464 = arith.constant 0 : i32
    %dma_start3A_465 = tpu.memref_slice %arg2[%dma_start3A_464] : memref<1000000xf32, #tpu.memory_space<hbm>> -> memref<1000000xf32, #tpu.memory_space<hbm>>
    tpu.enqueue_indirect_dma source(%dma_start3A_465 : memref<1000000xf32, #tpu.memory_space<hbm>>) target(%dma_start3A_460 : memref<128xf32, #tpu.memory_space<vmem>>) offsets(%dma_start3A_463 : memref<128xi32, #tpu.memory_space<vmem>>) semaphore(%arg13 : memref<!tpu.dma_semaphore, #tpu.memory_space<semaphore_mem>>)
    %dma_start3A_466 = arith.constant 20 : i32
    %dma_start3A_467 = arith.constant 20 : i32
    %dma_start3A_468 = arith.constant 128 : i32
    %dma_start3A_469 = tpu.memref_slice %arg8[%dma_start3A_467, %dma_start3A_468] : memref<26x512xf32, #tpu.memory_space<vmem>> -> memref<1x128xf32, #tpu.memory_space<vmem>>
    %dma_start3A_470 = tpu.memref_squeeze %dma_start3A_469 : memref<1x128xf32, #tpu.memory_space<vmem>> -> memref<128xf32, #tpu.memory_space<vmem>>
    %dma_start3A_471 = arith.constant 128 : i32
    %dma_start3A_472 = tpu.memref_slice %arg7[%dma_start3A_466, %dma_start3A_471] : memref<26x512xi32, #tpu.memory_space<vmem>> -> memref<1x128xi32, #tpu.memory_space<vmem>>
    %dma_start3A_473 = tpu.memref_squeeze %dma_start3A_472 : memref<1x128xi32, #tpu.memory_space<vmem>> -> memref<128xi32, #tpu.memory_space<vmem>>
    %dma_start3A_474 = arith.constant 0 : i32
    %dma_start3A_475 = tpu.memref_slice %arg2[%dma_start3A_474] : memref<1000000xf32, #tpu.memory_space<hbm>> -> memref<1000000xf32, #tpu.memory_space<hbm>>
    tpu.enqueue_indirect_dma source(%dma_start3A_475 : memref<1000000xf32, #tpu.memory_space<hbm>>) target(%dma_start3A_470 : memref<128xf32, #tpu.memory_space<vmem>>) offsets(%dma_start3A_473 : memref<128xi32, #tpu.memory_space<vmem>>) semaphore(%arg13 : memref<!tpu.dma_semaphore, #tpu.memory_space<semaphore_mem>>)
    %dma_start3A_476 = arith.constant 21 : i32
    %dma_start3A_477 = arith.constant 21 : i32
    %dma_start3A_478 = arith.constant 128 : i32
    %dma_start3A_479 = tpu.memref_slice %arg8[%dma_start3A_477, %dma_start3A_478] : memref<26x512xf32, #tpu.memory_space<vmem>> -> memref<1x128xf32, #tpu.memory_space<vmem>>
    %dma_start3A_480 = tpu.memref_squeeze %dma_start3A_479 : memref<1x128xf32, #tpu.memory_space<vmem>> -> memref<128xf32, #tpu.memory_space<vmem>>
    %dma_start3A_481 = arith.constant 128 : i32
    %dma_start3A_482 = tpu.memref_slice %arg7[%dma_start3A_476, %dma_start3A_481] : memref<26x512xi32, #tpu.memory_space<vmem>> -> memref<1x128xi32, #tpu.memory_space<vmem>>
    %dma_start3A_483 = tpu.memref_squeeze %dma_start3A_482 : memref<1x128xi32, #tpu.memory_space<vmem>> -> memref<128xi32, #tpu.memory_space<vmem>>
    %dma_start3A_484 = arith.constant 0 : i32
    %dma_start3A_485 = tpu.memref_slice %arg2[%dma_start3A_484] : memref<1000000xf32, #tpu.memory_space<hbm>> -> memref<1000000xf32, #tpu.memory_space<hbm>>
    tpu.enqueue_indirect_dma source(%dma_start3A_485 : memref<1000000xf32, #tpu.memory_space<hbm>>) target(%dma_start3A_480 : memref<128xf32, #tpu.memory_space<vmem>>) offsets(%dma_start3A_483 : memref<128xi32, #tpu.memory_space<vmem>>) semaphore(%arg13 : memref<!tpu.dma_semaphore, #tpu.memory_space<semaphore_mem>>)
    %dma_start3A_486 = arith.constant 22 : i32
    %dma_start3A_487 = arith.constant 22 : i32
    %dma_start3A_488 = arith.constant 128 : i32
    %dma_start3A_489 = tpu.memref_slice %arg8[%dma_start3A_487, %dma_start3A_488] : memref<26x512xf32, #tpu.memory_space<vmem>> -> memref<1x128xf32, #tpu.memory_space<vmem>>
    %dma_start3A_490 = tpu.memref_squeeze %dma_start3A_489 : memref<1x128xf32, #tpu.memory_space<vmem>> -> memref<128xf32, #tpu.memory_space<vmem>>
    %dma_start3A_491 = arith.constant 128 : i32
    %dma_start3A_492 = tpu.memref_slice %arg7[%dma_start3A_486, %dma_start3A_491] : memref<26x512xi32, #tpu.memory_space<vmem>> -> memref<1x128xi32, #tpu.memory_space<vmem>>
    %dma_start3A_493 = tpu.memref_squeeze %dma_start3A_492 : memref<1x128xi32, #tpu.memory_space<vmem>> -> memref<128xi32, #tpu.memory_space<vmem>>
    %dma_start3A_494 = arith.constant 0 : i32
    %dma_start3A_495 = tpu.memref_slice %arg2[%dma_start3A_494] : memref<1000000xf32, #tpu.memory_space<hbm>> -> memref<1000000xf32, #tpu.memory_space<hbm>>
    tpu.enqueue_indirect_dma source(%dma_start3A_495 : memref<1000000xf32, #tpu.memory_space<hbm>>) target(%dma_start3A_490 : memref<128xf32, #tpu.memory_space<vmem>>) offsets(%dma_start3A_493 : memref<128xi32, #tpu.memory_space<vmem>>) semaphore(%arg13 : memref<!tpu.dma_semaphore, #tpu.memory_space<semaphore_mem>>)
    %dma_start3A_496 = arith.constant 23 : i32
    %dma_start3A_497 = arith.constant 23 : i32
    %dma_start3A_498 = arith.constant 128 : i32
    %dma_start3A_499 = tpu.memref_slice %arg8[%dma_start3A_497, %dma_start3A_498] : memref<26x512xf32, #tpu.memory_space<vmem>> -> memref<1x128xf32, #tpu.memory_space<vmem>>
    %dma_start3A_500 = tpu.memref_squeeze %dma_start3A_499 : memref<1x128xf32, #tpu.memory_space<vmem>> -> memref<128xf32, #tpu.memory_space<vmem>>
    %dma_start3A_501 = arith.constant 128 : i32
    %dma_start3A_502 = tpu.memref_slice %arg7[%dma_start3A_496, %dma_start3A_501] : memref<26x512xi32, #tpu.memory_space<vmem>> -> memref<1x128xi32, #tpu.memory_space<vmem>>
    %dma_start3A_503 = tpu.memref_squeeze %dma_start3A_502 : memref<1x128xi32, #tpu.memory_space<vmem>> -> memref<128xi32, #tpu.memory_space<vmem>>
    %dma_start3A_504 = arith.constant 0 : i32
    %dma_start3A_505 = tpu.memref_slice %arg2[%dma_start3A_504] : memref<1000000xf32, #tpu.memory_space<hbm>> -> memref<1000000xf32, #tpu.memory_space<hbm>>
    tpu.enqueue_indirect_dma source(%dma_start3A_505 : memref<1000000xf32, #tpu.memory_space<hbm>>) target(%dma_start3A_500 : memref<128xf32, #tpu.memory_space<vmem>>) offsets(%dma_start3A_503 : memref<128xi32, #tpu.memory_space<vmem>>) semaphore(%arg13 : memref<!tpu.dma_semaphore, #tpu.memory_space<semaphore_mem>>)
    %dma_start3A_506 = arith.constant 24 : i32
    %dma_start3A_507 = arith.constant 24 : i32
    %dma_start3A_508 = arith.constant 128 : i32
    %dma_start3A_509 = tpu.memref_slice %arg8[%dma_start3A_507, %dma_start3A_508] : memref<26x512xf32, #tpu.memory_space<vmem>> -> memref<1x128xf32, #tpu.memory_space<vmem>>
    %dma_start3A_510 = tpu.memref_squeeze %dma_start3A_509 : memref<1x128xf32, #tpu.memory_space<vmem>> -> memref<128xf32, #tpu.memory_space<vmem>>
    %dma_start3A_511 = arith.constant 128 : i32
    %dma_start3A_512 = tpu.memref_slice %arg7[%dma_start3A_506, %dma_start3A_511] : memref<26x512xi32, #tpu.memory_space<vmem>> -> memref<1x128xi32, #tpu.memory_space<vmem>>
    %dma_start3A_513 = tpu.memref_squeeze %dma_start3A_512 : memref<1x128xi32, #tpu.memory_space<vmem>> -> memref<128xi32, #tpu.memory_space<vmem>>
    %dma_start3A_514 = arith.constant 0 : i32
    %dma_start3A_515 = tpu.memref_slice %arg2[%dma_start3A_514] : memref<1000000xf32, #tpu.memory_space<hbm>> -> memref<1000000xf32, #tpu.memory_space<hbm>>
    tpu.enqueue_indirect_dma source(%dma_start3A_515 : memref<1000000xf32, #tpu.memory_space<hbm>>) target(%dma_start3A_510 : memref<128xf32, #tpu.memory_space<vmem>>) offsets(%dma_start3A_513 : memref<128xi32, #tpu.memory_space<vmem>>) semaphore(%arg13 : memref<!tpu.dma_semaphore, #tpu.memory_space<semaphore_mem>>)
    %dma_start3A_516 = arith.constant 25 : i32
    %dma_start3A_517 = arith.constant 25 : i32
    %dma_start3A_518 = arith.constant 128 : i32
    %dma_start3A_519 = tpu.memref_slice %arg8[%dma_start3A_517, %dma_start3A_518] : memref<26x512xf32, #tpu.memory_space<vmem>> -> memref<1x128xf32, #tpu.memory_space<vmem>>
    %dma_start3A_520 = tpu.memref_squeeze %dma_start3A_519 : memref<1x128xf32, #tpu.memory_space<vmem>> -> memref<128xf32, #tpu.memory_space<vmem>>
    %dma_start3A_521 = arith.constant 128 : i32
    %dma_start3A_522 = tpu.memref_slice %arg7[%dma_start3A_516, %dma_start3A_521] : memref<26x512xi32, #tpu.memory_space<vmem>> -> memref<1x128xi32, #tpu.memory_space<vmem>>
    %dma_start3A_523 = tpu.memref_squeeze %dma_start3A_522 : memref<1x128xi32, #tpu.memory_space<vmem>> -> memref<128xi32, #tpu.memory_space<vmem>>
    %dma_start3A_524 = arith.constant 0 : i32
    %dma_start3A_525 = tpu.memref_slice %arg2[%dma_start3A_524] : memref<1000000xf32, #tpu.memory_space<hbm>> -> memref<1000000xf32, #tpu.memory_space<hbm>>
    tpu.enqueue_indirect_dma source(%dma_start3A_525 : memref<1000000xf32, #tpu.memory_space<hbm>>) target(%dma_start3A_520 : memref<128xf32, #tpu.memory_space<vmem>>) offsets(%dma_start3A_523 : memref<128xi32, #tpu.memory_space<vmem>>) semaphore(%arg13 : memref<!tpu.dma_semaphore, #tpu.memory_space<semaphore_mem>>)
    %add3A_526 = arith.constant 256 : i32
    %add3A_527 = arith.addi %mul3A_2, %add3A_526 : i32
    "tpu.region"() ({
      %run_scoped3A = tpu.sem_alloc : memref<!tpu.dma_semaphore, #tpu.memory_space<semaphore_mem>>
      %dma_start3A_2272 = arith.constant 0 : i32
      %dma_start3A_2273 = arith.constant 256 : i32
      %dma_start3A_2274 = tpu.memref_slice %arg7[%dma_start3A_2272, %dma_start3A_2273] : memref<26x512xi32, #tpu.memory_space<vmem>> -> memref<26x128xi32, #tpu.memory_space<vmem>>
      %dma_start3A_2275 = arith.constant 0 : i32
      %dma_start3A_2276 = tpu.memref_slice %arg3[%dma_start3A_2275, %add3A_527] : memref<26x16384xi32, #tpu.memory_space<hbm>> -> memref<26x128xi32, #tpu.memory_space<hbm>>
      %dma_start3A_2277 = arith.constant 0 : i32
      %dma_start3A_2278 = arith.constant 256 : i32
      %dma_start3A_2279 = tpu.memref_slice %arg7[%dma_start3A_2277, %dma_start3A_2278] : memref<26x512xi32, #tpu.memory_space<vmem>> -> memref<26x128xi32, #tpu.memory_space<vmem>>
      %dma_start3A_2280 = arith.constant 0 : i32
      %dma_start3A_2281 = tpu.memref_slice %arg3[%dma_start3A_2280, %add3A_527] : memref<26x16384xi32, #tpu.memory_space<hbm>> -> memref<26x128xi32, #tpu.memory_space<hbm>>
      tpu.enqueue_dma source(%dma_start3A_2281 : memref<26x128xi32, #tpu.memory_space<hbm>>) target(%dma_start3A_2279 : memref<26x128xi32, #tpu.memory_space<vmem>>) target_semaphore(%run_scoped3A : memref<!tpu.dma_semaphore, #tpu.memory_space<semaphore_mem>>)
      %dma_wait3A_2282 = arith.constant 0 : i32
      %dma_wait3A_2283 = arith.constant 256 : i32
      %dma_wait3A_2284 = tpu.memref_slice %arg7[%dma_wait3A_2282, %dma_wait3A_2283] : memref<26x512xi32, #tpu.memory_space<vmem>> -> memref<26x128xi32, #tpu.memory_space<vmem>>
      %dma_wait3A_2285 = arith.constant 0 : i32
      %dma_wait3A_2286 = tpu.memref_slice %arg3[%dma_wait3A_2285, %add3A_527] : memref<26x16384xi32, #tpu.memory_space<hbm>> -> memref<26x128xi32, #tpu.memory_space<hbm>>
      %dma_wait3A_2287 = arith.constant 0 : i32
      %dma_wait3A_2288 = arith.constant 256 : i32
      %dma_wait3A_2289 = tpu.memref_slice %arg7[%dma_wait3A_2287, %dma_wait3A_2288] : memref<26x512xi32, #tpu.memory_space<vmem>> -> memref<26x128xi32, #tpu.memory_space<vmem>>
      %dma_wait3A_2290 = arith.constant 0 : i32
      %dma_wait3A_2291 = tpu.memref_slice %arg3[%dma_wait3A_2290, %add3A_527] : memref<26x16384xi32, #tpu.memory_space<hbm>> -> memref<26x128xi32, #tpu.memory_space<hbm>>
      tpu.wait_dma2 semaphore(%run_scoped3A : memref<!tpu.dma_semaphore, #tpu.memory_space<semaphore_mem>>) src(%dma_wait3A_2291 : memref<26x128xi32, #tpu.memory_space<hbm>>) dst(%dma_wait3A_2289 : memref<26x128xi32, #tpu.memory_space<vmem>>)
      tpu.yield
    }) : () -> ()
    %dma_start3A_528 = arith.constant 0 : i32
    %dma_start3A_529 = arith.constant 0 : i32
    %dma_start3A_530 = arith.constant 256 : i32
    %dma_start3A_531 = tpu.memref_slice %arg8[%dma_start3A_529, %dma_start3A_530] : memref<26x512xf32, #tpu.memory_space<vmem>> -> memref<1x128xf32, #tpu.memory_space<vmem>>
    %dma_start3A_532 = tpu.memref_squeeze %dma_start3A_531 : memref<1x128xf32, #tpu.memory_space<vmem>> -> memref<128xf32, #tpu.memory_space<vmem>>
    %dma_start3A_533 = arith.constant 256 : i32
    %dma_start3A_534 = tpu.memref_slice %arg7[%dma_start3A_528, %dma_start3A_533] : memref<26x512xi32, #tpu.memory_space<vmem>> -> memref<1x128xi32, #tpu.memory_space<vmem>>
    %dma_start3A_535 = tpu.memref_squeeze %dma_start3A_534 : memref<1x128xi32, #tpu.memory_space<vmem>> -> memref<128xi32, #tpu.memory_space<vmem>>
    %dma_start3A_536 = arith.constant 0 : i32
    %dma_start3A_537 = tpu.memref_slice %arg2[%dma_start3A_536] : memref<1000000xf32, #tpu.memory_space<hbm>> -> memref<1000000xf32, #tpu.memory_space<hbm>>
    tpu.enqueue_indirect_dma source(%dma_start3A_537 : memref<1000000xf32, #tpu.memory_space<hbm>>) target(%dma_start3A_532 : memref<128xf32, #tpu.memory_space<vmem>>) offsets(%dma_start3A_535 : memref<128xi32, #tpu.memory_space<vmem>>) semaphore(%arg14 : memref<!tpu.dma_semaphore, #tpu.memory_space<semaphore_mem>>)
    %dma_start3A_538 = arith.constant 1 : i32
    %dma_start3A_539 = arith.constant 1 : i32
    %dma_start3A_540 = arith.constant 256 : i32
    %dma_start3A_541 = tpu.memref_slice %arg8[%dma_start3A_539, %dma_start3A_540] : memref<26x512xf32, #tpu.memory_space<vmem>> -> memref<1x128xf32, #tpu.memory_space<vmem>>
    %dma_start3A_542 = tpu.memref_squeeze %dma_start3A_541 : memref<1x128xf32, #tpu.memory_space<vmem>> -> memref<128xf32, #tpu.memory_space<vmem>>
    %dma_start3A_543 = arith.constant 256 : i32
    %dma_start3A_544 = tpu.memref_slice %arg7[%dma_start3A_538, %dma_start3A_543] : memref<26x512xi32, #tpu.memory_space<vmem>> -> memref<1x128xi32, #tpu.memory_space<vmem>>
    %dma_start3A_545 = tpu.memref_squeeze %dma_start3A_544 : memref<1x128xi32, #tpu.memory_space<vmem>> -> memref<128xi32, #tpu.memory_space<vmem>>
    %dma_start3A_546 = arith.constant 0 : i32
    %dma_start3A_547 = tpu.memref_slice %arg2[%dma_start3A_546] : memref<1000000xf32, #tpu.memory_space<hbm>> -> memref<1000000xf32, #tpu.memory_space<hbm>>
    tpu.enqueue_indirect_dma source(%dma_start3A_547 : memref<1000000xf32, #tpu.memory_space<hbm>>) target(%dma_start3A_542 : memref<128xf32, #tpu.memory_space<vmem>>) offsets(%dma_start3A_545 : memref<128xi32, #tpu.memory_space<vmem>>) semaphore(%arg14 : memref<!tpu.dma_semaphore, #tpu.memory_space<semaphore_mem>>)
    %dma_start3A_548 = arith.constant 2 : i32
    %dma_start3A_549 = arith.constant 2 : i32
    %dma_start3A_550 = arith.constant 256 : i32
    %dma_start3A_551 = tpu.memref_slice %arg8[%dma_start3A_549, %dma_start3A_550] : memref<26x512xf32, #tpu.memory_space<vmem>> -> memref<1x128xf32, #tpu.memory_space<vmem>>
    %dma_start3A_552 = tpu.memref_squeeze %dma_start3A_551 : memref<1x128xf32, #tpu.memory_space<vmem>> -> memref<128xf32, #tpu.memory_space<vmem>>
    %dma_start3A_553 = arith.constant 256 : i32
    %dma_start3A_554 = tpu.memref_slice %arg7[%dma_start3A_548, %dma_start3A_553] : memref<26x512xi32, #tpu.memory_space<vmem>> -> memref<1x128xi32, #tpu.memory_space<vmem>>
    %dma_start3A_555 = tpu.memref_squeeze %dma_start3A_554 : memref<1x128xi32, #tpu.memory_space<vmem>> -> memref<128xi32, #tpu.memory_space<vmem>>
    %dma_start3A_556 = arith.constant 0 : i32
    %dma_start3A_557 = tpu.memref_slice %arg2[%dma_start3A_556] : memref<1000000xf32, #tpu.memory_space<hbm>> -> memref<1000000xf32, #tpu.memory_space<hbm>>
    tpu.enqueue_indirect_dma source(%dma_start3A_557 : memref<1000000xf32, #tpu.memory_space<hbm>>) target(%dma_start3A_552 : memref<128xf32, #tpu.memory_space<vmem>>) offsets(%dma_start3A_555 : memref<128xi32, #tpu.memory_space<vmem>>) semaphore(%arg14 : memref<!tpu.dma_semaphore, #tpu.memory_space<semaphore_mem>>)
    %dma_start3A_558 = arith.constant 3 : i32
    %dma_start3A_559 = arith.constant 3 : i32
    %dma_start3A_560 = arith.constant 256 : i32
    %dma_start3A_561 = tpu.memref_slice %arg8[%dma_start3A_559, %dma_start3A_560] : memref<26x512xf32, #tpu.memory_space<vmem>> -> memref<1x128xf32, #tpu.memory_space<vmem>>
    %dma_start3A_562 = tpu.memref_squeeze %dma_start3A_561 : memref<1x128xf32, #tpu.memory_space<vmem>> -> memref<128xf32, #tpu.memory_space<vmem>>
    %dma_start3A_563 = arith.constant 256 : i32
    %dma_start3A_564 = tpu.memref_slice %arg7[%dma_start3A_558, %dma_start3A_563] : memref<26x512xi32, #tpu.memory_space<vmem>> -> memref<1x128xi32, #tpu.memory_space<vmem>>
    %dma_start3A_565 = tpu.memref_squeeze %dma_start3A_564 : memref<1x128xi32, #tpu.memory_space<vmem>> -> memref<128xi32, #tpu.memory_space<vmem>>
    %dma_start3A_566 = arith.constant 0 : i32
    %dma_start3A_567 = tpu.memref_slice %arg2[%dma_start3A_566] : memref<1000000xf32, #tpu.memory_space<hbm>> -> memref<1000000xf32, #tpu.memory_space<hbm>>
    tpu.enqueue_indirect_dma source(%dma_start3A_567 : memref<1000000xf32, #tpu.memory_space<hbm>>) target(%dma_start3A_562 : memref<128xf32, #tpu.memory_space<vmem>>) offsets(%dma_start3A_565 : memref<128xi32, #tpu.memory_space<vmem>>) semaphore(%arg14 : memref<!tpu.dma_semaphore, #tpu.memory_space<semaphore_mem>>)
    %dma_start3A_568 = arith.constant 4 : i32
    %dma_start3A_569 = arith.constant 4 : i32
    %dma_start3A_570 = arith.constant 256 : i32
    %dma_start3A_571 = tpu.memref_slice %arg8[%dma_start3A_569, %dma_start3A_570] : memref<26x512xf32, #tpu.memory_space<vmem>> -> memref<1x128xf32, #tpu.memory_space<vmem>>
    %dma_start3A_572 = tpu.memref_squeeze %dma_start3A_571 : memref<1x128xf32, #tpu.memory_space<vmem>> -> memref<128xf32, #tpu.memory_space<vmem>>
    %dma_start3A_573 = arith.constant 256 : i32
    %dma_start3A_574 = tpu.memref_slice %arg7[%dma_start3A_568, %dma_start3A_573] : memref<26x512xi32, #tpu.memory_space<vmem>> -> memref<1x128xi32, #tpu.memory_space<vmem>>
    %dma_start3A_575 = tpu.memref_squeeze %dma_start3A_574 : memref<1x128xi32, #tpu.memory_space<vmem>> -> memref<128xi32, #tpu.memory_space<vmem>>
    %dma_start3A_576 = arith.constant 0 : i32
    %dma_start3A_577 = tpu.memref_slice %arg2[%dma_start3A_576] : memref<1000000xf32, #tpu.memory_space<hbm>> -> memref<1000000xf32, #tpu.memory_space<hbm>>
    tpu.enqueue_indirect_dma source(%dma_start3A_577 : memref<1000000xf32, #tpu.memory_space<hbm>>) target(%dma_start3A_572 : memref<128xf32, #tpu.memory_space<vmem>>) offsets(%dma_start3A_575 : memref<128xi32, #tpu.memory_space<vmem>>) semaphore(%arg14 : memref<!tpu.dma_semaphore, #tpu.memory_space<semaphore_mem>>)
    %dma_start3A_578 = arith.constant 5 : i32
    %dma_start3A_579 = arith.constant 5 : i32
    %dma_start3A_580 = arith.constant 256 : i32
    %dma_start3A_581 = tpu.memref_slice %arg8[%dma_start3A_579, %dma_start3A_580] : memref<26x512xf32, #tpu.memory_space<vmem>> -> memref<1x128xf32, #tpu.memory_space<vmem>>
    %dma_start3A_582 = tpu.memref_squeeze %dma_start3A_581 : memref<1x128xf32, #tpu.memory_space<vmem>> -> memref<128xf32, #tpu.memory_space<vmem>>
    %dma_start3A_583 = arith.constant 256 : i32
    %dma_start3A_584 = tpu.memref_slice %arg7[%dma_start3A_578, %dma_start3A_583] : memref<26x512xi32, #tpu.memory_space<vmem>> -> memref<1x128xi32, #tpu.memory_space<vmem>>
    %dma_start3A_585 = tpu.memref_squeeze %dma_start3A_584 : memref<1x128xi32, #tpu.memory_space<vmem>> -> memref<128xi32, #tpu.memory_space<vmem>>
    %dma_start3A_586 = arith.constant 0 : i32
    %dma_start3A_587 = tpu.memref_slice %arg2[%dma_start3A_586] : memref<1000000xf32, #tpu.memory_space<hbm>> -> memref<1000000xf32, #tpu.memory_space<hbm>>
    tpu.enqueue_indirect_dma source(%dma_start3A_587 : memref<1000000xf32, #tpu.memory_space<hbm>>) target(%dma_start3A_582 : memref<128xf32, #tpu.memory_space<vmem>>) offsets(%dma_start3A_585 : memref<128xi32, #tpu.memory_space<vmem>>) semaphore(%arg14 : memref<!tpu.dma_semaphore, #tpu.memory_space<semaphore_mem>>)
    %dma_start3A_588 = arith.constant 6 : i32
    %dma_start3A_589 = arith.constant 6 : i32
    %dma_start3A_590 = arith.constant 256 : i32
    %dma_start3A_591 = tpu.memref_slice %arg8[%dma_start3A_589, %dma_start3A_590] : memref<26x512xf32, #tpu.memory_space<vmem>> -> memref<1x128xf32, #tpu.memory_space<vmem>>
    %dma_start3A_592 = tpu.memref_squeeze %dma_start3A_591 : memref<1x128xf32, #tpu.memory_space<vmem>> -> memref<128xf32, #tpu.memory_space<vmem>>
    %dma_start3A_593 = arith.constant 256 : i32
    %dma_start3A_594 = tpu.memref_slice %arg7[%dma_start3A_588, %dma_start3A_593] : memref<26x512xi32, #tpu.memory_space<vmem>> -> memref<1x128xi32, #tpu.memory_space<vmem>>
    %dma_start3A_595 = tpu.memref_squeeze %dma_start3A_594 : memref<1x128xi32, #tpu.memory_space<vmem>> -> memref<128xi32, #tpu.memory_space<vmem>>
    %dma_start3A_596 = arith.constant 0 : i32
    %dma_start3A_597 = tpu.memref_slice %arg2[%dma_start3A_596] : memref<1000000xf32, #tpu.memory_space<hbm>> -> memref<1000000xf32, #tpu.memory_space<hbm>>
    tpu.enqueue_indirect_dma source(%dma_start3A_597 : memref<1000000xf32, #tpu.memory_space<hbm>>) target(%dma_start3A_592 : memref<128xf32, #tpu.memory_space<vmem>>) offsets(%dma_start3A_595 : memref<128xi32, #tpu.memory_space<vmem>>) semaphore(%arg14 : memref<!tpu.dma_semaphore, #tpu.memory_space<semaphore_mem>>)
    %dma_start3A_598 = arith.constant 7 : i32
    %dma_start3A_599 = arith.constant 7 : i32
    %dma_start3A_600 = arith.constant 256 : i32
    %dma_start3A_601 = tpu.memref_slice %arg8[%dma_start3A_599, %dma_start3A_600] : memref<26x512xf32, #tpu.memory_space<vmem>> -> memref<1x128xf32, #tpu.memory_space<vmem>>
    %dma_start3A_602 = tpu.memref_squeeze %dma_start3A_601 : memref<1x128xf32, #tpu.memory_space<vmem>> -> memref<128xf32, #tpu.memory_space<vmem>>
    %dma_start3A_603 = arith.constant 256 : i32
    %dma_start3A_604 = tpu.memref_slice %arg7[%dma_start3A_598, %dma_start3A_603] : memref<26x512xi32, #tpu.memory_space<vmem>> -> memref<1x128xi32, #tpu.memory_space<vmem>>
    %dma_start3A_605 = tpu.memref_squeeze %dma_start3A_604 : memref<1x128xi32, #tpu.memory_space<vmem>> -> memref<128xi32, #tpu.memory_space<vmem>>
    %dma_start3A_606 = arith.constant 0 : i32
    %dma_start3A_607 = tpu.memref_slice %arg2[%dma_start3A_606] : memref<1000000xf32, #tpu.memory_space<hbm>> -> memref<1000000xf32, #tpu.memory_space<hbm>>
    tpu.enqueue_indirect_dma source(%dma_start3A_607 : memref<1000000xf32, #tpu.memory_space<hbm>>) target(%dma_start3A_602 : memref<128xf32, #tpu.memory_space<vmem>>) offsets(%dma_start3A_605 : memref<128xi32, #tpu.memory_space<vmem>>) semaphore(%arg14 : memref<!tpu.dma_semaphore, #tpu.memory_space<semaphore_mem>>)
    %dma_start3A_608 = arith.constant 8 : i32
    %dma_start3A_609 = arith.constant 8 : i32
    %dma_start3A_610 = arith.constant 256 : i32
    %dma_start3A_611 = tpu.memref_slice %arg8[%dma_start3A_609, %dma_start3A_610] : memref<26x512xf32, #tpu.memory_space<vmem>> -> memref<1x128xf32, #tpu.memory_space<vmem>>
    %dma_start3A_612 = tpu.memref_squeeze %dma_start3A_611 : memref<1x128xf32, #tpu.memory_space<vmem>> -> memref<128xf32, #tpu.memory_space<vmem>>
    %dma_start3A_613 = arith.constant 256 : i32
    %dma_start3A_614 = tpu.memref_slice %arg7[%dma_start3A_608, %dma_start3A_613] : memref<26x512xi32, #tpu.memory_space<vmem>> -> memref<1x128xi32, #tpu.memory_space<vmem>>
    %dma_start3A_615 = tpu.memref_squeeze %dma_start3A_614 : memref<1x128xi32, #tpu.memory_space<vmem>> -> memref<128xi32, #tpu.memory_space<vmem>>
    %dma_start3A_616 = arith.constant 0 : i32
    %dma_start3A_617 = tpu.memref_slice %arg2[%dma_start3A_616] : memref<1000000xf32, #tpu.memory_space<hbm>> -> memref<1000000xf32, #tpu.memory_space<hbm>>
    tpu.enqueue_indirect_dma source(%dma_start3A_617 : memref<1000000xf32, #tpu.memory_space<hbm>>) target(%dma_start3A_612 : memref<128xf32, #tpu.memory_space<vmem>>) offsets(%dma_start3A_615 : memref<128xi32, #tpu.memory_space<vmem>>) semaphore(%arg14 : memref<!tpu.dma_semaphore, #tpu.memory_space<semaphore_mem>>)
    %dma_start3A_618 = arith.constant 9 : i32
    %dma_start3A_619 = arith.constant 9 : i32
    %dma_start3A_620 = arith.constant 256 : i32
    %dma_start3A_621 = tpu.memref_slice %arg8[%dma_start3A_619, %dma_start3A_620] : memref<26x512xf32, #tpu.memory_space<vmem>> -> memref<1x128xf32, #tpu.memory_space<vmem>>
    %dma_start3A_622 = tpu.memref_squeeze %dma_start3A_621 : memref<1x128xf32, #tpu.memory_space<vmem>> -> memref<128xf32, #tpu.memory_space<vmem>>
    %dma_start3A_623 = arith.constant 256 : i32
    %dma_start3A_624 = tpu.memref_slice %arg7[%dma_start3A_618, %dma_start3A_623] : memref<26x512xi32, #tpu.memory_space<vmem>> -> memref<1x128xi32, #tpu.memory_space<vmem>>
    %dma_start3A_625 = tpu.memref_squeeze %dma_start3A_624 : memref<1x128xi32, #tpu.memory_space<vmem>> -> memref<128xi32, #tpu.memory_space<vmem>>
    %dma_start3A_626 = arith.constant 0 : i32
    %dma_start3A_627 = tpu.memref_slice %arg2[%dma_start3A_626] : memref<1000000xf32, #tpu.memory_space<hbm>> -> memref<1000000xf32, #tpu.memory_space<hbm>>
    tpu.enqueue_indirect_dma source(%dma_start3A_627 : memref<1000000xf32, #tpu.memory_space<hbm>>) target(%dma_start3A_622 : memref<128xf32, #tpu.memory_space<vmem>>) offsets(%dma_start3A_625 : memref<128xi32, #tpu.memory_space<vmem>>) semaphore(%arg14 : memref<!tpu.dma_semaphore, #tpu.memory_space<semaphore_mem>>)
    %dma_start3A_628 = arith.constant 10 : i32
    %dma_start3A_629 = arith.constant 10 : i32
    %dma_start3A_630 = arith.constant 256 : i32
    %dma_start3A_631 = tpu.memref_slice %arg8[%dma_start3A_629, %dma_start3A_630] : memref<26x512xf32, #tpu.memory_space<vmem>> -> memref<1x128xf32, #tpu.memory_space<vmem>>
    %dma_start3A_632 = tpu.memref_squeeze %dma_start3A_631 : memref<1x128xf32, #tpu.memory_space<vmem>> -> memref<128xf32, #tpu.memory_space<vmem>>
    %dma_start3A_633 = arith.constant 256 : i32
    %dma_start3A_634 = tpu.memref_slice %arg7[%dma_start3A_628, %dma_start3A_633] : memref<26x512xi32, #tpu.memory_space<vmem>> -> memref<1x128xi32, #tpu.memory_space<vmem>>
    %dma_start3A_635 = tpu.memref_squeeze %dma_start3A_634 : memref<1x128xi32, #tpu.memory_space<vmem>> -> memref<128xi32, #tpu.memory_space<vmem>>
    %dma_start3A_636 = arith.constant 0 : i32
    %dma_start3A_637 = tpu.memref_slice %arg2[%dma_start3A_636] : memref<1000000xf32, #tpu.memory_space<hbm>> -> memref<1000000xf32, #tpu.memory_space<hbm>>
    tpu.enqueue_indirect_dma source(%dma_start3A_637 : memref<1000000xf32, #tpu.memory_space<hbm>>) target(%dma_start3A_632 : memref<128xf32, #tpu.memory_space<vmem>>) offsets(%dma_start3A_635 : memref<128xi32, #tpu.memory_space<vmem>>) semaphore(%arg14 : memref<!tpu.dma_semaphore, #tpu.memory_space<semaphore_mem>>)
    %dma_start3A_638 = arith.constant 11 : i32
    %dma_start3A_639 = arith.constant 11 : i32
    %dma_start3A_640 = arith.constant 256 : i32
    %dma_start3A_641 = tpu.memref_slice %arg8[%dma_start3A_639, %dma_start3A_640] : memref<26x512xf32, #tpu.memory_space<vmem>> -> memref<1x128xf32, #tpu.memory_space<vmem>>
    %dma_start3A_642 = tpu.memref_squeeze %dma_start3A_641 : memref<1x128xf32, #tpu.memory_space<vmem>> -> memref<128xf32, #tpu.memory_space<vmem>>
    %dma_start3A_643 = arith.constant 256 : i32
    %dma_start3A_644 = tpu.memref_slice %arg7[%dma_start3A_638, %dma_start3A_643] : memref<26x512xi32, #tpu.memory_space<vmem>> -> memref<1x128xi32, #tpu.memory_space<vmem>>
    %dma_start3A_645 = tpu.memref_squeeze %dma_start3A_644 : memref<1x128xi32, #tpu.memory_space<vmem>> -> memref<128xi32, #tpu.memory_space<vmem>>
    %dma_start3A_646 = arith.constant 0 : i32
    %dma_start3A_647 = tpu.memref_slice %arg2[%dma_start3A_646] : memref<1000000xf32, #tpu.memory_space<hbm>> -> memref<1000000xf32, #tpu.memory_space<hbm>>
    tpu.enqueue_indirect_dma source(%dma_start3A_647 : memref<1000000xf32, #tpu.memory_space<hbm>>) target(%dma_start3A_642 : memref<128xf32, #tpu.memory_space<vmem>>) offsets(%dma_start3A_645 : memref<128xi32, #tpu.memory_space<vmem>>) semaphore(%arg14 : memref<!tpu.dma_semaphore, #tpu.memory_space<semaphore_mem>>)
    %dma_start3A_648 = arith.constant 12 : i32
    %dma_start3A_649 = arith.constant 12 : i32
    %dma_start3A_650 = arith.constant 256 : i32
    %dma_start3A_651 = tpu.memref_slice %arg8[%dma_start3A_649, %dma_start3A_650] : memref<26x512xf32, #tpu.memory_space<vmem>> -> memref<1x128xf32, #tpu.memory_space<vmem>>
    %dma_start3A_652 = tpu.memref_squeeze %dma_start3A_651 : memref<1x128xf32, #tpu.memory_space<vmem>> -> memref<128xf32, #tpu.memory_space<vmem>>
    %dma_start3A_653 = arith.constant 256 : i32
    %dma_start3A_654 = tpu.memref_slice %arg7[%dma_start3A_648, %dma_start3A_653] : memref<26x512xi32, #tpu.memory_space<vmem>> -> memref<1x128xi32, #tpu.memory_space<vmem>>
    %dma_start3A_655 = tpu.memref_squeeze %dma_start3A_654 : memref<1x128xi32, #tpu.memory_space<vmem>> -> memref<128xi32, #tpu.memory_space<vmem>>
    %dma_start3A_656 = arith.constant 0 : i32
    %dma_start3A_657 = tpu.memref_slice %arg2[%dma_start3A_656] : memref<1000000xf32, #tpu.memory_space<hbm>> -> memref<1000000xf32, #tpu.memory_space<hbm>>
    tpu.enqueue_indirect_dma source(%dma_start3A_657 : memref<1000000xf32, #tpu.memory_space<hbm>>) target(%dma_start3A_652 : memref<128xf32, #tpu.memory_space<vmem>>) offsets(%dma_start3A_655 : memref<128xi32, #tpu.memory_space<vmem>>) semaphore(%arg14 : memref<!tpu.dma_semaphore, #tpu.memory_space<semaphore_mem>>)
    %dma_start3A_658 = arith.constant 13 : i32
    %dma_start3A_659 = arith.constant 13 : i32
    %dma_start3A_660 = arith.constant 256 : i32
    %dma_start3A_661 = tpu.memref_slice %arg8[%dma_start3A_659, %dma_start3A_660] : memref<26x512xf32, #tpu.memory_space<vmem>> -> memref<1x128xf32, #tpu.memory_space<vmem>>
    %dma_start3A_662 = tpu.memref_squeeze %dma_start3A_661 : memref<1x128xf32, #tpu.memory_space<vmem>> -> memref<128xf32, #tpu.memory_space<vmem>>
    %dma_start3A_663 = arith.constant 256 : i32
    %dma_start3A_664 = tpu.memref_slice %arg7[%dma_start3A_658, %dma_start3A_663] : memref<26x512xi32, #tpu.memory_space<vmem>> -> memref<1x128xi32, #tpu.memory_space<vmem>>
    %dma_start3A_665 = tpu.memref_squeeze %dma_start3A_664 : memref<1x128xi32, #tpu.memory_space<vmem>> -> memref<128xi32, #tpu.memory_space<vmem>>
    %dma_start3A_666 = arith.constant 0 : i32
    %dma_start3A_667 = tpu.memref_slice %arg2[%dma_start3A_666] : memref<1000000xf32, #tpu.memory_space<hbm>> -> memref<1000000xf32, #tpu.memory_space<hbm>>
    tpu.enqueue_indirect_dma source(%dma_start3A_667 : memref<1000000xf32, #tpu.memory_space<hbm>>) target(%dma_start3A_662 : memref<128xf32, #tpu.memory_space<vmem>>) offsets(%dma_start3A_665 : memref<128xi32, #tpu.memory_space<vmem>>) semaphore(%arg14 : memref<!tpu.dma_semaphore, #tpu.memory_space<semaphore_mem>>)
    %dma_start3A_668 = arith.constant 14 : i32
    %dma_start3A_669 = arith.constant 14 : i32
    %dma_start3A_670 = arith.constant 256 : i32
    %dma_start3A_671 = tpu.memref_slice %arg8[%dma_start3A_669, %dma_start3A_670] : memref<26x512xf32, #tpu.memory_space<vmem>> -> memref<1x128xf32, #tpu.memory_space<vmem>>
    %dma_start3A_672 = tpu.memref_squeeze %dma_start3A_671 : memref<1x128xf32, #tpu.memory_space<vmem>> -> memref<128xf32, #tpu.memory_space<vmem>>
    %dma_start3A_673 = arith.constant 256 : i32
    %dma_start3A_674 = tpu.memref_slice %arg7[%dma_start3A_668, %dma_start3A_673] : memref<26x512xi32, #tpu.memory_space<vmem>> -> memref<1x128xi32, #tpu.memory_space<vmem>>
    %dma_start3A_675 = tpu.memref_squeeze %dma_start3A_674 : memref<1x128xi32, #tpu.memory_space<vmem>> -> memref<128xi32, #tpu.memory_space<vmem>>
    %dma_start3A_676 = arith.constant 0 : i32
    %dma_start3A_677 = tpu.memref_slice %arg2[%dma_start3A_676] : memref<1000000xf32, #tpu.memory_space<hbm>> -> memref<1000000xf32, #tpu.memory_space<hbm>>
    tpu.enqueue_indirect_dma source(%dma_start3A_677 : memref<1000000xf32, #tpu.memory_space<hbm>>) target(%dma_start3A_672 : memref<128xf32, #tpu.memory_space<vmem>>) offsets(%dma_start3A_675 : memref<128xi32, #tpu.memory_space<vmem>>) semaphore(%arg14 : memref<!tpu.dma_semaphore, #tpu.memory_space<semaphore_mem>>)
    %dma_start3A_678 = arith.constant 15 : i32
    %dma_start3A_679 = arith.constant 15 : i32
    %dma_start3A_680 = arith.constant 256 : i32
    %dma_start3A_681 = tpu.memref_slice %arg8[%dma_start3A_679, %dma_start3A_680] : memref<26x512xf32, #tpu.memory_space<vmem>> -> memref<1x128xf32, #tpu.memory_space<vmem>>
    %dma_start3A_682 = tpu.memref_squeeze %dma_start3A_681 : memref<1x128xf32, #tpu.memory_space<vmem>> -> memref<128xf32, #tpu.memory_space<vmem>>
    %dma_start3A_683 = arith.constant 256 : i32
    %dma_start3A_684 = tpu.memref_slice %arg7[%dma_start3A_678, %dma_start3A_683] : memref<26x512xi32, #tpu.memory_space<vmem>> -> memref<1x128xi32, #tpu.memory_space<vmem>>
    %dma_start3A_685 = tpu.memref_squeeze %dma_start3A_684 : memref<1x128xi32, #tpu.memory_space<vmem>> -> memref<128xi32, #tpu.memory_space<vmem>>
    %dma_start3A_686 = arith.constant 0 : i32
    %dma_start3A_687 = tpu.memref_slice %arg2[%dma_start3A_686] : memref<1000000xf32, #tpu.memory_space<hbm>> -> memref<1000000xf32, #tpu.memory_space<hbm>>
    tpu.enqueue_indirect_dma source(%dma_start3A_687 : memref<1000000xf32, #tpu.memory_space<hbm>>) target(%dma_start3A_682 : memref<128xf32, #tpu.memory_space<vmem>>) offsets(%dma_start3A_685 : memref<128xi32, #tpu.memory_space<vmem>>) semaphore(%arg14 : memref<!tpu.dma_semaphore, #tpu.memory_space<semaphore_mem>>)
    %dma_start3A_688 = arith.constant 16 : i32
    %dma_start3A_689 = arith.constant 16 : i32
    %dma_start3A_690 = arith.constant 256 : i32
    %dma_start3A_691 = tpu.memref_slice %arg8[%dma_start3A_689, %dma_start3A_690] : memref<26x512xf32, #tpu.memory_space<vmem>> -> memref<1x128xf32, #tpu.memory_space<vmem>>
    %dma_start3A_692 = tpu.memref_squeeze %dma_start3A_691 : memref<1x128xf32, #tpu.memory_space<vmem>> -> memref<128xf32, #tpu.memory_space<vmem>>
    %dma_start3A_693 = arith.constant 256 : i32
    %dma_start3A_694 = tpu.memref_slice %arg7[%dma_start3A_688, %dma_start3A_693] : memref<26x512xi32, #tpu.memory_space<vmem>> -> memref<1x128xi32, #tpu.memory_space<vmem>>
    %dma_start3A_695 = tpu.memref_squeeze %dma_start3A_694 : memref<1x128xi32, #tpu.memory_space<vmem>> -> memref<128xi32, #tpu.memory_space<vmem>>
    %dma_start3A_696 = arith.constant 0 : i32
    %dma_start3A_697 = tpu.memref_slice %arg2[%dma_start3A_696] : memref<1000000xf32, #tpu.memory_space<hbm>> -> memref<1000000xf32, #tpu.memory_space<hbm>>
    tpu.enqueue_indirect_dma source(%dma_start3A_697 : memref<1000000xf32, #tpu.memory_space<hbm>>) target(%dma_start3A_692 : memref<128xf32, #tpu.memory_space<vmem>>) offsets(%dma_start3A_695 : memref<128xi32, #tpu.memory_space<vmem>>) semaphore(%arg14 : memref<!tpu.dma_semaphore, #tpu.memory_space<semaphore_mem>>)
    %dma_start3A_698 = arith.constant 17 : i32
    %dma_start3A_699 = arith.constant 17 : i32
    %dma_start3A_700 = arith.constant 256 : i32
    %dma_start3A_701 = tpu.memref_slice %arg8[%dma_start3A_699, %dma_start3A_700] : memref<26x512xf32, #tpu.memory_space<vmem>> -> memref<1x128xf32, #tpu.memory_space<vmem>>
    %dma_start3A_702 = tpu.memref_squeeze %dma_start3A_701 : memref<1x128xf32, #tpu.memory_space<vmem>> -> memref<128xf32, #tpu.memory_space<vmem>>
    %dma_start3A_703 = arith.constant 256 : i32
    %dma_start3A_704 = tpu.memref_slice %arg7[%dma_start3A_698, %dma_start3A_703] : memref<26x512xi32, #tpu.memory_space<vmem>> -> memref<1x128xi32, #tpu.memory_space<vmem>>
    %dma_start3A_705 = tpu.memref_squeeze %dma_start3A_704 : memref<1x128xi32, #tpu.memory_space<vmem>> -> memref<128xi32, #tpu.memory_space<vmem>>
    %dma_start3A_706 = arith.constant 0 : i32
    %dma_start3A_707 = tpu.memref_slice %arg2[%dma_start3A_706] : memref<1000000xf32, #tpu.memory_space<hbm>> -> memref<1000000xf32, #tpu.memory_space<hbm>>
    tpu.enqueue_indirect_dma source(%dma_start3A_707 : memref<1000000xf32, #tpu.memory_space<hbm>>) target(%dma_start3A_702 : memref<128xf32, #tpu.memory_space<vmem>>) offsets(%dma_start3A_705 : memref<128xi32, #tpu.memory_space<vmem>>) semaphore(%arg14 : memref<!tpu.dma_semaphore, #tpu.memory_space<semaphore_mem>>)
    %dma_start3A_708 = arith.constant 18 : i32
    %dma_start3A_709 = arith.constant 18 : i32
    %dma_start3A_710 = arith.constant 256 : i32
    %dma_start3A_711 = tpu.memref_slice %arg8[%dma_start3A_709, %dma_start3A_710] : memref<26x512xf32, #tpu.memory_space<vmem>> -> memref<1x128xf32, #tpu.memory_space<vmem>>
    %dma_start3A_712 = tpu.memref_squeeze %dma_start3A_711 : memref<1x128xf32, #tpu.memory_space<vmem>> -> memref<128xf32, #tpu.memory_space<vmem>>
    %dma_start3A_713 = arith.constant 256 : i32
    %dma_start3A_714 = tpu.memref_slice %arg7[%dma_start3A_708, %dma_start3A_713] : memref<26x512xi32, #tpu.memory_space<vmem>> -> memref<1x128xi32, #tpu.memory_space<vmem>>
    %dma_start3A_715 = tpu.memref_squeeze %dma_start3A_714 : memref<1x128xi32, #tpu.memory_space<vmem>> -> memref<128xi32, #tpu.memory_space<vmem>>
    %dma_start3A_716 = arith.constant 0 : i32
    %dma_start3A_717 = tpu.memref_slice %arg2[%dma_start3A_716] : memref<1000000xf32, #tpu.memory_space<hbm>> -> memref<1000000xf32, #tpu.memory_space<hbm>>
    tpu.enqueue_indirect_dma source(%dma_start3A_717 : memref<1000000xf32, #tpu.memory_space<hbm>>) target(%dma_start3A_712 : memref<128xf32, #tpu.memory_space<vmem>>) offsets(%dma_start3A_715 : memref<128xi32, #tpu.memory_space<vmem>>) semaphore(%arg14 : memref<!tpu.dma_semaphore, #tpu.memory_space<semaphore_mem>>)
    %dma_start3A_718 = arith.constant 19 : i32
    %dma_start3A_719 = arith.constant 19 : i32
    %dma_start3A_720 = arith.constant 256 : i32
    %dma_start3A_721 = tpu.memref_slice %arg8[%dma_start3A_719, %dma_start3A_720] : memref<26x512xf32, #tpu.memory_space<vmem>> -> memref<1x128xf32, #tpu.memory_space<vmem>>
    %dma_start3A_722 = tpu.memref_squeeze %dma_start3A_721 : memref<1x128xf32, #tpu.memory_space<vmem>> -> memref<128xf32, #tpu.memory_space<vmem>>
    %dma_start3A_723 = arith.constant 256 : i32
    %dma_start3A_724 = tpu.memref_slice %arg7[%dma_start3A_718, %dma_start3A_723] : memref<26x512xi32, #tpu.memory_space<vmem>> -> memref<1x128xi32, #tpu.memory_space<vmem>>
    %dma_start3A_725 = tpu.memref_squeeze %dma_start3A_724 : memref<1x128xi32, #tpu.memory_space<vmem>> -> memref<128xi32, #tpu.memory_space<vmem>>
    %dma_start3A_726 = arith.constant 0 : i32
    %dma_start3A_727 = tpu.memref_slice %arg2[%dma_start3A_726] : memref<1000000xf32, #tpu.memory_space<hbm>> -> memref<1000000xf32, #tpu.memory_space<hbm>>
    tpu.enqueue_indirect_dma source(%dma_start3A_727 : memref<1000000xf32, #tpu.memory_space<hbm>>) target(%dma_start3A_722 : memref<128xf32, #tpu.memory_space<vmem>>) offsets(%dma_start3A_725 : memref<128xi32, #tpu.memory_space<vmem>>) semaphore(%arg14 : memref<!tpu.dma_semaphore, #tpu.memory_space<semaphore_mem>>)
    %dma_start3A_728 = arith.constant 20 : i32
    %dma_start3A_729 = arith.constant 20 : i32
    %dma_start3A_730 = arith.constant 256 : i32
    %dma_start3A_731 = tpu.memref_slice %arg8[%dma_start3A_729, %dma_start3A_730] : memref<26x512xf32, #tpu.memory_space<vmem>> -> memref<1x128xf32, #tpu.memory_space<vmem>>
    %dma_start3A_732 = tpu.memref_squeeze %dma_start3A_731 : memref<1x128xf32, #tpu.memory_space<vmem>> -> memref<128xf32, #tpu.memory_space<vmem>>
    %dma_start3A_733 = arith.constant 256 : i32
    %dma_start3A_734 = tpu.memref_slice %arg7[%dma_start3A_728, %dma_start3A_733] : memref<26x512xi32, #tpu.memory_space<vmem>> -> memref<1x128xi32, #tpu.memory_space<vmem>>
    %dma_start3A_735 = tpu.memref_squeeze %dma_start3A_734 : memref<1x128xi32, #tpu.memory_space<vmem>> -> memref<128xi32, #tpu.memory_space<vmem>>
    %dma_start3A_736 = arith.constant 0 : i32
    %dma_start3A_737 = tpu.memref_slice %arg2[%dma_start3A_736] : memref<1000000xf32, #tpu.memory_space<hbm>> -> memref<1000000xf32, #tpu.memory_space<hbm>>
    tpu.enqueue_indirect_dma source(%dma_start3A_737 : memref<1000000xf32, #tpu.memory_space<hbm>>) target(%dma_start3A_732 : memref<128xf32, #tpu.memory_space<vmem>>) offsets(%dma_start3A_735 : memref<128xi32, #tpu.memory_space<vmem>>) semaphore(%arg14 : memref<!tpu.dma_semaphore, #tpu.memory_space<semaphore_mem>>)
    %dma_start3A_738 = arith.constant 21 : i32
    %dma_start3A_739 = arith.constant 21 : i32
    %dma_start3A_740 = arith.constant 256 : i32
    %dma_start3A_741 = tpu.memref_slice %arg8[%dma_start3A_739, %dma_start3A_740] : memref<26x512xf32, #tpu.memory_space<vmem>> -> memref<1x128xf32, #tpu.memory_space<vmem>>
    %dma_start3A_742 = tpu.memref_squeeze %dma_start3A_741 : memref<1x128xf32, #tpu.memory_space<vmem>> -> memref<128xf32, #tpu.memory_space<vmem>>
    %dma_start3A_743 = arith.constant 256 : i32
    %dma_start3A_744 = tpu.memref_slice %arg7[%dma_start3A_738, %dma_start3A_743] : memref<26x512xi32, #tpu.memory_space<vmem>> -> memref<1x128xi32, #tpu.memory_space<vmem>>
    %dma_start3A_745 = tpu.memref_squeeze %dma_start3A_744 : memref<1x128xi32, #tpu.memory_space<vmem>> -> memref<128xi32, #tpu.memory_space<vmem>>
    %dma_start3A_746 = arith.constant 0 : i32
    %dma_start3A_747 = tpu.memref_slice %arg2[%dma_start3A_746] : memref<1000000xf32, #tpu.memory_space<hbm>> -> memref<1000000xf32, #tpu.memory_space<hbm>>
    tpu.enqueue_indirect_dma source(%dma_start3A_747 : memref<1000000xf32, #tpu.memory_space<hbm>>) target(%dma_start3A_742 : memref<128xf32, #tpu.memory_space<vmem>>) offsets(%dma_start3A_745 : memref<128xi32, #tpu.memory_space<vmem>>) semaphore(%arg14 : memref<!tpu.dma_semaphore, #tpu.memory_space<semaphore_mem>>)
    %dma_start3A_748 = arith.constant 22 : i32
    %dma_start3A_749 = arith.constant 22 : i32
    %dma_start3A_750 = arith.constant 256 : i32
    %dma_start3A_751 = tpu.memref_slice %arg8[%dma_start3A_749, %dma_start3A_750] : memref<26x512xf32, #tpu.memory_space<vmem>> -> memref<1x128xf32, #tpu.memory_space<vmem>>
    %dma_start3A_752 = tpu.memref_squeeze %dma_start3A_751 : memref<1x128xf32, #tpu.memory_space<vmem>> -> memref<128xf32, #tpu.memory_space<vmem>>
    %dma_start3A_753 = arith.constant 256 : i32
    %dma_start3A_754 = tpu.memref_slice %arg7[%dma_start3A_748, %dma_start3A_753] : memref<26x512xi32, #tpu.memory_space<vmem>> -> memref<1x128xi32, #tpu.memory_space<vmem>>
    %dma_start3A_755 = tpu.memref_squeeze %dma_start3A_754 : memref<1x128xi32, #tpu.memory_space<vmem>> -> memref<128xi32, #tpu.memory_space<vmem>>
    %dma_start3A_756 = arith.constant 0 : i32
    %dma_start3A_757 = tpu.memref_slice %arg2[%dma_start3A_756] : memref<1000000xf32, #tpu.memory_space<hbm>> -> memref<1000000xf32, #tpu.memory_space<hbm>>
    tpu.enqueue_indirect_dma source(%dma_start3A_757 : memref<1000000xf32, #tpu.memory_space<hbm>>) target(%dma_start3A_752 : memref<128xf32, #tpu.memory_space<vmem>>) offsets(%dma_start3A_755 : memref<128xi32, #tpu.memory_space<vmem>>) semaphore(%arg14 : memref<!tpu.dma_semaphore, #tpu.memory_space<semaphore_mem>>)
    %dma_start3A_758 = arith.constant 23 : i32
    %dma_start3A_759 = arith.constant 23 : i32
    %dma_start3A_760 = arith.constant 256 : i32
    %dma_start3A_761 = tpu.memref_slice %arg8[%dma_start3A_759, %dma_start3A_760] : memref<26x512xf32, #tpu.memory_space<vmem>> -> memref<1x128xf32, #tpu.memory_space<vmem>>
    %dma_start3A_762 = tpu.memref_squeeze %dma_start3A_761 : memref<1x128xf32, #tpu.memory_space<vmem>> -> memref<128xf32, #tpu.memory_space<vmem>>
    %dma_start3A_763 = arith.constant 256 : i32
    %dma_start3A_764 = tpu.memref_slice %arg7[%dma_start3A_758, %dma_start3A_763] : memref<26x512xi32, #tpu.memory_space<vmem>> -> memref<1x128xi32, #tpu.memory_space<vmem>>
    %dma_start3A_765 = tpu.memref_squeeze %dma_start3A_764 : memref<1x128xi32, #tpu.memory_space<vmem>> -> memref<128xi32, #tpu.memory_space<vmem>>
    %dma_start3A_766 = arith.constant 0 : i32
    %dma_start3A_767 = tpu.memref_slice %arg2[%dma_start3A_766] : memref<1000000xf32, #tpu.memory_space<hbm>> -> memref<1000000xf32, #tpu.memory_space<hbm>>
    tpu.enqueue_indirect_dma source(%dma_start3A_767 : memref<1000000xf32, #tpu.memory_space<hbm>>) target(%dma_start3A_762 : memref<128xf32, #tpu.memory_space<vmem>>) offsets(%dma_start3A_765 : memref<128xi32, #tpu.memory_space<vmem>>) semaphore(%arg14 : memref<!tpu.dma_semaphore, #tpu.memory_space<semaphore_mem>>)
    %dma_start3A_768 = arith.constant 24 : i32
    %dma_start3A_769 = arith.constant 24 : i32
    %dma_start3A_770 = arith.constant 256 : i32
    %dma_start3A_771 = tpu.memref_slice %arg8[%dma_start3A_769, %dma_start3A_770] : memref<26x512xf32, #tpu.memory_space<vmem>> -> memref<1x128xf32, #tpu.memory_space<vmem>>
    %dma_start3A_772 = tpu.memref_squeeze %dma_start3A_771 : memref<1x128xf32, #tpu.memory_space<vmem>> -> memref<128xf32, #tpu.memory_space<vmem>>
    %dma_start3A_773 = arith.constant 256 : i32
    %dma_start3A_774 = tpu.memref_slice %arg7[%dma_start3A_768, %dma_start3A_773] : memref<26x512xi32, #tpu.memory_space<vmem>> -> memref<1x128xi32, #tpu.memory_space<vmem>>
    %dma_start3A_775 = tpu.memref_squeeze %dma_start3A_774 : memref<1x128xi32, #tpu.memory_space<vmem>> -> memref<128xi32, #tpu.memory_space<vmem>>
    %dma_start3A_776 = arith.constant 0 : i32
    %dma_start3A_777 = tpu.memref_slice %arg2[%dma_start3A_776] : memref<1000000xf32, #tpu.memory_space<hbm>> -> memref<1000000xf32, #tpu.memory_space<hbm>>
    tpu.enqueue_indirect_dma source(%dma_start3A_777 : memref<1000000xf32, #tpu.memory_space<hbm>>) target(%dma_start3A_772 : memref<128xf32, #tpu.memory_space<vmem>>) offsets(%dma_start3A_775 : memref<128xi32, #tpu.memory_space<vmem>>) semaphore(%arg14 : memref<!tpu.dma_semaphore, #tpu.memory_space<semaphore_mem>>)
    %dma_start3A_778 = arith.constant 25 : i32
    %dma_start3A_779 = arith.constant 25 : i32
    %dma_start3A_780 = arith.constant 256 : i32
    %dma_start3A_781 = tpu.memref_slice %arg8[%dma_start3A_779, %dma_start3A_780] : memref<26x512xf32, #tpu.memory_space<vmem>> -> memref<1x128xf32, #tpu.memory_space<vmem>>
    %dma_start3A_782 = tpu.memref_squeeze %dma_start3A_781 : memref<1x128xf32, #tpu.memory_space<vmem>> -> memref<128xf32, #tpu.memory_space<vmem>>
    %dma_start3A_783 = arith.constant 256 : i32
    %dma_start3A_784 = tpu.memref_slice %arg7[%dma_start3A_778, %dma_start3A_783] : memref<26x512xi32, #tpu.memory_space<vmem>> -> memref<1x128xi32, #tpu.memory_space<vmem>>
    %dma_start3A_785 = tpu.memref_squeeze %dma_start3A_784 : memref<1x128xi32, #tpu.memory_space<vmem>> -> memref<128xi32, #tpu.memory_space<vmem>>
    %dma_start3A_786 = arith.constant 0 : i32
    %dma_start3A_787 = tpu.memref_slice %arg2[%dma_start3A_786] : memref<1000000xf32, #tpu.memory_space<hbm>> -> memref<1000000xf32, #tpu.memory_space<hbm>>
    tpu.enqueue_indirect_dma source(%dma_start3A_787 : memref<1000000xf32, #tpu.memory_space<hbm>>) target(%dma_start3A_782 : memref<128xf32, #tpu.memory_space<vmem>>) offsets(%dma_start3A_785 : memref<128xi32, #tpu.memory_space<vmem>>) semaphore(%arg14 : memref<!tpu.dma_semaphore, #tpu.memory_space<semaphore_mem>>)
    %add3A_788 = arith.constant 384 : i32
    %add3A_789 = arith.addi %mul3A_2, %add3A_788 : i32
    "tpu.region"() ({
      %run_scoped3A = tpu.sem_alloc : memref<!tpu.dma_semaphore, #tpu.memory_space<semaphore_mem>>
      %dma_start3A_2272 = arith.constant 0 : i32
      %dma_start3A_2273 = arith.constant 384 : i32
      %dma_start3A_2274 = tpu.memref_slice %arg7[%dma_start3A_2272, %dma_start3A_2273] : memref<26x512xi32, #tpu.memory_space<vmem>> -> memref<26x128xi32, #tpu.memory_space<vmem>>
      %dma_start3A_2275 = arith.constant 0 : i32
      %dma_start3A_2276 = tpu.memref_slice %arg3[%dma_start3A_2275, %add3A_789] : memref<26x16384xi32, #tpu.memory_space<hbm>> -> memref<26x128xi32, #tpu.memory_space<hbm>>
      %dma_start3A_2277 = arith.constant 0 : i32
      %dma_start3A_2278 = arith.constant 384 : i32
      %dma_start3A_2279 = tpu.memref_slice %arg7[%dma_start3A_2277, %dma_start3A_2278] : memref<26x512xi32, #tpu.memory_space<vmem>> -> memref<26x128xi32, #tpu.memory_space<vmem>>
      %dma_start3A_2280 = arith.constant 0 : i32
      %dma_start3A_2281 = tpu.memref_slice %arg3[%dma_start3A_2280, %add3A_789] : memref<26x16384xi32, #tpu.memory_space<hbm>> -> memref<26x128xi32, #tpu.memory_space<hbm>>
      tpu.enqueue_dma source(%dma_start3A_2281 : memref<26x128xi32, #tpu.memory_space<hbm>>) target(%dma_start3A_2279 : memref<26x128xi32, #tpu.memory_space<vmem>>) target_semaphore(%run_scoped3A : memref<!tpu.dma_semaphore, #tpu.memory_space<semaphore_mem>>)
      %dma_wait3A_2282 = arith.constant 0 : i32
      %dma_wait3A_2283 = arith.constant 384 : i32
      %dma_wait3A_2284 = tpu.memref_slice %arg7[%dma_wait3A_2282, %dma_wait3A_2283] : memref<26x512xi32, #tpu.memory_space<vmem>> -> memref<26x128xi32, #tpu.memory_space<vmem>>
      %dma_wait3A_2285 = arith.constant 0 : i32
      %dma_wait3A_2286 = tpu.memref_slice %arg3[%dma_wait3A_2285, %add3A_789] : memref<26x16384xi32, #tpu.memory_space<hbm>> -> memref<26x128xi32, #tpu.memory_space<hbm>>
      %dma_wait3A_2287 = arith.constant 0 : i32
      %dma_wait3A_2288 = arith.constant 384 : i32
      %dma_wait3A_2289 = tpu.memref_slice %arg7[%dma_wait3A_2287, %dma_wait3A_2288] : memref<26x512xi32, #tpu.memory_space<vmem>> -> memref<26x128xi32, #tpu.memory_space<vmem>>
      %dma_wait3A_2290 = arith.constant 0 : i32
      %dma_wait3A_2291 = tpu.memref_slice %arg3[%dma_wait3A_2290, %add3A_789] : memref<26x16384xi32, #tpu.memory_space<hbm>> -> memref<26x128xi32, #tpu.memory_space<hbm>>
      tpu.wait_dma2 semaphore(%run_scoped3A : memref<!tpu.dma_semaphore, #tpu.memory_space<semaphore_mem>>) src(%dma_wait3A_2291 : memref<26x128xi32, #tpu.memory_space<hbm>>) dst(%dma_wait3A_2289 : memref<26x128xi32, #tpu.memory_space<vmem>>)
      tpu.yield
    }) : () -> ()
    %dma_start3A_790 = arith.constant 0 : i32
    %dma_start3A_791 = arith.constant 0 : i32
    %dma_start3A_792 = arith.constant 384 : i32
    %dma_start3A_793 = tpu.memref_slice %arg8[%dma_start3A_791, %dma_start3A_792] : memref<26x512xf32, #tpu.memory_space<vmem>> -> memref<1x128xf32, #tpu.memory_space<vmem>>
    %dma_start3A_794 = tpu.memref_squeeze %dma_start3A_793 : memref<1x128xf32, #tpu.memory_space<vmem>> -> memref<128xf32, #tpu.memory_space<vmem>>
    %dma_start3A_795 = arith.constant 384 : i32
    %dma_start3A_796 = tpu.memref_slice %arg7[%dma_start3A_790, %dma_start3A_795] : memref<26x512xi32, #tpu.memory_space<vmem>> -> memref<1x128xi32, #tpu.memory_space<vmem>>
    %dma_start3A_797 = tpu.memref_squeeze %dma_start3A_796 : memref<1x128xi32, #tpu.memory_space<vmem>> -> memref<128xi32, #tpu.memory_space<vmem>>
    %dma_start3A_798 = arith.constant 0 : i32
    %dma_start3A_799 = tpu.memref_slice %arg2[%dma_start3A_798] : memref<1000000xf32, #tpu.memory_space<hbm>> -> memref<1000000xf32, #tpu.memory_space<hbm>>
    tpu.enqueue_indirect_dma source(%dma_start3A_799 : memref<1000000xf32, #tpu.memory_space<hbm>>) target(%dma_start3A_794 : memref<128xf32, #tpu.memory_space<vmem>>) offsets(%dma_start3A_797 : memref<128xi32, #tpu.memory_space<vmem>>) semaphore(%arg15 : memref<!tpu.dma_semaphore, #tpu.memory_space<semaphore_mem>>)
    %dma_start3A_800 = arith.constant 1 : i32
    %dma_start3A_801 = arith.constant 1 : i32
    %dma_start3A_802 = arith.constant 384 : i32
    %dma_start3A_803 = tpu.memref_slice %arg8[%dma_start3A_801, %dma_start3A_802] : memref<26x512xf32, #tpu.memory_space<vmem>> -> memref<1x128xf32, #tpu.memory_space<vmem>>
    %dma_start3A_804 = tpu.memref_squeeze %dma_start3A_803 : memref<1x128xf32, #tpu.memory_space<vmem>> -> memref<128xf32, #tpu.memory_space<vmem>>
    %dma_start3A_805 = arith.constant 384 : i32
    %dma_start3A_806 = tpu.memref_slice %arg7[%dma_start3A_800, %dma_start3A_805] : memref<26x512xi32, #tpu.memory_space<vmem>> -> memref<1x128xi32, #tpu.memory_space<vmem>>
    %dma_start3A_807 = tpu.memref_squeeze %dma_start3A_806 : memref<1x128xi32, #tpu.memory_space<vmem>> -> memref<128xi32, #tpu.memory_space<vmem>>
    %dma_start3A_808 = arith.constant 0 : i32
    %dma_start3A_809 = tpu.memref_slice %arg2[%dma_start3A_808] : memref<1000000xf32, #tpu.memory_space<hbm>> -> memref<1000000xf32, #tpu.memory_space<hbm>>
    tpu.enqueue_indirect_dma source(%dma_start3A_809 : memref<1000000xf32, #tpu.memory_space<hbm>>) target(%dma_start3A_804 : memref<128xf32, #tpu.memory_space<vmem>>) offsets(%dma_start3A_807 : memref<128xi32, #tpu.memory_space<vmem>>) semaphore(%arg15 : memref<!tpu.dma_semaphore, #tpu.memory_space<semaphore_mem>>)
    %dma_start3A_810 = arith.constant 2 : i32
    %dma_start3A_811 = arith.constant 2 : i32
    %dma_start3A_812 = arith.constant 384 : i32
    %dma_start3A_813 = tpu.memref_slice %arg8[%dma_start3A_811, %dma_start3A_812] : memref<26x512xf32, #tpu.memory_space<vmem>> -> memref<1x128xf32, #tpu.memory_space<vmem>>
    %dma_start3A_814 = tpu.memref_squeeze %dma_start3A_813 : memref<1x128xf32, #tpu.memory_space<vmem>> -> memref<128xf32, #tpu.memory_space<vmem>>
    %dma_start3A_815 = arith.constant 384 : i32
    %dma_start3A_816 = tpu.memref_slice %arg7[%dma_start3A_810, %dma_start3A_815] : memref<26x512xi32, #tpu.memory_space<vmem>> -> memref<1x128xi32, #tpu.memory_space<vmem>>
    %dma_start3A_817 = tpu.memref_squeeze %dma_start3A_816 : memref<1x128xi32, #tpu.memory_space<vmem>> -> memref<128xi32, #tpu.memory_space<vmem>>
    %dma_start3A_818 = arith.constant 0 : i32
    %dma_start3A_819 = tpu.memref_slice %arg2[%dma_start3A_818] : memref<1000000xf32, #tpu.memory_space<hbm>> -> memref<1000000xf32, #tpu.memory_space<hbm>>
    tpu.enqueue_indirect_dma source(%dma_start3A_819 : memref<1000000xf32, #tpu.memory_space<hbm>>) target(%dma_start3A_814 : memref<128xf32, #tpu.memory_space<vmem>>) offsets(%dma_start3A_817 : memref<128xi32, #tpu.memory_space<vmem>>) semaphore(%arg15 : memref<!tpu.dma_semaphore, #tpu.memory_space<semaphore_mem>>)
    %dma_start3A_820 = arith.constant 3 : i32
    %dma_start3A_821 = arith.constant 3 : i32
    %dma_start3A_822 = arith.constant 384 : i32
    %dma_start3A_823 = tpu.memref_slice %arg8[%dma_start3A_821, %dma_start3A_822] : memref<26x512xf32, #tpu.memory_space<vmem>> -> memref<1x128xf32, #tpu.memory_space<vmem>>
    %dma_start3A_824 = tpu.memref_squeeze %dma_start3A_823 : memref<1x128xf32, #tpu.memory_space<vmem>> -> memref<128xf32, #tpu.memory_space<vmem>>
    %dma_start3A_825 = arith.constant 384 : i32
    %dma_start3A_826 = tpu.memref_slice %arg7[%dma_start3A_820, %dma_start3A_825] : memref<26x512xi32, #tpu.memory_space<vmem>> -> memref<1x128xi32, #tpu.memory_space<vmem>>
    %dma_start3A_827 = tpu.memref_squeeze %dma_start3A_826 : memref<1x128xi32, #tpu.memory_space<vmem>> -> memref<128xi32, #tpu.memory_space<vmem>>
    %dma_start3A_828 = arith.constant 0 : i32
    %dma_start3A_829 = tpu.memref_slice %arg2[%dma_start3A_828] : memref<1000000xf32, #tpu.memory_space<hbm>> -> memref<1000000xf32, #tpu.memory_space<hbm>>
    tpu.enqueue_indirect_dma source(%dma_start3A_829 : memref<1000000xf32, #tpu.memory_space<hbm>>) target(%dma_start3A_824 : memref<128xf32, #tpu.memory_space<vmem>>) offsets(%dma_start3A_827 : memref<128xi32, #tpu.memory_space<vmem>>) semaphore(%arg15 : memref<!tpu.dma_semaphore, #tpu.memory_space<semaphore_mem>>)
    %dma_start3A_830 = arith.constant 4 : i32
    %dma_start3A_831 = arith.constant 4 : i32
    %dma_start3A_832 = arith.constant 384 : i32
    %dma_start3A_833 = tpu.memref_slice %arg8[%dma_start3A_831, %dma_start3A_832] : memref<26x512xf32, #tpu.memory_space<vmem>> -> memref<1x128xf32, #tpu.memory_space<vmem>>
    %dma_start3A_834 = tpu.memref_squeeze %dma_start3A_833 : memref<1x128xf32, #tpu.memory_space<vmem>> -> memref<128xf32, #tpu.memory_space<vmem>>
    %dma_start3A_835 = arith.constant 384 : i32
    %dma_start3A_836 = tpu.memref_slice %arg7[%dma_start3A_830, %dma_start3A_835] : memref<26x512xi32, #tpu.memory_space<vmem>> -> memref<1x128xi32, #tpu.memory_space<vmem>>
    %dma_start3A_837 = tpu.memref_squeeze %dma_start3A_836 : memref<1x128xi32, #tpu.memory_space<vmem>> -> memref<128xi32, #tpu.memory_space<vmem>>
    %dma_start3A_838 = arith.constant 0 : i32
    %dma_start3A_839 = tpu.memref_slice %arg2[%dma_start3A_838] : memref<1000000xf32, #tpu.memory_space<hbm>> -> memref<1000000xf32, #tpu.memory_space<hbm>>
    tpu.enqueue_indirect_dma source(%dma_start3A_839 : memref<1000000xf32, #tpu.memory_space<hbm>>) target(%dma_start3A_834 : memref<128xf32, #tpu.memory_space<vmem>>) offsets(%dma_start3A_837 : memref<128xi32, #tpu.memory_space<vmem>>) semaphore(%arg15 : memref<!tpu.dma_semaphore, #tpu.memory_space<semaphore_mem>>)
    %dma_start3A_840 = arith.constant 5 : i32
    %dma_start3A_841 = arith.constant 5 : i32
    %dma_start3A_842 = arith.constant 384 : i32
    %dma_start3A_843 = tpu.memref_slice %arg8[%dma_start3A_841, %dma_start3A_842] : memref<26x512xf32, #tpu.memory_space<vmem>> -> memref<1x128xf32, #tpu.memory_space<vmem>>
    %dma_start3A_844 = tpu.memref_squeeze %dma_start3A_843 : memref<1x128xf32, #tpu.memory_space<vmem>> -> memref<128xf32, #tpu.memory_space<vmem>>
    %dma_start3A_845 = arith.constant 384 : i32
    %dma_start3A_846 = tpu.memref_slice %arg7[%dma_start3A_840, %dma_start3A_845] : memref<26x512xi32, #tpu.memory_space<vmem>> -> memref<1x128xi32, #tpu.memory_space<vmem>>
    %dma_start3A_847 = tpu.memref_squeeze %dma_start3A_846 : memref<1x128xi32, #tpu.memory_space<vmem>> -> memref<128xi32, #tpu.memory_space<vmem>>
    %dma_start3A_848 = arith.constant 0 : i32
    %dma_start3A_849 = tpu.memref_slice %arg2[%dma_start3A_848] : memref<1000000xf32, #tpu.memory_space<hbm>> -> memref<1000000xf32, #tpu.memory_space<hbm>>
    tpu.enqueue_indirect_dma source(%dma_start3A_849 : memref<1000000xf32, #tpu.memory_space<hbm>>) target(%dma_start3A_844 : memref<128xf32, #tpu.memory_space<vmem>>) offsets(%dma_start3A_847 : memref<128xi32, #tpu.memory_space<vmem>>) semaphore(%arg15 : memref<!tpu.dma_semaphore, #tpu.memory_space<semaphore_mem>>)
    %dma_start3A_850 = arith.constant 6 : i32
    %dma_start3A_851 = arith.constant 6 : i32
    %dma_start3A_852 = arith.constant 384 : i32
    %dma_start3A_853 = tpu.memref_slice %arg8[%dma_start3A_851, %dma_start3A_852] : memref<26x512xf32, #tpu.memory_space<vmem>> -> memref<1x128xf32, #tpu.memory_space<vmem>>
    %dma_start3A_854 = tpu.memref_squeeze %dma_start3A_853 : memref<1x128xf32, #tpu.memory_space<vmem>> -> memref<128xf32, #tpu.memory_space<vmem>>
    %dma_start3A_855 = arith.constant 384 : i32
    %dma_start3A_856 = tpu.memref_slice %arg7[%dma_start3A_850, %dma_start3A_855] : memref<26x512xi32, #tpu.memory_space<vmem>> -> memref<1x128xi32, #tpu.memory_space<vmem>>
    %dma_start3A_857 = tpu.memref_squeeze %dma_start3A_856 : memref<1x128xi32, #tpu.memory_space<vmem>> -> memref<128xi32, #tpu.memory_space<vmem>>
    %dma_start3A_858 = arith.constant 0 : i32
    %dma_start3A_859 = tpu.memref_slice %arg2[%dma_start3A_858] : memref<1000000xf32, #tpu.memory_space<hbm>> -> memref<1000000xf32, #tpu.memory_space<hbm>>
    tpu.enqueue_indirect_dma source(%dma_start3A_859 : memref<1000000xf32, #tpu.memory_space<hbm>>) target(%dma_start3A_854 : memref<128xf32, #tpu.memory_space<vmem>>) offsets(%dma_start3A_857 : memref<128xi32, #tpu.memory_space<vmem>>) semaphore(%arg15 : memref<!tpu.dma_semaphore, #tpu.memory_space<semaphore_mem>>)
    %dma_start3A_860 = arith.constant 7 : i32
    %dma_start3A_861 = arith.constant 7 : i32
    %dma_start3A_862 = arith.constant 384 : i32
    %dma_start3A_863 = tpu.memref_slice %arg8[%dma_start3A_861, %dma_start3A_862] : memref<26x512xf32, #tpu.memory_space<vmem>> -> memref<1x128xf32, #tpu.memory_space<vmem>>
    %dma_start3A_864 = tpu.memref_squeeze %dma_start3A_863 : memref<1x128xf32, #tpu.memory_space<vmem>> -> memref<128xf32, #tpu.memory_space<vmem>>
    %dma_start3A_865 = arith.constant 384 : i32
    %dma_start3A_866 = tpu.memref_slice %arg7[%dma_start3A_860, %dma_start3A_865] : memref<26x512xi32, #tpu.memory_space<vmem>> -> memref<1x128xi32, #tpu.memory_space<vmem>>
    %dma_start3A_867 = tpu.memref_squeeze %dma_start3A_866 : memref<1x128xi32, #tpu.memory_space<vmem>> -> memref<128xi32, #tpu.memory_space<vmem>>
    %dma_start3A_868 = arith.constant 0 : i32
    %dma_start3A_869 = tpu.memref_slice %arg2[%dma_start3A_868] : memref<1000000xf32, #tpu.memory_space<hbm>> -> memref<1000000xf32, #tpu.memory_space<hbm>>
    tpu.enqueue_indirect_dma source(%dma_start3A_869 : memref<1000000xf32, #tpu.memory_space<hbm>>) target(%dma_start3A_864 : memref<128xf32, #tpu.memory_space<vmem>>) offsets(%dma_start3A_867 : memref<128xi32, #tpu.memory_space<vmem>>) semaphore(%arg15 : memref<!tpu.dma_semaphore, #tpu.memory_space<semaphore_mem>>)
    %dma_start3A_870 = arith.constant 8 : i32
    %dma_start3A_871 = arith.constant 8 : i32
    %dma_start3A_872 = arith.constant 384 : i32
    %dma_start3A_873 = tpu.memref_slice %arg8[%dma_start3A_871, %dma_start3A_872] : memref<26x512xf32, #tpu.memory_space<vmem>> -> memref<1x128xf32, #tpu.memory_space<vmem>>
    %dma_start3A_874 = tpu.memref_squeeze %dma_start3A_873 : memref<1x128xf32, #tpu.memory_space<vmem>> -> memref<128xf32, #tpu.memory_space<vmem>>
    %dma_start3A_875 = arith.constant 384 : i32
    %dma_start3A_876 = tpu.memref_slice %arg7[%dma_start3A_870, %dma_start3A_875] : memref<26x512xi32, #tpu.memory_space<vmem>> -> memref<1x128xi32, #tpu.memory_space<vmem>>
    %dma_start3A_877 = tpu.memref_squeeze %dma_start3A_876 : memref<1x128xi32, #tpu.memory_space<vmem>> -> memref<128xi32, #tpu.memory_space<vmem>>
    %dma_start3A_878 = arith.constant 0 : i32
    %dma_start3A_879 = tpu.memref_slice %arg2[%dma_start3A_878] : memref<1000000xf32, #tpu.memory_space<hbm>> -> memref<1000000xf32, #tpu.memory_space<hbm>>
    tpu.enqueue_indirect_dma source(%dma_start3A_879 : memref<1000000xf32, #tpu.memory_space<hbm>>) target(%dma_start3A_874 : memref<128xf32, #tpu.memory_space<vmem>>) offsets(%dma_start3A_877 : memref<128xi32, #tpu.memory_space<vmem>>) semaphore(%arg15 : memref<!tpu.dma_semaphore, #tpu.memory_space<semaphore_mem>>)
    %dma_start3A_880 = arith.constant 9 : i32
    %dma_start3A_881 = arith.constant 9 : i32
    %dma_start3A_882 = arith.constant 384 : i32
    %dma_start3A_883 = tpu.memref_slice %arg8[%dma_start3A_881, %dma_start3A_882] : memref<26x512xf32, #tpu.memory_space<vmem>> -> memref<1x128xf32, #tpu.memory_space<vmem>>
    %dma_start3A_884 = tpu.memref_squeeze %dma_start3A_883 : memref<1x128xf32, #tpu.memory_space<vmem>> -> memref<128xf32, #tpu.memory_space<vmem>>
    %dma_start3A_885 = arith.constant 384 : i32
    %dma_start3A_886 = tpu.memref_slice %arg7[%dma_start3A_880, %dma_start3A_885] : memref<26x512xi32, #tpu.memory_space<vmem>> -> memref<1x128xi32, #tpu.memory_space<vmem>>
    %dma_start3A_887 = tpu.memref_squeeze %dma_start3A_886 : memref<1x128xi32, #tpu.memory_space<vmem>> -> memref<128xi32, #tpu.memory_space<vmem>>
    %dma_start3A_888 = arith.constant 0 : i32
    %dma_start3A_889 = tpu.memref_slice %arg2[%dma_start3A_888] : memref<1000000xf32, #tpu.memory_space<hbm>> -> memref<1000000xf32, #tpu.memory_space<hbm>>
    tpu.enqueue_indirect_dma source(%dma_start3A_889 : memref<1000000xf32, #tpu.memory_space<hbm>>) target(%dma_start3A_884 : memref<128xf32, #tpu.memory_space<vmem>>) offsets(%dma_start3A_887 : memref<128xi32, #tpu.memory_space<vmem>>) semaphore(%arg15 : memref<!tpu.dma_semaphore, #tpu.memory_space<semaphore_mem>>)
    %dma_start3A_890 = arith.constant 10 : i32
    %dma_start3A_891 = arith.constant 10 : i32
    %dma_start3A_892 = arith.constant 384 : i32
    %dma_start3A_893 = tpu.memref_slice %arg8[%dma_start3A_891, %dma_start3A_892] : memref<26x512xf32, #tpu.memory_space<vmem>> -> memref<1x128xf32, #tpu.memory_space<vmem>>
    %dma_start3A_894 = tpu.memref_squeeze %dma_start3A_893 : memref<1x128xf32, #tpu.memory_space<vmem>> -> memref<128xf32, #tpu.memory_space<vmem>>
    %dma_start3A_895 = arith.constant 384 : i32
    %dma_start3A_896 = tpu.memref_slice %arg7[%dma_start3A_890, %dma_start3A_895] : memref<26x512xi32, #tpu.memory_space<vmem>> -> memref<1x128xi32, #tpu.memory_space<vmem>>
    %dma_start3A_897 = tpu.memref_squeeze %dma_start3A_896 : memref<1x128xi32, #tpu.memory_space<vmem>> -> memref<128xi32, #tpu.memory_space<vmem>>
    %dma_start3A_898 = arith.constant 0 : i32
    %dma_start3A_899 = tpu.memref_slice %arg2[%dma_start3A_898] : memref<1000000xf32, #tpu.memory_space<hbm>> -> memref<1000000xf32, #tpu.memory_space<hbm>>
    tpu.enqueue_indirect_dma source(%dma_start3A_899 : memref<1000000xf32, #tpu.memory_space<hbm>>) target(%dma_start3A_894 : memref<128xf32, #tpu.memory_space<vmem>>) offsets(%dma_start3A_897 : memref<128xi32, #tpu.memory_space<vmem>>) semaphore(%arg15 : memref<!tpu.dma_semaphore, #tpu.memory_space<semaphore_mem>>)
    %dma_start3A_900 = arith.constant 11 : i32
    %dma_start3A_901 = arith.constant 11 : i32
    %dma_start3A_902 = arith.constant 384 : i32
    %dma_start3A_903 = tpu.memref_slice %arg8[%dma_start3A_901, %dma_start3A_902] : memref<26x512xf32, #tpu.memory_space<vmem>> -> memref<1x128xf32, #tpu.memory_space<vmem>>
    %dma_start3A_904 = tpu.memref_squeeze %dma_start3A_903 : memref<1x128xf32, #tpu.memory_space<vmem>> -> memref<128xf32, #tpu.memory_space<vmem>>
    %dma_start3A_905 = arith.constant 384 : i32
    %dma_start3A_906 = tpu.memref_slice %arg7[%dma_start3A_900, %dma_start3A_905] : memref<26x512xi32, #tpu.memory_space<vmem>> -> memref<1x128xi32, #tpu.memory_space<vmem>>
    %dma_start3A_907 = tpu.memref_squeeze %dma_start3A_906 : memref<1x128xi32, #tpu.memory_space<vmem>> -> memref<128xi32, #tpu.memory_space<vmem>>
    %dma_start3A_908 = arith.constant 0 : i32
    %dma_start3A_909 = tpu.memref_slice %arg2[%dma_start3A_908] : memref<1000000xf32, #tpu.memory_space<hbm>> -> memref<1000000xf32, #tpu.memory_space<hbm>>
    tpu.enqueue_indirect_dma source(%dma_start3A_909 : memref<1000000xf32, #tpu.memory_space<hbm>>) target(%dma_start3A_904 : memref<128xf32, #tpu.memory_space<vmem>>) offsets(%dma_start3A_907 : memref<128xi32, #tpu.memory_space<vmem>>) semaphore(%arg15 : memref<!tpu.dma_semaphore, #tpu.memory_space<semaphore_mem>>)
    %dma_start3A_910 = arith.constant 12 : i32
    %dma_start3A_911 = arith.constant 12 : i32
    %dma_start3A_912 = arith.constant 384 : i32
    %dma_start3A_913 = tpu.memref_slice %arg8[%dma_start3A_911, %dma_start3A_912] : memref<26x512xf32, #tpu.memory_space<vmem>> -> memref<1x128xf32, #tpu.memory_space<vmem>>
    %dma_start3A_914 = tpu.memref_squeeze %dma_start3A_913 : memref<1x128xf32, #tpu.memory_space<vmem>> -> memref<128xf32, #tpu.memory_space<vmem>>
    %dma_start3A_915 = arith.constant 384 : i32
    %dma_start3A_916 = tpu.memref_slice %arg7[%dma_start3A_910, %dma_start3A_915] : memref<26x512xi32, #tpu.memory_space<vmem>> -> memref<1x128xi32, #tpu.memory_space<vmem>>
    %dma_start3A_917 = tpu.memref_squeeze %dma_start3A_916 : memref<1x128xi32, #tpu.memory_space<vmem>> -> memref<128xi32, #tpu.memory_space<vmem>>
    %dma_start3A_918 = arith.constant 0 : i32
    %dma_start3A_919 = tpu.memref_slice %arg2[%dma_start3A_918] : memref<1000000xf32, #tpu.memory_space<hbm>> -> memref<1000000xf32, #tpu.memory_space<hbm>>
    tpu.enqueue_indirect_dma source(%dma_start3A_919 : memref<1000000xf32, #tpu.memory_space<hbm>>) target(%dma_start3A_914 : memref<128xf32, #tpu.memory_space<vmem>>) offsets(%dma_start3A_917 : memref<128xi32, #tpu.memory_space<vmem>>) semaphore(%arg15 : memref<!tpu.dma_semaphore, #tpu.memory_space<semaphore_mem>>)
    %dma_start3A_920 = arith.constant 13 : i32
    %dma_start3A_921 = arith.constant 13 : i32
    %dma_start3A_922 = arith.constant 384 : i32
    %dma_start3A_923 = tpu.memref_slice %arg8[%dma_start3A_921, %dma_start3A_922] : memref<26x512xf32, #tpu.memory_space<vmem>> -> memref<1x128xf32, #tpu.memory_space<vmem>>
    %dma_start3A_924 = tpu.memref_squeeze %dma_start3A_923 : memref<1x128xf32, #tpu.memory_space<vmem>> -> memref<128xf32, #tpu.memory_space<vmem>>
    %dma_start3A_925 = arith.constant 384 : i32
    %dma_start3A_926 = tpu.memref_slice %arg7[%dma_start3A_920, %dma_start3A_925] : memref<26x512xi32, #tpu.memory_space<vmem>> -> memref<1x128xi32, #tpu.memory_space<vmem>>
    %dma_start3A_927 = tpu.memref_squeeze %dma_start3A_926 : memref<1x128xi32, #tpu.memory_space<vmem>> -> memref<128xi32, #tpu.memory_space<vmem>>
    %dma_start3A_928 = arith.constant 0 : i32
    %dma_start3A_929 = tpu.memref_slice %arg2[%dma_start3A_928] : memref<1000000xf32, #tpu.memory_space<hbm>> -> memref<1000000xf32, #tpu.memory_space<hbm>>
    tpu.enqueue_indirect_dma source(%dma_start3A_929 : memref<1000000xf32, #tpu.memory_space<hbm>>) target(%dma_start3A_924 : memref<128xf32, #tpu.memory_space<vmem>>) offsets(%dma_start3A_927 : memref<128xi32, #tpu.memory_space<vmem>>) semaphore(%arg15 : memref<!tpu.dma_semaphore, #tpu.memory_space<semaphore_mem>>)
    %dma_start3A_930 = arith.constant 14 : i32
    %dma_start3A_931 = arith.constant 14 : i32
    %dma_start3A_932 = arith.constant 384 : i32
    %dma_start3A_933 = tpu.memref_slice %arg8[%dma_start3A_931, %dma_start3A_932] : memref<26x512xf32, #tpu.memory_space<vmem>> -> memref<1x128xf32, #tpu.memory_space<vmem>>
    %dma_start3A_934 = tpu.memref_squeeze %dma_start3A_933 : memref<1x128xf32, #tpu.memory_space<vmem>> -> memref<128xf32, #tpu.memory_space<vmem>>
    %dma_start3A_935 = arith.constant 384 : i32
    %dma_start3A_936 = tpu.memref_slice %arg7[%dma_start3A_930, %dma_start3A_935] : memref<26x512xi32, #tpu.memory_space<vmem>> -> memref<1x128xi32, #tpu.memory_space<vmem>>
    %dma_start3A_937 = tpu.memref_squeeze %dma_start3A_936 : memref<1x128xi32, #tpu.memory_space<vmem>> -> memref<128xi32, #tpu.memory_space<vmem>>
    %dma_start3A_938 = arith.constant 0 : i32
    %dma_start3A_939 = tpu.memref_slice %arg2[%dma_start3A_938] : memref<1000000xf32, #tpu.memory_space<hbm>> -> memref<1000000xf32, #tpu.memory_space<hbm>>
    tpu.enqueue_indirect_dma source(%dma_start3A_939 : memref<1000000xf32, #tpu.memory_space<hbm>>) target(%dma_start3A_934 : memref<128xf32, #tpu.memory_space<vmem>>) offsets(%dma_start3A_937 : memref<128xi32, #tpu.memory_space<vmem>>) semaphore(%arg15 : memref<!tpu.dma_semaphore, #tpu.memory_space<semaphore_mem>>)
    %dma_start3A_940 = arith.constant 15 : i32
    %dma_start3A_941 = arith.constant 15 : i32
    %dma_start3A_942 = arith.constant 384 : i32
    %dma_start3A_943 = tpu.memref_slice %arg8[%dma_start3A_941, %dma_start3A_942] : memref<26x512xf32, #tpu.memory_space<vmem>> -> memref<1x128xf32, #tpu.memory_space<vmem>>
    %dma_start3A_944 = tpu.memref_squeeze %dma_start3A_943 : memref<1x128xf32, #tpu.memory_space<vmem>> -> memref<128xf32, #tpu.memory_space<vmem>>
    %dma_start3A_945 = arith.constant 384 : i32
    %dma_start3A_946 = tpu.memref_slice %arg7[%dma_start3A_940, %dma_start3A_945] : memref<26x512xi32, #tpu.memory_space<vmem>> -> memref<1x128xi32, #tpu.memory_space<vmem>>
    %dma_start3A_947 = tpu.memref_squeeze %dma_start3A_946 : memref<1x128xi32, #tpu.memory_space<vmem>> -> memref<128xi32, #tpu.memory_space<vmem>>
    %dma_start3A_948 = arith.constant 0 : i32
    %dma_start3A_949 = tpu.memref_slice %arg2[%dma_start3A_948] : memref<1000000xf32, #tpu.memory_space<hbm>> -> memref<1000000xf32, #tpu.memory_space<hbm>>
    tpu.enqueue_indirect_dma source(%dma_start3A_949 : memref<1000000xf32, #tpu.memory_space<hbm>>) target(%dma_start3A_944 : memref<128xf32, #tpu.memory_space<vmem>>) offsets(%dma_start3A_947 : memref<128xi32, #tpu.memory_space<vmem>>) semaphore(%arg15 : memref<!tpu.dma_semaphore, #tpu.memory_space<semaphore_mem>>)
    %dma_start3A_950 = arith.constant 16 : i32
    %dma_start3A_951 = arith.constant 16 : i32
    %dma_start3A_952 = arith.constant 384 : i32
    %dma_start3A_953 = tpu.memref_slice %arg8[%dma_start3A_951, %dma_start3A_952] : memref<26x512xf32, #tpu.memory_space<vmem>> -> memref<1x128xf32, #tpu.memory_space<vmem>>
    %dma_start3A_954 = tpu.memref_squeeze %dma_start3A_953 : memref<1x128xf32, #tpu.memory_space<vmem>> -> memref<128xf32, #tpu.memory_space<vmem>>
    %dma_start3A_955 = arith.constant 384 : i32
    %dma_start3A_956 = tpu.memref_slice %arg7[%dma_start3A_950, %dma_start3A_955] : memref<26x512xi32, #tpu.memory_space<vmem>> -> memref<1x128xi32, #tpu.memory_space<vmem>>
    %dma_start3A_957 = tpu.memref_squeeze %dma_start3A_956 : memref<1x128xi32, #tpu.memory_space<vmem>> -> memref<128xi32, #tpu.memory_space<vmem>>
    %dma_start3A_958 = arith.constant 0 : i32
    %dma_start3A_959 = tpu.memref_slice %arg2[%dma_start3A_958] : memref<1000000xf32, #tpu.memory_space<hbm>> -> memref<1000000xf32, #tpu.memory_space<hbm>>
    tpu.enqueue_indirect_dma source(%dma_start3A_959 : memref<1000000xf32, #tpu.memory_space<hbm>>) target(%dma_start3A_954 : memref<128xf32, #tpu.memory_space<vmem>>) offsets(%dma_start3A_957 : memref<128xi32, #tpu.memory_space<vmem>>) semaphore(%arg15 : memref<!tpu.dma_semaphore, #tpu.memory_space<semaphore_mem>>)
    %dma_start3A_960 = arith.constant 17 : i32
    %dma_start3A_961 = arith.constant 17 : i32
    %dma_start3A_962 = arith.constant 384 : i32
    %dma_start3A_963 = tpu.memref_slice %arg8[%dma_start3A_961, %dma_start3A_962] : memref<26x512xf32, #tpu.memory_space<vmem>> -> memref<1x128xf32, #tpu.memory_space<vmem>>
    %dma_start3A_964 = tpu.memref_squeeze %dma_start3A_963 : memref<1x128xf32, #tpu.memory_space<vmem>> -> memref<128xf32, #tpu.memory_space<vmem>>
    %dma_start3A_965 = arith.constant 384 : i32
    %dma_start3A_966 = tpu.memref_slice %arg7[%dma_start3A_960, %dma_start3A_965] : memref<26x512xi32, #tpu.memory_space<vmem>> -> memref<1x128xi32, #tpu.memory_space<vmem>>
    %dma_start3A_967 = tpu.memref_squeeze %dma_start3A_966 : memref<1x128xi32, #tpu.memory_space<vmem>> -> memref<128xi32, #tpu.memory_space<vmem>>
    %dma_start3A_968 = arith.constant 0 : i32
    %dma_start3A_969 = tpu.memref_slice %arg2[%dma_start3A_968] : memref<1000000xf32, #tpu.memory_space<hbm>> -> memref<1000000xf32, #tpu.memory_space<hbm>>
    tpu.enqueue_indirect_dma source(%dma_start3A_969 : memref<1000000xf32, #tpu.memory_space<hbm>>) target(%dma_start3A_964 : memref<128xf32, #tpu.memory_space<vmem>>) offsets(%dma_start3A_967 : memref<128xi32, #tpu.memory_space<vmem>>) semaphore(%arg15 : memref<!tpu.dma_semaphore, #tpu.memory_space<semaphore_mem>>)
    %dma_start3A_970 = arith.constant 18 : i32
    %dma_start3A_971 = arith.constant 18 : i32
    %dma_start3A_972 = arith.constant 384 : i32
    %dma_start3A_973 = tpu.memref_slice %arg8[%dma_start3A_971, %dma_start3A_972] : memref<26x512xf32, #tpu.memory_space<vmem>> -> memref<1x128xf32, #tpu.memory_space<vmem>>
    %dma_start3A_974 = tpu.memref_squeeze %dma_start3A_973 : memref<1x128xf32, #tpu.memory_space<vmem>> -> memref<128xf32, #tpu.memory_space<vmem>>
    %dma_start3A_975 = arith.constant 384 : i32
    %dma_start3A_976 = tpu.memref_slice %arg7[%dma_start3A_970, %dma_start3A_975] : memref<26x512xi32, #tpu.memory_space<vmem>> -> memref<1x128xi32, #tpu.memory_space<vmem>>
    %dma_start3A_977 = tpu.memref_squeeze %dma_start3A_976 : memref<1x128xi32, #tpu.memory_space<vmem>> -> memref<128xi32, #tpu.memory_space<vmem>>
    %dma_start3A_978 = arith.constant 0 : i32
    %dma_start3A_979 = tpu.memref_slice %arg2[%dma_start3A_978] : memref<1000000xf32, #tpu.memory_space<hbm>> -> memref<1000000xf32, #tpu.memory_space<hbm>>
    tpu.enqueue_indirect_dma source(%dma_start3A_979 : memref<1000000xf32, #tpu.memory_space<hbm>>) target(%dma_start3A_974 : memref<128xf32, #tpu.memory_space<vmem>>) offsets(%dma_start3A_977 : memref<128xi32, #tpu.memory_space<vmem>>) semaphore(%arg15 : memref<!tpu.dma_semaphore, #tpu.memory_space<semaphore_mem>>)
    %dma_start3A_980 = arith.constant 19 : i32
    %dma_start3A_981 = arith.constant 19 : i32
    %dma_start3A_982 = arith.constant 384 : i32
    %dma_start3A_983 = tpu.memref_slice %arg8[%dma_start3A_981, %dma_start3A_982] : memref<26x512xf32, #tpu.memory_space<vmem>> -> memref<1x128xf32, #tpu.memory_space<vmem>>
    %dma_start3A_984 = tpu.memref_squeeze %dma_start3A_983 : memref<1x128xf32, #tpu.memory_space<vmem>> -> memref<128xf32, #tpu.memory_space<vmem>>
    %dma_start3A_985 = arith.constant 384 : i32
    %dma_start3A_986 = tpu.memref_slice %arg7[%dma_start3A_980, %dma_start3A_985] : memref<26x512xi32, #tpu.memory_space<vmem>> -> memref<1x128xi32, #tpu.memory_space<vmem>>
    %dma_start3A_987 = tpu.memref_squeeze %dma_start3A_986 : memref<1x128xi32, #tpu.memory_space<vmem>> -> memref<128xi32, #tpu.memory_space<vmem>>
    %dma_start3A_988 = arith.constant 0 : i32
    %dma_start3A_989 = tpu.memref_slice %arg2[%dma_start3A_988] : memref<1000000xf32, #tpu.memory_space<hbm>> -> memref<1000000xf32, #tpu.memory_space<hbm>>
    tpu.enqueue_indirect_dma source(%dma_start3A_989 : memref<1000000xf32, #tpu.memory_space<hbm>>) target(%dma_start3A_984 : memref<128xf32, #tpu.memory_space<vmem>>) offsets(%dma_start3A_987 : memref<128xi32, #tpu.memory_space<vmem>>) semaphore(%arg15 : memref<!tpu.dma_semaphore, #tpu.memory_space<semaphore_mem>>)
    %dma_start3A_990 = arith.constant 20 : i32
    %dma_start3A_991 = arith.constant 20 : i32
    %dma_start3A_992 = arith.constant 384 : i32
    %dma_start3A_993 = tpu.memref_slice %arg8[%dma_start3A_991, %dma_start3A_992] : memref<26x512xf32, #tpu.memory_space<vmem>> -> memref<1x128xf32, #tpu.memory_space<vmem>>
    %dma_start3A_994 = tpu.memref_squeeze %dma_start3A_993 : memref<1x128xf32, #tpu.memory_space<vmem>> -> memref<128xf32, #tpu.memory_space<vmem>>
    %dma_start3A_995 = arith.constant 384 : i32
    %dma_start3A_996 = tpu.memref_slice %arg7[%dma_start3A_990, %dma_start3A_995] : memref<26x512xi32, #tpu.memory_space<vmem>> -> memref<1x128xi32, #tpu.memory_space<vmem>>
    %dma_start3A_997 = tpu.memref_squeeze %dma_start3A_996 : memref<1x128xi32, #tpu.memory_space<vmem>> -> memref<128xi32, #tpu.memory_space<vmem>>
    %dma_start3A_998 = arith.constant 0 : i32
    %dma_start3A_999 = tpu.memref_slice %arg2[%dma_start3A_998] : memref<1000000xf32, #tpu.memory_space<hbm>> -> memref<1000000xf32, #tpu.memory_space<hbm>>
    tpu.enqueue_indirect_dma source(%dma_start3A_999 : memref<1000000xf32, #tpu.memory_space<hbm>>) target(%dma_start3A_994 : memref<128xf32, #tpu.memory_space<vmem>>) offsets(%dma_start3A_997 : memref<128xi32, #tpu.memory_space<vmem>>) semaphore(%arg15 : memref<!tpu.dma_semaphore, #tpu.memory_space<semaphore_mem>>)
    %dma_start3A_1000 = arith.constant 21 : i32
    %dma_start3A_1001 = arith.constant 21 : i32
    %dma_start3A_1002 = arith.constant 384 : i32
    %dma_start3A_1003 = tpu.memref_slice %arg8[%dma_start3A_1001, %dma_start3A_1002] : memref<26x512xf32, #tpu.memory_space<vmem>> -> memref<1x128xf32, #tpu.memory_space<vmem>>
    %dma_start3A_1004 = tpu.memref_squeeze %dma_start3A_1003 : memref<1x128xf32, #tpu.memory_space<vmem>> -> memref<128xf32, #tpu.memory_space<vmem>>
    %dma_start3A_1005 = arith.constant 384 : i32
    %dma_start3A_1006 = tpu.memref_slice %arg7[%dma_start3A_1000, %dma_start3A_1005] : memref<26x512xi32, #tpu.memory_space<vmem>> -> memref<1x128xi32, #tpu.memory_space<vmem>>
    %dma_start3A_1007 = tpu.memref_squeeze %dma_start3A_1006 : memref<1x128xi32, #tpu.memory_space<vmem>> -> memref<128xi32, #tpu.memory_space<vmem>>
    %dma_start3A_1008 = arith.constant 0 : i32
    %dma_start3A_1009 = tpu.memref_slice %arg2[%dma_start3A_1008] : memref<1000000xf32, #tpu.memory_space<hbm>> -> memref<1000000xf32, #tpu.memory_space<hbm>>
    tpu.enqueue_indirect_dma source(%dma_start3A_1009 : memref<1000000xf32, #tpu.memory_space<hbm>>) target(%dma_start3A_1004 : memref<128xf32, #tpu.memory_space<vmem>>) offsets(%dma_start3A_1007 : memref<128xi32, #tpu.memory_space<vmem>>) semaphore(%arg15 : memref<!tpu.dma_semaphore, #tpu.memory_space<semaphore_mem>>)
    %dma_start3A_1010 = arith.constant 22 : i32
    %dma_start3A_1011 = arith.constant 22 : i32
    %dma_start3A_1012 = arith.constant 384 : i32
    %dma_start3A_1013 = tpu.memref_slice %arg8[%dma_start3A_1011, %dma_start3A_1012] : memref<26x512xf32, #tpu.memory_space<vmem>> -> memref<1x128xf32, #tpu.memory_space<vmem>>
    %dma_start3A_1014 = tpu.memref_squeeze %dma_start3A_1013 : memref<1x128xf32, #tpu.memory_space<vmem>> -> memref<128xf32, #tpu.memory_space<vmem>>
    %dma_start3A_1015 = arith.constant 384 : i32
    %dma_start3A_1016 = tpu.memref_slice %arg7[%dma_start3A_1010, %dma_start3A_1015] : memref<26x512xi32, #tpu.memory_space<vmem>> -> memref<1x128xi32, #tpu.memory_space<vmem>>
    %dma_start3A_1017 = tpu.memref_squeeze %dma_start3A_1016 : memref<1x128xi32, #tpu.memory_space<vmem>> -> memref<128xi32, #tpu.memory_space<vmem>>
    %dma_start3A_1018 = arith.constant 0 : i32
    %dma_start3A_1019 = tpu.memref_slice %arg2[%dma_start3A_1018] : memref<1000000xf32, #tpu.memory_space<hbm>> -> memref<1000000xf32, #tpu.memory_space<hbm>>
    tpu.enqueue_indirect_dma source(%dma_start3A_1019 : memref<1000000xf32, #tpu.memory_space<hbm>>) target(%dma_start3A_1014 : memref<128xf32, #tpu.memory_space<vmem>>) offsets(%dma_start3A_1017 : memref<128xi32, #tpu.memory_space<vmem>>) semaphore(%arg15 : memref<!tpu.dma_semaphore, #tpu.memory_space<semaphore_mem>>)
    %dma_start3A_1020 = arith.constant 23 : i32
    %dma_start3A_1021 = arith.constant 23 : i32
    %dma_start3A_1022 = arith.constant 384 : i32
    %dma_start3A_1023 = tpu.memref_slice %arg8[%dma_start3A_1021, %dma_start3A_1022] : memref<26x512xf32, #tpu.memory_space<vmem>> -> memref<1x128xf32, #tpu.memory_space<vmem>>
    %dma_start3A_1024 = tpu.memref_squeeze %dma_start3A_1023 : memref<1x128xf32, #tpu.memory_space<vmem>> -> memref<128xf32, #tpu.memory_space<vmem>>
    %dma_start3A_1025 = arith.constant 384 : i32
    %dma_start3A_1026 = tpu.memref_slice %arg7[%dma_start3A_1020, %dma_start3A_1025] : memref<26x512xi32, #tpu.memory_space<vmem>> -> memref<1x128xi32, #tpu.memory_space<vmem>>
    %dma_start3A_1027 = tpu.memref_squeeze %dma_start3A_1026 : memref<1x128xi32, #tpu.memory_space<vmem>> -> memref<128xi32, #tpu.memory_space<vmem>>
    %dma_start3A_1028 = arith.constant 0 : i32
    %dma_start3A_1029 = tpu.memref_slice %arg2[%dma_start3A_1028] : memref<1000000xf32, #tpu.memory_space<hbm>> -> memref<1000000xf32, #tpu.memory_space<hbm>>
    tpu.enqueue_indirect_dma source(%dma_start3A_1029 : memref<1000000xf32, #tpu.memory_space<hbm>>) target(%dma_start3A_1024 : memref<128xf32, #tpu.memory_space<vmem>>) offsets(%dma_start3A_1027 : memref<128xi32, #tpu.memory_space<vmem>>) semaphore(%arg15 : memref<!tpu.dma_semaphore, #tpu.memory_space<semaphore_mem>>)
    %dma_start3A_1030 = arith.constant 24 : i32
    %dma_start3A_1031 = arith.constant 24 : i32
    %dma_start3A_1032 = arith.constant 384 : i32
    %dma_start3A_1033 = tpu.memref_slice %arg8[%dma_start3A_1031, %dma_start3A_1032] : memref<26x512xf32, #tpu.memory_space<vmem>> -> memref<1x128xf32, #tpu.memory_space<vmem>>
    %dma_start3A_1034 = tpu.memref_squeeze %dma_start3A_1033 : memref<1x128xf32, #tpu.memory_space<vmem>> -> memref<128xf32, #tpu.memory_space<vmem>>
    %dma_start3A_1035 = arith.constant 384 : i32
    %dma_start3A_1036 = tpu.memref_slice %arg7[%dma_start3A_1030, %dma_start3A_1035] : memref<26x512xi32, #tpu.memory_space<vmem>> -> memref<1x128xi32, #tpu.memory_space<vmem>>
    %dma_start3A_1037 = tpu.memref_squeeze %dma_start3A_1036 : memref<1x128xi32, #tpu.memory_space<vmem>> -> memref<128xi32, #tpu.memory_space<vmem>>
    %dma_start3A_1038 = arith.constant 0 : i32
    %dma_start3A_1039 = tpu.memref_slice %arg2[%dma_start3A_1038] : memref<1000000xf32, #tpu.memory_space<hbm>> -> memref<1000000xf32, #tpu.memory_space<hbm>>
    tpu.enqueue_indirect_dma source(%dma_start3A_1039 : memref<1000000xf32, #tpu.memory_space<hbm>>) target(%dma_start3A_1034 : memref<128xf32, #tpu.memory_space<vmem>>) offsets(%dma_start3A_1037 : memref<128xi32, #tpu.memory_space<vmem>>) semaphore(%arg15 : memref<!tpu.dma_semaphore, #tpu.memory_space<semaphore_mem>>)
    %dma_start3A_1040 = arith.constant 25 : i32
    %dma_start3A_1041 = arith.constant 25 : i32
    %dma_start3A_1042 = arith.constant 384 : i32
    %dma_start3A_1043 = tpu.memref_slice %arg8[%dma_start3A_1041, %dma_start3A_1042] : memref<26x512xf32, #tpu.memory_space<vmem>> -> memref<1x128xf32, #tpu.memory_space<vmem>>
    %dma_start3A_1044 = tpu.memref_squeeze %dma_start3A_1043 : memref<1x128xf32, #tpu.memory_space<vmem>> -> memref<128xf32, #tpu.memory_space<vmem>>
    %dma_start3A_1045 = arith.constant 384 : i32
    %dma_start3A_1046 = tpu.memref_slice %arg7[%dma_start3A_1040, %dma_start3A_1045] : memref<26x512xi32, #tpu.memory_space<vmem>> -> memref<1x128xi32, #tpu.memory_space<vmem>>
    %dma_start3A_1047 = tpu.memref_squeeze %dma_start3A_1046 : memref<1x128xi32, #tpu.memory_space<vmem>> -> memref<128xi32, #tpu.memory_space<vmem>>
    %dma_start3A_1048 = arith.constant 0 : i32
    %dma_start3A_1049 = tpu.memref_slice %arg2[%dma_start3A_1048] : memref<1000000xf32, #tpu.memory_space<hbm>> -> memref<1000000xf32, #tpu.memory_space<hbm>>
    tpu.enqueue_indirect_dma source(%dma_start3A_1049 : memref<1000000xf32, #tpu.memory_space<hbm>>) target(%dma_start3A_1044 : memref<128xf32, #tpu.memory_space<vmem>>) offsets(%dma_start3A_1047 : memref<128xi32, #tpu.memory_space<vmem>>) semaphore(%arg15 : memref<!tpu.dma_semaphore, #tpu.memory_space<semaphore_mem>>)
    "tpu.region"() ({
      %run_scoped3A = tpu.sem_alloc : memref<!tpu.dma_semaphore, #tpu.memory_space<semaphore_mem>>
      %dma_start3A_2272 = arith.constant 0 : i32
      %dma_start3A_2273 = tpu.memref_slice %arg4[%dma_start3A_2272, %mul3A_2] : memref<13x16384xf32, #tpu.memory_space<hbm>> -> memref<13x512xf32, #tpu.memory_space<hbm>>
      %dma_start3A_2274 = arith.constant 0 : i32
      %dma_start3A_2275 = tpu.memref_slice %arg4[%dma_start3A_2274, %mul3A_2] : memref<13x16384xf32, #tpu.memory_space<hbm>> -> memref<13x512xf32, #tpu.memory_space<hbm>>
      tpu.enqueue_dma source(%dma_start3A_2275 : memref<13x512xf32, #tpu.memory_space<hbm>>) target(%arg9 : memref<13x512xf32, #tpu.memory_space<vmem>>) target_semaphore(%run_scoped3A : memref<!tpu.dma_semaphore, #tpu.memory_space<semaphore_mem>>)
      %dma_wait3A_2276 = arith.constant 0 : i32
      %dma_wait3A_2277 = tpu.memref_slice %arg4[%dma_wait3A_2276, %mul3A_2] : memref<13x16384xf32, #tpu.memory_space<hbm>> -> memref<13x512xf32, #tpu.memory_space<hbm>>
      %dma_wait3A_2278 = arith.constant 0 : i32
      %dma_wait3A_2279 = tpu.memref_slice %arg4[%dma_wait3A_2278, %mul3A_2] : memref<13x16384xf32, #tpu.memory_space<hbm>> -> memref<13x512xf32, #tpu.memory_space<hbm>>
      tpu.wait_dma2 semaphore(%run_scoped3A : memref<!tpu.dma_semaphore, #tpu.memory_space<semaphore_mem>>) src(%dma_wait3A_2279 : memref<13x512xf32, #tpu.memory_space<hbm>>) dst(%arg9 : memref<13x512xf32, #tpu.memory_space<vmem>>)
      tpu.yield
    }) : () -> ()
    "tpu.region"() ({
      %run_scoped3A = tpu.sem_alloc : memref<!tpu.dma_semaphore, #tpu.memory_space<semaphore_mem>>
      tpu.enqueue_dma source(%arg5 : memref<16xf32, #tpu.memory_space<hbm>>) target(%arg10 : memref<16xf32, #tpu.memory_space<vmem>>) target_semaphore(%run_scoped3A : memref<!tpu.dma_semaphore, #tpu.memory_space<semaphore_mem>>)
      tpu.wait_dma2 semaphore(%run_scoped3A : memref<!tpu.dma_semaphore, #tpu.memory_space<semaphore_mem>>) src(%arg5 : memref<16xf32, #tpu.memory_space<hbm>>) dst(%arg10 : memref<16xf32, #tpu.memory_space<vmem>>)
      tpu.yield
    }) : () -> ()
    %get3A = arith.constant 0 : index
    %get3A_1050 = tpu.vector_load %arg10[%get3A] {strides = array<i32>} : memref<16xf32, #tpu.memory_space<vmem>>, vector<16xf32>,
    %broadcast_in_dim3A = arith.constant 0 : i32
    %broadcast_in_dim3A_1051 = vector.broadcast %broadcast_in_dim3A : i32 to vector<16xi32>
    %lt3A = arith.constant 0 : i32
    %lt3A_1052 = vector.broadcast %lt3A : i32 to vector<16xi32>
    %lt3A_1053 = arith.cmpi slt, %broadcast_in_dim3A_1051, %lt3A_1052 : vector<16xi32>
    %add3A_1054 = arith.constant 16 : i32
    %add3A_1055 = vector.broadcast %add3A_1054 : i32 to vector<16xi32>
    %add3A_1056 = arith.addi %broadcast_in_dim3A_1051, %add3A_1055 : vector<16xi32>
    %select_n3A = arith.select %lt3A_1053, %add3A_1056, %broadcast_in_dim3A_1051 : vector<16xi1>, vector<16xi32>
    %reshape3A = vector.shape_cast %select_n3A : vector<16xi32> to vector<16x1xi32>
    %gather3A = vector.shape_cast %reshape3A : vector<16x1xi32> to vector<16xi32>
    %gather3A_1057 = tpu.dynamic_gather %get3A_1050[%gather3A] in [0] : vector<16xf32>, vector<16xi32> -> vector<16xf32>
    %broadcast_in_dim3A_1058 = arith.constant 1 : i32
    %broadcast_in_dim3A_1059 = vector.broadcast %broadcast_in_dim3A_1058 : i32 to vector<16xi32>
    %lt3A_1060 = arith.constant 0 : i32
    %lt3A_1061 = vector.broadcast %lt3A_1060 : i32 to vector<16xi32>
    %lt3A_1062 = arith.cmpi slt, %broadcast_in_dim3A_1059, %lt3A_1061 : vector<16xi32>
    %add3A_1063 = arith.constant 16 : i32
    %add3A_1064 = vector.broadcast %add3A_1063 : i32 to vector<16xi32>
    %add3A_1065 = arith.addi %broadcast_in_dim3A_1059, %add3A_1064 : vector<16xi32>
    %select_n3A_1066 = arith.select %lt3A_1062, %add3A_1065, %broadcast_in_dim3A_1059 : vector<16xi1>, vector<16xi32>
    %reshape3A_1067 = vector.shape_cast %select_n3A_1066 : vector<16xi32> to vector<16x1xi32>
    %gather3A_1068 = vector.shape_cast %reshape3A_1067 : vector<16x1xi32> to vector<16xi32>
    %gather3A_1069 = tpu.dynamic_gather %get3A_1050[%gather3A_1068] in [0] : vector<16xf32>, vector<16xi32> -> vector<16xf32>
    %broadcast_in_dim3A_1070 = arith.constant 2 : i32
    %broadcast_in_dim3A_1071 = vector.broadcast %broadcast_in_dim3A_1070 : i32 to vector<16xi32>
    %lt3A_1072 = arith.constant 0 : i32
    %lt3A_1073 = vector.broadcast %lt3A_1072 : i32 to vector<16xi32>
    %lt3A_1074 = arith.cmpi slt, %broadcast_in_dim3A_1071, %lt3A_1073 : vector<16xi32>
    %add3A_1075 = arith.constant 16 : i32
    %add3A_1076 = vector.broadcast %add3A_1075 : i32 to vector<16xi32>
    %add3A_1077 = arith.addi %broadcast_in_dim3A_1071, %add3A_1076 : vector<16xi32>
    %select_n3A_1078 = arith.select %lt3A_1074, %add3A_1077, %broadcast_in_dim3A_1071 : vector<16xi1>, vector<16xi32>
    %reshape3A_1079 = vector.shape_cast %select_n3A_1078 : vector<16xi32> to vector<16x1xi32>
    %gather3A_1080 = vector.shape_cast %reshape3A_1079 : vector<16x1xi32> to vector<16xi32>
    %gather3A_1081 = tpu.dynamic_gather %get3A_1050[%gather3A_1080] in [0] : vector<16xf32>, vector<16xi32> -> vector<16xf32>
    %broadcast_in_dim3A_1082 = arith.constant 3 : i32
    %broadcast_in_dim3A_1083 = vector.broadcast %broadcast_in_dim3A_1082 : i32 to vector<16xi32>
    %lt3A_1084 = arith.constant 0 : i32
    %lt3A_1085 = vector.broadcast %lt3A_1084 : i32 to vector<16xi32>
    %lt3A_1086 = arith.cmpi slt, %broadcast_in_dim3A_1083, %lt3A_1085 : vector<16xi32>
    %add3A_1087 = arith.constant 16 : i32
    %add3A_1088 = vector.broadcast %add3A_1087 : i32 to vector<16xi32>
    %add3A_1089 = arith.addi %broadcast_in_dim3A_1083, %add3A_1088 : vector<16xi32>
    %select_n3A_1090 = arith.select %lt3A_1086, %add3A_1089, %broadcast_in_dim3A_1083 : vector<16xi1>, vector<16xi32>
    %reshape3A_1091 = vector.shape_cast %select_n3A_1090 : vector<16xi32> to vector<16x1xi32>
    %gather3A_1092 = vector.shape_cast %reshape3A_1091 : vector<16x1xi32> to vector<16xi32>
    %gather3A_1093 = tpu.dynamic_gather %get3A_1050[%gather3A_1092] in [0] : vector<16xf32>, vector<16xi32> -> vector<16xf32>
    %broadcast_in_dim3A_1094 = arith.constant 4 : i32
    %broadcast_in_dim3A_1095 = vector.broadcast %broadcast_in_dim3A_1094 : i32 to vector<16xi32>
    %lt3A_1096 = arith.constant 0 : i32
    %lt3A_1097 = vector.broadcast %lt3A_1096 : i32 to vector<16xi32>
    %lt3A_1098 = arith.cmpi slt, %broadcast_in_dim3A_1095, %lt3A_1097 : vector<16xi32>
    %add3A_1099 = arith.constant 16 : i32
    %add3A_1100 = vector.broadcast %add3A_1099 : i32 to vector<16xi32>
    %add3A_1101 = arith.addi %broadcast_in_dim3A_1095, %add3A_1100 : vector<16xi32>
    %select_n3A_1102 = arith.select %lt3A_1098, %add3A_1101, %broadcast_in_dim3A_1095 : vector<16xi1>, vector<16xi32>
    %reshape3A_1103 = vector.shape_cast %select_n3A_1102 : vector<16xi32> to vector<16x1xi32>
    %gather3A_1104 = vector.shape_cast %reshape3A_1103 : vector<16x1xi32> to vector<16xi32>
    %gather3A_1105 = tpu.dynamic_gather %get3A_1050[%gather3A_1104] in [0] : vector<16xf32>, vector<16xi32> -> vector<16xf32>
    %broadcast_in_dim3A_1106 = arith.constant 5 : i32
    %broadcast_in_dim3A_1107 = vector.broadcast %broadcast_in_dim3A_1106 : i32 to vector<16xi32>
    %lt3A_1108 = arith.constant 0 : i32
    %lt3A_1109 = vector.broadcast %lt3A_1108 : i32 to vector<16xi32>
    %lt3A_1110 = arith.cmpi slt, %broadcast_in_dim3A_1107, %lt3A_1109 : vector<16xi32>
    %add3A_1111 = arith.constant 16 : i32
    %add3A_1112 = vector.broadcast %add3A_1111 : i32 to vector<16xi32>
    %add3A_1113 = arith.addi %broadcast_in_dim3A_1107, %add3A_1112 : vector<16xi32>
    %select_n3A_1114 = arith.select %lt3A_1110, %add3A_1113, %broadcast_in_dim3A_1107 : vector<16xi1>, vector<16xi32>
    %reshape3A_1115 = vector.shape_cast %select_n3A_1114 : vector<16xi32> to vector<16x1xi32>
    %gather3A_1116 = vector.shape_cast %reshape3A_1115 : vector<16x1xi32> to vector<16xi32>
    %gather3A_1117 = tpu.dynamic_gather %get3A_1050[%gather3A_1116] in [0] : vector<16xf32>, vector<16xi32> -> vector<16xf32>
    %broadcast_in_dim3A_1118 = arith.constant 6 : i32
    %broadcast_in_dim3A_1119 = vector.broadcast %broadcast_in_dim3A_1118 : i32 to vector<16xi32>
    %lt3A_1120 = arith.constant 0 : i32
    %lt3A_1121 = vector.broadcast %lt3A_1120 : i32 to vector<16xi32>
    %lt3A_1122 = arith.cmpi slt, %broadcast_in_dim3A_1119, %lt3A_1121 : vector<16xi32>
    %add3A_1123 = arith.constant 16 : i32
    %add3A_1124 = vector.broadcast %add3A_1123 : i32 to vector<16xi32>
    %add3A_1125 = arith.addi %broadcast_in_dim3A_1119, %add3A_1124 : vector<16xi32>
    %select_n3A_1126 = arith.select %lt3A_1122, %add3A_1125, %broadcast_in_dim3A_1119 : vector<16xi1>, vector<16xi32>
    %reshape3A_1127 = vector.shape_cast %select_n3A_1126 : vector<16xi32> to vector<16x1xi32>
    %gather3A_1128 = vector.shape_cast %reshape3A_1127 : vector<16x1xi32> to vector<16xi32>
    %gather3A_1129 = tpu.dynamic_gather %get3A_1050[%gather3A_1128] in [0] : vector<16xf32>, vector<16xi32> -> vector<16xf32>
    %broadcast_in_dim3A_1130 = arith.constant 7 : i32
    %broadcast_in_dim3A_1131 = vector.broadcast %broadcast_in_dim3A_1130 : i32 to vector<16xi32>
    %lt3A_1132 = arith.constant 0 : i32
    %lt3A_1133 = vector.broadcast %lt3A_1132 : i32 to vector<16xi32>
    %lt3A_1134 = arith.cmpi slt, %broadcast_in_dim3A_1131, %lt3A_1133 : vector<16xi32>
    %add3A_1135 = arith.constant 16 : i32
    %add3A_1136 = vector.broadcast %add3A_1135 : i32 to vector<16xi32>
    %add3A_1137 = arith.addi %broadcast_in_dim3A_1131, %add3A_1136 : vector<16xi32>
    %select_n3A_1138 = arith.select %lt3A_1134, %add3A_1137, %broadcast_in_dim3A_1131 : vector<16xi1>, vector<16xi32>
    %reshape3A_1139 = vector.shape_cast %select_n3A_1138 : vector<16xi32> to vector<16x1xi32>
    %gather3A_1140 = vector.shape_cast %reshape3A_1139 : vector<16x1xi32> to vector<16xi32>
    %gather3A_1141 = tpu.dynamic_gather %get3A_1050[%gather3A_1140] in [0] : vector<16xf32>, vector<16xi32> -> vector<16xf32>
    %broadcast_in_dim3A_1142 = arith.constant 8 : i32
    %broadcast_in_dim3A_1143 = vector.broadcast %broadcast_in_dim3A_1142 : i32 to vector<16xi32>
    %lt3A_1144 = arith.constant 0 : i32
    %lt3A_1145 = vector.broadcast %lt3A_1144 : i32 to vector<16xi32>
    %lt3A_1146 = arith.cmpi slt, %broadcast_in_dim3A_1143, %lt3A_1145 : vector<16xi32>
    %add3A_1147 = arith.constant 16 : i32
    %add3A_1148 = vector.broadcast %add3A_1147 : i32 to vector<16xi32>
    %add3A_1149 = arith.addi %broadcast_in_dim3A_1143, %add3A_1148 : vector<16xi32>
    %select_n3A_1150 = arith.select %lt3A_1146, %add3A_1149, %broadcast_in_dim3A_1143 : vector<16xi1>, vector<16xi32>
    %reshape3A_1151 = vector.shape_cast %select_n3A_1150 : vector<16xi32> to vector<16x1xi32>
    %gather3A_1152 = vector.shape_cast %reshape3A_1151 : vector<16x1xi32> to vector<16xi32>
    %gather3A_1153 = tpu.dynamic_gather %get3A_1050[%gather3A_1152] in [0] : vector<16xf32>, vector<16xi32> -> vector<16xf32>
    %broadcast_in_dim3A_1154 = arith.constant 9 : i32
    %broadcast_in_dim3A_1155 = vector.broadcast %broadcast_in_dim3A_1154 : i32 to vector<16xi32>
    %lt3A_1156 = arith.constant 0 : i32
    %lt3A_1157 = vector.broadcast %lt3A_1156 : i32 to vector<16xi32>
    %lt3A_1158 = arith.cmpi slt, %broadcast_in_dim3A_1155, %lt3A_1157 : vector<16xi32>
    %add3A_1159 = arith.constant 16 : i32
    %add3A_1160 = vector.broadcast %add3A_1159 : i32 to vector<16xi32>
    %add3A_1161 = arith.addi %broadcast_in_dim3A_1155, %add3A_1160 : vector<16xi32>
    %select_n3A_1162 = arith.select %lt3A_1158, %add3A_1161, %broadcast_in_dim3A_1155 : vector<16xi1>, vector<16xi32>
    %reshape3A_1163 = vector.shape_cast %select_n3A_1162 : vector<16xi32> to vector<16x1xi32>
    %gather3A_1164 = vector.shape_cast %reshape3A_1163 : vector<16x1xi32> to vector<16xi32>
    %gather3A_1165 = tpu.dynamic_gather %get3A_1050[%gather3A_1164] in [0] : vector<16xf32>, vector<16xi32> -> vector<16xf32>
    %broadcast_in_dim3A_1166 = arith.constant 10 : i32
    %broadcast_in_dim3A_1167 = vector.broadcast %broadcast_in_dim3A_1166 : i32 to vector<16xi32>
    %lt3A_1168 = arith.constant 0 : i32
    %lt3A_1169 = vector.broadcast %lt3A_1168 : i32 to vector<16xi32>
    %lt3A_1170 = arith.cmpi slt, %broadcast_in_dim3A_1167, %lt3A_1169 : vector<16xi32>
    %add3A_1171 = arith.constant 16 : i32
    %add3A_1172 = vector.broadcast %add3A_1171 : i32 to vector<16xi32>
    %add3A_1173 = arith.addi %broadcast_in_dim3A_1167, %add3A_1172 : vector<16xi32>
    %select_n3A_1174 = arith.select %lt3A_1170, %add3A_1173, %broadcast_in_dim3A_1167 : vector<16xi1>, vector<16xi32>
    %reshape3A_1175 = vector.shape_cast %select_n3A_1174 : vector<16xi32> to vector<16x1xi32>
    %gather3A_1176 = vector.shape_cast %reshape3A_1175 : vector<16x1xi32> to vector<16xi32>
    %gather3A_1177 = tpu.dynamic_gather %get3A_1050[%gather3A_1176] in [0] : vector<16xf32>, vector<16xi32> -> vector<16xf32>
    %broadcast_in_dim3A_1178 = arith.constant 11 : i32
    %broadcast_in_dim3A_1179 = vector.broadcast %broadcast_in_dim3A_1178 : i32 to vector<16xi32>
    %lt3A_1180 = arith.constant 0 : i32
    %lt3A_1181 = vector.broadcast %lt3A_1180 : i32 to vector<16xi32>
    %lt3A_1182 = arith.cmpi slt, %broadcast_in_dim3A_1179, %lt3A_1181 : vector<16xi32>
    %add3A_1183 = arith.constant 16 : i32
    %add3A_1184 = vector.broadcast %add3A_1183 : i32 to vector<16xi32>
    %add3A_1185 = arith.addi %broadcast_in_dim3A_1179, %add3A_1184 : vector<16xi32>
    %select_n3A_1186 = arith.select %lt3A_1182, %add3A_1185, %broadcast_in_dim3A_1179 : vector<16xi1>, vector<16xi32>
    %reshape3A_1187 = vector.shape_cast %select_n3A_1186 : vector<16xi32> to vector<16x1xi32>
    %gather3A_1188 = vector.shape_cast %reshape3A_1187 : vector<16x1xi32> to vector<16xi32>
    %gather3A_1189 = tpu.dynamic_gather %get3A_1050[%gather3A_1188] in [0] : vector<16xf32>, vector<16xi32> -> vector<16xf32>
    %broadcast_in_dim3A_1190 = arith.constant 12 : i32
    %broadcast_in_dim3A_1191 = vector.broadcast %broadcast_in_dim3A_1190 : i32 to vector<16xi32>
    %lt3A_1192 = arith.constant 0 : i32
    %lt3A_1193 = vector.broadcast %lt3A_1192 : i32 to vector<16xi32>
    %lt3A_1194 = arith.cmpi slt, %broadcast_in_dim3A_1191, %lt3A_1193 : vector<16xi32>
    %add3A_1195 = arith.constant 16 : i32
    %add3A_1196 = vector.broadcast %add3A_1195 : i32 to vector<16xi32>
    %add3A_1197 = arith.addi %broadcast_in_dim3A_1191, %add3A_1196 : vector<16xi32>
    %select_n3A_1198 = arith.select %lt3A_1194, %add3A_1197, %broadcast_in_dim3A_1191 : vector<16xi1>, vector<16xi32>
    %reshape3A_1199 = vector.shape_cast %select_n3A_1198 : vector<16xi32> to vector<16x1xi32>
    %gather3A_1200 = vector.shape_cast %reshape3A_1199 : vector<16x1xi32> to vector<16xi32>
    %gather3A_1201 = tpu.dynamic_gather %get3A_1050[%gather3A_1200] in [0] : vector<16xf32>, vector<16xi32> -> vector<16xf32>
    %broadcast_in_dim3A_1202 = arith.constant 13 : i32
    %broadcast_in_dim3A_1203 = vector.broadcast %broadcast_in_dim3A_1202 : i32 to vector<16xi32>
    %lt3A_1204 = arith.constant 0 : i32
    %lt3A_1205 = vector.broadcast %lt3A_1204 : i32 to vector<16xi32>
    %lt3A_1206 = arith.cmpi slt, %broadcast_in_dim3A_1203, %lt3A_1205 : vector<16xi32>
    %add3A_1207 = arith.constant 16 : i32
    %add3A_1208 = vector.broadcast %add3A_1207 : i32 to vector<16xi32>
    %add3A_1209 = arith.addi %broadcast_in_dim3A_1203, %add3A_1208 : vector<16xi32>
    %select_n3A_1210 = arith.select %lt3A_1206, %add3A_1209, %broadcast_in_dim3A_1203 : vector<16xi1>, vector<16xi32>
    %reshape3A_1211 = vector.shape_cast %select_n3A_1210 : vector<16xi32> to vector<16x1xi32>
    %gather3A_1212 = vector.shape_cast %reshape3A_1211 : vector<16x1xi32> to vector<16xi32>
    %gather3A_1213 = tpu.dynamic_gather %get3A_1050[%gather3A_1212] in [0] : vector<16xf32>, vector<16xi32> -> vector<16xf32>
    %dma_wait3A = arith.constant 0 : i32
    %dma_wait3A_1214 = arith.constant 0 : i32
    %dma_wait3A_1215 = arith.constant 0 : i32
    %dma_wait3A_1216 = tpu.memref_slice %arg8[%dma_wait3A_1214, %dma_wait3A_1215] : memref<26x512xf32, #tpu.memory_space<vmem>> -> memref<1x128xf32, #tpu.memory_space<vmem>>
    %dma_wait3A_1217 = tpu.memref_squeeze %dma_wait3A_1216 : memref<1x128xf32, #tpu.memory_space<vmem>> -> memref<128xf32, #tpu.memory_space<vmem>>
    %dma_wait3A_1218 = arith.constant 0 : i32
    %dma_wait3A_1219 = tpu.memref_slice %arg7[%dma_wait3A, %dma_wait3A_1218] : memref<26x512xi32, #tpu.memory_space<vmem>> -> memref<1x128xi32, #tpu.memory_space<vmem>>
    %dma_wait3A_1220 = tpu.memref_squeeze %dma_wait3A_1219 : memref<1x128xi32, #tpu.memory_space<vmem>> -> memref<128xi32, #tpu.memory_space<vmem>>
    %dma_wait3A_1221 = arith.constant 0 : i32
    %dma_wait3A_1222 = tpu.memref_slice %arg2[%dma_wait3A_1221] : memref<1000000xf32, #tpu.memory_space<hbm>> -> memref<1000000xf32, #tpu.memory_space<hbm>>
    tpu.wait_indirect_dma semaphore(%arg12 : memref<!tpu.dma_semaphore, #tpu.memory_space<semaphore_mem>>) src(%dma_wait3A_1222 : memref<1000000xf32, #tpu.memory_space<hbm>>) dst(%dma_wait3A_1217 : memref<128xf32, #tpu.memory_space<vmem>>)
    %dma_wait3A_1223 = arith.constant 1 : i32
    %dma_wait3A_1224 = arith.constant 1 : i32
    %dma_wait3A_1225 = arith.constant 0 : i32
    %dma_wait3A_1226 = tpu.memref_slice %arg8[%dma_wait3A_1224, %dma_wait3A_1225] : memref<26x512xf32, #tpu.memory_space<vmem>> -> memref<1x128xf32, #tpu.memory_space<vmem>>
    %dma_wait3A_1227 = tpu.memref_squeeze %dma_wait3A_1226 : memref<1x128xf32, #tpu.memory_space<vmem>> -> memref<128xf32, #tpu.memory_space<vmem>>
    %dma_wait3A_1228 = arith.constant 0 : i32
    %dma_wait3A_1229 = tpu.memref_slice %arg7[%dma_wait3A_1223, %dma_wait3A_1228] : memref<26x512xi32, #tpu.memory_space<vmem>> -> memref<1x128xi32, #tpu.memory_space<vmem>>
    %dma_wait3A_1230 = tpu.memref_squeeze %dma_wait3A_1229 : memref<1x128xi32, #tpu.memory_space<vmem>> -> memref<128xi32, #tpu.memory_space<vmem>>
    %dma_wait3A_1231 = arith.constant 0 : i32
    %dma_wait3A_1232 = tpu.memref_slice %arg2[%dma_wait3A_1231] : memref<1000000xf32, #tpu.memory_space<hbm>> -> memref<1000000xf32, #tpu.memory_space<hbm>>
    tpu.wait_indirect_dma semaphore(%arg12 : memref<!tpu.dma_semaphore, #tpu.memory_space<semaphore_mem>>) src(%dma_wait3A_1232 : memref<1000000xf32, #tpu.memory_space<hbm>>) dst(%dma_wait3A_1227 : memref<128xf32, #tpu.memory_space<vmem>>)
    %dma_wait3A_1233 = arith.constant 2 : i32
    %dma_wait3A_1234 = arith.constant 2 : i32
    %dma_wait3A_1235 = arith.constant 0 : i32
    %dma_wait3A_1236 = tpu.memref_slice %arg8[%dma_wait3A_1234, %dma_wait3A_1235] : memref<26x512xf32, #tpu.memory_space<vmem>> -> memref<1x128xf32, #tpu.memory_space<vmem>>
    %dma_wait3A_1237 = tpu.memref_squeeze %dma_wait3A_1236 : memref<1x128xf32, #tpu.memory_space<vmem>> -> memref<128xf32, #tpu.memory_space<vmem>>
    %dma_wait3A_1238 = arith.constant 0 : i32
    %dma_wait3A_1239 = tpu.memref_slice %arg7[%dma_wait3A_1233, %dma_wait3A_1238] : memref<26x512xi32, #tpu.memory_space<vmem>> -> memref<1x128xi32, #tpu.memory_space<vmem>>
    %dma_wait3A_1240 = tpu.memref_squeeze %dma_wait3A_1239 : memref<1x128xi32, #tpu.memory_space<vmem>> -> memref<128xi32, #tpu.memory_space<vmem>>
    %dma_wait3A_1241 = arith.constant 0 : i32
    %dma_wait3A_1242 = tpu.memref_slice %arg2[%dma_wait3A_1241] : memref<1000000xf32, #tpu.memory_space<hbm>> -> memref<1000000xf32, #tpu.memory_space<hbm>>
    tpu.wait_indirect_dma semaphore(%arg12 : memref<!tpu.dma_semaphore, #tpu.memory_space<semaphore_mem>>) src(%dma_wait3A_1242 : memref<1000000xf32, #tpu.memory_space<hbm>>) dst(%dma_wait3A_1237 : memref<128xf32, #tpu.memory_space<vmem>>)
    %dma_wait3A_1243 = arith.constant 3 : i32
    %dma_wait3A_1244 = arith.constant 3 : i32
    %dma_wait3A_1245 = arith.constant 0 : i32
    %dma_wait3A_1246 = tpu.memref_slice %arg8[%dma_wait3A_1244, %dma_wait3A_1245] : memref<26x512xf32, #tpu.memory_space<vmem>> -> memref<1x128xf32, #tpu.memory_space<vmem>>
    %dma_wait3A_1247 = tpu.memref_squeeze %dma_wait3A_1246 : memref<1x128xf32, #tpu.memory_space<vmem>> -> memref<128xf32, #tpu.memory_space<vmem>>
    %dma_wait3A_1248 = arith.constant 0 : i32
    %dma_wait3A_1249 = tpu.memref_slice %arg7[%dma_wait3A_1243, %dma_wait3A_1248] : memref<26x512xi32, #tpu.memory_space<vmem>> -> memref<1x128xi32, #tpu.memory_space<vmem>>
    %dma_wait3A_1250 = tpu.memref_squeeze %dma_wait3A_1249 : memref<1x128xi32, #tpu.memory_space<vmem>> -> memref<128xi32, #tpu.memory_space<vmem>>
    %dma_wait3A_1251 = arith.constant 0 : i32
    %dma_wait3A_1252 = tpu.memref_slice %arg2[%dma_wait3A_1251] : memref<1000000xf32, #tpu.memory_space<hbm>> -> memref<1000000xf32, #tpu.memory_space<hbm>>
    tpu.wait_indirect_dma semaphore(%arg12 : memref<!tpu.dma_semaphore, #tpu.memory_space<semaphore_mem>>) src(%dma_wait3A_1252 : memref<1000000xf32, #tpu.memory_space<hbm>>) dst(%dma_wait3A_1247 : memref<128xf32, #tpu.memory_space<vmem>>)
    %dma_wait3A_1253 = arith.constant 4 : i32
    %dma_wait3A_1254 = arith.constant 4 : i32
    %dma_wait3A_1255 = arith.constant 0 : i32
    %dma_wait3A_1256 = tpu.memref_slice %arg8[%dma_wait3A_1254, %dma_wait3A_1255] : memref<26x512xf32, #tpu.memory_space<vmem>> -> memref<1x128xf32, #tpu.memory_space<vmem>>
    %dma_wait3A_1257 = tpu.memref_squeeze %dma_wait3A_1256 : memref<1x128xf32, #tpu.memory_space<vmem>> -> memref<128xf32, #tpu.memory_space<vmem>>
    %dma_wait3A_1258 = arith.constant 0 : i32
    %dma_wait3A_1259 = tpu.memref_slice %arg7[%dma_wait3A_1253, %dma_wait3A_1258] : memref<26x512xi32, #tpu.memory_space<vmem>> -> memref<1x128xi32, #tpu.memory_space<vmem>>
    %dma_wait3A_1260 = tpu.memref_squeeze %dma_wait3A_1259 : memref<1x128xi32, #tpu.memory_space<vmem>> -> memref<128xi32, #tpu.memory_space<vmem>>
    %dma_wait3A_1261 = arith.constant 0 : i32
    %dma_wait3A_1262 = tpu.memref_slice %arg2[%dma_wait3A_1261] : memref<1000000xf32, #tpu.memory_space<hbm>> -> memref<1000000xf32, #tpu.memory_space<hbm>>
    tpu.wait_indirect_dma semaphore(%arg12 : memref<!tpu.dma_semaphore, #tpu.memory_space<semaphore_mem>>) src(%dma_wait3A_1262 : memref<1000000xf32, #tpu.memory_space<hbm>>) dst(%dma_wait3A_1257 : memref<128xf32, #tpu.memory_space<vmem>>)
    %dma_wait3A_1263 = arith.constant 5 : i32
    %dma_wait3A_1264 = arith.constant 5 : i32
    %dma_wait3A_1265 = arith.constant 0 : i32
    %dma_wait3A_1266 = tpu.memref_slice %arg8[%dma_wait3A_1264, %dma_wait3A_1265] : memref<26x512xf32, #tpu.memory_space<vmem>> -> memref<1x128xf32, #tpu.memory_space<vmem>>
    %dma_wait3A_1267 = tpu.memref_squeeze %dma_wait3A_1266 : memref<1x128xf32, #tpu.memory_space<vmem>> -> memref<128xf32, #tpu.memory_space<vmem>>
    %dma_wait3A_1268 = arith.constant 0 : i32
    %dma_wait3A_1269 = tpu.memref_slice %arg7[%dma_wait3A_1263, %dma_wait3A_1268] : memref<26x512xi32, #tpu.memory_space<vmem>> -> memref<1x128xi32, #tpu.memory_space<vmem>>
    %dma_wait3A_1270 = tpu.memref_squeeze %dma_wait3A_1269 : memref<1x128xi32, #tpu.memory_space<vmem>> -> memref<128xi32, #tpu.memory_space<vmem>>
    %dma_wait3A_1271 = arith.constant 0 : i32
    %dma_wait3A_1272 = tpu.memref_slice %arg2[%dma_wait3A_1271] : memref<1000000xf32, #tpu.memory_space<hbm>> -> memref<1000000xf32, #tpu.memory_space<hbm>>
    tpu.wait_indirect_dma semaphore(%arg12 : memref<!tpu.dma_semaphore, #tpu.memory_space<semaphore_mem>>) src(%dma_wait3A_1272 : memref<1000000xf32, #tpu.memory_space<hbm>>) dst(%dma_wait3A_1267 : memref<128xf32, #tpu.memory_space<vmem>>)
    %dma_wait3A_1273 = arith.constant 6 : i32
    %dma_wait3A_1274 = arith.constant 6 : i32
    %dma_wait3A_1275 = arith.constant 0 : i32
    %dma_wait3A_1276 = tpu.memref_slice %arg8[%dma_wait3A_1274, %dma_wait3A_1275] : memref<26x512xf32, #tpu.memory_space<vmem>> -> memref<1x128xf32, #tpu.memory_space<vmem>>
    %dma_wait3A_1277 = tpu.memref_squeeze %dma_wait3A_1276 : memref<1x128xf32, #tpu.memory_space<vmem>> -> memref<128xf32, #tpu.memory_space<vmem>>
    %dma_wait3A_1278 = arith.constant 0 : i32
    %dma_wait3A_1279 = tpu.memref_slice %arg7[%dma_wait3A_1273, %dma_wait3A_1278] : memref<26x512xi32, #tpu.memory_space<vmem>> -> memref<1x128xi32, #tpu.memory_space<vmem>>
    %dma_wait3A_1280 = tpu.memref_squeeze %dma_wait3A_1279 : memref<1x128xi32, #tpu.memory_space<vmem>> -> memref<128xi32, #tpu.memory_space<vmem>>
    %dma_wait3A_1281 = arith.constant 0 : i32
    %dma_wait3A_1282 = tpu.memref_slice %arg2[%dma_wait3A_1281] : memref<1000000xf32, #tpu.memory_space<hbm>> -> memref<1000000xf32, #tpu.memory_space<hbm>>
    tpu.wait_indirect_dma semaphore(%arg12 : memref<!tpu.dma_semaphore, #tpu.memory_space<semaphore_mem>>) src(%dma_wait3A_1282 : memref<1000000xf32, #tpu.memory_space<hbm>>) dst(%dma_wait3A_1277 : memref<128xf32, #tpu.memory_space<vmem>>)
    %dma_wait3A_1283 = arith.constant 7 : i32
    %dma_wait3A_1284 = arith.constant 7 : i32
    %dma_wait3A_1285 = arith.constant 0 : i32
    %dma_wait3A_1286 = tpu.memref_slice %arg8[%dma_wait3A_1284, %dma_wait3A_1285] : memref<26x512xf32, #tpu.memory_space<vmem>> -> memref<1x128xf32, #tpu.memory_space<vmem>>
    %dma_wait3A_1287 = tpu.memref_squeeze %dma_wait3A_1286 : memref<1x128xf32, #tpu.memory_space<vmem>> -> memref<128xf32, #tpu.memory_space<vmem>>
    %dma_wait3A_1288 = arith.constant 0 : i32
    %dma_wait3A_1289 = tpu.memref_slice %arg7[%dma_wait3A_1283, %dma_wait3A_1288] : memref<26x512xi32, #tpu.memory_space<vmem>> -> memref<1x128xi32, #tpu.memory_space<vmem>>
    %dma_wait3A_1290 = tpu.memref_squeeze %dma_wait3A_1289 : memref<1x128xi32, #tpu.memory_space<vmem>> -> memref<128xi32, #tpu.memory_space<vmem>>
    %dma_wait3A_1291 = arith.constant 0 : i32
    %dma_wait3A_1292 = tpu.memref_slice %arg2[%dma_wait3A_1291] : memref<1000000xf32, #tpu.memory_space<hbm>> -> memref<1000000xf32, #tpu.memory_space<hbm>>
    tpu.wait_indirect_dma semaphore(%arg12 : memref<!tpu.dma_semaphore, #tpu.memory_space<semaphore_mem>>) src(%dma_wait3A_1292 : memref<1000000xf32, #tpu.memory_space<hbm>>) dst(%dma_wait3A_1287 : memref<128xf32, #tpu.memory_space<vmem>>)
    %dma_wait3A_1293 = arith.constant 8 : i32
    %dma_wait3A_1294 = arith.constant 8 : i32
    %dma_wait3A_1295 = arith.constant 0 : i32
    %dma_wait3A_1296 = tpu.memref_slice %arg8[%dma_wait3A_1294, %dma_wait3A_1295] : memref<26x512xf32, #tpu.memory_space<vmem>> -> memref<1x128xf32, #tpu.memory_space<vmem>>
    %dma_wait3A_1297 = tpu.memref_squeeze %dma_wait3A_1296 : memref<1x128xf32, #tpu.memory_space<vmem>> -> memref<128xf32, #tpu.memory_space<vmem>>
    %dma_wait3A_1298 = arith.constant 0 : i32
    %dma_wait3A_1299 = tpu.memref_slice %arg7[%dma_wait3A_1293, %dma_wait3A_1298] : memref<26x512xi32, #tpu.memory_space<vmem>> -> memref<1x128xi32, #tpu.memory_space<vmem>>
    %dma_wait3A_1300 = tpu.memref_squeeze %dma_wait3A_1299 : memref<1x128xi32, #tpu.memory_space<vmem>> -> memref<128xi32, #tpu.memory_space<vmem>>
    %dma_wait3A_1301 = arith.constant 0 : i32
    %dma_wait3A_1302 = tpu.memref_slice %arg2[%dma_wait3A_1301] : memref<1000000xf32, #tpu.memory_space<hbm>> -> memref<1000000xf32, #tpu.memory_space<hbm>>
    tpu.wait_indirect_dma semaphore(%arg12 : memref<!tpu.dma_semaphore, #tpu.memory_space<semaphore_mem>>) src(%dma_wait3A_1302 : memref<1000000xf32, #tpu.memory_space<hbm>>) dst(%dma_wait3A_1297 : memref<128xf32, #tpu.memory_space<vmem>>)
    %dma_wait3A_1303 = arith.constant 9 : i32
    %dma_wait3A_1304 = arith.constant 9 : i32
    %dma_wait3A_1305 = arith.constant 0 : i32
    %dma_wait3A_1306 = tpu.memref_slice %arg8[%dma_wait3A_1304, %dma_wait3A_1305] : memref<26x512xf32, #tpu.memory_space<vmem>> -> memref<1x128xf32, #tpu.memory_space<vmem>>
    %dma_wait3A_1307 = tpu.memref_squeeze %dma_wait3A_1306 : memref<1x128xf32, #tpu.memory_space<vmem>> -> memref<128xf32, #tpu.memory_space<vmem>>
    %dma_wait3A_1308 = arith.constant 0 : i32
    %dma_wait3A_1309 = tpu.memref_slice %arg7[%dma_wait3A_1303, %dma_wait3A_1308] : memref<26x512xi32, #tpu.memory_space<vmem>> -> memref<1x128xi32, #tpu.memory_space<vmem>>
    %dma_wait3A_1310 = tpu.memref_squeeze %dma_wait3A_1309 : memref<1x128xi32, #tpu.memory_space<vmem>> -> memref<128xi32, #tpu.memory_space<vmem>>
    %dma_wait3A_1311 = arith.constant 0 : i32
    %dma_wait3A_1312 = tpu.memref_slice %arg2[%dma_wait3A_1311] : memref<1000000xf32, #tpu.memory_space<hbm>> -> memref<1000000xf32, #tpu.memory_space<hbm>>
    tpu.wait_indirect_dma semaphore(%arg12 : memref<!tpu.dma_semaphore, #tpu.memory_space<semaphore_mem>>) src(%dma_wait3A_1312 : memref<1000000xf32, #tpu.memory_space<hbm>>) dst(%dma_wait3A_1307 : memref<128xf32, #tpu.memory_space<vmem>>)
    %dma_wait3A_1313 = arith.constant 10 : i32
    %dma_wait3A_1314 = arith.constant 10 : i32
    %dma_wait3A_1315 = arith.constant 0 : i32
    %dma_wait3A_1316 = tpu.memref_slice %arg8[%dma_wait3A_1314, %dma_wait3A_1315] : memref<26x512xf32, #tpu.memory_space<vmem>> -> memref<1x128xf32, #tpu.memory_space<vmem>>
    %dma_wait3A_1317 = tpu.memref_squeeze %dma_wait3A_1316 : memref<1x128xf32, #tpu.memory_space<vmem>> -> memref<128xf32, #tpu.memory_space<vmem>>
    %dma_wait3A_1318 = arith.constant 0 : i32
    %dma_wait3A_1319 = tpu.memref_slice %arg7[%dma_wait3A_1313, %dma_wait3A_1318] : memref<26x512xi32, #tpu.memory_space<vmem>> -> memref<1x128xi32, #tpu.memory_space<vmem>>
    %dma_wait3A_1320 = tpu.memref_squeeze %dma_wait3A_1319 : memref<1x128xi32, #tpu.memory_space<vmem>> -> memref<128xi32, #tpu.memory_space<vmem>>
    %dma_wait3A_1321 = arith.constant 0 : i32
    %dma_wait3A_1322 = tpu.memref_slice %arg2[%dma_wait3A_1321] : memref<1000000xf32, #tpu.memory_space<hbm>> -> memref<1000000xf32, #tpu.memory_space<hbm>>
    tpu.wait_indirect_dma semaphore(%arg12 : memref<!tpu.dma_semaphore, #tpu.memory_space<semaphore_mem>>) src(%dma_wait3A_1322 : memref<1000000xf32, #tpu.memory_space<hbm>>) dst(%dma_wait3A_1317 : memref<128xf32, #tpu.memory_space<vmem>>)
    %dma_wait3A_1323 = arith.constant 11 : i32
    %dma_wait3A_1324 = arith.constant 11 : i32
    %dma_wait3A_1325 = arith.constant 0 : i32
    %dma_wait3A_1326 = tpu.memref_slice %arg8[%dma_wait3A_1324, %dma_wait3A_1325] : memref<26x512xf32, #tpu.memory_space<vmem>> -> memref<1x128xf32, #tpu.memory_space<vmem>>
    %dma_wait3A_1327 = tpu.memref_squeeze %dma_wait3A_1326 : memref<1x128xf32, #tpu.memory_space<vmem>> -> memref<128xf32, #tpu.memory_space<vmem>>
    %dma_wait3A_1328 = arith.constant 0 : i32
    %dma_wait3A_1329 = tpu.memref_slice %arg7[%dma_wait3A_1323, %dma_wait3A_1328] : memref<26x512xi32, #tpu.memory_space<vmem>> -> memref<1x128xi32, #tpu.memory_space<vmem>>
    %dma_wait3A_1330 = tpu.memref_squeeze %dma_wait3A_1329 : memref<1x128xi32, #tpu.memory_space<vmem>> -> memref<128xi32, #tpu.memory_space<vmem>>
    %dma_wait3A_1331 = arith.constant 0 : i32
    %dma_wait3A_1332 = tpu.memref_slice %arg2[%dma_wait3A_1331] : memref<1000000xf32, #tpu.memory_space<hbm>> -> memref<1000000xf32, #tpu.memory_space<hbm>>
    tpu.wait_indirect_dma semaphore(%arg12 : memref<!tpu.dma_semaphore, #tpu.memory_space<semaphore_mem>>) src(%dma_wait3A_1332 : memref<1000000xf32, #tpu.memory_space<hbm>>) dst(%dma_wait3A_1327 : memref<128xf32, #tpu.memory_space<vmem>>)
    %dma_wait3A_1333 = arith.constant 12 : i32
    %dma_wait3A_1334 = arith.constant 12 : i32
    %dma_wait3A_1335 = arith.constant 0 : i32
    %dma_wait3A_1336 = tpu.memref_slice %arg8[%dma_wait3A_1334, %dma_wait3A_1335] : memref<26x512xf32, #tpu.memory_space<vmem>> -> memref<1x128xf32, #tpu.memory_space<vmem>>
    %dma_wait3A_1337 = tpu.memref_squeeze %dma_wait3A_1336 : memref<1x128xf32, #tpu.memory_space<vmem>> -> memref<128xf32, #tpu.memory_space<vmem>>
    %dma_wait3A_1338 = arith.constant 0 : i32
    %dma_wait3A_1339 = tpu.memref_slice %arg7[%dma_wait3A_1333, %dma_wait3A_1338] : memref<26x512xi32, #tpu.memory_space<vmem>> -> memref<1x128xi32, #tpu.memory_space<vmem>>
    %dma_wait3A_1340 = tpu.memref_squeeze %dma_wait3A_1339 : memref<1x128xi32, #tpu.memory_space<vmem>> -> memref<128xi32, #tpu.memory_space<vmem>>
    %dma_wait3A_1341 = arith.constant 0 : i32
    %dma_wait3A_1342 = tpu.memref_slice %arg2[%dma_wait3A_1341] : memref<1000000xf32, #tpu.memory_space<hbm>> -> memref<1000000xf32, #tpu.memory_space<hbm>>
    tpu.wait_indirect_dma semaphore(%arg12 : memref<!tpu.dma_semaphore, #tpu.memory_space<semaphore_mem>>) src(%dma_wait3A_1342 : memref<1000000xf32, #tpu.memory_space<hbm>>) dst(%dma_wait3A_1337 : memref<128xf32, #tpu.memory_space<vmem>>)
    %dma_wait3A_1343 = arith.constant 13 : i32
    %dma_wait3A_1344 = arith.constant 13 : i32
    %dma_wait3A_1345 = arith.constant 0 : i32
    %dma_wait3A_1346 = tpu.memref_slice %arg8[%dma_wait3A_1344, %dma_wait3A_1345] : memref<26x512xf32, #tpu.memory_space<vmem>> -> memref<1x128xf32, #tpu.memory_space<vmem>>
    %dma_wait3A_1347 = tpu.memref_squeeze %dma_wait3A_1346 : memref<1x128xf32, #tpu.memory_space<vmem>> -> memref<128xf32, #tpu.memory_space<vmem>>
    %dma_wait3A_1348 = arith.constant 0 : i32
    %dma_wait3A_1349 = tpu.memref_slice %arg7[%dma_wait3A_1343, %dma_wait3A_1348] : memref<26x512xi32, #tpu.memory_space<vmem>> -> memref<1x128xi32, #tpu.memory_space<vmem>>
    %dma_wait3A_1350 = tpu.memref_squeeze %dma_wait3A_1349 : memref<1x128xi32, #tpu.memory_space<vmem>> -> memref<128xi32, #tpu.memory_space<vmem>>
    %dma_wait3A_1351 = arith.constant 0 : i32
    %dma_wait3A_1352 = tpu.memref_slice %arg2[%dma_wait3A_1351] : memref<1000000xf32, #tpu.memory_space<hbm>> -> memref<1000000xf32, #tpu.memory_space<hbm>>
    tpu.wait_indirect_dma semaphore(%arg12 : memref<!tpu.dma_semaphore, #tpu.memory_space<semaphore_mem>>) src(%dma_wait3A_1352 : memref<1000000xf32, #tpu.memory_space<hbm>>) dst(%dma_wait3A_1347 : memref<128xf32, #tpu.memory_space<vmem>>)
    %dma_wait3A_1353 = arith.constant 14 : i32
    %dma_wait3A_1354 = arith.constant 14 : i32
    %dma_wait3A_1355 = arith.constant 0 : i32
    %dma_wait3A_1356 = tpu.memref_slice %arg8[%dma_wait3A_1354, %dma_wait3A_1355] : memref<26x512xf32, #tpu.memory_space<vmem>> -> memref<1x128xf32, #tpu.memory_space<vmem>>
    %dma_wait3A_1357 = tpu.memref_squeeze %dma_wait3A_1356 : memref<1x128xf32, #tpu.memory_space<vmem>> -> memref<128xf32, #tpu.memory_space<vmem>>
    %dma_wait3A_1358 = arith.constant 0 : i32
    %dma_wait3A_1359 = tpu.memref_slice %arg7[%dma_wait3A_1353, %dma_wait3A_1358] : memref<26x512xi32, #tpu.memory_space<vmem>> -> memref<1x128xi32, #tpu.memory_space<vmem>>
    %dma_wait3A_1360 = tpu.memref_squeeze %dma_wait3A_1359 : memref<1x128xi32, #tpu.memory_space<vmem>> -> memref<128xi32, #tpu.memory_space<vmem>>
    %dma_wait3A_1361 = arith.constant 0 : i32
    %dma_wait3A_1362 = tpu.memref_slice %arg2[%dma_wait3A_1361] : memref<1000000xf32, #tpu.memory_space<hbm>> -> memref<1000000xf32, #tpu.memory_space<hbm>>
    tpu.wait_indirect_dma semaphore(%arg12 : memref<!tpu.dma_semaphore, #tpu.memory_space<semaphore_mem>>) src(%dma_wait3A_1362 : memref<1000000xf32, #tpu.memory_space<hbm>>) dst(%dma_wait3A_1357 : memref<128xf32, #tpu.memory_space<vmem>>)
    %dma_wait3A_1363 = arith.constant 15 : i32
    %dma_wait3A_1364 = arith.constant 15 : i32
    %dma_wait3A_1365 = arith.constant 0 : i32
    %dma_wait3A_1366 = tpu.memref_slice %arg8[%dma_wait3A_1364, %dma_wait3A_1365] : memref<26x512xf32, #tpu.memory_space<vmem>> -> memref<1x128xf32, #tpu.memory_space<vmem>>
    %dma_wait3A_1367 = tpu.memref_squeeze %dma_wait3A_1366 : memref<1x128xf32, #tpu.memory_space<vmem>> -> memref<128xf32, #tpu.memory_space<vmem>>
    %dma_wait3A_1368 = arith.constant 0 : i32
    %dma_wait3A_1369 = tpu.memref_slice %arg7[%dma_wait3A_1363, %dma_wait3A_1368] : memref<26x512xi32, #tpu.memory_space<vmem>> -> memref<1x128xi32, #tpu.memory_space<vmem>>
    %dma_wait3A_1370 = tpu.memref_squeeze %dma_wait3A_1369 : memref<1x128xi32, #tpu.memory_space<vmem>> -> memref<128xi32, #tpu.memory_space<vmem>>
    %dma_wait3A_1371 = arith.constant 0 : i32
    %dma_wait3A_1372 = tpu.memref_slice %arg2[%dma_wait3A_1371] : memref<1000000xf32, #tpu.memory_space<hbm>> -> memref<1000000xf32, #tpu.memory_space<hbm>>
    tpu.wait_indirect_dma semaphore(%arg12 : memref<!tpu.dma_semaphore, #tpu.memory_space<semaphore_mem>>) src(%dma_wait3A_1372 : memref<1000000xf32, #tpu.memory_space<hbm>>) dst(%dma_wait3A_1367 : memref<128xf32, #tpu.memory_space<vmem>>)
    %dma_wait3A_1373 = arith.constant 16 : i32
    %dma_wait3A_1374 = arith.constant 16 : i32
    %dma_wait3A_1375 = arith.constant 0 : i32
    %dma_wait3A_1376 = tpu.memref_slice %arg8[%dma_wait3A_1374, %dma_wait3A_1375] : memref<26x512xf32, #tpu.memory_space<vmem>> -> memref<1x128xf32, #tpu.memory_space<vmem>>
    %dma_wait3A_1377 = tpu.memref_squeeze %dma_wait3A_1376 : memref<1x128xf32, #tpu.memory_space<vmem>> -> memref<128xf32, #tpu.memory_space<vmem>>
    %dma_wait3A_1378 = arith.constant 0 : i32
    %dma_wait3A_1379 = tpu.memref_slice %arg7[%dma_wait3A_1373, %dma_wait3A_1378] : memref<26x512xi32, #tpu.memory_space<vmem>> -> memref<1x128xi32, #tpu.memory_space<vmem>>
    %dma_wait3A_1380 = tpu.memref_squeeze %dma_wait3A_1379 : memref<1x128xi32, #tpu.memory_space<vmem>> -> memref<128xi32, #tpu.memory_space<vmem>>
    %dma_wait3A_1381 = arith.constant 0 : i32
    %dma_wait3A_1382 = tpu.memref_slice %arg2[%dma_wait3A_1381] : memref<1000000xf32, #tpu.memory_space<hbm>> -> memref<1000000xf32, #tpu.memory_space<hbm>>
    tpu.wait_indirect_dma semaphore(%arg12 : memref<!tpu.dma_semaphore, #tpu.memory_space<semaphore_mem>>) src(%dma_wait3A_1382 : memref<1000000xf32, #tpu.memory_space<hbm>>) dst(%dma_wait3A_1377 : memref<128xf32, #tpu.memory_space<vmem>>)
    %dma_wait3A_1383 = arith.constant 17 : i32
    %dma_wait3A_1384 = arith.constant 17 : i32
    %dma_wait3A_1385 = arith.constant 0 : i32
    %dma_wait3A_1386 = tpu.memref_slice %arg8[%dma_wait3A_1384, %dma_wait3A_1385] : memref<26x512xf32, #tpu.memory_space<vmem>> -> memref<1x128xf32, #tpu.memory_space<vmem>>
    %dma_wait3A_1387 = tpu.memref_squeeze %dma_wait3A_1386 : memref<1x128xf32, #tpu.memory_space<vmem>> -> memref<128xf32, #tpu.memory_space<vmem>>
    %dma_wait3A_1388 = arith.constant 0 : i32
    %dma_wait3A_1389 = tpu.memref_slice %arg7[%dma_wait3A_1383, %dma_wait3A_1388] : memref<26x512xi32, #tpu.memory_space<vmem>> -> memref<1x128xi32, #tpu.memory_space<vmem>>
    %dma_wait3A_1390 = tpu.memref_squeeze %dma_wait3A_1389 : memref<1x128xi32, #tpu.memory_space<vmem>> -> memref<128xi32, #tpu.memory_space<vmem>>
    %dma_wait3A_1391 = arith.constant 0 : i32
    %dma_wait3A_1392 = tpu.memref_slice %arg2[%dma_wait3A_1391] : memref<1000000xf32, #tpu.memory_space<hbm>> -> memref<1000000xf32, #tpu.memory_space<hbm>>
    tpu.wait_indirect_dma semaphore(%arg12 : memref<!tpu.dma_semaphore, #tpu.memory_space<semaphore_mem>>) src(%dma_wait3A_1392 : memref<1000000xf32, #tpu.memory_space<hbm>>) dst(%dma_wait3A_1387 : memref<128xf32, #tpu.memory_space<vmem>>)
    %dma_wait3A_1393 = arith.constant 18 : i32
    %dma_wait3A_1394 = arith.constant 18 : i32
    %dma_wait3A_1395 = arith.constant 0 : i32
    %dma_wait3A_1396 = tpu.memref_slice %arg8[%dma_wait3A_1394, %dma_wait3A_1395] : memref<26x512xf32, #tpu.memory_space<vmem>> -> memref<1x128xf32, #tpu.memory_space<vmem>>
    %dma_wait3A_1397 = tpu.memref_squeeze %dma_wait3A_1396 : memref<1x128xf32, #tpu.memory_space<vmem>> -> memref<128xf32, #tpu.memory_space<vmem>>
    %dma_wait3A_1398 = arith.constant 0 : i32
    %dma_wait3A_1399 = tpu.memref_slice %arg7[%dma_wait3A_1393, %dma_wait3A_1398] : memref<26x512xi32, #tpu.memory_space<vmem>> -> memref<1x128xi32, #tpu.memory_space<vmem>>
    %dma_wait3A_1400 = tpu.memref_squeeze %dma_wait3A_1399 : memref<1x128xi32, #tpu.memory_space<vmem>> -> memref<128xi32, #tpu.memory_space<vmem>>
    %dma_wait3A_1401 = arith.constant 0 : i32
    %dma_wait3A_1402 = tpu.memref_slice %arg2[%dma_wait3A_1401] : memref<1000000xf32, #tpu.memory_space<hbm>> -> memref<1000000xf32, #tpu.memory_space<hbm>>
    tpu.wait_indirect_dma semaphore(%arg12 : memref<!tpu.dma_semaphore, #tpu.memory_space<semaphore_mem>>) src(%dma_wait3A_1402 : memref<1000000xf32, #tpu.memory_space<hbm>>) dst(%dma_wait3A_1397 : memref<128xf32, #tpu.memory_space<vmem>>)
    %dma_wait3A_1403 = arith.constant 19 : i32
    %dma_wait3A_1404 = arith.constant 19 : i32
    %dma_wait3A_1405 = arith.constant 0 : i32
    %dma_wait3A_1406 = tpu.memref_slice %arg8[%dma_wait3A_1404, %dma_wait3A_1405] : memref<26x512xf32, #tpu.memory_space<vmem>> -> memref<1x128xf32, #tpu.memory_space<vmem>>
    %dma_wait3A_1407 = tpu.memref_squeeze %dma_wait3A_1406 : memref<1x128xf32, #tpu.memory_space<vmem>> -> memref<128xf32, #tpu.memory_space<vmem>>
    %dma_wait3A_1408 = arith.constant 0 : i32
    %dma_wait3A_1409 = tpu.memref_slice %arg7[%dma_wait3A_1403, %dma_wait3A_1408] : memref<26x512xi32, #tpu.memory_space<vmem>> -> memref<1x128xi32, #tpu.memory_space<vmem>>
    %dma_wait3A_1410 = tpu.memref_squeeze %dma_wait3A_1409 : memref<1x128xi32, #tpu.memory_space<vmem>> -> memref<128xi32, #tpu.memory_space<vmem>>
    %dma_wait3A_1411 = arith.constant 0 : i32
    %dma_wait3A_1412 = tpu.memref_slice %arg2[%dma_wait3A_1411] : memref<1000000xf32, #tpu.memory_space<hbm>> -> memref<1000000xf32, #tpu.memory_space<hbm>>
    tpu.wait_indirect_dma semaphore(%arg12 : memref<!tpu.dma_semaphore, #tpu.memory_space<semaphore_mem>>) src(%dma_wait3A_1412 : memref<1000000xf32, #tpu.memory_space<hbm>>) dst(%dma_wait3A_1407 : memref<128xf32, #tpu.memory_space<vmem>>)
    %dma_wait3A_1413 = arith.constant 20 : i32
    %dma_wait3A_1414 = arith.constant 20 : i32
    %dma_wait3A_1415 = arith.constant 0 : i32
    %dma_wait3A_1416 = tpu.memref_slice %arg8[%dma_wait3A_1414, %dma_wait3A_1415] : memref<26x512xf32, #tpu.memory_space<vmem>> -> memref<1x128xf32, #tpu.memory_space<vmem>>
    %dma_wait3A_1417 = tpu.memref_squeeze %dma_wait3A_1416 : memref<1x128xf32, #tpu.memory_space<vmem>> -> memref<128xf32, #tpu.memory_space<vmem>>
    %dma_wait3A_1418 = arith.constant 0 : i32
    %dma_wait3A_1419 = tpu.memref_slice %arg7[%dma_wait3A_1413, %dma_wait3A_1418] : memref<26x512xi32, #tpu.memory_space<vmem>> -> memref<1x128xi32, #tpu.memory_space<vmem>>
    %dma_wait3A_1420 = tpu.memref_squeeze %dma_wait3A_1419 : memref<1x128xi32, #tpu.memory_space<vmem>> -> memref<128xi32, #tpu.memory_space<vmem>>
    %dma_wait3A_1421 = arith.constant 0 : i32
    %dma_wait3A_1422 = tpu.memref_slice %arg2[%dma_wait3A_1421] : memref<1000000xf32, #tpu.memory_space<hbm>> -> memref<1000000xf32, #tpu.memory_space<hbm>>
    tpu.wait_indirect_dma semaphore(%arg12 : memref<!tpu.dma_semaphore, #tpu.memory_space<semaphore_mem>>) src(%dma_wait3A_1422 : memref<1000000xf32, #tpu.memory_space<hbm>>) dst(%dma_wait3A_1417 : memref<128xf32, #tpu.memory_space<vmem>>)
    %dma_wait3A_1423 = arith.constant 21 : i32
    %dma_wait3A_1424 = arith.constant 21 : i32
    %dma_wait3A_1425 = arith.constant 0 : i32
    %dma_wait3A_1426 = tpu.memref_slice %arg8[%dma_wait3A_1424, %dma_wait3A_1425] : memref<26x512xf32, #tpu.memory_space<vmem>> -> memref<1x128xf32, #tpu.memory_space<vmem>>
    %dma_wait3A_1427 = tpu.memref_squeeze %dma_wait3A_1426 : memref<1x128xf32, #tpu.memory_space<vmem>> -> memref<128xf32, #tpu.memory_space<vmem>>
    %dma_wait3A_1428 = arith.constant 0 : i32
    %dma_wait3A_1429 = tpu.memref_slice %arg7[%dma_wait3A_1423, %dma_wait3A_1428] : memref<26x512xi32, #tpu.memory_space<vmem>> -> memref<1x128xi32, #tpu.memory_space<vmem>>
    %dma_wait3A_1430 = tpu.memref_squeeze %dma_wait3A_1429 : memref<1x128xi32, #tpu.memory_space<vmem>> -> memref<128xi32, #tpu.memory_space<vmem>>
    %dma_wait3A_1431 = arith.constant 0 : i32
    %dma_wait3A_1432 = tpu.memref_slice %arg2[%dma_wait3A_1431] : memref<1000000xf32, #tpu.memory_space<hbm>> -> memref<1000000xf32, #tpu.memory_space<hbm>>
    tpu.wait_indirect_dma semaphore(%arg12 : memref<!tpu.dma_semaphore, #tpu.memory_space<semaphore_mem>>) src(%dma_wait3A_1432 : memref<1000000xf32, #tpu.memory_space<hbm>>) dst(%dma_wait3A_1427 : memref<128xf32, #tpu.memory_space<vmem>>)
    %dma_wait3A_1433 = arith.constant 22 : i32
    %dma_wait3A_1434 = arith.constant 22 : i32
    %dma_wait3A_1435 = arith.constant 0 : i32
    %dma_wait3A_1436 = tpu.memref_slice %arg8[%dma_wait3A_1434, %dma_wait3A_1435] : memref<26x512xf32, #tpu.memory_space<vmem>> -> memref<1x128xf32, #tpu.memory_space<vmem>>
    %dma_wait3A_1437 = tpu.memref_squeeze %dma_wait3A_1436 : memref<1x128xf32, #tpu.memory_space<vmem>> -> memref<128xf32, #tpu.memory_space<vmem>>
    %dma_wait3A_1438 = arith.constant 0 : i32
    %dma_wait3A_1439 = tpu.memref_slice %arg7[%dma_wait3A_1433, %dma_wait3A_1438] : memref<26x512xi32, #tpu.memory_space<vmem>> -> memref<1x128xi32, #tpu.memory_space<vmem>>
    %dma_wait3A_1440 = tpu.memref_squeeze %dma_wait3A_1439 : memref<1x128xi32, #tpu.memory_space<vmem>> -> memref<128xi32, #tpu.memory_space<vmem>>
    %dma_wait3A_1441 = arith.constant 0 : i32
    %dma_wait3A_1442 = tpu.memref_slice %arg2[%dma_wait3A_1441] : memref<1000000xf32, #tpu.memory_space<hbm>> -> memref<1000000xf32, #tpu.memory_space<hbm>>
    tpu.wait_indirect_dma semaphore(%arg12 : memref<!tpu.dma_semaphore, #tpu.memory_space<semaphore_mem>>) src(%dma_wait3A_1442 : memref<1000000xf32, #tpu.memory_space<hbm>>) dst(%dma_wait3A_1437 : memref<128xf32, #tpu.memory_space<vmem>>)
    %dma_wait3A_1443 = arith.constant 23 : i32
    %dma_wait3A_1444 = arith.constant 23 : i32
    %dma_wait3A_1445 = arith.constant 0 : i32
    %dma_wait3A_1446 = tpu.memref_slice %arg8[%dma_wait3A_1444, %dma_wait3A_1445] : memref<26x512xf32, #tpu.memory_space<vmem>> -> memref<1x128xf32, #tpu.memory_space<vmem>>
    %dma_wait3A_1447 = tpu.memref_squeeze %dma_wait3A_1446 : memref<1x128xf32, #tpu.memory_space<vmem>> -> memref<128xf32, #tpu.memory_space<vmem>>
    %dma_wait3A_1448 = arith.constant 0 : i32
    %dma_wait3A_1449 = tpu.memref_slice %arg7[%dma_wait3A_1443, %dma_wait3A_1448] : memref<26x512xi32, #tpu.memory_space<vmem>> -> memref<1x128xi32, #tpu.memory_space<vmem>>
    %dma_wait3A_1450 = tpu.memref_squeeze %dma_wait3A_1449 : memref<1x128xi32, #tpu.memory_space<vmem>> -> memref<128xi32, #tpu.memory_space<vmem>>
    %dma_wait3A_1451 = arith.constant 0 : i32
    %dma_wait3A_1452 = tpu.memref_slice %arg2[%dma_wait3A_1451] : memref<1000000xf32, #tpu.memory_space<hbm>> -> memref<1000000xf32, #tpu.memory_space<hbm>>
    tpu.wait_indirect_dma semaphore(%arg12 : memref<!tpu.dma_semaphore, #tpu.memory_space<semaphore_mem>>) src(%dma_wait3A_1452 : memref<1000000xf32, #tpu.memory_space<hbm>>) dst(%dma_wait3A_1447 : memref<128xf32, #tpu.memory_space<vmem>>)
    %dma_wait3A_1453 = arith.constant 24 : i32
    %dma_wait3A_1454 = arith.constant 24 : i32
    %dma_wait3A_1455 = arith.constant 0 : i32
    %dma_wait3A_1456 = tpu.memref_slice %arg8[%dma_wait3A_1454, %dma_wait3A_1455] : memref<26x512xf32, #tpu.memory_space<vmem>> -> memref<1x128xf32, #tpu.memory_space<vmem>>
    %dma_wait3A_1457 = tpu.memref_squeeze %dma_wait3A_1456 : memref<1x128xf32, #tpu.memory_space<vmem>> -> memref<128xf32, #tpu.memory_space<vmem>>
    %dma_wait3A_1458 = arith.constant 0 : i32
    %dma_wait3A_1459 = tpu.memref_slice %arg7[%dma_wait3A_1453, %dma_wait3A_1458] : memref<26x512xi32, #tpu.memory_space<vmem>> -> memref<1x128xi32, #tpu.memory_space<vmem>>
    %dma_wait3A_1460 = tpu.memref_squeeze %dma_wait3A_1459 : memref<1x128xi32, #tpu.memory_space<vmem>> -> memref<128xi32, #tpu.memory_space<vmem>>
    %dma_wait3A_1461 = arith.constant 0 : i32
    %dma_wait3A_1462 = tpu.memref_slice %arg2[%dma_wait3A_1461] : memref<1000000xf32, #tpu.memory_space<hbm>> -> memref<1000000xf32, #tpu.memory_space<hbm>>
    tpu.wait_indirect_dma semaphore(%arg12 : memref<!tpu.dma_semaphore, #tpu.memory_space<semaphore_mem>>) src(%dma_wait3A_1462 : memref<1000000xf32, #tpu.memory_space<hbm>>) dst(%dma_wait3A_1457 : memref<128xf32, #tpu.memory_space<vmem>>)
    %dma_wait3A_1463 = arith.constant 25 : i32
    %dma_wait3A_1464 = arith.constant 25 : i32
    %dma_wait3A_1465 = arith.constant 0 : i32
    %dma_wait3A_1466 = tpu.memref_slice %arg8[%dma_wait3A_1464, %dma_wait3A_1465] : memref<26x512xf32, #tpu.memory_space<vmem>> -> memref<1x128xf32, #tpu.memory_space<vmem>>
    %dma_wait3A_1467 = tpu.memref_squeeze %dma_wait3A_1466 : memref<1x128xf32, #tpu.memory_space<vmem>> -> memref<128xf32, #tpu.memory_space<vmem>>
    %dma_wait3A_1468 = arith.constant 0 : i32
    %dma_wait3A_1469 = tpu.memref_slice %arg7[%dma_wait3A_1463, %dma_wait3A_1468] : memref<26x512xi32, #tpu.memory_space<vmem>> -> memref<1x128xi32, #tpu.memory_space<vmem>>
    %dma_wait3A_1470 = tpu.memref_squeeze %dma_wait3A_1469 : memref<1x128xi32, #tpu.memory_space<vmem>> -> memref<128xi32, #tpu.memory_space<vmem>>
    %dma_wait3A_1471 = arith.constant 0 : i32
    %dma_wait3A_1472 = tpu.memref_slice %arg2[%dma_wait3A_1471] : memref<1000000xf32, #tpu.memory_space<hbm>> -> memref<1000000xf32, #tpu.memory_space<hbm>>
    tpu.wait_indirect_dma semaphore(%arg12 : memref<!tpu.dma_semaphore, #tpu.memory_space<semaphore_mem>>) src(%dma_wait3A_1472 : memref<1000000xf32, #tpu.memory_space<hbm>>) dst(%dma_wait3A_1467 : memref<128xf32, #tpu.memory_space<vmem>>)
    %scan3A = arith.constant 0 : i32
    %scan3A_1473 = arith.constant 8 : i32
    %scan3A_1474 = arith.addi %scan3A, %scan3A_1473 : i32
    %scan3A_1475 = arith.constant 1 : i32
    scf.for %scan3A_2272 = %scan3A to %scan3A_1474 step %scan3A_1475  : i32 {
      %mul3A_2273 = arith.constant 1 : i32
      %mul3A_2274 = arith.muli %scan3A_2272, %mul3A_2273 : i32
      %add3A_2275 = arith.constant 0 : i32
      %add3A_2276 = arith.addi %add3A_2275, %mul3A_2274 : i32
      %add3A_2277 = arith.constant 0 : i32
      %add3A_2278 = arith.addi %add3A_2277, %add3A_2276 : i32
      %mul3A_2279 = arith.constant 16 : i32
      %mul3A_2280 = arith.muli %add3A_2278, %mul3A_2279 : i32
      %get3A_2281 = arith.constant 0 : i32
      %get3A_2282 = arith.index_cast %get3A_2281 : i32 to index
      %get3A_2283 = arith.index_cast %mul3A_2280 : i32 to index
      %get3A_2284 = tpu.vector_load %arg8[%get3A_2282, %get3A_2283] {strides = array<i32>} : memref<26x512xf32, #tpu.memory_space<vmem>>, vector<16xf32>,
      %add3A_2285 = arith.addf %gather3A_1213, %get3A_2284 : vector<16xf32>
      %mul3A_2286 = arith.constant 16 : i32
      %mul3A_2287 = arith.muli %add3A_2278, %mul3A_2286 : i32
      %get3A_2288 = arith.constant 1 : i32
      %get3A_2289 = arith.index_cast %get3A_2288 : i32 to index
      %get3A_2290 = arith.index_cast %mul3A_2287 : i32 to index
      %get3A_2291 = tpu.vector_load %arg8[%get3A_2289, %get3A_2290] {strides = array<i32>} : memref<26x512xf32, #tpu.memory_space<vmem>>, vector<16xf32>,
      %add3A_2292 = arith.addf %add3A_2285, %get3A_2291 : vector<16xf32>
      %mul3A_2293 = arith.constant 16 : i32
      %mul3A_2294 = arith.muli %add3A_2278, %mul3A_2293 : i32
      %get3A_2295 = arith.constant 2 : i32
      %get3A_2296 = arith.index_cast %get3A_2295 : i32 to index
      %get3A_2297 = arith.index_cast %mul3A_2294 : i32 to index
      %get3A_2298 = tpu.vector_load %arg8[%get3A_2296, %get3A_2297] {strides = array<i32>} : memref<26x512xf32, #tpu.memory_space<vmem>>, vector<16xf32>,
      %add3A_2299 = arith.addf %add3A_2292, %get3A_2298 : vector<16xf32>
      %mul3A_2300 = arith.constant 16 : i32
      %mul3A_2301 = arith.muli %add3A_2278, %mul3A_2300 : i32
      %get3A_2302 = arith.constant 3 : i32
      %get3A_2303 = arith.index_cast %get3A_2302 : i32 to index
      %get3A_2304 = arith.index_cast %mul3A_2301 : i32 to index
      %get3A_2305 = tpu.vector_load %arg8[%get3A_2303, %get3A_2304] {strides = array<i32>} : memref<26x512xf32, #tpu.memory_space<vmem>>, vector<16xf32>,
      %add3A_2306 = arith.addf %add3A_2299, %get3A_2305 : vector<16xf32>
      %mul3A_2307 = arith.constant 16 : i32
      %mul3A_2308 = arith.muli %add3A_2278, %mul3A_2307 : i32
      %get3A_2309 = arith.constant 4 : i32
      %get3A_2310 = arith.index_cast %get3A_2309 : i32 to index
      %get3A_2311 = arith.index_cast %mul3A_2308 : i32 to index
      %get3A_2312 = tpu.vector_load %arg8[%get3A_2310, %get3A_2311] {strides = array<i32>} : memref<26x512xf32, #tpu.memory_space<vmem>>, vector<16xf32>,
      %add3A_2313 = arith.addf %add3A_2306, %get3A_2312 : vector<16xf32>
      %mul3A_2314 = arith.constant 16 : i32
      %mul3A_2315 = arith.muli %add3A_2278, %mul3A_2314 : i32
      %get3A_2316 = arith.constant 5 : i32
      %get3A_2317 = arith.index_cast %get3A_2316 : i32 to index
      %get3A_2318 = arith.index_cast %mul3A_2315 : i32 to index
      %get3A_2319 = tpu.vector_load %arg8[%get3A_2317, %get3A_2318] {strides = array<i32>} : memref<26x512xf32, #tpu.memory_space<vmem>>, vector<16xf32>,
      %add3A_2320 = arith.addf %add3A_2313, %get3A_2319 : vector<16xf32>
      %mul3A_2321 = arith.constant 16 : i32
      %mul3A_2322 = arith.muli %add3A_2278, %mul3A_2321 : i32
      %get3A_2323 = arith.constant 6 : i32
      %get3A_2324 = arith.index_cast %get3A_2323 : i32 to index
      %get3A_2325 = arith.index_cast %mul3A_2322 : i32 to index
      %get3A_2326 = tpu.vector_load %arg8[%get3A_2324, %get3A_2325] {strides = array<i32>} : memref<26x512xf32, #tpu.memory_space<vmem>>, vector<16xf32>,
      %add3A_2327 = arith.addf %add3A_2320, %get3A_2326 : vector<16xf32>
      %mul3A_2328 = arith.constant 16 : i32
      %mul3A_2329 = arith.muli %add3A_2278, %mul3A_2328 : i32
      %get3A_2330 = arith.constant 7 : i32
      %get3A_2331 = arith.index_cast %get3A_2330 : i32 to index
      %get3A_2332 = arith.index_cast %mul3A_2329 : i32 to index
      %get3A_2333 = tpu.vector_load %arg8[%get3A_2331, %get3A_2332] {strides = array<i32>} : memref<26x512xf32, #tpu.memory_space<vmem>>, vector<16xf32>,
      %add3A_2334 = arith.addf %add3A_2327, %get3A_2333 : vector<16xf32>
      %mul3A_2335 = arith.constant 16 : i32
      %mul3A_2336 = arith.muli %add3A_2278, %mul3A_2335 : i32
      %get3A_2337 = arith.constant 8 : i32
      %get3A_2338 = arith.index_cast %get3A_2337 : i32 to index
      %get3A_2339 = arith.index_cast %mul3A_2336 : i32 to index
      %get3A_2340 = tpu.vector_load %arg8[%get3A_2338, %get3A_2339] {strides = array<i32>} : memref<26x512xf32, #tpu.memory_space<vmem>>, vector<16xf32>,
      %add3A_2341 = arith.addf %add3A_2334, %get3A_2340 : vector<16xf32>
      %mul3A_2342 = arith.constant 16 : i32
      %mul3A_2343 = arith.muli %add3A_2278, %mul3A_2342 : i32
      %get3A_2344 = arith.constant 9 : i32
      %get3A_2345 = arith.index_cast %get3A_2344 : i32 to index
      %get3A_2346 = arith.index_cast %mul3A_2343 : i32 to index
      %get3A_2347 = tpu.vector_load %arg8[%get3A_2345, %get3A_2346] {strides = array<i32>} : memref<26x512xf32, #tpu.memory_space<vmem>>, vector<16xf32>,
      %add3A_2348 = arith.addf %add3A_2341, %get3A_2347 : vector<16xf32>
      %mul3A_2349 = arith.constant 16 : i32
      %mul3A_2350 = arith.muli %add3A_2278, %mul3A_2349 : i32
      %get3A_2351 = arith.constant 10 : i32
      %get3A_2352 = arith.index_cast %get3A_2351 : i32 to index
      %get3A_2353 = arith.index_cast %mul3A_2350 : i32 to index
      %get3A_2354 = tpu.vector_load %arg8[%get3A_2352, %get3A_2353] {strides = array<i32>} : memref<26x512xf32, #tpu.memory_space<vmem>>, vector<16xf32>,
      %add3A_2355 = arith.addf %add3A_2348, %get3A_2354 : vector<16xf32>
      %mul3A_2356 = arith.constant 16 : i32
      %mul3A_2357 = arith.muli %add3A_2278, %mul3A_2356 : i32
      %get3A_2358 = arith.constant 11 : i32
      %get3A_2359 = arith.index_cast %get3A_2358 : i32 to index
      %get3A_2360 = arith.index_cast %mul3A_2357 : i32 to index
      %get3A_2361 = tpu.vector_load %arg8[%get3A_2359, %get3A_2360] {strides = array<i32>} : memref<26x512xf32, #tpu.memory_space<vmem>>, vector<16xf32>,
      %add3A_2362 = arith.addf %add3A_2355, %get3A_2361 : vector<16xf32>
      %mul3A_2363 = arith.constant 16 : i32
      %mul3A_2364 = arith.muli %add3A_2278, %mul3A_2363 : i32
      %get3A_2365 = arith.constant 12 : i32
      %get3A_2366 = arith.index_cast %get3A_2365 : i32 to index
      %get3A_2367 = arith.index_cast %mul3A_2364 : i32 to index
      %get3A_2368 = tpu.vector_load %arg8[%get3A_2366, %get3A_2367] {strides = array<i32>} : memref<26x512xf32, #tpu.memory_space<vmem>>, vector<16xf32>,
      %add3A_2369 = arith.addf %add3A_2362, %get3A_2368 : vector<16xf32>
      %mul3A_2370 = arith.constant 16 : i32
      %mul3A_2371 = arith.muli %add3A_2278, %mul3A_2370 : i32
      %get3A_2372 = arith.constant 13 : i32
      %get3A_2373 = arith.index_cast %get3A_2372 : i32 to index
      %get3A_2374 = arith.index_cast %mul3A_2371 : i32 to index
      %get3A_2375 = tpu.vector_load %arg8[%get3A_2373, %get3A_2374] {strides = array<i32>} : memref<26x512xf32, #tpu.memory_space<vmem>>, vector<16xf32>,
      %add3A_2376 = arith.addf %add3A_2369, %get3A_2375 : vector<16xf32>
      %mul3A_2377 = arith.constant 16 : i32
      %mul3A_2378 = arith.muli %add3A_2278, %mul3A_2377 : i32
      %get3A_2379 = arith.constant 14 : i32
      %get3A_2380 = arith.index_cast %get3A_2379 : i32 to index
      %get3A_2381 = arith.index_cast %mul3A_2378 : i32 to index
      %get3A_2382 = tpu.vector_load %arg8[%get3A_2380, %get3A_2381] {strides = array<i32>} : memref<26x512xf32, #tpu.memory_space<vmem>>, vector<16xf32>,
      %add3A_2383 = arith.addf %add3A_2376, %get3A_2382 : vector<16xf32>
      %mul3A_2384 = arith.constant 16 : i32
      %mul3A_2385 = arith.muli %add3A_2278, %mul3A_2384 : i32
      %get3A_2386 = arith.constant 15 : i32
      %get3A_2387 = arith.index_cast %get3A_2386 : i32 to index
      %get3A_2388 = arith.index_cast %mul3A_2385 : i32 to index
      %get3A_2389 = tpu.vector_load %arg8[%get3A_2387, %get3A_2388] {strides = array<i32>} : memref<26x512xf32, #tpu.memory_space<vmem>>, vector<16xf32>,
      %add3A_2390 = arith.addf %add3A_2383, %get3A_2389 : vector<16xf32>
      %mul3A_2391 = arith.constant 16 : i32
      %mul3A_2392 = arith.muli %add3A_2278, %mul3A_2391 : i32
      %get3A_2393 = arith.constant 16 : i32
      %get3A_2394 = arith.index_cast %get3A_2393 : i32 to index
      %get3A_2395 = arith.index_cast %mul3A_2392 : i32 to index
      %get3A_2396 = tpu.vector_load %arg8[%get3A_2394, %get3A_2395] {strides = array<i32>} : memref<26x512xf32, #tpu.memory_space<vmem>>, vector<16xf32>,
      %add3A_2397 = arith.addf %add3A_2390, %get3A_2396 : vector<16xf32>
      %mul3A_2398 = arith.constant 16 : i32
      %mul3A_2399 = arith.muli %add3A_2278, %mul3A_2398 : i32
      %get3A_2400 = arith.constant 17 : i32
      %get3A_2401 = arith.index_cast %get3A_2400 : i32 to index
      %get3A_2402 = arith.index_cast %mul3A_2399 : i32 to index
      %get3A_2403 = tpu.vector_load %arg8[%get3A_2401, %get3A_2402] {strides = array<i32>} : memref<26x512xf32, #tpu.memory_space<vmem>>, vector<16xf32>,
      %add3A_2404 = arith.addf %add3A_2397, %get3A_2403 : vector<16xf32>
      %mul3A_2405 = arith.constant 16 : i32
      %mul3A_2406 = arith.muli %add3A_2278, %mul3A_2405 : i32
      %get3A_2407 = arith.constant 18 : i32
      %get3A_2408 = arith.index_cast %get3A_2407 : i32 to index
      %get3A_2409 = arith.index_cast %mul3A_2406 : i32 to index
      %get3A_2410 = tpu.vector_load %arg8[%get3A_2408, %get3A_2409] {strides = array<i32>} : memref<26x512xf32, #tpu.memory_space<vmem>>, vector<16xf32>,
      %add3A_2411 = arith.addf %add3A_2404, %get3A_2410 : vector<16xf32>
      %mul3A_2412 = arith.constant 16 : i32
      %mul3A_2413 = arith.muli %add3A_2278, %mul3A_2412 : i32
      %get3A_2414 = arith.constant 19 : i32
      %get3A_2415 = arith.index_cast %get3A_2414 : i32 to index
      %get3A_2416 = arith.index_cast %mul3A_2413 : i32 to index
      %get3A_2417 = tpu.vector_load %arg8[%get3A_2415, %get3A_2416] {strides = array<i32>} : memref<26x512xf32, #tpu.memory_space<vmem>>, vector<16xf32>,
      %add3A_2418 = arith.addf %add3A_2411, %get3A_2417 : vector<16xf32>
      %mul3A_2419 = arith.constant 16 : i32
      %mul3A_2420 = arith.muli %add3A_2278, %mul3A_2419 : i32
      %get3A_2421 = arith.constant 20 : i32
      %get3A_2422 = arith.index_cast %get3A_2421 : i32 to index
      %get3A_2423 = arith.index_cast %mul3A_2420 : i32 to index
      %get3A_2424 = tpu.vector_load %arg8[%get3A_2422, %get3A_2423] {strides = array<i32>} : memref<26x512xf32, #tpu.memory_space<vmem>>, vector<16xf32>,
      %add3A_2425 = arith.addf %add3A_2418, %get3A_2424 : vector<16xf32>
      %mul3A_2426 = arith.constant 16 : i32
      %mul3A_2427 = arith.muli %add3A_2278, %mul3A_2426 : i32
      %get3A_2428 = arith.constant 21 : i32
      %get3A_2429 = arith.index_cast %get3A_2428 : i32 to index
      %get3A_2430 = arith.index_cast %mul3A_2427 : i32 to index
      %get3A_2431 = tpu.vector_load %arg8[%get3A_2429, %get3A_2430] {strides = array<i32>} : memref<26x512xf32, #tpu.memory_space<vmem>>, vector<16xf32>,
      %add3A_2432 = arith.addf %add3A_2425, %get3A_2431 : vector<16xf32>
      %mul3A_2433 = arith.constant 16 : i32
      %mul3A_2434 = arith.muli %add3A_2278, %mul3A_2433 : i32
      %get3A_2435 = arith.constant 22 : i32
      %get3A_2436 = arith.index_cast %get3A_2435 : i32 to index
      %get3A_2437 = arith.index_cast %mul3A_2434 : i32 to index
      %get3A_2438 = tpu.vector_load %arg8[%get3A_2436, %get3A_2437] {strides = array<i32>} : memref<26x512xf32, #tpu.memory_space<vmem>>, vector<16xf32>,
      %add3A_2439 = arith.addf %add3A_2432, %get3A_2438 : vector<16xf32>
      %mul3A_2440 = arith.constant 16 : i32
      %mul3A_2441 = arith.muli %add3A_2278, %mul3A_2440 : i32
      %get3A_2442 = arith.constant 23 : i32
      %get3A_2443 = arith.index_cast %get3A_2442 : i32 to index
      %get3A_2444 = arith.index_cast %mul3A_2441 : i32 to index
      %get3A_2445 = tpu.vector_load %arg8[%get3A_2443, %get3A_2444] {strides = array<i32>} : memref<26x512xf32, #tpu.memory_space<vmem>>, vector<16xf32>,
      %add3A_2446 = arith.addf %add3A_2439, %get3A_2445 : vector<16xf32>
      %mul3A_2447 = arith.constant 16 : i32
      %mul3A_2448 = arith.muli %add3A_2278, %mul3A_2447 : i32
      %get3A_2449 = arith.constant 24 : i32
      %get3A_2450 = arith.index_cast %get3A_2449 : i32 to index
      %get3A_2451 = arith.index_cast %mul3A_2448 : i32 to index
      %get3A_2452 = tpu.vector_load %arg8[%get3A_2450, %get3A_2451] {strides = array<i32>} : memref<26x512xf32, #tpu.memory_space<vmem>>, vector<16xf32>,
      %add3A_2453 = arith.addf %add3A_2446, %get3A_2452 : vector<16xf32>
      %mul3A_2454 = arith.constant 16 : i32
      %mul3A_2455 = arith.muli %add3A_2278, %mul3A_2454 : i32
      %get3A_2456 = arith.constant 25 : i32
      %get3A_2457 = arith.index_cast %get3A_2456 : i32 to index
      %get3A_2458 = arith.index_cast %mul3A_2455 : i32 to index
      %get3A_2459 = tpu.vector_load %arg8[%get3A_2457, %get3A_2458] {strides = array<i32>} : memref<26x512xf32, #tpu.memory_space<vmem>>, vector<16xf32>,
      %add3A_2460 = arith.addf %add3A_2453, %get3A_2459 : vector<16xf32>
      %mul3A_2461 = arith.constant 16 : i32
      %mul3A_2462 = arith.muli %add3A_2278, %mul3A_2461 : i32
      %get3A_2463 = arith.constant 0 : i32
      %get3A_2464 = arith.index_cast %get3A_2463 : i32 to index
      %get3A_2465 = arith.index_cast %mul3A_2462 : i32 to index
      %get3A_2466 = tpu.vector_load %arg9[%get3A_2464, %get3A_2465] {strides = array<i32>} : memref<13x512xf32, #tpu.memory_space<vmem>>, vector<16xf32>,
      %mul3A_2467 = arith.mulf %gather3A_1057, %get3A_2466 : vector<16xf32>
      %add3A_2468 = arith.addf %add3A_2460, %mul3A_2467 : vector<16xf32>
      %mul3A_2469 = arith.constant 16 : i32
      %mul3A_2470 = arith.muli %add3A_2278, %mul3A_2469 : i32
      %get3A_2471 = arith.constant 1 : i32
      %get3A_2472 = arith.index_cast %get3A_2471 : i32 to index
      %get3A_2473 = arith.index_cast %mul3A_2470 : i32 to index
      %get3A_2474 = tpu.vector_load %arg9[%get3A_2472, %get3A_2473] {strides = array<i32>} : memref<13x512xf32, #tpu.memory_space<vmem>>, vector<16xf32>,
      %mul3A_2475 = arith.mulf %gather3A_1069, %get3A_2474 : vector<16xf32>
      %add3A_2476 = arith.addf %add3A_2468, %mul3A_2475 : vector<16xf32>
      %mul3A_2477 = arith.constant 16 : i32
      %mul3A_2478 = arith.muli %add3A_2278, %mul3A_2477 : i32
      %get3A_2479 = arith.constant 2 : i32
      %get3A_2480 = arith.index_cast %get3A_2479 : i32 to index
      %get3A_2481 = arith.index_cast %mul3A_2478 : i32 to index
      %get3A_2482 = tpu.vector_load %arg9[%get3A_2480, %get3A_2481] {strides = array<i32>} : memref<13x512xf32, #tpu.memory_space<vmem>>, vector<16xf32>,
      %mul3A_2483 = arith.mulf %gather3A_1081, %get3A_2482 : vector<16xf32>
      %add3A_2484 = arith.addf %add3A_2476, %mul3A_2483 : vector<16xf32>
      %mul3A_2485 = arith.constant 16 : i32
      %mul3A_2486 = arith.muli %add3A_2278, %mul3A_2485 : i32
      %get3A_2487 = arith.constant 3 : i32
      %get3A_2488 = arith.index_cast %get3A_2487 : i32 to index
      %get3A_2489 = arith.index_cast %mul3A_2486 : i32 to index
      %get3A_2490 = tpu.vector_load %arg9[%get3A_2488, %get3A_2489] {strides = array<i32>} : memref<13x512xf32, #tpu.memory_space<vmem>>, vector<16xf32>,
      %mul3A_2491 = arith.mulf %gather3A_1093, %get3A_2490 : vector<16xf32>
      %add3A_2492 = arith.addf %add3A_2484, %mul3A_2491 : vector<16xf32>
      %mul3A_2493 = arith.constant 16 : i32
      %mul3A_2494 = arith.muli %add3A_2278, %mul3A_2493 : i32
      %get3A_2495 = arith.constant 4 : i32
      %get3A_2496 = arith.index_cast %get3A_2495 : i32 to index
      %get3A_2497 = arith.index_cast %mul3A_2494 : i32 to index
      %get3A_2498 = tpu.vector_load %arg9[%get3A_2496, %get3A_2497] {strides = array<i32>} : memref<13x512xf32, #tpu.memory_space<vmem>>, vector<16xf32>,
      %mul3A_2499 = arith.mulf %gather3A_1105, %get3A_2498 : vector<16xf32>
      %add3A_2500 = arith.addf %add3A_2492, %mul3A_2499 : vector<16xf32>
      %mul3A_2501 = arith.constant 16 : i32
      %mul3A_2502 = arith.muli %add3A_2278, %mul3A_2501 : i32
      %get3A_2503 = arith.constant 5 : i32
      %get3A_2504 = arith.index_cast %get3A_2503 : i32 to index
      %get3A_2505 = arith.index_cast %mul3A_2502 : i32 to index
      %get3A_2506 = tpu.vector_load %arg9[%get3A_2504, %get3A_2505] {strides = array<i32>} : memref<13x512xf32, #tpu.memory_space<vmem>>, vector<16xf32>,
      %mul3A_2507 = arith.mulf %gather3A_1117, %get3A_2506 : vector<16xf32>
      %add3A_2508 = arith.addf %add3A_2500, %mul3A_2507 : vector<16xf32>
      %mul3A_2509 = arith.constant 16 : i32
      %mul3A_2510 = arith.muli %add3A_2278, %mul3A_2509 : i32
      %get3A_2511 = arith.constant 6 : i32
      %get3A_2512 = arith.index_cast %get3A_2511 : i32 to index
      %get3A_2513 = arith.index_cast %mul3A_2510 : i32 to index
      %get3A_2514 = tpu.vector_load %arg9[%get3A_2512, %get3A_2513] {strides = array<i32>} : memref<13x512xf32, #tpu.memory_space<vmem>>, vector<16xf32>,
      %mul3A_2515 = arith.mulf %gather3A_1129, %get3A_2514 : vector<16xf32>
      %add3A_2516 = arith.addf %add3A_2508, %mul3A_2515 : vector<16xf32>
      %mul3A_2517 = arith.constant 16 : i32
      %mul3A_2518 = arith.muli %add3A_2278, %mul3A_2517 : i32
      %get3A_2519 = arith.constant 7 : i32
      %get3A_2520 = arith.index_cast %get3A_2519 : i32 to index
      %get3A_2521 = arith.index_cast %mul3A_2518 : i32 to index
      %get3A_2522 = tpu.vector_load %arg9[%get3A_2520, %get3A_2521] {strides = array<i32>} : memref<13x512xf32, #tpu.memory_space<vmem>>, vector<16xf32>,
      %mul3A_2523 = arith.mulf %gather3A_1141, %get3A_2522 : vector<16xf32>
      %add3A_2524 = arith.addf %add3A_2516, %mul3A_2523 : vector<16xf32>
      %mul3A_2525 = arith.constant 16 : i32
      %mul3A_2526 = arith.muli %add3A_2278, %mul3A_2525 : i32
      %get3A_2527 = arith.constant 8 : i32
      %get3A_2528 = arith.index_cast %get3A_2527 : i32 to index
      %get3A_2529 = arith.index_cast %mul3A_2526 : i32 to index
      %get3A_2530 = tpu.vector_load %arg9[%get3A_2528, %get3A_2529] {strides = array<i32>} : memref<13x512xf32, #tpu.memory_space<vmem>>, vector<16xf32>,
      %mul3A_2531 = arith.mulf %gather3A_1153, %get3A_2530 : vector<16xf32>
      %add3A_2532 = arith.addf %add3A_2524, %mul3A_2531 : vector<16xf32>
      %mul3A_2533 = arith.constant 16 : i32
      %mul3A_2534 = arith.muli %add3A_2278, %mul3A_2533 : i32
      %get3A_2535 = arith.constant 9 : i32
      %get3A_2536 = arith.index_cast %get3A_2535 : i32 to index
      %get3A_2537 = arith.index_cast %mul3A_2534 : i32 to index
      %get3A_2538 = tpu.vector_load %arg9[%get3A_2536, %get3A_2537] {strides = array<i32>} : memref<13x512xf32, #tpu.memory_space<vmem>>, vector<16xf32>,
      %mul3A_2539 = arith.mulf %gather3A_1165, %get3A_2538 : vector<16xf32>
      %add3A_2540 = arith.addf %add3A_2532, %mul3A_2539 : vector<16xf32>
      %mul3A_2541 = arith.constant 16 : i32
      %mul3A_2542 = arith.muli %add3A_2278, %mul3A_2541 : i32
      %get3A_2543 = arith.constant 10 : i32
      %get3A_2544 = arith.index_cast %get3A_2543 : i32 to index
      %get3A_2545 = arith.index_cast %mul3A_2542 : i32 to index
      %get3A_2546 = tpu.vector_load %arg9[%get3A_2544, %get3A_2545] {strides = array<i32>} : memref<13x512xf32, #tpu.memory_space<vmem>>, vector<16xf32>,
      %mul3A_2547 = arith.mulf %gather3A_1177, %get3A_2546 : vector<16xf32>
      %add3A_2548 = arith.addf %add3A_2540, %mul3A_2547 : vector<16xf32>
      %mul3A_2549 = arith.constant 16 : i32
      %mul3A_2550 = arith.muli %add3A_2278, %mul3A_2549 : i32
      %get3A_2551 = arith.constant 11 : i32
      %get3A_2552 = arith.index_cast %get3A_2551 : i32 to index
      %get3A_2553 = arith.index_cast %mul3A_2550 : i32 to index
      %get3A_2554 = tpu.vector_load %arg9[%get3A_2552, %get3A_2553] {strides = array<i32>} : memref<13x512xf32, #tpu.memory_space<vmem>>, vector<16xf32>,
      %mul3A_2555 = arith.mulf %gather3A_1189, %get3A_2554 : vector<16xf32>
      %add3A_2556 = arith.addf %add3A_2548, %mul3A_2555 : vector<16xf32>
      %mul3A_2557 = arith.constant 16 : i32
      %mul3A_2558 = arith.muli %add3A_2278, %mul3A_2557 : i32
      %get3A_2559 = arith.constant 12 : i32
      %get3A_2560 = arith.index_cast %get3A_2559 : i32 to index
      %get3A_2561 = arith.index_cast %mul3A_2558 : i32 to index
      %get3A_2562 = tpu.vector_load %arg9[%get3A_2560, %get3A_2561] {strides = array<i32>} : memref<13x512xf32, #tpu.memory_space<vmem>>, vector<16xf32>,
      %mul3A_2563 = arith.mulf %gather3A_1201, %get3A_2562 : vector<16xf32>
      %add3A_2564 = arith.addf %add3A_2556, %mul3A_2563 : vector<16xf32>
      %mul3A_2565 = arith.constant 16 : i32
      %mul3A_2566 = arith.muli %add3A_2278, %mul3A_2565 : i32
      %swap3A = arith.index_cast %mul3A_2566 : i32 to index
      %swap3A_2567 = tpu.vector_load %arg11[%swap3A] {strides = array<i32>} : memref<512xf32, #tpu.memory_space<vmem>>, vector<16xf32>,
      tpu.vector_store %arg11[%swap3A], %add3A_2564 {strides = array<i32>} : memref<512xf32, #tpu.memory_space<vmem>>, vector<16xf32>,
    }
    %scan3A_1476 = arith.constant 8 : i32
    %dma_wait3A_1477 = arith.constant 0 : i32
    %dma_wait3A_1478 = arith.constant 0 : i32
    %dma_wait3A_1479 = arith.constant 128 : i32
    %dma_wait3A_1480 = tpu.memref_slice %arg8[%dma_wait3A_1478, %dma_wait3A_1479] : memref<26x512xf32, #tpu.memory_space<vmem>> -> memref<1x128xf32, #tpu.memory_space<vmem>>
    %dma_wait3A_1481 = tpu.memref_squeeze %dma_wait3A_1480 : memref<1x128xf32, #tpu.memory_space<vmem>> -> memref<128xf32, #tpu.memory_space<vmem>>
    %dma_wait3A_1482 = arith.constant 128 : i32
    %dma_wait3A_1483 = tpu.memref_slice %arg7[%dma_wait3A_1477, %dma_wait3A_1482] : memref<26x512xi32, #tpu.memory_space<vmem>> -> memref<1x128xi32, #tpu.memory_space<vmem>>
    %dma_wait3A_1484 = tpu.memref_squeeze %dma_wait3A_1483 : memref<1x128xi32, #tpu.memory_space<vmem>> -> memref<128xi32, #tpu.memory_space<vmem>>
    %dma_wait3A_1485 = arith.constant 0 : i32
    %dma_wait3A_1486 = tpu.memref_slice %arg2[%dma_wait3A_1485] : memref<1000000xf32, #tpu.memory_space<hbm>> -> memref<1000000xf32, #tpu.memory_space<hbm>>
    tpu.wait_indirect_dma semaphore(%arg13 : memref<!tpu.dma_semaphore, #tpu.memory_space<semaphore_mem>>) src(%dma_wait3A_1486 : memref<1000000xf32, #tpu.memory_space<hbm>>) dst(%dma_wait3A_1481 : memref<128xf32, #tpu.memory_space<vmem>>)
    %dma_wait3A_1487 = arith.constant 1 : i32
    %dma_wait3A_1488 = arith.constant 1 : i32
    %dma_wait3A_1489 = arith.constant 128 : i32
    %dma_wait3A_1490 = tpu.memref_slice %arg8[%dma_wait3A_1488, %dma_wait3A_1489] : memref<26x512xf32, #tpu.memory_space<vmem>> -> memref<1x128xf32, #tpu.memory_space<vmem>>
    %dma_wait3A_1491 = tpu.memref_squeeze %dma_wait3A_1490 : memref<1x128xf32, #tpu.memory_space<vmem>> -> memref<128xf32, #tpu.memory_space<vmem>>
    %dma_wait3A_1492 = arith.constant 128 : i32
    %dma_wait3A_1493 = tpu.memref_slice %arg7[%dma_wait3A_1487, %dma_wait3A_1492] : memref<26x512xi32, #tpu.memory_space<vmem>> -> memref<1x128xi32, #tpu.memory_space<vmem>>
    %dma_wait3A_1494 = tpu.memref_squeeze %dma_wait3A_1493 : memref<1x128xi32, #tpu.memory_space<vmem>> -> memref<128xi32, #tpu.memory_space<vmem>>
    %dma_wait3A_1495 = arith.constant 0 : i32
    %dma_wait3A_1496 = tpu.memref_slice %arg2[%dma_wait3A_1495] : memref<1000000xf32, #tpu.memory_space<hbm>> -> memref<1000000xf32, #tpu.memory_space<hbm>>
    tpu.wait_indirect_dma semaphore(%arg13 : memref<!tpu.dma_semaphore, #tpu.memory_space<semaphore_mem>>) src(%dma_wait3A_1496 : memref<1000000xf32, #tpu.memory_space<hbm>>) dst(%dma_wait3A_1491 : memref<128xf32, #tpu.memory_space<vmem>>)
    %dma_wait3A_1497 = arith.constant 2 : i32
    %dma_wait3A_1498 = arith.constant 2 : i32
    %dma_wait3A_1499 = arith.constant 128 : i32
    %dma_wait3A_1500 = tpu.memref_slice %arg8[%dma_wait3A_1498, %dma_wait3A_1499] : memref<26x512xf32, #tpu.memory_space<vmem>> -> memref<1x128xf32, #tpu.memory_space<vmem>>
    %dma_wait3A_1501 = tpu.memref_squeeze %dma_wait3A_1500 : memref<1x128xf32, #tpu.memory_space<vmem>> -> memref<128xf32, #tpu.memory_space<vmem>>
    %dma_wait3A_1502 = arith.constant 128 : i32
    %dma_wait3A_1503 = tpu.memref_slice %arg7[%dma_wait3A_1497, %dma_wait3A_1502] : memref<26x512xi32, #tpu.memory_space<vmem>> -> memref<1x128xi32, #tpu.memory_space<vmem>>
    %dma_wait3A_1504 = tpu.memref_squeeze %dma_wait3A_1503 : memref<1x128xi32, #tpu.memory_space<vmem>> -> memref<128xi32, #tpu.memory_space<vmem>>
    %dma_wait3A_1505 = arith.constant 0 : i32
    %dma_wait3A_1506 = tpu.memref_slice %arg2[%dma_wait3A_1505] : memref<1000000xf32, #tpu.memory_space<hbm>> -> memref<1000000xf32, #tpu.memory_space<hbm>>
    tpu.wait_indirect_dma semaphore(%arg13 : memref<!tpu.dma_semaphore, #tpu.memory_space<semaphore_mem>>) src(%dma_wait3A_1506 : memref<1000000xf32, #tpu.memory_space<hbm>>) dst(%dma_wait3A_1501 : memref<128xf32, #tpu.memory_space<vmem>>)
    %dma_wait3A_1507 = arith.constant 3 : i32
    %dma_wait3A_1508 = arith.constant 3 : i32
    %dma_wait3A_1509 = arith.constant 128 : i32
    %dma_wait3A_1510 = tpu.memref_slice %arg8[%dma_wait3A_1508, %dma_wait3A_1509] : memref<26x512xf32, #tpu.memory_space<vmem>> -> memref<1x128xf32, #tpu.memory_space<vmem>>
    %dma_wait3A_1511 = tpu.memref_squeeze %dma_wait3A_1510 : memref<1x128xf32, #tpu.memory_space<vmem>> -> memref<128xf32, #tpu.memory_space<vmem>>
    %dma_wait3A_1512 = arith.constant 128 : i32
    %dma_wait3A_1513 = tpu.memref_slice %arg7[%dma_wait3A_1507, %dma_wait3A_1512] : memref<26x512xi32, #tpu.memory_space<vmem>> -> memref<1x128xi32, #tpu.memory_space<vmem>>
    %dma_wait3A_1514 = tpu.memref_squeeze %dma_wait3A_1513 : memref<1x128xi32, #tpu.memory_space<vmem>> -> memref<128xi32, #tpu.memory_space<vmem>>
    %dma_wait3A_1515 = arith.constant 0 : i32
    %dma_wait3A_1516 = tpu.memref_slice %arg2[%dma_wait3A_1515] : memref<1000000xf32, #tpu.memory_space<hbm>> -> memref<1000000xf32, #tpu.memory_space<hbm>>
    tpu.wait_indirect_dma semaphore(%arg13 : memref<!tpu.dma_semaphore, #tpu.memory_space<semaphore_mem>>) src(%dma_wait3A_1516 : memref<1000000xf32, #tpu.memory_space<hbm>>) dst(%dma_wait3A_1511 : memref<128xf32, #tpu.memory_space<vmem>>)
    %dma_wait3A_1517 = arith.constant 4 : i32
    %dma_wait3A_1518 = arith.constant 4 : i32
    %dma_wait3A_1519 = arith.constant 128 : i32
    %dma_wait3A_1520 = tpu.memref_slice %arg8[%dma_wait3A_1518, %dma_wait3A_1519] : memref<26x512xf32, #tpu.memory_space<vmem>> -> memref<1x128xf32, #tpu.memory_space<vmem>>
    %dma_wait3A_1521 = tpu.memref_squeeze %dma_wait3A_1520 : memref<1x128xf32, #tpu.memory_space<vmem>> -> memref<128xf32, #tpu.memory_space<vmem>>
    %dma_wait3A_1522 = arith.constant 128 : i32
    %dma_wait3A_1523 = tpu.memref_slice %arg7[%dma_wait3A_1517, %dma_wait3A_1522] : memref<26x512xi32, #tpu.memory_space<vmem>> -> memref<1x128xi32, #tpu.memory_space<vmem>>
    %dma_wait3A_1524 = tpu.memref_squeeze %dma_wait3A_1523 : memref<1x128xi32, #tpu.memory_space<vmem>> -> memref<128xi32, #tpu.memory_space<vmem>>
    %dma_wait3A_1525 = arith.constant 0 : i32
    %dma_wait3A_1526 = tpu.memref_slice %arg2[%dma_wait3A_1525] : memref<1000000xf32, #tpu.memory_space<hbm>> -> memref<1000000xf32, #tpu.memory_space<hbm>>
    tpu.wait_indirect_dma semaphore(%arg13 : memref<!tpu.dma_semaphore, #tpu.memory_space<semaphore_mem>>) src(%dma_wait3A_1526 : memref<1000000xf32, #tpu.memory_space<hbm>>) dst(%dma_wait3A_1521 : memref<128xf32, #tpu.memory_space<vmem>>)
    %dma_wait3A_1527 = arith.constant 5 : i32
    %dma_wait3A_1528 = arith.constant 5 : i32
    %dma_wait3A_1529 = arith.constant 128 : i32
    %dma_wait3A_1530 = tpu.memref_slice %arg8[%dma_wait3A_1528, %dma_wait3A_1529] : memref<26x512xf32, #tpu.memory_space<vmem>> -> memref<1x128xf32, #tpu.memory_space<vmem>>
    %dma_wait3A_1531 = tpu.memref_squeeze %dma_wait3A_1530 : memref<1x128xf32, #tpu.memory_space<vmem>> -> memref<128xf32, #tpu.memory_space<vmem>>
    %dma_wait3A_1532 = arith.constant 128 : i32
    %dma_wait3A_1533 = tpu.memref_slice %arg7[%dma_wait3A_1527, %dma_wait3A_1532] : memref<26x512xi32, #tpu.memory_space<vmem>> -> memref<1x128xi32, #tpu.memory_space<vmem>>
    %dma_wait3A_1534 = tpu.memref_squeeze %dma_wait3A_1533 : memref<1x128xi32, #tpu.memory_space<vmem>> -> memref<128xi32, #tpu.memory_space<vmem>>
    %dma_wait3A_1535 = arith.constant 0 : i32
    %dma_wait3A_1536 = tpu.memref_slice %arg2[%dma_wait3A_1535] : memref<1000000xf32, #tpu.memory_space<hbm>> -> memref<1000000xf32, #tpu.memory_space<hbm>>
    tpu.wait_indirect_dma semaphore(%arg13 : memref<!tpu.dma_semaphore, #tpu.memory_space<semaphore_mem>>) src(%dma_wait3A_1536 : memref<1000000xf32, #tpu.memory_space<hbm>>) dst(%dma_wait3A_1531 : memref<128xf32, #tpu.memory_space<vmem>>)
    %dma_wait3A_1537 = arith.constant 6 : i32
    %dma_wait3A_1538 = arith.constant 6 : i32
    %dma_wait3A_1539 = arith.constant 128 : i32
    %dma_wait3A_1540 = tpu.memref_slice %arg8[%dma_wait3A_1538, %dma_wait3A_1539] : memref<26x512xf32, #tpu.memory_space<vmem>> -> memref<1x128xf32, #tpu.memory_space<vmem>>
    %dma_wait3A_1541 = tpu.memref_squeeze %dma_wait3A_1540 : memref<1x128xf32, #tpu.memory_space<vmem>> -> memref<128xf32, #tpu.memory_space<vmem>>
    %dma_wait3A_1542 = arith.constant 128 : i32
    %dma_wait3A_1543 = tpu.memref_slice %arg7[%dma_wait3A_1537, %dma_wait3A_1542] : memref<26x512xi32, #tpu.memory_space<vmem>> -> memref<1x128xi32, #tpu.memory_space<vmem>>
    %dma_wait3A_1544 = tpu.memref_squeeze %dma_wait3A_1543 : memref<1x128xi32, #tpu.memory_space<vmem>> -> memref<128xi32, #tpu.memory_space<vmem>>
    %dma_wait3A_1545 = arith.constant 0 : i32
    %dma_wait3A_1546 = tpu.memref_slice %arg2[%dma_wait3A_1545] : memref<1000000xf32, #tpu.memory_space<hbm>> -> memref<1000000xf32, #tpu.memory_space<hbm>>
    tpu.wait_indirect_dma semaphore(%arg13 : memref<!tpu.dma_semaphore, #tpu.memory_space<semaphore_mem>>) src(%dma_wait3A_1546 : memref<1000000xf32, #tpu.memory_space<hbm>>) dst(%dma_wait3A_1541 : memref<128xf32, #tpu.memory_space<vmem>>)
    %dma_wait3A_1547 = arith.constant 7 : i32
    %dma_wait3A_1548 = arith.constant 7 : i32
    %dma_wait3A_1549 = arith.constant 128 : i32
    %dma_wait3A_1550 = tpu.memref_slice %arg8[%dma_wait3A_1548, %dma_wait3A_1549] : memref<26x512xf32, #tpu.memory_space<vmem>> -> memref<1x128xf32, #tpu.memory_space<vmem>>
    %dma_wait3A_1551 = tpu.memref_squeeze %dma_wait3A_1550 : memref<1x128xf32, #tpu.memory_space<vmem>> -> memref<128xf32, #tpu.memory_space<vmem>>
    %dma_wait3A_1552 = arith.constant 128 : i32
    %dma_wait3A_1553 = tpu.memref_slice %arg7[%dma_wait3A_1547, %dma_wait3A_1552] : memref<26x512xi32, #tpu.memory_space<vmem>> -> memref<1x128xi32, #tpu.memory_space<vmem>>
    %dma_wait3A_1554 = tpu.memref_squeeze %dma_wait3A_1553 : memref<1x128xi32, #tpu.memory_space<vmem>> -> memref<128xi32, #tpu.memory_space<vmem>>
    %dma_wait3A_1555 = arith.constant 0 : i32
    %dma_wait3A_1556 = tpu.memref_slice %arg2[%dma_wait3A_1555] : memref<1000000xf32, #tpu.memory_space<hbm>> -> memref<1000000xf32, #tpu.memory_space<hbm>>
    tpu.wait_indirect_dma semaphore(%arg13 : memref<!tpu.dma_semaphore, #tpu.memory_space<semaphore_mem>>) src(%dma_wait3A_1556 : memref<1000000xf32, #tpu.memory_space<hbm>>) dst(%dma_wait3A_1551 : memref<128xf32, #tpu.memory_space<vmem>>)
    %dma_wait3A_1557 = arith.constant 8 : i32
    %dma_wait3A_1558 = arith.constant 8 : i32
    %dma_wait3A_1559 = arith.constant 128 : i32
    %dma_wait3A_1560 = tpu.memref_slice %arg8[%dma_wait3A_1558, %dma_wait3A_1559] : memref<26x512xf32, #tpu.memory_space<vmem>> -> memref<1x128xf32, #tpu.memory_space<vmem>>
    %dma_wait3A_1561 = tpu.memref_squeeze %dma_wait3A_1560 : memref<1x128xf32, #tpu.memory_space<vmem>> -> memref<128xf32, #tpu.memory_space<vmem>>
    %dma_wait3A_1562 = arith.constant 128 : i32
    %dma_wait3A_1563 = tpu.memref_slice %arg7[%dma_wait3A_1557, %dma_wait3A_1562] : memref<26x512xi32, #tpu.memory_space<vmem>> -> memref<1x128xi32, #tpu.memory_space<vmem>>
    %dma_wait3A_1564 = tpu.memref_squeeze %dma_wait3A_1563 : memref<1x128xi32, #tpu.memory_space<vmem>> -> memref<128xi32, #tpu.memory_space<vmem>>
    %dma_wait3A_1565 = arith.constant 0 : i32
    %dma_wait3A_1566 = tpu.memref_slice %arg2[%dma_wait3A_1565] : memref<1000000xf32, #tpu.memory_space<hbm>> -> memref<1000000xf32, #tpu.memory_space<hbm>>
    tpu.wait_indirect_dma semaphore(%arg13 : memref<!tpu.dma_semaphore, #tpu.memory_space<semaphore_mem>>) src(%dma_wait3A_1566 : memref<1000000xf32, #tpu.memory_space<hbm>>) dst(%dma_wait3A_1561 : memref<128xf32, #tpu.memory_space<vmem>>)
    %dma_wait3A_1567 = arith.constant 9 : i32
    %dma_wait3A_1568 = arith.constant 9 : i32
    %dma_wait3A_1569 = arith.constant 128 : i32
    %dma_wait3A_1570 = tpu.memref_slice %arg8[%dma_wait3A_1568, %dma_wait3A_1569] : memref<26x512xf32, #tpu.memory_space<vmem>> -> memref<1x128xf32, #tpu.memory_space<vmem>>
    %dma_wait3A_1571 = tpu.memref_squeeze %dma_wait3A_1570 : memref<1x128xf32, #tpu.memory_space<vmem>> -> memref<128xf32, #tpu.memory_space<vmem>>
    %dma_wait3A_1572 = arith.constant 128 : i32
    %dma_wait3A_1573 = tpu.memref_slice %arg7[%dma_wait3A_1567, %dma_wait3A_1572] : memref<26x512xi32, #tpu.memory_space<vmem>> -> memref<1x128xi32, #tpu.memory_space<vmem>>
    %dma_wait3A_1574 = tpu.memref_squeeze %dma_wait3A_1573 : memref<1x128xi32, #tpu.memory_space<vmem>> -> memref<128xi32, #tpu.memory_space<vmem>>
    %dma_wait3A_1575 = arith.constant 0 : i32
    %dma_wait3A_1576 = tpu.memref_slice %arg2[%dma_wait3A_1575] : memref<1000000xf32, #tpu.memory_space<hbm>> -> memref<1000000xf32, #tpu.memory_space<hbm>>
    tpu.wait_indirect_dma semaphore(%arg13 : memref<!tpu.dma_semaphore, #tpu.memory_space<semaphore_mem>>) src(%dma_wait3A_1576 : memref<1000000xf32, #tpu.memory_space<hbm>>) dst(%dma_wait3A_1571 : memref<128xf32, #tpu.memory_space<vmem>>)
    %dma_wait3A_1577 = arith.constant 10 : i32
    %dma_wait3A_1578 = arith.constant 10 : i32
    %dma_wait3A_1579 = arith.constant 128 : i32
    %dma_wait3A_1580 = tpu.memref_slice %arg8[%dma_wait3A_1578, %dma_wait3A_1579] : memref<26x512xf32, #tpu.memory_space<vmem>> -> memref<1x128xf32, #tpu.memory_space<vmem>>
    %dma_wait3A_1581 = tpu.memref_squeeze %dma_wait3A_1580 : memref<1x128xf32, #tpu.memory_space<vmem>> -> memref<128xf32, #tpu.memory_space<vmem>>
    %dma_wait3A_1582 = arith.constant 128 : i32
    %dma_wait3A_1583 = tpu.memref_slice %arg7[%dma_wait3A_1577, %dma_wait3A_1582] : memref<26x512xi32, #tpu.memory_space<vmem>> -> memref<1x128xi32, #tpu.memory_space<vmem>>
    %dma_wait3A_1584 = tpu.memref_squeeze %dma_wait3A_1583 : memref<1x128xi32, #tpu.memory_space<vmem>> -> memref<128xi32, #tpu.memory_space<vmem>>
    %dma_wait3A_1585 = arith.constant 0 : i32
    %dma_wait3A_1586 = tpu.memref_slice %arg2[%dma_wait3A_1585] : memref<1000000xf32, #tpu.memory_space<hbm>> -> memref<1000000xf32, #tpu.memory_space<hbm>>
    tpu.wait_indirect_dma semaphore(%arg13 : memref<!tpu.dma_semaphore, #tpu.memory_space<semaphore_mem>>) src(%dma_wait3A_1586 : memref<1000000xf32, #tpu.memory_space<hbm>>) dst(%dma_wait3A_1581 : memref<128xf32, #tpu.memory_space<vmem>>)
    %dma_wait3A_1587 = arith.constant 11 : i32
    %dma_wait3A_1588 = arith.constant 11 : i32
    %dma_wait3A_1589 = arith.constant 128 : i32
    %dma_wait3A_1590 = tpu.memref_slice %arg8[%dma_wait3A_1588, %dma_wait3A_1589] : memref<26x512xf32, #tpu.memory_space<vmem>> -> memref<1x128xf32, #tpu.memory_space<vmem>>
    %dma_wait3A_1591 = tpu.memref_squeeze %dma_wait3A_1590 : memref<1x128xf32, #tpu.memory_space<vmem>> -> memref<128xf32, #tpu.memory_space<vmem>>
    %dma_wait3A_1592 = arith.constant 128 : i32
    %dma_wait3A_1593 = tpu.memref_slice %arg7[%dma_wait3A_1587, %dma_wait3A_1592] : memref<26x512xi32, #tpu.memory_space<vmem>> -> memref<1x128xi32, #tpu.memory_space<vmem>>
    %dma_wait3A_1594 = tpu.memref_squeeze %dma_wait3A_1593 : memref<1x128xi32, #tpu.memory_space<vmem>> -> memref<128xi32, #tpu.memory_space<vmem>>
    %dma_wait3A_1595 = arith.constant 0 : i32
    %dma_wait3A_1596 = tpu.memref_slice %arg2[%dma_wait3A_1595] : memref<1000000xf32, #tpu.memory_space<hbm>> -> memref<1000000xf32, #tpu.memory_space<hbm>>
    tpu.wait_indirect_dma semaphore(%arg13 : memref<!tpu.dma_semaphore, #tpu.memory_space<semaphore_mem>>) src(%dma_wait3A_1596 : memref<1000000xf32, #tpu.memory_space<hbm>>) dst(%dma_wait3A_1591 : memref<128xf32, #tpu.memory_space<vmem>>)
    %dma_wait3A_1597 = arith.constant 12 : i32
    %dma_wait3A_1598 = arith.constant 12 : i32
    %dma_wait3A_1599 = arith.constant 128 : i32
    %dma_wait3A_1600 = tpu.memref_slice %arg8[%dma_wait3A_1598, %dma_wait3A_1599] : memref<26x512xf32, #tpu.memory_space<vmem>> -> memref<1x128xf32, #tpu.memory_space<vmem>>
    %dma_wait3A_1601 = tpu.memref_squeeze %dma_wait3A_1600 : memref<1x128xf32, #tpu.memory_space<vmem>> -> memref<128xf32, #tpu.memory_space<vmem>>
    %dma_wait3A_1602 = arith.constant 128 : i32
    %dma_wait3A_1603 = tpu.memref_slice %arg7[%dma_wait3A_1597, %dma_wait3A_1602] : memref<26x512xi32, #tpu.memory_space<vmem>> -> memref<1x128xi32, #tpu.memory_space<vmem>>
    %dma_wait3A_1604 = tpu.memref_squeeze %dma_wait3A_1603 : memref<1x128xi32, #tpu.memory_space<vmem>> -> memref<128xi32, #tpu.memory_space<vmem>>
    %dma_wait3A_1605 = arith.constant 0 : i32
    %dma_wait3A_1606 = tpu.memref_slice %arg2[%dma_wait3A_1605] : memref<1000000xf32, #tpu.memory_space<hbm>> -> memref<1000000xf32, #tpu.memory_space<hbm>>
    tpu.wait_indirect_dma semaphore(%arg13 : memref<!tpu.dma_semaphore, #tpu.memory_space<semaphore_mem>>) src(%dma_wait3A_1606 : memref<1000000xf32, #tpu.memory_space<hbm>>) dst(%dma_wait3A_1601 : memref<128xf32, #tpu.memory_space<vmem>>)
    %dma_wait3A_1607 = arith.constant 13 : i32
    %dma_wait3A_1608 = arith.constant 13 : i32
    %dma_wait3A_1609 = arith.constant 128 : i32
    %dma_wait3A_1610 = tpu.memref_slice %arg8[%dma_wait3A_1608, %dma_wait3A_1609] : memref<26x512xf32, #tpu.memory_space<vmem>> -> memref<1x128xf32, #tpu.memory_space<vmem>>
    %dma_wait3A_1611 = tpu.memref_squeeze %dma_wait3A_1610 : memref<1x128xf32, #tpu.memory_space<vmem>> -> memref<128xf32, #tpu.memory_space<vmem>>
    %dma_wait3A_1612 = arith.constant 128 : i32
    %dma_wait3A_1613 = tpu.memref_slice %arg7[%dma_wait3A_1607, %dma_wait3A_1612] : memref<26x512xi32, #tpu.memory_space<vmem>> -> memref<1x128xi32, #tpu.memory_space<vmem>>
    %dma_wait3A_1614 = tpu.memref_squeeze %dma_wait3A_1613 : memref<1x128xi32, #tpu.memory_space<vmem>> -> memref<128xi32, #tpu.memory_space<vmem>>
    %dma_wait3A_1615 = arith.constant 0 : i32
    %dma_wait3A_1616 = tpu.memref_slice %arg2[%dma_wait3A_1615] : memref<1000000xf32, #tpu.memory_space<hbm>> -> memref<1000000xf32, #tpu.memory_space<hbm>>
    tpu.wait_indirect_dma semaphore(%arg13 : memref<!tpu.dma_semaphore, #tpu.memory_space<semaphore_mem>>) src(%dma_wait3A_1616 : memref<1000000xf32, #tpu.memory_space<hbm>>) dst(%dma_wait3A_1611 : memref<128xf32, #tpu.memory_space<vmem>>)
    %dma_wait3A_1617 = arith.constant 14 : i32
    %dma_wait3A_1618 = arith.constant 14 : i32
    %dma_wait3A_1619 = arith.constant 128 : i32
    %dma_wait3A_1620 = tpu.memref_slice %arg8[%dma_wait3A_1618, %dma_wait3A_1619] : memref<26x512xf32, #tpu.memory_space<vmem>> -> memref<1x128xf32, #tpu.memory_space<vmem>>
    %dma_wait3A_1621 = tpu.memref_squeeze %dma_wait3A_1620 : memref<1x128xf32, #tpu.memory_space<vmem>> -> memref<128xf32, #tpu.memory_space<vmem>>
    %dma_wait3A_1622 = arith.constant 128 : i32
    %dma_wait3A_1623 = tpu.memref_slice %arg7[%dma_wait3A_1617, %dma_wait3A_1622] : memref<26x512xi32, #tpu.memory_space<vmem>> -> memref<1x128xi32, #tpu.memory_space<vmem>>
    %dma_wait3A_1624 = tpu.memref_squeeze %dma_wait3A_1623 : memref<1x128xi32, #tpu.memory_space<vmem>> -> memref<128xi32, #tpu.memory_space<vmem>>
    %dma_wait3A_1625 = arith.constant 0 : i32
    %dma_wait3A_1626 = tpu.memref_slice %arg2[%dma_wait3A_1625] : memref<1000000xf32, #tpu.memory_space<hbm>> -> memref<1000000xf32, #tpu.memory_space<hbm>>
    tpu.wait_indirect_dma semaphore(%arg13 : memref<!tpu.dma_semaphore, #tpu.memory_space<semaphore_mem>>) src(%dma_wait3A_1626 : memref<1000000xf32, #tpu.memory_space<hbm>>) dst(%dma_wait3A_1621 : memref<128xf32, #tpu.memory_space<vmem>>)
    %dma_wait3A_1627 = arith.constant 15 : i32
    %dma_wait3A_1628 = arith.constant 15 : i32
    %dma_wait3A_1629 = arith.constant 128 : i32
    %dma_wait3A_1630 = tpu.memref_slice %arg8[%dma_wait3A_1628, %dma_wait3A_1629] : memref<26x512xf32, #tpu.memory_space<vmem>> -> memref<1x128xf32, #tpu.memory_space<vmem>>
    %dma_wait3A_1631 = tpu.memref_squeeze %dma_wait3A_1630 : memref<1x128xf32, #tpu.memory_space<vmem>> -> memref<128xf32, #tpu.memory_space<vmem>>
    %dma_wait3A_1632 = arith.constant 128 : i32
    %dma_wait3A_1633 = tpu.memref_slice %arg7[%dma_wait3A_1627, %dma_wait3A_1632] : memref<26x512xi32, #tpu.memory_space<vmem>> -> memref<1x128xi32, #tpu.memory_space<vmem>>
    %dma_wait3A_1634 = tpu.memref_squeeze %dma_wait3A_1633 : memref<1x128xi32, #tpu.memory_space<vmem>> -> memref<128xi32, #tpu.memory_space<vmem>>
    %dma_wait3A_1635 = arith.constant 0 : i32
    %dma_wait3A_1636 = tpu.memref_slice %arg2[%dma_wait3A_1635] : memref<1000000xf32, #tpu.memory_space<hbm>> -> memref<1000000xf32, #tpu.memory_space<hbm>>
    tpu.wait_indirect_dma semaphore(%arg13 : memref<!tpu.dma_semaphore, #tpu.memory_space<semaphore_mem>>) src(%dma_wait3A_1636 : memref<1000000xf32, #tpu.memory_space<hbm>>) dst(%dma_wait3A_1631 : memref<128xf32, #tpu.memory_space<vmem>>)
    %dma_wait3A_1637 = arith.constant 16 : i32
    %dma_wait3A_1638 = arith.constant 16 : i32
    %dma_wait3A_1639 = arith.constant 128 : i32
    %dma_wait3A_1640 = tpu.memref_slice %arg8[%dma_wait3A_1638, %dma_wait3A_1639] : memref<26x512xf32, #tpu.memory_space<vmem>> -> memref<1x128xf32, #tpu.memory_space<vmem>>
    %dma_wait3A_1641 = tpu.memref_squeeze %dma_wait3A_1640 : memref<1x128xf32, #tpu.memory_space<vmem>> -> memref<128xf32, #tpu.memory_space<vmem>>
    %dma_wait3A_1642 = arith.constant 128 : i32
    %dma_wait3A_1643 = tpu.memref_slice %arg7[%dma_wait3A_1637, %dma_wait3A_1642] : memref<26x512xi32, #tpu.memory_space<vmem>> -> memref<1x128xi32, #tpu.memory_space<vmem>>
    %dma_wait3A_1644 = tpu.memref_squeeze %dma_wait3A_1643 : memref<1x128xi32, #tpu.memory_space<vmem>> -> memref<128xi32, #tpu.memory_space<vmem>>
    %dma_wait3A_1645 = arith.constant 0 : i32
    %dma_wait3A_1646 = tpu.memref_slice %arg2[%dma_wait3A_1645] : memref<1000000xf32, #tpu.memory_space<hbm>> -> memref<1000000xf32, #tpu.memory_space<hbm>>
    tpu.wait_indirect_dma semaphore(%arg13 : memref<!tpu.dma_semaphore, #tpu.memory_space<semaphore_mem>>) src(%dma_wait3A_1646 : memref<1000000xf32, #tpu.memory_space<hbm>>) dst(%dma_wait3A_1641 : memref<128xf32, #tpu.memory_space<vmem>>)
    %dma_wait3A_1647 = arith.constant 17 : i32
    %dma_wait3A_1648 = arith.constant 17 : i32
    %dma_wait3A_1649 = arith.constant 128 : i32
    %dma_wait3A_1650 = tpu.memref_slice %arg8[%dma_wait3A_1648, %dma_wait3A_1649] : memref<26x512xf32, #tpu.memory_space<vmem>> -> memref<1x128xf32, #tpu.memory_space<vmem>>
    %dma_wait3A_1651 = tpu.memref_squeeze %dma_wait3A_1650 : memref<1x128xf32, #tpu.memory_space<vmem>> -> memref<128xf32, #tpu.memory_space<vmem>>
    %dma_wait3A_1652 = arith.constant 128 : i32
    %dma_wait3A_1653 = tpu.memref_slice %arg7[%dma_wait3A_1647, %dma_wait3A_1652] : memref<26x512xi32, #tpu.memory_space<vmem>> -> memref<1x128xi32, #tpu.memory_space<vmem>>
    %dma_wait3A_1654 = tpu.memref_squeeze %dma_wait3A_1653 : memref<1x128xi32, #tpu.memory_space<vmem>> -> memref<128xi32, #tpu.memory_space<vmem>>
    %dma_wait3A_1655 = arith.constant 0 : i32
    %dma_wait3A_1656 = tpu.memref_slice %arg2[%dma_wait3A_1655] : memref<1000000xf32, #tpu.memory_space<hbm>> -> memref<1000000xf32, #tpu.memory_space<hbm>>
    tpu.wait_indirect_dma semaphore(%arg13 : memref<!tpu.dma_semaphore, #tpu.memory_space<semaphore_mem>>) src(%dma_wait3A_1656 : memref<1000000xf32, #tpu.memory_space<hbm>>) dst(%dma_wait3A_1651 : memref<128xf32, #tpu.memory_space<vmem>>)
    %dma_wait3A_1657 = arith.constant 18 : i32
    %dma_wait3A_1658 = arith.constant 18 : i32
    %dma_wait3A_1659 = arith.constant 128 : i32
    %dma_wait3A_1660 = tpu.memref_slice %arg8[%dma_wait3A_1658, %dma_wait3A_1659] : memref<26x512xf32, #tpu.memory_space<vmem>> -> memref<1x128xf32, #tpu.memory_space<vmem>>
    %dma_wait3A_1661 = tpu.memref_squeeze %dma_wait3A_1660 : memref<1x128xf32, #tpu.memory_space<vmem>> -> memref<128xf32, #tpu.memory_space<vmem>>
    %dma_wait3A_1662 = arith.constant 128 : i32
    %dma_wait3A_1663 = tpu.memref_slice %arg7[%dma_wait3A_1657, %dma_wait3A_1662] : memref<26x512xi32, #tpu.memory_space<vmem>> -> memref<1x128xi32, #tpu.memory_space<vmem>>
    %dma_wait3A_1664 = tpu.memref_squeeze %dma_wait3A_1663 : memref<1x128xi32, #tpu.memory_space<vmem>> -> memref<128xi32, #tpu.memory_space<vmem>>
    %dma_wait3A_1665 = arith.constant 0 : i32
    %dma_wait3A_1666 = tpu.memref_slice %arg2[%dma_wait3A_1665] : memref<1000000xf32, #tpu.memory_space<hbm>> -> memref<1000000xf32, #tpu.memory_space<hbm>>
    tpu.wait_indirect_dma semaphore(%arg13 : memref<!tpu.dma_semaphore, #tpu.memory_space<semaphore_mem>>) src(%dma_wait3A_1666 : memref<1000000xf32, #tpu.memory_space<hbm>>) dst(%dma_wait3A_1661 : memref<128xf32, #tpu.memory_space<vmem>>)
    %dma_wait3A_1667 = arith.constant 19 : i32
    %dma_wait3A_1668 = arith.constant 19 : i32
    %dma_wait3A_1669 = arith.constant 128 : i32
    %dma_wait3A_1670 = tpu.memref_slice %arg8[%dma_wait3A_1668, %dma_wait3A_1669] : memref<26x512xf32, #tpu.memory_space<vmem>> -> memref<1x128xf32, #tpu.memory_space<vmem>>
    %dma_wait3A_1671 = tpu.memref_squeeze %dma_wait3A_1670 : memref<1x128xf32, #tpu.memory_space<vmem>> -> memref<128xf32, #tpu.memory_space<vmem>>
    %dma_wait3A_1672 = arith.constant 128 : i32
    %dma_wait3A_1673 = tpu.memref_slice %arg7[%dma_wait3A_1667, %dma_wait3A_1672] : memref<26x512xi32, #tpu.memory_space<vmem>> -> memref<1x128xi32, #tpu.memory_space<vmem>>
    %dma_wait3A_1674 = tpu.memref_squeeze %dma_wait3A_1673 : memref<1x128xi32, #tpu.memory_space<vmem>> -> memref<128xi32, #tpu.memory_space<vmem>>
    %dma_wait3A_1675 = arith.constant 0 : i32
    %dma_wait3A_1676 = tpu.memref_slice %arg2[%dma_wait3A_1675] : memref<1000000xf32, #tpu.memory_space<hbm>> -> memref<1000000xf32, #tpu.memory_space<hbm>>
    tpu.wait_indirect_dma semaphore(%arg13 : memref<!tpu.dma_semaphore, #tpu.memory_space<semaphore_mem>>) src(%dma_wait3A_1676 : memref<1000000xf32, #tpu.memory_space<hbm>>) dst(%dma_wait3A_1671 : memref<128xf32, #tpu.memory_space<vmem>>)
    %dma_wait3A_1677 = arith.constant 20 : i32
    %dma_wait3A_1678 = arith.constant 20 : i32
    %dma_wait3A_1679 = arith.constant 128 : i32
    %dma_wait3A_1680 = tpu.memref_slice %arg8[%dma_wait3A_1678, %dma_wait3A_1679] : memref<26x512xf32, #tpu.memory_space<vmem>> -> memref<1x128xf32, #tpu.memory_space<vmem>>
    %dma_wait3A_1681 = tpu.memref_squeeze %dma_wait3A_1680 : memref<1x128xf32, #tpu.memory_space<vmem>> -> memref<128xf32, #tpu.memory_space<vmem>>
    %dma_wait3A_1682 = arith.constant 128 : i32
    %dma_wait3A_1683 = tpu.memref_slice %arg7[%dma_wait3A_1677, %dma_wait3A_1682] : memref<26x512xi32, #tpu.memory_space<vmem>> -> memref<1x128xi32, #tpu.memory_space<vmem>>
    %dma_wait3A_1684 = tpu.memref_squeeze %dma_wait3A_1683 : memref<1x128xi32, #tpu.memory_space<vmem>> -> memref<128xi32, #tpu.memory_space<vmem>>
    %dma_wait3A_1685 = arith.constant 0 : i32
    %dma_wait3A_1686 = tpu.memref_slice %arg2[%dma_wait3A_1685] : memref<1000000xf32, #tpu.memory_space<hbm>> -> memref<1000000xf32, #tpu.memory_space<hbm>>
    tpu.wait_indirect_dma semaphore(%arg13 : memref<!tpu.dma_semaphore, #tpu.memory_space<semaphore_mem>>) src(%dma_wait3A_1686 : memref<1000000xf32, #tpu.memory_space<hbm>>) dst(%dma_wait3A_1681 : memref<128xf32, #tpu.memory_space<vmem>>)
    %dma_wait3A_1687 = arith.constant 21 : i32
    %dma_wait3A_1688 = arith.constant 21 : i32
    %dma_wait3A_1689 = arith.constant 128 : i32
    %dma_wait3A_1690 = tpu.memref_slice %arg8[%dma_wait3A_1688, %dma_wait3A_1689] : memref<26x512xf32, #tpu.memory_space<vmem>> -> memref<1x128xf32, #tpu.memory_space<vmem>>
    %dma_wait3A_1691 = tpu.memref_squeeze %dma_wait3A_1690 : memref<1x128xf32, #tpu.memory_space<vmem>> -> memref<128xf32, #tpu.memory_space<vmem>>
    %dma_wait3A_1692 = arith.constant 128 : i32
    %dma_wait3A_1693 = tpu.memref_slice %arg7[%dma_wait3A_1687, %dma_wait3A_1692] : memref<26x512xi32, #tpu.memory_space<vmem>> -> memref<1x128xi32, #tpu.memory_space<vmem>>
    %dma_wait3A_1694 = tpu.memref_squeeze %dma_wait3A_1693 : memref<1x128xi32, #tpu.memory_space<vmem>> -> memref<128xi32, #tpu.memory_space<vmem>>
    %dma_wait3A_1695 = arith.constant 0 : i32
    %dma_wait3A_1696 = tpu.memref_slice %arg2[%dma_wait3A_1695] : memref<1000000xf32, #tpu.memory_space<hbm>> -> memref<1000000xf32, #tpu.memory_space<hbm>>
    tpu.wait_indirect_dma semaphore(%arg13 : memref<!tpu.dma_semaphore, #tpu.memory_space<semaphore_mem>>) src(%dma_wait3A_1696 : memref<1000000xf32, #tpu.memory_space<hbm>>) dst(%dma_wait3A_1691 : memref<128xf32, #tpu.memory_space<vmem>>)
    %dma_wait3A_1697 = arith.constant 22 : i32
    %dma_wait3A_1698 = arith.constant 22 : i32
    %dma_wait3A_1699 = arith.constant 128 : i32
    %dma_wait3A_1700 = tpu.memref_slice %arg8[%dma_wait3A_1698, %dma_wait3A_1699] : memref<26x512xf32, #tpu.memory_space<vmem>> -> memref<1x128xf32, #tpu.memory_space<vmem>>
    %dma_wait3A_1701 = tpu.memref_squeeze %dma_wait3A_1700 : memref<1x128xf32, #tpu.memory_space<vmem>> -> memref<128xf32, #tpu.memory_space<vmem>>
    %dma_wait3A_1702 = arith.constant 128 : i32
    %dma_wait3A_1703 = tpu.memref_slice %arg7[%dma_wait3A_1697, %dma_wait3A_1702] : memref<26x512xi32, #tpu.memory_space<vmem>> -> memref<1x128xi32, #tpu.memory_space<vmem>>
    %dma_wait3A_1704 = tpu.memref_squeeze %dma_wait3A_1703 : memref<1x128xi32, #tpu.memory_space<vmem>> -> memref<128xi32, #tpu.memory_space<vmem>>
    %dma_wait3A_1705 = arith.constant 0 : i32
    %dma_wait3A_1706 = tpu.memref_slice %arg2[%dma_wait3A_1705] : memref<1000000xf32, #tpu.memory_space<hbm>> -> memref<1000000xf32, #tpu.memory_space<hbm>>
    tpu.wait_indirect_dma semaphore(%arg13 : memref<!tpu.dma_semaphore, #tpu.memory_space<semaphore_mem>>) src(%dma_wait3A_1706 : memref<1000000xf32, #tpu.memory_space<hbm>>) dst(%dma_wait3A_1701 : memref<128xf32, #tpu.memory_space<vmem>>)
    %dma_wait3A_1707 = arith.constant 23 : i32
    %dma_wait3A_1708 = arith.constant 23 : i32
    %dma_wait3A_1709 = arith.constant 128 : i32
    %dma_wait3A_1710 = tpu.memref_slice %arg8[%dma_wait3A_1708, %dma_wait3A_1709] : memref<26x512xf32, #tpu.memory_space<vmem>> -> memref<1x128xf32, #tpu.memory_space<vmem>>
    %dma_wait3A_1711 = tpu.memref_squeeze %dma_wait3A_1710 : memref<1x128xf32, #tpu.memory_space<vmem>> -> memref<128xf32, #tpu.memory_space<vmem>>
    %dma_wait3A_1712 = arith.constant 128 : i32
    %dma_wait3A_1713 = tpu.memref_slice %arg7[%dma_wait3A_1707, %dma_wait3A_1712] : memref<26x512xi32, #tpu.memory_space<vmem>> -> memref<1x128xi32, #tpu.memory_space<vmem>>
    %dma_wait3A_1714 = tpu.memref_squeeze %dma_wait3A_1713 : memref<1x128xi32, #tpu.memory_space<vmem>> -> memref<128xi32, #tpu.memory_space<vmem>>
    %dma_wait3A_1715 = arith.constant 0 : i32
    %dma_wait3A_1716 = tpu.memref_slice %arg2[%dma_wait3A_1715] : memref<1000000xf32, #tpu.memory_space<hbm>> -> memref<1000000xf32, #tpu.memory_space<hbm>>
    tpu.wait_indirect_dma semaphore(%arg13 : memref<!tpu.dma_semaphore, #tpu.memory_space<semaphore_mem>>) src(%dma_wait3A_1716 : memref<1000000xf32, #tpu.memory_space<hbm>>) dst(%dma_wait3A_1711 : memref<128xf32, #tpu.memory_space<vmem>>)
    %dma_wait3A_1717 = arith.constant 24 : i32
    %dma_wait3A_1718 = arith.constant 24 : i32
    %dma_wait3A_1719 = arith.constant 128 : i32
    %dma_wait3A_1720 = tpu.memref_slice %arg8[%dma_wait3A_1718, %dma_wait3A_1719] : memref<26x512xf32, #tpu.memory_space<vmem>> -> memref<1x128xf32, #tpu.memory_space<vmem>>
    %dma_wait3A_1721 = tpu.memref_squeeze %dma_wait3A_1720 : memref<1x128xf32, #tpu.memory_space<vmem>> -> memref<128xf32, #tpu.memory_space<vmem>>
    %dma_wait3A_1722 = arith.constant 128 : i32
    %dma_wait3A_1723 = tpu.memref_slice %arg7[%dma_wait3A_1717, %dma_wait3A_1722] : memref<26x512xi32, #tpu.memory_space<vmem>> -> memref<1x128xi32, #tpu.memory_space<vmem>>
    %dma_wait3A_1724 = tpu.memref_squeeze %dma_wait3A_1723 : memref<1x128xi32, #tpu.memory_space<vmem>> -> memref<128xi32, #tpu.memory_space<vmem>>
    %dma_wait3A_1725 = arith.constant 0 : i32
    %dma_wait3A_1726 = tpu.memref_slice %arg2[%dma_wait3A_1725] : memref<1000000xf32, #tpu.memory_space<hbm>> -> memref<1000000xf32, #tpu.memory_space<hbm>>
    tpu.wait_indirect_dma semaphore(%arg13 : memref<!tpu.dma_semaphore, #tpu.memory_space<semaphore_mem>>) src(%dma_wait3A_1726 : memref<1000000xf32, #tpu.memory_space<hbm>>) dst(%dma_wait3A_1721 : memref<128xf32, #tpu.memory_space<vmem>>)
    %dma_wait3A_1727 = arith.constant 25 : i32
    %dma_wait3A_1728 = arith.constant 25 : i32
    %dma_wait3A_1729 = arith.constant 128 : i32
    %dma_wait3A_1730 = tpu.memref_slice %arg8[%dma_wait3A_1728, %dma_wait3A_1729] : memref<26x512xf32, #tpu.memory_space<vmem>> -> memref<1x128xf32, #tpu.memory_space<vmem>>
    %dma_wait3A_1731 = tpu.memref_squeeze %dma_wait3A_1730 : memref<1x128xf32, #tpu.memory_space<vmem>> -> memref<128xf32, #tpu.memory_space<vmem>>
    %dma_wait3A_1732 = arith.constant 128 : i32
    %dma_wait3A_1733 = tpu.memref_slice %arg7[%dma_wait3A_1727, %dma_wait3A_1732] : memref<26x512xi32, #tpu.memory_space<vmem>> -> memref<1x128xi32, #tpu.memory_space<vmem>>
    %dma_wait3A_1734 = tpu.memref_squeeze %dma_wait3A_1733 : memref<1x128xi32, #tpu.memory_space<vmem>> -> memref<128xi32, #tpu.memory_space<vmem>>
    %dma_wait3A_1735 = arith.constant 0 : i32
    %dma_wait3A_1736 = tpu.memref_slice %arg2[%dma_wait3A_1735] : memref<1000000xf32, #tpu.memory_space<hbm>> -> memref<1000000xf32, #tpu.memory_space<hbm>>
    tpu.wait_indirect_dma semaphore(%arg13 : memref<!tpu.dma_semaphore, #tpu.memory_space<semaphore_mem>>) src(%dma_wait3A_1736 : memref<1000000xf32, #tpu.memory_space<hbm>>) dst(%dma_wait3A_1731 : memref<128xf32, #tpu.memory_space<vmem>>)
    %scan3A_1737 = arith.constant 0 : i32
    %scan3A_1738 = arith.constant 8 : i32
    %scan3A_1739 = arith.addi %scan3A_1737, %scan3A_1738 : i32
    %scan3A_1740 = arith.constant 1 : i32
    scf.for %scan3A_2272 = %scan3A_1737 to %scan3A_1739 step %scan3A_1740  : i32 {
      %mul3A_2273 = arith.constant 1 : i32
      %mul3A_2274 = arith.muli %scan3A_2272, %mul3A_2273 : i32
      %add3A_2275 = arith.constant 0 : i32
      %add3A_2276 = arith.addi %add3A_2275, %mul3A_2274 : i32
      %add3A_2277 = arith.constant 8 : i32
      %add3A_2278 = arith.addi %add3A_2277, %add3A_2276 : i32
      %mul3A_2279 = arith.constant 16 : i32
      %mul3A_2280 = arith.muli %add3A_2278, %mul3A_2279 : i32
      %get3A_2281 = arith.constant 0 : i32
      %get3A_2282 = arith.index_cast %get3A_2281 : i32 to index
      %get3A_2283 = arith.index_cast %mul3A_2280 : i32 to index
      %get3A_2284 = tpu.vector_load %arg8[%get3A_2282, %get3A_2283] {strides = array<i32>} : memref<26x512xf32, #tpu.memory_space<vmem>>, vector<16xf32>,
      %add3A_2285 = arith.addf %gather3A_1213, %get3A_2284 : vector<16xf32>
      %mul3A_2286 = arith.constant 16 : i32
      %mul3A_2287 = arith.muli %add3A_2278, %mul3A_2286 : i32
      %get3A_2288 = arith.constant 1 : i32
      %get3A_2289 = arith.index_cast %get3A_2288 : i32 to index
      %get3A_2290 = arith.index_cast %mul3A_2287 : i32 to index
      %get3A_2291 = tpu.vector_load %arg8[%get3A_2289, %get3A_2290] {strides = array<i32>} : memref<26x512xf32, #tpu.memory_space<vmem>>, vector<16xf32>,
      %add3A_2292 = arith.addf %add3A_2285, %get3A_2291 : vector<16xf32>
      %mul3A_2293 = arith.constant 16 : i32
      %mul3A_2294 = arith.muli %add3A_2278, %mul3A_2293 : i32
      %get3A_2295 = arith.constant 2 : i32
      %get3A_2296 = arith.index_cast %get3A_2295 : i32 to index
      %get3A_2297 = arith.index_cast %mul3A_2294 : i32 to index
      %get3A_2298 = tpu.vector_load %arg8[%get3A_2296, %get3A_2297] {strides = array<i32>} : memref<26x512xf32, #tpu.memory_space<vmem>>, vector<16xf32>,
      %add3A_2299 = arith.addf %add3A_2292, %get3A_2298 : vector<16xf32>
      %mul3A_2300 = arith.constant 16 : i32
      %mul3A_2301 = arith.muli %add3A_2278, %mul3A_2300 : i32
      %get3A_2302 = arith.constant 3 : i32
      %get3A_2303 = arith.index_cast %get3A_2302 : i32 to index
      %get3A_2304 = arith.index_cast %mul3A_2301 : i32 to index
      %get3A_2305 = tpu.vector_load %arg8[%get3A_2303, %get3A_2304] {strides = array<i32>} : memref<26x512xf32, #tpu.memory_space<vmem>>, vector<16xf32>,
      %add3A_2306 = arith.addf %add3A_2299, %get3A_2305 : vector<16xf32>
      %mul3A_2307 = arith.constant 16 : i32
      %mul3A_2308 = arith.muli %add3A_2278, %mul3A_2307 : i32
      %get3A_2309 = arith.constant 4 : i32
      %get3A_2310 = arith.index_cast %get3A_2309 : i32 to index
      %get3A_2311 = arith.index_cast %mul3A_2308 : i32 to index
      %get3A_2312 = tpu.vector_load %arg8[%get3A_2310, %get3A_2311] {strides = array<i32>} : memref<26x512xf32, #tpu.memory_space<vmem>>, vector<16xf32>,
      %add3A_2313 = arith.addf %add3A_2306, %get3A_2312 : vector<16xf32>
      %mul3A_2314 = arith.constant 16 : i32
      %mul3A_2315 = arith.muli %add3A_2278, %mul3A_2314 : i32
      %get3A_2316 = arith.constant 5 : i32
      %get3A_2317 = arith.index_cast %get3A_2316 : i32 to index
      %get3A_2318 = arith.index_cast %mul3A_2315 : i32 to index
      %get3A_2319 = tpu.vector_load %arg8[%get3A_2317, %get3A_2318] {strides = array<i32>} : memref<26x512xf32, #tpu.memory_space<vmem>>, vector<16xf32>,
      %add3A_2320 = arith.addf %add3A_2313, %get3A_2319 : vector<16xf32>
      %mul3A_2321 = arith.constant 16 : i32
      %mul3A_2322 = arith.muli %add3A_2278, %mul3A_2321 : i32
      %get3A_2323 = arith.constant 6 : i32
      %get3A_2324 = arith.index_cast %get3A_2323 : i32 to index
      %get3A_2325 = arith.index_cast %mul3A_2322 : i32 to index
      %get3A_2326 = tpu.vector_load %arg8[%get3A_2324, %get3A_2325] {strides = array<i32>} : memref<26x512xf32, #tpu.memory_space<vmem>>, vector<16xf32>,
      %add3A_2327 = arith.addf %add3A_2320, %get3A_2326 : vector<16xf32>
      %mul3A_2328 = arith.constant 16 : i32
      %mul3A_2329 = arith.muli %add3A_2278, %mul3A_2328 : i32
      %get3A_2330 = arith.constant 7 : i32
      %get3A_2331 = arith.index_cast %get3A_2330 : i32 to index
      %get3A_2332 = arith.index_cast %mul3A_2329 : i32 to index
      %get3A_2333 = tpu.vector_load %arg8[%get3A_2331, %get3A_2332] {strides = array<i32>} : memref<26x512xf32, #tpu.memory_space<vmem>>, vector<16xf32>,
      %add3A_2334 = arith.addf %add3A_2327, %get3A_2333 : vector<16xf32>
      %mul3A_2335 = arith.constant 16 : i32
      %mul3A_2336 = arith.muli %add3A_2278, %mul3A_2335 : i32
      %get3A_2337 = arith.constant 8 : i32
      %get3A_2338 = arith.index_cast %get3A_2337 : i32 to index
      %get3A_2339 = arith.index_cast %mul3A_2336 : i32 to index
      %get3A_2340 = tpu.vector_load %arg8[%get3A_2338, %get3A_2339] {strides = array<i32>} : memref<26x512xf32, #tpu.memory_space<vmem>>, vector<16xf32>,
      %add3A_2341 = arith.addf %add3A_2334, %get3A_2340 : vector<16xf32>
      %mul3A_2342 = arith.constant 16 : i32
      %mul3A_2343 = arith.muli %add3A_2278, %mul3A_2342 : i32
      %get3A_2344 = arith.constant 9 : i32
      %get3A_2345 = arith.index_cast %get3A_2344 : i32 to index
      %get3A_2346 = arith.index_cast %mul3A_2343 : i32 to index
      %get3A_2347 = tpu.vector_load %arg8[%get3A_2345, %get3A_2346] {strides = array<i32>} : memref<26x512xf32, #tpu.memory_space<vmem>>, vector<16xf32>,
      %add3A_2348 = arith.addf %add3A_2341, %get3A_2347 : vector<16xf32>
      %mul3A_2349 = arith.constant 16 : i32
      %mul3A_2350 = arith.muli %add3A_2278, %mul3A_2349 : i32
      %get3A_2351 = arith.constant 10 : i32
      %get3A_2352 = arith.index_cast %get3A_2351 : i32 to index
      %get3A_2353 = arith.index_cast %mul3A_2350 : i32 to index
      %get3A_2354 = tpu.vector_load %arg8[%get3A_2352, %get3A_2353] {strides = array<i32>} : memref<26x512xf32, #tpu.memory_space<vmem>>, vector<16xf32>,
      %add3A_2355 = arith.addf %add3A_2348, %get3A_2354 : vector<16xf32>
      %mul3A_2356 = arith.constant 16 : i32
      %mul3A_2357 = arith.muli %add3A_2278, %mul3A_2356 : i32
      %get3A_2358 = arith.constant 11 : i32
      %get3A_2359 = arith.index_cast %get3A_2358 : i32 to index
      %get3A_2360 = arith.index_cast %mul3A_2357 : i32 to index
      %get3A_2361 = tpu.vector_load %arg8[%get3A_2359, %get3A_2360] {strides = array<i32>} : memref<26x512xf32, #tpu.memory_space<vmem>>, vector<16xf32>,
      %add3A_2362 = arith.addf %add3A_2355, %get3A_2361 : vector<16xf32>
      %mul3A_2363 = arith.constant 16 : i32
      %mul3A_2364 = arith.muli %add3A_2278, %mul3A_2363 : i32
      %get3A_2365 = arith.constant 12 : i32
      %get3A_2366 = arith.index_cast %get3A_2365 : i32 to index
      %get3A_2367 = arith.index_cast %mul3A_2364 : i32 to index
      %get3A_2368 = tpu.vector_load %arg8[%get3A_2366, %get3A_2367] {strides = array<i32>} : memref<26x512xf32, #tpu.memory_space<vmem>>, vector<16xf32>,
      %add3A_2369 = arith.addf %add3A_2362, %get3A_2368 : vector<16xf32>
      %mul3A_2370 = arith.constant 16 : i32
      %mul3A_2371 = arith.muli %add3A_2278, %mul3A_2370 : i32
      %get3A_2372 = arith.constant 13 : i32
      %get3A_2373 = arith.index_cast %get3A_2372 : i32 to index
      %get3A_2374 = arith.index_cast %mul3A_2371 : i32 to index
      %get3A_2375 = tpu.vector_load %arg8[%get3A_2373, %get3A_2374] {strides = array<i32>} : memref<26x512xf32, #tpu.memory_space<vmem>>, vector<16xf32>,
      %add3A_2376 = arith.addf %add3A_2369, %get3A_2375 : vector<16xf32>
      %mul3A_2377 = arith.constant 16 : i32
      %mul3A_2378 = arith.muli %add3A_2278, %mul3A_2377 : i32
      %get3A_2379 = arith.constant 14 : i32
      %get3A_2380 = arith.index_cast %get3A_2379 : i32 to index
      %get3A_2381 = arith.index_cast %mul3A_2378 : i32 to index
      %get3A_2382 = tpu.vector_load %arg8[%get3A_2380, %get3A_2381] {strides = array<i32>} : memref<26x512xf32, #tpu.memory_space<vmem>>, vector<16xf32>,
      %add3A_2383 = arith.addf %add3A_2376, %get3A_2382 : vector<16xf32>
      %mul3A_2384 = arith.constant 16 : i32
      %mul3A_2385 = arith.muli %add3A_2278, %mul3A_2384 : i32
      %get3A_2386 = arith.constant 15 : i32
      %get3A_2387 = arith.index_cast %get3A_2386 : i32 to index
      %get3A_2388 = arith.index_cast %mul3A_2385 : i32 to index
      %get3A_2389 = tpu.vector_load %arg8[%get3A_2387, %get3A_2388] {strides = array<i32>} : memref<26x512xf32, #tpu.memory_space<vmem>>, vector<16xf32>,
      %add3A_2390 = arith.addf %add3A_2383, %get3A_2389 : vector<16xf32>
      %mul3A_2391 = arith.constant 16 : i32
      %mul3A_2392 = arith.muli %add3A_2278, %mul3A_2391 : i32
      %get3A_2393 = arith.constant 16 : i32
      %get3A_2394 = arith.index_cast %get3A_2393 : i32 to index
      %get3A_2395 = arith.index_cast %mul3A_2392 : i32 to index
      %get3A_2396 = tpu.vector_load %arg8[%get3A_2394, %get3A_2395] {strides = array<i32>} : memref<26x512xf32, #tpu.memory_space<vmem>>, vector<16xf32>,
      %add3A_2397 = arith.addf %add3A_2390, %get3A_2396 : vector<16xf32>
      %mul3A_2398 = arith.constant 16 : i32
      %mul3A_2399 = arith.muli %add3A_2278, %mul3A_2398 : i32
      %get3A_2400 = arith.constant 17 : i32
      %get3A_2401 = arith.index_cast %get3A_2400 : i32 to index
      %get3A_2402 = arith.index_cast %mul3A_2399 : i32 to index
      %get3A_2403 = tpu.vector_load %arg8[%get3A_2401, %get3A_2402] {strides = array<i32>} : memref<26x512xf32, #tpu.memory_space<vmem>>, vector<16xf32>,
      %add3A_2404 = arith.addf %add3A_2397, %get3A_2403 : vector<16xf32>
      %mul3A_2405 = arith.constant 16 : i32
      %mul3A_2406 = arith.muli %add3A_2278, %mul3A_2405 : i32
      %get3A_2407 = arith.constant 18 : i32
      %get3A_2408 = arith.index_cast %get3A_2407 : i32 to index
      %get3A_2409 = arith.index_cast %mul3A_2406 : i32 to index
      %get3A_2410 = tpu.vector_load %arg8[%get3A_2408, %get3A_2409] {strides = array<i32>} : memref<26x512xf32, #tpu.memory_space<vmem>>, vector<16xf32>,
      %add3A_2411 = arith.addf %add3A_2404, %get3A_2410 : vector<16xf32>
      %mul3A_2412 = arith.constant 16 : i32
      %mul3A_2413 = arith.muli %add3A_2278, %mul3A_2412 : i32
      %get3A_2414 = arith.constant 19 : i32
      %get3A_2415 = arith.index_cast %get3A_2414 : i32 to index
      %get3A_2416 = arith.index_cast %mul3A_2413 : i32 to index
      %get3A_2417 = tpu.vector_load %arg8[%get3A_2415, %get3A_2416] {strides = array<i32>} : memref<26x512xf32, #tpu.memory_space<vmem>>, vector<16xf32>,
      %add3A_2418 = arith.addf %add3A_2411, %get3A_2417 : vector<16xf32>
      %mul3A_2419 = arith.constant 16 : i32
      %mul3A_2420 = arith.muli %add3A_2278, %mul3A_2419 : i32
      %get3A_2421 = arith.constant 20 : i32
      %get3A_2422 = arith.index_cast %get3A_2421 : i32 to index
      %get3A_2423 = arith.index_cast %mul3A_2420 : i32 to index
      %get3A_2424 = tpu.vector_load %arg8[%get3A_2422, %get3A_2423] {strides = array<i32>} : memref<26x512xf32, #tpu.memory_space<vmem>>, vector<16xf32>,
      %add3A_2425 = arith.addf %add3A_2418, %get3A_2424 : vector<16xf32>
      %mul3A_2426 = arith.constant 16 : i32
      %mul3A_2427 = arith.muli %add3A_2278, %mul3A_2426 : i32
      %get3A_2428 = arith.constant 21 : i32
      %get3A_2429 = arith.index_cast %get3A_2428 : i32 to index
      %get3A_2430 = arith.index_cast %mul3A_2427 : i32 to index
      %get3A_2431 = tpu.vector_load %arg8[%get3A_2429, %get3A_2430] {strides = array<i32>} : memref<26x512xf32, #tpu.memory_space<vmem>>, vector<16xf32>,
      %add3A_2432 = arith.addf %add3A_2425, %get3A_2431 : vector<16xf32>
      %mul3A_2433 = arith.constant 16 : i32
      %mul3A_2434 = arith.muli %add3A_2278, %mul3A_2433 : i32
      %get3A_2435 = arith.constant 22 : i32
      %get3A_2436 = arith.index_cast %get3A_2435 : i32 to index
      %get3A_2437 = arith.index_cast %mul3A_2434 : i32 to index
      %get3A_2438 = tpu.vector_load %arg8[%get3A_2436, %get3A_2437] {strides = array<i32>} : memref<26x512xf32, #tpu.memory_space<vmem>>, vector<16xf32>,
      %add3A_2439 = arith.addf %add3A_2432, %get3A_2438 : vector<16xf32>
      %mul3A_2440 = arith.constant 16 : i32
      %mul3A_2441 = arith.muli %add3A_2278, %mul3A_2440 : i32
      %get3A_2442 = arith.constant 23 : i32
      %get3A_2443 = arith.index_cast %get3A_2442 : i32 to index
      %get3A_2444 = arith.index_cast %mul3A_2441 : i32 to index
      %get3A_2445 = tpu.vector_load %arg8[%get3A_2443, %get3A_2444] {strides = array<i32>} : memref<26x512xf32, #tpu.memory_space<vmem>>, vector<16xf32>,
      %add3A_2446 = arith.addf %add3A_2439, %get3A_2445 : vector<16xf32>
      %mul3A_2447 = arith.constant 16 : i32
      %mul3A_2448 = arith.muli %add3A_2278, %mul3A_2447 : i32
      %get3A_2449 = arith.constant 24 : i32
      %get3A_2450 = arith.index_cast %get3A_2449 : i32 to index
      %get3A_2451 = arith.index_cast %mul3A_2448 : i32 to index
      %get3A_2452 = tpu.vector_load %arg8[%get3A_2450, %get3A_2451] {strides = array<i32>} : memref<26x512xf32, #tpu.memory_space<vmem>>, vector<16xf32>,
      %add3A_2453 = arith.addf %add3A_2446, %get3A_2452 : vector<16xf32>
      %mul3A_2454 = arith.constant 16 : i32
      %mul3A_2455 = arith.muli %add3A_2278, %mul3A_2454 : i32
      %get3A_2456 = arith.constant 25 : i32
      %get3A_2457 = arith.index_cast %get3A_2456 : i32 to index
      %get3A_2458 = arith.index_cast %mul3A_2455 : i32 to index
      %get3A_2459 = tpu.vector_load %arg8[%get3A_2457, %get3A_2458] {strides = array<i32>} : memref<26x512xf32, #tpu.memory_space<vmem>>, vector<16xf32>,
      %add3A_2460 = arith.addf %add3A_2453, %get3A_2459 : vector<16xf32>
      %mul3A_2461 = arith.constant 16 : i32
      %mul3A_2462 = arith.muli %add3A_2278, %mul3A_2461 : i32
      %get3A_2463 = arith.constant 0 : i32
      %get3A_2464 = arith.index_cast %get3A_2463 : i32 to index
      %get3A_2465 = arith.index_cast %mul3A_2462 : i32 to index
      %get3A_2466 = tpu.vector_load %arg9[%get3A_2464, %get3A_2465] {strides = array<i32>} : memref<13x512xf32, #tpu.memory_space<vmem>>, vector<16xf32>,
      %mul3A_2467 = arith.mulf %gather3A_1057, %get3A_2466 : vector<16xf32>
      %add3A_2468 = arith.addf %add3A_2460, %mul3A_2467 : vector<16xf32>
      %mul3A_2469 = arith.constant 16 : i32
      %mul3A_2470 = arith.muli %add3A_2278, %mul3A_2469 : i32
      %get3A_2471 = arith.constant 1 : i32
      %get3A_2472 = arith.index_cast %get3A_2471 : i32 to index
      %get3A_2473 = arith.index_cast %mul3A_2470 : i32 to index
      %get3A_2474 = tpu.vector_load %arg9[%get3A_2472, %get3A_2473] {strides = array<i32>} : memref<13x512xf32, #tpu.memory_space<vmem>>, vector<16xf32>,
      %mul3A_2475 = arith.mulf %gather3A_1069, %get3A_2474 : vector<16xf32>
      %add3A_2476 = arith.addf %add3A_2468, %mul3A_2475 : vector<16xf32>
      %mul3A_2477 = arith.constant 16 : i32
      %mul3A_2478 = arith.muli %add3A_2278, %mul3A_2477 : i32
      %get3A_2479 = arith.constant 2 : i32
      %get3A_2480 = arith.index_cast %get3A_2479 : i32 to index
      %get3A_2481 = arith.index_cast %mul3A_2478 : i32 to index
      %get3A_2482 = tpu.vector_load %arg9[%get3A_2480, %get3A_2481] {strides = array<i32>} : memref<13x512xf32, #tpu.memory_space<vmem>>, vector<16xf32>,
      %mul3A_2483 = arith.mulf %gather3A_1081, %get3A_2482 : vector<16xf32>
      %add3A_2484 = arith.addf %add3A_2476, %mul3A_2483 : vector<16xf32>
      %mul3A_2485 = arith.constant 16 : i32
      %mul3A_2486 = arith.muli %add3A_2278, %mul3A_2485 : i32
      %get3A_2487 = arith.constant 3 : i32
      %get3A_2488 = arith.index_cast %get3A_2487 : i32 to index
      %get3A_2489 = arith.index_cast %mul3A_2486 : i32 to index
      %get3A_2490 = tpu.vector_load %arg9[%get3A_2488, %get3A_2489] {strides = array<i32>} : memref<13x512xf32, #tpu.memory_space<vmem>>, vector<16xf32>,
      %mul3A_2491 = arith.mulf %gather3A_1093, %get3A_2490 : vector<16xf32>
      %add3A_2492 = arith.addf %add3A_2484, %mul3A_2491 : vector<16xf32>
      %mul3A_2493 = arith.constant 16 : i32
      %mul3A_2494 = arith.muli %add3A_2278, %mul3A_2493 : i32
      %get3A_2495 = arith.constant 4 : i32
      %get3A_2496 = arith.index_cast %get3A_2495 : i32 to index
      %get3A_2497 = arith.index_cast %mul3A_2494 : i32 to index
      %get3A_2498 = tpu.vector_load %arg9[%get3A_2496, %get3A_2497] {strides = array<i32>} : memref<13x512xf32, #tpu.memory_space<vmem>>, vector<16xf32>,
      %mul3A_2499 = arith.mulf %gather3A_1105, %get3A_2498 : vector<16xf32>
      %add3A_2500 = arith.addf %add3A_2492, %mul3A_2499 : vector<16xf32>
      %mul3A_2501 = arith.constant 16 : i32
      %mul3A_2502 = arith.muli %add3A_2278, %mul3A_2501 : i32
      %get3A_2503 = arith.constant 5 : i32
      %get3A_2504 = arith.index_cast %get3A_2503 : i32 to index
      %get3A_2505 = arith.index_cast %mul3A_2502 : i32 to index
      %get3A_2506 = tpu.vector_load %arg9[%get3A_2504, %get3A_2505] {strides = array<i32>} : memref<13x512xf32, #tpu.memory_space<vmem>>, vector<16xf32>,
      %mul3A_2507 = arith.mulf %gather3A_1117, %get3A_2506 : vector<16xf32>
      %add3A_2508 = arith.addf %add3A_2500, %mul3A_2507 : vector<16xf32>
      %mul3A_2509 = arith.constant 16 : i32
      %mul3A_2510 = arith.muli %add3A_2278, %mul3A_2509 : i32
      %get3A_2511 = arith.constant 6 : i32
      %get3A_2512 = arith.index_cast %get3A_2511 : i32 to index
      %get3A_2513 = arith.index_cast %mul3A_2510 : i32 to index
      %get3A_2514 = tpu.vector_load %arg9[%get3A_2512, %get3A_2513] {strides = array<i32>} : memref<13x512xf32, #tpu.memory_space<vmem>>, vector<16xf32>,
      %mul3A_2515 = arith.mulf %gather3A_1129, %get3A_2514 : vector<16xf32>
      %add3A_2516 = arith.addf %add3A_2508, %mul3A_2515 : vector<16xf32>
      %mul3A_2517 = arith.constant 16 : i32
      %mul3A_2518 = arith.muli %add3A_2278, %mul3A_2517 : i32
      %get3A_2519 = arith.constant 7 : i32
      %get3A_2520 = arith.index_cast %get3A_2519 : i32 to index
      %get3A_2521 = arith.index_cast %mul3A_2518 : i32 to index
      %get3A_2522 = tpu.vector_load %arg9[%get3A_2520, %get3A_2521] {strides = array<i32>} : memref<13x512xf32, #tpu.memory_space<vmem>>, vector<16xf32>,
      %mul3A_2523 = arith.mulf %gather3A_1141, %get3A_2522 : vector<16xf32>
      %add3A_2524 = arith.addf %add3A_2516, %mul3A_2523 : vector<16xf32>
      %mul3A_2525 = arith.constant 16 : i32
      %mul3A_2526 = arith.muli %add3A_2278, %mul3A_2525 : i32
      %get3A_2527 = arith.constant 8 : i32
      %get3A_2528 = arith.index_cast %get3A_2527 : i32 to index
      %get3A_2529 = arith.index_cast %mul3A_2526 : i32 to index
      %get3A_2530 = tpu.vector_load %arg9[%get3A_2528, %get3A_2529] {strides = array<i32>} : memref<13x512xf32, #tpu.memory_space<vmem>>, vector<16xf32>,
      %mul3A_2531 = arith.mulf %gather3A_1153, %get3A_2530 : vector<16xf32>
      %add3A_2532 = arith.addf %add3A_2524, %mul3A_2531 : vector<16xf32>
      %mul3A_2533 = arith.constant 16 : i32
      %mul3A_2534 = arith.muli %add3A_2278, %mul3A_2533 : i32
      %get3A_2535 = arith.constant 9 : i32
      %get3A_2536 = arith.index_cast %get3A_2535 : i32 to index
      %get3A_2537 = arith.index_cast %mul3A_2534 : i32 to index
      %get3A_2538 = tpu.vector_load %arg9[%get3A_2536, %get3A_2537] {strides = array<i32>} : memref<13x512xf32, #tpu.memory_space<vmem>>, vector<16xf32>,
      %mul3A_2539 = arith.mulf %gather3A_1165, %get3A_2538 : vector<16xf32>
      %add3A_2540 = arith.addf %add3A_2532, %mul3A_2539 : vector<16xf32>
      %mul3A_2541 = arith.constant 16 : i32
      %mul3A_2542 = arith.muli %add3A_2278, %mul3A_2541 : i32
      %get3A_2543 = arith.constant 10 : i32
      %get3A_2544 = arith.index_cast %get3A_2543 : i32 to index
      %get3A_2545 = arith.index_cast %mul3A_2542 : i32 to index
      %get3A_2546 = tpu.vector_load %arg9[%get3A_2544, %get3A_2545] {strides = array<i32>} : memref<13x512xf32, #tpu.memory_space<vmem>>, vector<16xf32>,
      %mul3A_2547 = arith.mulf %gather3A_1177, %get3A_2546 : vector<16xf32>
      %add3A_2548 = arith.addf %add3A_2540, %mul3A_2547 : vector<16xf32>
      %mul3A_2549 = arith.constant 16 : i32
      %mul3A_2550 = arith.muli %add3A_2278, %mul3A_2549 : i32
      %get3A_2551 = arith.constant 11 : i32
      %get3A_2552 = arith.index_cast %get3A_2551 : i32 to index
      %get3A_2553 = arith.index_cast %mul3A_2550 : i32 to index
      %get3A_2554 = tpu.vector_load %arg9[%get3A_2552, %get3A_2553] {strides = array<i32>} : memref<13x512xf32, #tpu.memory_space<vmem>>, vector<16xf32>,
      %mul3A_2555 = arith.mulf %gather3A_1189, %get3A_2554 : vector<16xf32>
      %add3A_2556 = arith.addf %add3A_2548, %mul3A_2555 : vector<16xf32>
      %mul3A_2557 = arith.constant 16 : i32
      %mul3A_2558 = arith.muli %add3A_2278, %mul3A_2557 : i32
      %get3A_2559 = arith.constant 12 : i32
      %get3A_2560 = arith.index_cast %get3A_2559 : i32 to index
      %get3A_2561 = arith.index_cast %mul3A_2558 : i32 to index
      %get3A_2562 = tpu.vector_load %arg9[%get3A_2560, %get3A_2561] {strides = array<i32>} : memref<13x512xf32, #tpu.memory_space<vmem>>, vector<16xf32>,
      %mul3A_2563 = arith.mulf %gather3A_1201, %get3A_2562 : vector<16xf32>
      %add3A_2564 = arith.addf %add3A_2556, %mul3A_2563 : vector<16xf32>
      %mul3A_2565 = arith.constant 16 : i32
      %mul3A_2566 = arith.muli %add3A_2278, %mul3A_2565 : i32
      %swap3A = arith.index_cast %mul3A_2566 : i32 to index
      %swap3A_2567 = tpu.vector_load %arg11[%swap3A] {strides = array<i32>} : memref<512xf32, #tpu.memory_space<vmem>>, vector<16xf32>,
      tpu.vector_store %arg11[%swap3A], %add3A_2564 {strides = array<i32>} : memref<512xf32, #tpu.memory_space<vmem>>, vector<16xf32>,
    }
    %scan3A_1741 = arith.constant 8 : i32
    %dma_wait3A_1742 = arith.constant 0 : i32
    %dma_wait3A_1743 = arith.constant 0 : i32
    %dma_wait3A_1744 = arith.constant 256 : i32
    %dma_wait3A_1745 = tpu.memref_slice %arg8[%dma_wait3A_1743, %dma_wait3A_1744] : memref<26x512xf32, #tpu.memory_space<vmem>> -> memref<1x128xf32, #tpu.memory_space<vmem>>
    %dma_wait3A_1746 = tpu.memref_squeeze %dma_wait3A_1745 : memref<1x128xf32, #tpu.memory_space<vmem>> -> memref<128xf32, #tpu.memory_space<vmem>>
    %dma_wait3A_1747 = arith.constant 256 : i32
    %dma_wait3A_1748 = tpu.memref_slice %arg7[%dma_wait3A_1742, %dma_wait3A_1747] : memref<26x512xi32, #tpu.memory_space<vmem>> -> memref<1x128xi32, #tpu.memory_space<vmem>>
    %dma_wait3A_1749 = tpu.memref_squeeze %dma_wait3A_1748 : memref<1x128xi32, #tpu.memory_space<vmem>> -> memref<128xi32, #tpu.memory_space<vmem>>
    %dma_wait3A_1750 = arith.constant 0 : i32
    %dma_wait3A_1751 = tpu.memref_slice %arg2[%dma_wait3A_1750] : memref<1000000xf32, #tpu.memory_space<hbm>> -> memref<1000000xf32, #tpu.memory_space<hbm>>
    tpu.wait_indirect_dma semaphore(%arg14 : memref<!tpu.dma_semaphore, #tpu.memory_space<semaphore_mem>>) src(%dma_wait3A_1751 : memref<1000000xf32, #tpu.memory_space<hbm>>) dst(%dma_wait3A_1746 : memref<128xf32, #tpu.memory_space<vmem>>)
    %dma_wait3A_1752 = arith.constant 1 : i32
    %dma_wait3A_1753 = arith.constant 1 : i32
    %dma_wait3A_1754 = arith.constant 256 : i32
    %dma_wait3A_1755 = tpu.memref_slice %arg8[%dma_wait3A_1753, %dma_wait3A_1754] : memref<26x512xf32, #tpu.memory_space<vmem>> -> memref<1x128xf32, #tpu.memory_space<vmem>>
    %dma_wait3A_1756 = tpu.memref_squeeze %dma_wait3A_1755 : memref<1x128xf32, #tpu.memory_space<vmem>> -> memref<128xf32, #tpu.memory_space<vmem>>
    %dma_wait3A_1757 = arith.constant 256 : i32
    %dma_wait3A_1758 = tpu.memref_slice %arg7[%dma_wait3A_1752, %dma_wait3A_1757] : memref<26x512xi32, #tpu.memory_space<vmem>> -> memref<1x128xi32, #tpu.memory_space<vmem>>
    %dma_wait3A_1759 = tpu.memref_squeeze %dma_wait3A_1758 : memref<1x128xi32, #tpu.memory_space<vmem>> -> memref<128xi32, #tpu.memory_space<vmem>>
    %dma_wait3A_1760 = arith.constant 0 : i32
    %dma_wait3A_1761 = tpu.memref_slice %arg2[%dma_wait3A_1760] : memref<1000000xf32, #tpu.memory_space<hbm>> -> memref<1000000xf32, #tpu.memory_space<hbm>>
    tpu.wait_indirect_dma semaphore(%arg14 : memref<!tpu.dma_semaphore, #tpu.memory_space<semaphore_mem>>) src(%dma_wait3A_1761 : memref<1000000xf32, #tpu.memory_space<hbm>>) dst(%dma_wait3A_1756 : memref<128xf32, #tpu.memory_space<vmem>>)
    %dma_wait3A_1762 = arith.constant 2 : i32
    %dma_wait3A_1763 = arith.constant 2 : i32
    %dma_wait3A_1764 = arith.constant 256 : i32
    %dma_wait3A_1765 = tpu.memref_slice %arg8[%dma_wait3A_1763, %dma_wait3A_1764] : memref<26x512xf32, #tpu.memory_space<vmem>> -> memref<1x128xf32, #tpu.memory_space<vmem>>
    %dma_wait3A_1766 = tpu.memref_squeeze %dma_wait3A_1765 : memref<1x128xf32, #tpu.memory_space<vmem>> -> memref<128xf32, #tpu.memory_space<vmem>>
    %dma_wait3A_1767 = arith.constant 256 : i32
    %dma_wait3A_1768 = tpu.memref_slice %arg7[%dma_wait3A_1762, %dma_wait3A_1767] : memref<26x512xi32, #tpu.memory_space<vmem>> -> memref<1x128xi32, #tpu.memory_space<vmem>>
    %dma_wait3A_1769 = tpu.memref_squeeze %dma_wait3A_1768 : memref<1x128xi32, #tpu.memory_space<vmem>> -> memref<128xi32, #tpu.memory_space<vmem>>
    %dma_wait3A_1770 = arith.constant 0 : i32
    %dma_wait3A_1771 = tpu.memref_slice %arg2[%dma_wait3A_1770] : memref<1000000xf32, #tpu.memory_space<hbm>> -> memref<1000000xf32, #tpu.memory_space<hbm>>
    tpu.wait_indirect_dma semaphore(%arg14 : memref<!tpu.dma_semaphore, #tpu.memory_space<semaphore_mem>>) src(%dma_wait3A_1771 : memref<1000000xf32, #tpu.memory_space<hbm>>) dst(%dma_wait3A_1766 : memref<128xf32, #tpu.memory_space<vmem>>)
    %dma_wait3A_1772 = arith.constant 3 : i32
    %dma_wait3A_1773 = arith.constant 3 : i32
    %dma_wait3A_1774 = arith.constant 256 : i32
    %dma_wait3A_1775 = tpu.memref_slice %arg8[%dma_wait3A_1773, %dma_wait3A_1774] : memref<26x512xf32, #tpu.memory_space<vmem>> -> memref<1x128xf32, #tpu.memory_space<vmem>>
    %dma_wait3A_1776 = tpu.memref_squeeze %dma_wait3A_1775 : memref<1x128xf32, #tpu.memory_space<vmem>> -> memref<128xf32, #tpu.memory_space<vmem>>
    %dma_wait3A_1777 = arith.constant 256 : i32
    %dma_wait3A_1778 = tpu.memref_slice %arg7[%dma_wait3A_1772, %dma_wait3A_1777] : memref<26x512xi32, #tpu.memory_space<vmem>> -> memref<1x128xi32, #tpu.memory_space<vmem>>
    %dma_wait3A_1779 = tpu.memref_squeeze %dma_wait3A_1778 : memref<1x128xi32, #tpu.memory_space<vmem>> -> memref<128xi32, #tpu.memory_space<vmem>>
    %dma_wait3A_1780 = arith.constant 0 : i32
    %dma_wait3A_1781 = tpu.memref_slice %arg2[%dma_wait3A_1780] : memref<1000000xf32, #tpu.memory_space<hbm>> -> memref<1000000xf32, #tpu.memory_space<hbm>>
    tpu.wait_indirect_dma semaphore(%arg14 : memref<!tpu.dma_semaphore, #tpu.memory_space<semaphore_mem>>) src(%dma_wait3A_1781 : memref<1000000xf32, #tpu.memory_space<hbm>>) dst(%dma_wait3A_1776 : memref<128xf32, #tpu.memory_space<vmem>>)
    %dma_wait3A_1782 = arith.constant 4 : i32
    %dma_wait3A_1783 = arith.constant 4 : i32
    %dma_wait3A_1784 = arith.constant 256 : i32
    %dma_wait3A_1785 = tpu.memref_slice %arg8[%dma_wait3A_1783, %dma_wait3A_1784] : memref<26x512xf32, #tpu.memory_space<vmem>> -> memref<1x128xf32, #tpu.memory_space<vmem>>
    %dma_wait3A_1786 = tpu.memref_squeeze %dma_wait3A_1785 : memref<1x128xf32, #tpu.memory_space<vmem>> -> memref<128xf32, #tpu.memory_space<vmem>>
    %dma_wait3A_1787 = arith.constant 256 : i32
    %dma_wait3A_1788 = tpu.memref_slice %arg7[%dma_wait3A_1782, %dma_wait3A_1787] : memref<26x512xi32, #tpu.memory_space<vmem>> -> memref<1x128xi32, #tpu.memory_space<vmem>>
    %dma_wait3A_1789 = tpu.memref_squeeze %dma_wait3A_1788 : memref<1x128xi32, #tpu.memory_space<vmem>> -> memref<128xi32, #tpu.memory_space<vmem>>
    %dma_wait3A_1790 = arith.constant 0 : i32
    %dma_wait3A_1791 = tpu.memref_slice %arg2[%dma_wait3A_1790] : memref<1000000xf32, #tpu.memory_space<hbm>> -> memref<1000000xf32, #tpu.memory_space<hbm>>
    tpu.wait_indirect_dma semaphore(%arg14 : memref<!tpu.dma_semaphore, #tpu.memory_space<semaphore_mem>>) src(%dma_wait3A_1791 : memref<1000000xf32, #tpu.memory_space<hbm>>) dst(%dma_wait3A_1786 : memref<128xf32, #tpu.memory_space<vmem>>)
    %dma_wait3A_1792 = arith.constant 5 : i32
    %dma_wait3A_1793 = arith.constant 5 : i32
    %dma_wait3A_1794 = arith.constant 256 : i32
    %dma_wait3A_1795 = tpu.memref_slice %arg8[%dma_wait3A_1793, %dma_wait3A_1794] : memref<26x512xf32, #tpu.memory_space<vmem>> -> memref<1x128xf32, #tpu.memory_space<vmem>>
    %dma_wait3A_1796 = tpu.memref_squeeze %dma_wait3A_1795 : memref<1x128xf32, #tpu.memory_space<vmem>> -> memref<128xf32, #tpu.memory_space<vmem>>
    %dma_wait3A_1797 = arith.constant 256 : i32
    %dma_wait3A_1798 = tpu.memref_slice %arg7[%dma_wait3A_1792, %dma_wait3A_1797] : memref<26x512xi32, #tpu.memory_space<vmem>> -> memref<1x128xi32, #tpu.memory_space<vmem>>
    %dma_wait3A_1799 = tpu.memref_squeeze %dma_wait3A_1798 : memref<1x128xi32, #tpu.memory_space<vmem>> -> memref<128xi32, #tpu.memory_space<vmem>>
    %dma_wait3A_1800 = arith.constant 0 : i32
    %dma_wait3A_1801 = tpu.memref_slice %arg2[%dma_wait3A_1800] : memref<1000000xf32, #tpu.memory_space<hbm>> -> memref<1000000xf32, #tpu.memory_space<hbm>>
    tpu.wait_indirect_dma semaphore(%arg14 : memref<!tpu.dma_semaphore, #tpu.memory_space<semaphore_mem>>) src(%dma_wait3A_1801 : memref<1000000xf32, #tpu.memory_space<hbm>>) dst(%dma_wait3A_1796 : memref<128xf32, #tpu.memory_space<vmem>>)
    %dma_wait3A_1802 = arith.constant 6 : i32
    %dma_wait3A_1803 = arith.constant 6 : i32
    %dma_wait3A_1804 = arith.constant 256 : i32
    %dma_wait3A_1805 = tpu.memref_slice %arg8[%dma_wait3A_1803, %dma_wait3A_1804] : memref<26x512xf32, #tpu.memory_space<vmem>> -> memref<1x128xf32, #tpu.memory_space<vmem>>
    %dma_wait3A_1806 = tpu.memref_squeeze %dma_wait3A_1805 : memref<1x128xf32, #tpu.memory_space<vmem>> -> memref<128xf32, #tpu.memory_space<vmem>>
    %dma_wait3A_1807 = arith.constant 256 : i32
    %dma_wait3A_1808 = tpu.memref_slice %arg7[%dma_wait3A_1802, %dma_wait3A_1807] : memref<26x512xi32, #tpu.memory_space<vmem>> -> memref<1x128xi32, #tpu.memory_space<vmem>>
    %dma_wait3A_1809 = tpu.memref_squeeze %dma_wait3A_1808 : memref<1x128xi32, #tpu.memory_space<vmem>> -> memref<128xi32, #tpu.memory_space<vmem>>
    %dma_wait3A_1810 = arith.constant 0 : i32
    %dma_wait3A_1811 = tpu.memref_slice %arg2[%dma_wait3A_1810] : memref<1000000xf32, #tpu.memory_space<hbm>> -> memref<1000000xf32, #tpu.memory_space<hbm>>
    tpu.wait_indirect_dma semaphore(%arg14 : memref<!tpu.dma_semaphore, #tpu.memory_space<semaphore_mem>>) src(%dma_wait3A_1811 : memref<1000000xf32, #tpu.memory_space<hbm>>) dst(%dma_wait3A_1806 : memref<128xf32, #tpu.memory_space<vmem>>)
    %dma_wait3A_1812 = arith.constant 7 : i32
    %dma_wait3A_1813 = arith.constant 7 : i32
    %dma_wait3A_1814 = arith.constant 256 : i32
    %dma_wait3A_1815 = tpu.memref_slice %arg8[%dma_wait3A_1813, %dma_wait3A_1814] : memref<26x512xf32, #tpu.memory_space<vmem>> -> memref<1x128xf32, #tpu.memory_space<vmem>>
    %dma_wait3A_1816 = tpu.memref_squeeze %dma_wait3A_1815 : memref<1x128xf32, #tpu.memory_space<vmem>> -> memref<128xf32, #tpu.memory_space<vmem>>
    %dma_wait3A_1817 = arith.constant 256 : i32
    %dma_wait3A_1818 = tpu.memref_slice %arg7[%dma_wait3A_1812, %dma_wait3A_1817] : memref<26x512xi32, #tpu.memory_space<vmem>> -> memref<1x128xi32, #tpu.memory_space<vmem>>
    %dma_wait3A_1819 = tpu.memref_squeeze %dma_wait3A_1818 : memref<1x128xi32, #tpu.memory_space<vmem>> -> memref<128xi32, #tpu.memory_space<vmem>>
    %dma_wait3A_1820 = arith.constant 0 : i32
    %dma_wait3A_1821 = tpu.memref_slice %arg2[%dma_wait3A_1820] : memref<1000000xf32, #tpu.memory_space<hbm>> -> memref<1000000xf32, #tpu.memory_space<hbm>>
    tpu.wait_indirect_dma semaphore(%arg14 : memref<!tpu.dma_semaphore, #tpu.memory_space<semaphore_mem>>) src(%dma_wait3A_1821 : memref<1000000xf32, #tpu.memory_space<hbm>>) dst(%dma_wait3A_1816 : memref<128xf32, #tpu.memory_space<vmem>>)
    %dma_wait3A_1822 = arith.constant 8 : i32
    %dma_wait3A_1823 = arith.constant 8 : i32
    %dma_wait3A_1824 = arith.constant 256 : i32
    %dma_wait3A_1825 = tpu.memref_slice %arg8[%dma_wait3A_1823, %dma_wait3A_1824] : memref<26x512xf32, #tpu.memory_space<vmem>> -> memref<1x128xf32, #tpu.memory_space<vmem>>
    %dma_wait3A_1826 = tpu.memref_squeeze %dma_wait3A_1825 : memref<1x128xf32, #tpu.memory_space<vmem>> -> memref<128xf32, #tpu.memory_space<vmem>>
    %dma_wait3A_1827 = arith.constant 256 : i32
    %dma_wait3A_1828 = tpu.memref_slice %arg7[%dma_wait3A_1822, %dma_wait3A_1827] : memref<26x512xi32, #tpu.memory_space<vmem>> -> memref<1x128xi32, #tpu.memory_space<vmem>>
    %dma_wait3A_1829 = tpu.memref_squeeze %dma_wait3A_1828 : memref<1x128xi32, #tpu.memory_space<vmem>> -> memref<128xi32, #tpu.memory_space<vmem>>
    %dma_wait3A_1830 = arith.constant 0 : i32
    %dma_wait3A_1831 = tpu.memref_slice %arg2[%dma_wait3A_1830] : memref<1000000xf32, #tpu.memory_space<hbm>> -> memref<1000000xf32, #tpu.memory_space<hbm>>
    tpu.wait_indirect_dma semaphore(%arg14 : memref<!tpu.dma_semaphore, #tpu.memory_space<semaphore_mem>>) src(%dma_wait3A_1831 : memref<1000000xf32, #tpu.memory_space<hbm>>) dst(%dma_wait3A_1826 : memref<128xf32, #tpu.memory_space<vmem>>)
    %dma_wait3A_1832 = arith.constant 9 : i32
    %dma_wait3A_1833 = arith.constant 9 : i32
    %dma_wait3A_1834 = arith.constant 256 : i32
    %dma_wait3A_1835 = tpu.memref_slice %arg8[%dma_wait3A_1833, %dma_wait3A_1834] : memref<26x512xf32, #tpu.memory_space<vmem>> -> memref<1x128xf32, #tpu.memory_space<vmem>>
    %dma_wait3A_1836 = tpu.memref_squeeze %dma_wait3A_1835 : memref<1x128xf32, #tpu.memory_space<vmem>> -> memref<128xf32, #tpu.memory_space<vmem>>
    %dma_wait3A_1837 = arith.constant 256 : i32
    %dma_wait3A_1838 = tpu.memref_slice %arg7[%dma_wait3A_1832, %dma_wait3A_1837] : memref<26x512xi32, #tpu.memory_space<vmem>> -> memref<1x128xi32, #tpu.memory_space<vmem>>
    %dma_wait3A_1839 = tpu.memref_squeeze %dma_wait3A_1838 : memref<1x128xi32, #tpu.memory_space<vmem>> -> memref<128xi32, #tpu.memory_space<vmem>>
    %dma_wait3A_1840 = arith.constant 0 : i32
    %dma_wait3A_1841 = tpu.memref_slice %arg2[%dma_wait3A_1840] : memref<1000000xf32, #tpu.memory_space<hbm>> -> memref<1000000xf32, #tpu.memory_space<hbm>>
    tpu.wait_indirect_dma semaphore(%arg14 : memref<!tpu.dma_semaphore, #tpu.memory_space<semaphore_mem>>) src(%dma_wait3A_1841 : memref<1000000xf32, #tpu.memory_space<hbm>>) dst(%dma_wait3A_1836 : memref<128xf32, #tpu.memory_space<vmem>>)
    %dma_wait3A_1842 = arith.constant 10 : i32
    %dma_wait3A_1843 = arith.constant 10 : i32
    %dma_wait3A_1844 = arith.constant 256 : i32
    %dma_wait3A_1845 = tpu.memref_slice %arg8[%dma_wait3A_1843, %dma_wait3A_1844] : memref<26x512xf32, #tpu.memory_space<vmem>> -> memref<1x128xf32, #tpu.memory_space<vmem>>
    %dma_wait3A_1846 = tpu.memref_squeeze %dma_wait3A_1845 : memref<1x128xf32, #tpu.memory_space<vmem>> -> memref<128xf32, #tpu.memory_space<vmem>>
    %dma_wait3A_1847 = arith.constant 256 : i32
    %dma_wait3A_1848 = tpu.memref_slice %arg7[%dma_wait3A_1842, %dma_wait3A_1847] : memref<26x512xi32, #tpu.memory_space<vmem>> -> memref<1x128xi32, #tpu.memory_space<vmem>>
    %dma_wait3A_1849 = tpu.memref_squeeze %dma_wait3A_1848 : memref<1x128xi32, #tpu.memory_space<vmem>> -> memref<128xi32, #tpu.memory_space<vmem>>
    %dma_wait3A_1850 = arith.constant 0 : i32
    %dma_wait3A_1851 = tpu.memref_slice %arg2[%dma_wait3A_1850] : memref<1000000xf32, #tpu.memory_space<hbm>> -> memref<1000000xf32, #tpu.memory_space<hbm>>
    tpu.wait_indirect_dma semaphore(%arg14 : memref<!tpu.dma_semaphore, #tpu.memory_space<semaphore_mem>>) src(%dma_wait3A_1851 : memref<1000000xf32, #tpu.memory_space<hbm>>) dst(%dma_wait3A_1846 : memref<128xf32, #tpu.memory_space<vmem>>)
    %dma_wait3A_1852 = arith.constant 11 : i32
    %dma_wait3A_1853 = arith.constant 11 : i32
    %dma_wait3A_1854 = arith.constant 256 : i32
    %dma_wait3A_1855 = tpu.memref_slice %arg8[%dma_wait3A_1853, %dma_wait3A_1854] : memref<26x512xf32, #tpu.memory_space<vmem>> -> memref<1x128xf32, #tpu.memory_space<vmem>>
    %dma_wait3A_1856 = tpu.memref_squeeze %dma_wait3A_1855 : memref<1x128xf32, #tpu.memory_space<vmem>> -> memref<128xf32, #tpu.memory_space<vmem>>
    %dma_wait3A_1857 = arith.constant 256 : i32
    %dma_wait3A_1858 = tpu.memref_slice %arg7[%dma_wait3A_1852, %dma_wait3A_1857] : memref<26x512xi32, #tpu.memory_space<vmem>> -> memref<1x128xi32, #tpu.memory_space<vmem>>
    %dma_wait3A_1859 = tpu.memref_squeeze %dma_wait3A_1858 : memref<1x128xi32, #tpu.memory_space<vmem>> -> memref<128xi32, #tpu.memory_space<vmem>>
    %dma_wait3A_1860 = arith.constant 0 : i32
    %dma_wait3A_1861 = tpu.memref_slice %arg2[%dma_wait3A_1860] : memref<1000000xf32, #tpu.memory_space<hbm>> -> memref<1000000xf32, #tpu.memory_space<hbm>>
    tpu.wait_indirect_dma semaphore(%arg14 : memref<!tpu.dma_semaphore, #tpu.memory_space<semaphore_mem>>) src(%dma_wait3A_1861 : memref<1000000xf32, #tpu.memory_space<hbm>>) dst(%dma_wait3A_1856 : memref<128xf32, #tpu.memory_space<vmem>>)
    %dma_wait3A_1862 = arith.constant 12 : i32
    %dma_wait3A_1863 = arith.constant 12 : i32
    %dma_wait3A_1864 = arith.constant 256 : i32
    %dma_wait3A_1865 = tpu.memref_slice %arg8[%dma_wait3A_1863, %dma_wait3A_1864] : memref<26x512xf32, #tpu.memory_space<vmem>> -> memref<1x128xf32, #tpu.memory_space<vmem>>
    %dma_wait3A_1866 = tpu.memref_squeeze %dma_wait3A_1865 : memref<1x128xf32, #tpu.memory_space<vmem>> -> memref<128xf32, #tpu.memory_space<vmem>>
    %dma_wait3A_1867 = arith.constant 256 : i32
    %dma_wait3A_1868 = tpu.memref_slice %arg7[%dma_wait3A_1862, %dma_wait3A_1867] : memref<26x512xi32, #tpu.memory_space<vmem>> -> memref<1x128xi32, #tpu.memory_space<vmem>>
    %dma_wait3A_1869 = tpu.memref_squeeze %dma_wait3A_1868 : memref<1x128xi32, #tpu.memory_space<vmem>> -> memref<128xi32, #tpu.memory_space<vmem>>
    %dma_wait3A_1870 = arith.constant 0 : i32
    %dma_wait3A_1871 = tpu.memref_slice %arg2[%dma_wait3A_1870] : memref<1000000xf32, #tpu.memory_space<hbm>> -> memref<1000000xf32, #tpu.memory_space<hbm>>
    tpu.wait_indirect_dma semaphore(%arg14 : memref<!tpu.dma_semaphore, #tpu.memory_space<semaphore_mem>>) src(%dma_wait3A_1871 : memref<1000000xf32, #tpu.memory_space<hbm>>) dst(%dma_wait3A_1866 : memref<128xf32, #tpu.memory_space<vmem>>)
    %dma_wait3A_1872 = arith.constant 13 : i32
    %dma_wait3A_1873 = arith.constant 13 : i32
    %dma_wait3A_1874 = arith.constant 256 : i32
    %dma_wait3A_1875 = tpu.memref_slice %arg8[%dma_wait3A_1873, %dma_wait3A_1874] : memref<26x512xf32, #tpu.memory_space<vmem>> -> memref<1x128xf32, #tpu.memory_space<vmem>>
    %dma_wait3A_1876 = tpu.memref_squeeze %dma_wait3A_1875 : memref<1x128xf32, #tpu.memory_space<vmem>> -> memref<128xf32, #tpu.memory_space<vmem>>
    %dma_wait3A_1877 = arith.constant 256 : i32
    %dma_wait3A_1878 = tpu.memref_slice %arg7[%dma_wait3A_1872, %dma_wait3A_1877] : memref<26x512xi32, #tpu.memory_space<vmem>> -> memref<1x128xi32, #tpu.memory_space<vmem>>
    %dma_wait3A_1879 = tpu.memref_squeeze %dma_wait3A_1878 : memref<1x128xi32, #tpu.memory_space<vmem>> -> memref<128xi32, #tpu.memory_space<vmem>>
    %dma_wait3A_1880 = arith.constant 0 : i32
    %dma_wait3A_1881 = tpu.memref_slice %arg2[%dma_wait3A_1880] : memref<1000000xf32, #tpu.memory_space<hbm>> -> memref<1000000xf32, #tpu.memory_space<hbm>>
    tpu.wait_indirect_dma semaphore(%arg14 : memref<!tpu.dma_semaphore, #tpu.memory_space<semaphore_mem>>) src(%dma_wait3A_1881 : memref<1000000xf32, #tpu.memory_space<hbm>>) dst(%dma_wait3A_1876 : memref<128xf32, #tpu.memory_space<vmem>>)
    %dma_wait3A_1882 = arith.constant 14 : i32
    %dma_wait3A_1883 = arith.constant 14 : i32
    %dma_wait3A_1884 = arith.constant 256 : i32
    %dma_wait3A_1885 = tpu.memref_slice %arg8[%dma_wait3A_1883, %dma_wait3A_1884] : memref<26x512xf32, #tpu.memory_space<vmem>> -> memref<1x128xf32, #tpu.memory_space<vmem>>
    %dma_wait3A_1886 = tpu.memref_squeeze %dma_wait3A_1885 : memref<1x128xf32, #tpu.memory_space<vmem>> -> memref<128xf32, #tpu.memory_space<vmem>>
    %dma_wait3A_1887 = arith.constant 256 : i32
    %dma_wait3A_1888 = tpu.memref_slice %arg7[%dma_wait3A_1882, %dma_wait3A_1887] : memref<26x512xi32, #tpu.memory_space<vmem>> -> memref<1x128xi32, #tpu.memory_space<vmem>>
    %dma_wait3A_1889 = tpu.memref_squeeze %dma_wait3A_1888 : memref<1x128xi32, #tpu.memory_space<vmem>> -> memref<128xi32, #tpu.memory_space<vmem>>
    %dma_wait3A_1890 = arith.constant 0 : i32
    %dma_wait3A_1891 = tpu.memref_slice %arg2[%dma_wait3A_1890] : memref<1000000xf32, #tpu.memory_space<hbm>> -> memref<1000000xf32, #tpu.memory_space<hbm>>
    tpu.wait_indirect_dma semaphore(%arg14 : memref<!tpu.dma_semaphore, #tpu.memory_space<semaphore_mem>>) src(%dma_wait3A_1891 : memref<1000000xf32, #tpu.memory_space<hbm>>) dst(%dma_wait3A_1886 : memref<128xf32, #tpu.memory_space<vmem>>)
    %dma_wait3A_1892 = arith.constant 15 : i32
    %dma_wait3A_1893 = arith.constant 15 : i32
    %dma_wait3A_1894 = arith.constant 256 : i32
    %dma_wait3A_1895 = tpu.memref_slice %arg8[%dma_wait3A_1893, %dma_wait3A_1894] : memref<26x512xf32, #tpu.memory_space<vmem>> -> memref<1x128xf32, #tpu.memory_space<vmem>>
    %dma_wait3A_1896 = tpu.memref_squeeze %dma_wait3A_1895 : memref<1x128xf32, #tpu.memory_space<vmem>> -> memref<128xf32, #tpu.memory_space<vmem>>
    %dma_wait3A_1897 = arith.constant 256 : i32
    %dma_wait3A_1898 = tpu.memref_slice %arg7[%dma_wait3A_1892, %dma_wait3A_1897] : memref<26x512xi32, #tpu.memory_space<vmem>> -> memref<1x128xi32, #tpu.memory_space<vmem>>
    %dma_wait3A_1899 = tpu.memref_squeeze %dma_wait3A_1898 : memref<1x128xi32, #tpu.memory_space<vmem>> -> memref<128xi32, #tpu.memory_space<vmem>>
    %dma_wait3A_1900 = arith.constant 0 : i32
    %dma_wait3A_1901 = tpu.memref_slice %arg2[%dma_wait3A_1900] : memref<1000000xf32, #tpu.memory_space<hbm>> -> memref<1000000xf32, #tpu.memory_space<hbm>>
    tpu.wait_indirect_dma semaphore(%arg14 : memref<!tpu.dma_semaphore, #tpu.memory_space<semaphore_mem>>) src(%dma_wait3A_1901 : memref<1000000xf32, #tpu.memory_space<hbm>>) dst(%dma_wait3A_1896 : memref<128xf32, #tpu.memory_space<vmem>>)
    %dma_wait3A_1902 = arith.constant 16 : i32
    %dma_wait3A_1903 = arith.constant 16 : i32
    %dma_wait3A_1904 = arith.constant 256 : i32
    %dma_wait3A_1905 = tpu.memref_slice %arg8[%dma_wait3A_1903, %dma_wait3A_1904] : memref<26x512xf32, #tpu.memory_space<vmem>> -> memref<1x128xf32, #tpu.memory_space<vmem>>
    %dma_wait3A_1906 = tpu.memref_squeeze %dma_wait3A_1905 : memref<1x128xf32, #tpu.memory_space<vmem>> -> memref<128xf32, #tpu.memory_space<vmem>>
    %dma_wait3A_1907 = arith.constant 256 : i32
    %dma_wait3A_1908 = tpu.memref_slice %arg7[%dma_wait3A_1902, %dma_wait3A_1907] : memref<26x512xi32, #tpu.memory_space<vmem>> -> memref<1x128xi32, #tpu.memory_space<vmem>>
    %dma_wait3A_1909 = tpu.memref_squeeze %dma_wait3A_1908 : memref<1x128xi32, #tpu.memory_space<vmem>> -> memref<128xi32, #tpu.memory_space<vmem>>
    %dma_wait3A_1910 = arith.constant 0 : i32
    %dma_wait3A_1911 = tpu.memref_slice %arg2[%dma_wait3A_1910] : memref<1000000xf32, #tpu.memory_space<hbm>> -> memref<1000000xf32, #tpu.memory_space<hbm>>
    tpu.wait_indirect_dma semaphore(%arg14 : memref<!tpu.dma_semaphore, #tpu.memory_space<semaphore_mem>>) src(%dma_wait3A_1911 : memref<1000000xf32, #tpu.memory_space<hbm>>) dst(%dma_wait3A_1906 : memref<128xf32, #tpu.memory_space<vmem>>)
    %dma_wait3A_1912 = arith.constant 17 : i32
    %dma_wait3A_1913 = arith.constant 17 : i32
    %dma_wait3A_1914 = arith.constant 256 : i32
    %dma_wait3A_1915 = tpu.memref_slice %arg8[%dma_wait3A_1913, %dma_wait3A_1914] : memref<26x512xf32, #tpu.memory_space<vmem>> -> memref<1x128xf32, #tpu.memory_space<vmem>>
    %dma_wait3A_1916 = tpu.memref_squeeze %dma_wait3A_1915 : memref<1x128xf32, #tpu.memory_space<vmem>> -> memref<128xf32, #tpu.memory_space<vmem>>
    %dma_wait3A_1917 = arith.constant 256 : i32
    %dma_wait3A_1918 = tpu.memref_slice %arg7[%dma_wait3A_1912, %dma_wait3A_1917] : memref<26x512xi32, #tpu.memory_space<vmem>> -> memref<1x128xi32, #tpu.memory_space<vmem>>
    %dma_wait3A_1919 = tpu.memref_squeeze %dma_wait3A_1918 : memref<1x128xi32, #tpu.memory_space<vmem>> -> memref<128xi32, #tpu.memory_space<vmem>>
    %dma_wait3A_1920 = arith.constant 0 : i32
    %dma_wait3A_1921 = tpu.memref_slice %arg2[%dma_wait3A_1920] : memref<1000000xf32, #tpu.memory_space<hbm>> -> memref<1000000xf32, #tpu.memory_space<hbm>>
    tpu.wait_indirect_dma semaphore(%arg14 : memref<!tpu.dma_semaphore, #tpu.memory_space<semaphore_mem>>) src(%dma_wait3A_1921 : memref<1000000xf32, #tpu.memory_space<hbm>>) dst(%dma_wait3A_1916 : memref<128xf32, #tpu.memory_space<vmem>>)
    %dma_wait3A_1922 = arith.constant 18 : i32
    %dma_wait3A_1923 = arith.constant 18 : i32
    %dma_wait3A_1924 = arith.constant 256 : i32
    %dma_wait3A_1925 = tpu.memref_slice %arg8[%dma_wait3A_1923, %dma_wait3A_1924] : memref<26x512xf32, #tpu.memory_space<vmem>> -> memref<1x128xf32, #tpu.memory_space<vmem>>
    %dma_wait3A_1926 = tpu.memref_squeeze %dma_wait3A_1925 : memref<1x128xf32, #tpu.memory_space<vmem>> -> memref<128xf32, #tpu.memory_space<vmem>>
    %dma_wait3A_1927 = arith.constant 256 : i32
    %dma_wait3A_1928 = tpu.memref_slice %arg7[%dma_wait3A_1922, %dma_wait3A_1927] : memref<26x512xi32, #tpu.memory_space<vmem>> -> memref<1x128xi32, #tpu.memory_space<vmem>>
    %dma_wait3A_1929 = tpu.memref_squeeze %dma_wait3A_1928 : memref<1x128xi32, #tpu.memory_space<vmem>> -> memref<128xi32, #tpu.memory_space<vmem>>
    %dma_wait3A_1930 = arith.constant 0 : i32
    %dma_wait3A_1931 = tpu.memref_slice %arg2[%dma_wait3A_1930] : memref<1000000xf32, #tpu.memory_space<hbm>> -> memref<1000000xf32, #tpu.memory_space<hbm>>
    tpu.wait_indirect_dma semaphore(%arg14 : memref<!tpu.dma_semaphore, #tpu.memory_space<semaphore_mem>>) src(%dma_wait3A_1931 : memref<1000000xf32, #tpu.memory_space<hbm>>) dst(%dma_wait3A_1926 : memref<128xf32, #tpu.memory_space<vmem>>)
    %dma_wait3A_1932 = arith.constant 19 : i32
    %dma_wait3A_1933 = arith.constant 19 : i32
    %dma_wait3A_1934 = arith.constant 256 : i32
    %dma_wait3A_1935 = tpu.memref_slice %arg8[%dma_wait3A_1933, %dma_wait3A_1934] : memref<26x512xf32, #tpu.memory_space<vmem>> -> memref<1x128xf32, #tpu.memory_space<vmem>>
    %dma_wait3A_1936 = tpu.memref_squeeze %dma_wait3A_1935 : memref<1x128xf32, #tpu.memory_space<vmem>> -> memref<128xf32, #tpu.memory_space<vmem>>
    %dma_wait3A_1937 = arith.constant 256 : i32
    %dma_wait3A_1938 = tpu.memref_slice %arg7[%dma_wait3A_1932, %dma_wait3A_1937] : memref<26x512xi32, #tpu.memory_space<vmem>> -> memref<1x128xi32, #tpu.memory_space<vmem>>
    %dma_wait3A_1939 = tpu.memref_squeeze %dma_wait3A_1938 : memref<1x128xi32, #tpu.memory_space<vmem>> -> memref<128xi32, #tpu.memory_space<vmem>>
    %dma_wait3A_1940 = arith.constant 0 : i32
    %dma_wait3A_1941 = tpu.memref_slice %arg2[%dma_wait3A_1940] : memref<1000000xf32, #tpu.memory_space<hbm>> -> memref<1000000xf32, #tpu.memory_space<hbm>>
    tpu.wait_indirect_dma semaphore(%arg14 : memref<!tpu.dma_semaphore, #tpu.memory_space<semaphore_mem>>) src(%dma_wait3A_1941 : memref<1000000xf32, #tpu.memory_space<hbm>>) dst(%dma_wait3A_1936 : memref<128xf32, #tpu.memory_space<vmem>>)
    %dma_wait3A_1942 = arith.constant 20 : i32
    %dma_wait3A_1943 = arith.constant 20 : i32
    %dma_wait3A_1944 = arith.constant 256 : i32
    %dma_wait3A_1945 = tpu.memref_slice %arg8[%dma_wait3A_1943, %dma_wait3A_1944] : memref<26x512xf32, #tpu.memory_space<vmem>> -> memref<1x128xf32, #tpu.memory_space<vmem>>
    %dma_wait3A_1946 = tpu.memref_squeeze %dma_wait3A_1945 : memref<1x128xf32, #tpu.memory_space<vmem>> -> memref<128xf32, #tpu.memory_space<vmem>>
    %dma_wait3A_1947 = arith.constant 256 : i32
    %dma_wait3A_1948 = tpu.memref_slice %arg7[%dma_wait3A_1942, %dma_wait3A_1947] : memref<26x512xi32, #tpu.memory_space<vmem>> -> memref<1x128xi32, #tpu.memory_space<vmem>>
    %dma_wait3A_1949 = tpu.memref_squeeze %dma_wait3A_1948 : memref<1x128xi32, #tpu.memory_space<vmem>> -> memref<128xi32, #tpu.memory_space<vmem>>
    %dma_wait3A_1950 = arith.constant 0 : i32
    %dma_wait3A_1951 = tpu.memref_slice %arg2[%dma_wait3A_1950] : memref<1000000xf32, #tpu.memory_space<hbm>> -> memref<1000000xf32, #tpu.memory_space<hbm>>
    tpu.wait_indirect_dma semaphore(%arg14 : memref<!tpu.dma_semaphore, #tpu.memory_space<semaphore_mem>>) src(%dma_wait3A_1951 : memref<1000000xf32, #tpu.memory_space<hbm>>) dst(%dma_wait3A_1946 : memref<128xf32, #tpu.memory_space<vmem>>)
    %dma_wait3A_1952 = arith.constant 21 : i32
    %dma_wait3A_1953 = arith.constant 21 : i32
    %dma_wait3A_1954 = arith.constant 256 : i32
    %dma_wait3A_1955 = tpu.memref_slice %arg8[%dma_wait3A_1953, %dma_wait3A_1954] : memref<26x512xf32, #tpu.memory_space<vmem>> -> memref<1x128xf32, #tpu.memory_space<vmem>>
    %dma_wait3A_1956 = tpu.memref_squeeze %dma_wait3A_1955 : memref<1x128xf32, #tpu.memory_space<vmem>> -> memref<128xf32, #tpu.memory_space<vmem>>
    %dma_wait3A_1957 = arith.constant 256 : i32
    %dma_wait3A_1958 = tpu.memref_slice %arg7[%dma_wait3A_1952, %dma_wait3A_1957] : memref<26x512xi32, #tpu.memory_space<vmem>> -> memref<1x128xi32, #tpu.memory_space<vmem>>
    %dma_wait3A_1959 = tpu.memref_squeeze %dma_wait3A_1958 : memref<1x128xi32, #tpu.memory_space<vmem>> -> memref<128xi32, #tpu.memory_space<vmem>>
    %dma_wait3A_1960 = arith.constant 0 : i32
    %dma_wait3A_1961 = tpu.memref_slice %arg2[%dma_wait3A_1960] : memref<1000000xf32, #tpu.memory_space<hbm>> -> memref<1000000xf32, #tpu.memory_space<hbm>>
    tpu.wait_indirect_dma semaphore(%arg14 : memref<!tpu.dma_semaphore, #tpu.memory_space<semaphore_mem>>) src(%dma_wait3A_1961 : memref<1000000xf32, #tpu.memory_space<hbm>>) dst(%dma_wait3A_1956 : memref<128xf32, #tpu.memory_space<vmem>>)
    %dma_wait3A_1962 = arith.constant 22 : i32
    %dma_wait3A_1963 = arith.constant 22 : i32
    %dma_wait3A_1964 = arith.constant 256 : i32
    %dma_wait3A_1965 = tpu.memref_slice %arg8[%dma_wait3A_1963, %dma_wait3A_1964] : memref<26x512xf32, #tpu.memory_space<vmem>> -> memref<1x128xf32, #tpu.memory_space<vmem>>
    %dma_wait3A_1966 = tpu.memref_squeeze %dma_wait3A_1965 : memref<1x128xf32, #tpu.memory_space<vmem>> -> memref<128xf32, #tpu.memory_space<vmem>>
    %dma_wait3A_1967 = arith.constant 256 : i32
    %dma_wait3A_1968 = tpu.memref_slice %arg7[%dma_wait3A_1962, %dma_wait3A_1967] : memref<26x512xi32, #tpu.memory_space<vmem>> -> memref<1x128xi32, #tpu.memory_space<vmem>>
    %dma_wait3A_1969 = tpu.memref_squeeze %dma_wait3A_1968 : memref<1x128xi32, #tpu.memory_space<vmem>> -> memref<128xi32, #tpu.memory_space<vmem>>
    %dma_wait3A_1970 = arith.constant 0 : i32
    %dma_wait3A_1971 = tpu.memref_slice %arg2[%dma_wait3A_1970] : memref<1000000xf32, #tpu.memory_space<hbm>> -> memref<1000000xf32, #tpu.memory_space<hbm>>
    tpu.wait_indirect_dma semaphore(%arg14 : memref<!tpu.dma_semaphore, #tpu.memory_space<semaphore_mem>>) src(%dma_wait3A_1971 : memref<1000000xf32, #tpu.memory_space<hbm>>) dst(%dma_wait3A_1966 : memref<128xf32, #tpu.memory_space<vmem>>)
    %dma_wait3A_1972 = arith.constant 23 : i32
    %dma_wait3A_1973 = arith.constant 23 : i32
    %dma_wait3A_1974 = arith.constant 256 : i32
    %dma_wait3A_1975 = tpu.memref_slice %arg8[%dma_wait3A_1973, %dma_wait3A_1974] : memref<26x512xf32, #tpu.memory_space<vmem>> -> memref<1x128xf32, #tpu.memory_space<vmem>>
    %dma_wait3A_1976 = tpu.memref_squeeze %dma_wait3A_1975 : memref<1x128xf32, #tpu.memory_space<vmem>> -> memref<128xf32, #tpu.memory_space<vmem>>
    %dma_wait3A_1977 = arith.constant 256 : i32
    %dma_wait3A_1978 = tpu.memref_slice %arg7[%dma_wait3A_1972, %dma_wait3A_1977] : memref<26x512xi32, #tpu.memory_space<vmem>> -> memref<1x128xi32, #tpu.memory_space<vmem>>
    %dma_wait3A_1979 = tpu.memref_squeeze %dma_wait3A_1978 : memref<1x128xi32, #tpu.memory_space<vmem>> -> memref<128xi32, #tpu.memory_space<vmem>>
    %dma_wait3A_1980 = arith.constant 0 : i32
    %dma_wait3A_1981 = tpu.memref_slice %arg2[%dma_wait3A_1980] : memref<1000000xf32, #tpu.memory_space<hbm>> -> memref<1000000xf32, #tpu.memory_space<hbm>>
    tpu.wait_indirect_dma semaphore(%arg14 : memref<!tpu.dma_semaphore, #tpu.memory_space<semaphore_mem>>) src(%dma_wait3A_1981 : memref<1000000xf32, #tpu.memory_space<hbm>>) dst(%dma_wait3A_1976 : memref<128xf32, #tpu.memory_space<vmem>>)
    %dma_wait3A_1982 = arith.constant 24 : i32
    %dma_wait3A_1983 = arith.constant 24 : i32
    %dma_wait3A_1984 = arith.constant 256 : i32
    %dma_wait3A_1985 = tpu.memref_slice %arg8[%dma_wait3A_1983, %dma_wait3A_1984] : memref<26x512xf32, #tpu.memory_space<vmem>> -> memref<1x128xf32, #tpu.memory_space<vmem>>
    %dma_wait3A_1986 = tpu.memref_squeeze %dma_wait3A_1985 : memref<1x128xf32, #tpu.memory_space<vmem>> -> memref<128xf32, #tpu.memory_space<vmem>>
    %dma_wait3A_1987 = arith.constant 256 : i32
    %dma_wait3A_1988 = tpu.memref_slice %arg7[%dma_wait3A_1982, %dma_wait3A_1987] : memref<26x512xi32, #tpu.memory_space<vmem>> -> memref<1x128xi32, #tpu.memory_space<vmem>>
    %dma_wait3A_1989 = tpu.memref_squeeze %dma_wait3A_1988 : memref<1x128xi32, #tpu.memory_space<vmem>> -> memref<128xi32, #tpu.memory_space<vmem>>
    %dma_wait3A_1990 = arith.constant 0 : i32
    %dma_wait3A_1991 = tpu.memref_slice %arg2[%dma_wait3A_1990] : memref<1000000xf32, #tpu.memory_space<hbm>> -> memref<1000000xf32, #tpu.memory_space<hbm>>
    tpu.wait_indirect_dma semaphore(%arg14 : memref<!tpu.dma_semaphore, #tpu.memory_space<semaphore_mem>>) src(%dma_wait3A_1991 : memref<1000000xf32, #tpu.memory_space<hbm>>) dst(%dma_wait3A_1986 : memref<128xf32, #tpu.memory_space<vmem>>)
    %dma_wait3A_1992 = arith.constant 25 : i32
    %dma_wait3A_1993 = arith.constant 25 : i32
    %dma_wait3A_1994 = arith.constant 256 : i32
    %dma_wait3A_1995 = tpu.memref_slice %arg8[%dma_wait3A_1993, %dma_wait3A_1994] : memref<26x512xf32, #tpu.memory_space<vmem>> -> memref<1x128xf32, #tpu.memory_space<vmem>>
    %dma_wait3A_1996 = tpu.memref_squeeze %dma_wait3A_1995 : memref<1x128xf32, #tpu.memory_space<vmem>> -> memref<128xf32, #tpu.memory_space<vmem>>
    %dma_wait3A_1997 = arith.constant 256 : i32
    %dma_wait3A_1998 = tpu.memref_slice %arg7[%dma_wait3A_1992, %dma_wait3A_1997] : memref<26x512xi32, #tpu.memory_space<vmem>> -> memref<1x128xi32, #tpu.memory_space<vmem>>
    %dma_wait3A_1999 = tpu.memref_squeeze %dma_wait3A_1998 : memref<1x128xi32, #tpu.memory_space<vmem>> -> memref<128xi32, #tpu.memory_space<vmem>>
    %dma_wait3A_2000 = arith.constant 0 : i32
    %dma_wait3A_2001 = tpu.memref_slice %arg2[%dma_wait3A_2000] : memref<1000000xf32, #tpu.memory_space<hbm>> -> memref<1000000xf32, #tpu.memory_space<hbm>>
    tpu.wait_indirect_dma semaphore(%arg14 : memref<!tpu.dma_semaphore, #tpu.memory_space<semaphore_mem>>) src(%dma_wait3A_2001 : memref<1000000xf32, #tpu.memory_space<hbm>>) dst(%dma_wait3A_1996 : memref<128xf32, #tpu.memory_space<vmem>>)
    %scan3A_2002 = arith.constant 0 : i32
    %scan3A_2003 = arith.constant 8 : i32
    %scan3A_2004 = arith.addi %scan3A_2002, %scan3A_2003 : i32
    %scan3A_2005 = arith.constant 1 : i32
    scf.for %scan3A_2272 = %scan3A_2002 to %scan3A_2004 step %scan3A_2005  : i32 {
      %mul3A_2273 = arith.constant 1 : i32
      %mul3A_2274 = arith.muli %scan3A_2272, %mul3A_2273 : i32
      %add3A_2275 = arith.constant 0 : i32
      %add3A_2276 = arith.addi %add3A_2275, %mul3A_2274 : i32
      %add3A_2277 = arith.constant 16 : i32
      %add3A_2278 = arith.addi %add3A_2277, %add3A_2276 : i32
      %mul3A_2279 = arith.constant 16 : i32
      %mul3A_2280 = arith.muli %add3A_2278, %mul3A_2279 : i32
      %get3A_2281 = arith.constant 0 : i32
      %get3A_2282 = arith.index_cast %get3A_2281 : i32 to index
      %get3A_2283 = arith.index_cast %mul3A_2280 : i32 to index
      %get3A_2284 = tpu.vector_load %arg8[%get3A_2282, %get3A_2283] {strides = array<i32>} : memref<26x512xf32, #tpu.memory_space<vmem>>, vector<16xf32>,
      %add3A_2285 = arith.addf %gather3A_1213, %get3A_2284 : vector<16xf32>
      %mul3A_2286 = arith.constant 16 : i32
      %mul3A_2287 = arith.muli %add3A_2278, %mul3A_2286 : i32
      %get3A_2288 = arith.constant 1 : i32
      %get3A_2289 = arith.index_cast %get3A_2288 : i32 to index
      %get3A_2290 = arith.index_cast %mul3A_2287 : i32 to index
      %get3A_2291 = tpu.vector_load %arg8[%get3A_2289, %get3A_2290] {strides = array<i32>} : memref<26x512xf32, #tpu.memory_space<vmem>>, vector<16xf32>,
      %add3A_2292 = arith.addf %add3A_2285, %get3A_2291 : vector<16xf32>
      %mul3A_2293 = arith.constant 16 : i32
      %mul3A_2294 = arith.muli %add3A_2278, %mul3A_2293 : i32
      %get3A_2295 = arith.constant 2 : i32
      %get3A_2296 = arith.index_cast %get3A_2295 : i32 to index
      %get3A_2297 = arith.index_cast %mul3A_2294 : i32 to index
      %get3A_2298 = tpu.vector_load %arg8[%get3A_2296, %get3A_2297] {strides = array<i32>} : memref<26x512xf32, #tpu.memory_space<vmem>>, vector<16xf32>,
      %add3A_2299 = arith.addf %add3A_2292, %get3A_2298 : vector<16xf32>
      %mul3A_2300 = arith.constant 16 : i32
      %mul3A_2301 = arith.muli %add3A_2278, %mul3A_2300 : i32
      %get3A_2302 = arith.constant 3 : i32
      %get3A_2303 = arith.index_cast %get3A_2302 : i32 to index
      %get3A_2304 = arith.index_cast %mul3A_2301 : i32 to index
      %get3A_2305 = tpu.vector_load %arg8[%get3A_2303, %get3A_2304] {strides = array<i32>} : memref<26x512xf32, #tpu.memory_space<vmem>>, vector<16xf32>,
      %add3A_2306 = arith.addf %add3A_2299, %get3A_2305 : vector<16xf32>
      %mul3A_2307 = arith.constant 16 : i32
      %mul3A_2308 = arith.muli %add3A_2278, %mul3A_2307 : i32
      %get3A_2309 = arith.constant 4 : i32
      %get3A_2310 = arith.index_cast %get3A_2309 : i32 to index
      %get3A_2311 = arith.index_cast %mul3A_2308 : i32 to index
      %get3A_2312 = tpu.vector_load %arg8[%get3A_2310, %get3A_2311] {strides = array<i32>} : memref<26x512xf32, #tpu.memory_space<vmem>>, vector<16xf32>,
      %add3A_2313 = arith.addf %add3A_2306, %get3A_2312 : vector<16xf32>
      %mul3A_2314 = arith.constant 16 : i32
      %mul3A_2315 = arith.muli %add3A_2278, %mul3A_2314 : i32
      %get3A_2316 = arith.constant 5 : i32
      %get3A_2317 = arith.index_cast %get3A_2316 : i32 to index
      %get3A_2318 = arith.index_cast %mul3A_2315 : i32 to index
      %get3A_2319 = tpu.vector_load %arg8[%get3A_2317, %get3A_2318] {strides = array<i32>} : memref<26x512xf32, #tpu.memory_space<vmem>>, vector<16xf32>,
      %add3A_2320 = arith.addf %add3A_2313, %get3A_2319 : vector<16xf32>
      %mul3A_2321 = arith.constant 16 : i32
      %mul3A_2322 = arith.muli %add3A_2278, %mul3A_2321 : i32
      %get3A_2323 = arith.constant 6 : i32
      %get3A_2324 = arith.index_cast %get3A_2323 : i32 to index
      %get3A_2325 = arith.index_cast %mul3A_2322 : i32 to index
      %get3A_2326 = tpu.vector_load %arg8[%get3A_2324, %get3A_2325] {strides = array<i32>} : memref<26x512xf32, #tpu.memory_space<vmem>>, vector<16xf32>,
      %add3A_2327 = arith.addf %add3A_2320, %get3A_2326 : vector<16xf32>
      %mul3A_2328 = arith.constant 16 : i32
      %mul3A_2329 = arith.muli %add3A_2278, %mul3A_2328 : i32
      %get3A_2330 = arith.constant 7 : i32
      %get3A_2331 = arith.index_cast %get3A_2330 : i32 to index
      %get3A_2332 = arith.index_cast %mul3A_2329 : i32 to index
      %get3A_2333 = tpu.vector_load %arg8[%get3A_2331, %get3A_2332] {strides = array<i32>} : memref<26x512xf32, #tpu.memory_space<vmem>>, vector<16xf32>,
      %add3A_2334 = arith.addf %add3A_2327, %get3A_2333 : vector<16xf32>
      %mul3A_2335 = arith.constant 16 : i32
      %mul3A_2336 = arith.muli %add3A_2278, %mul3A_2335 : i32
      %get3A_2337 = arith.constant 8 : i32
      %get3A_2338 = arith.index_cast %get3A_2337 : i32 to index
      %get3A_2339 = arith.index_cast %mul3A_2336 : i32 to index
      %get3A_2340 = tpu.vector_load %arg8[%get3A_2338, %get3A_2339] {strides = array<i32>} : memref<26x512xf32, #tpu.memory_space<vmem>>, vector<16xf32>,
      %add3A_2341 = arith.addf %add3A_2334, %get3A_2340 : vector<16xf32>
      %mul3A_2342 = arith.constant 16 : i32
      %mul3A_2343 = arith.muli %add3A_2278, %mul3A_2342 : i32
      %get3A_2344 = arith.constant 9 : i32
      %get3A_2345 = arith.index_cast %get3A_2344 : i32 to index
      %get3A_2346 = arith.index_cast %mul3A_2343 : i32 to index
      %get3A_2347 = tpu.vector_load %arg8[%get3A_2345, %get3A_2346] {strides = array<i32>} : memref<26x512xf32, #tpu.memory_space<vmem>>, vector<16xf32>,
      %add3A_2348 = arith.addf %add3A_2341, %get3A_2347 : vector<16xf32>
      %mul3A_2349 = arith.constant 16 : i32
      %mul3A_2350 = arith.muli %add3A_2278, %mul3A_2349 : i32
      %get3A_2351 = arith.constant 10 : i32
      %get3A_2352 = arith.index_cast %get3A_2351 : i32 to index
      %get3A_2353 = arith.index_cast %mul3A_2350 : i32 to index
      %get3A_2354 = tpu.vector_load %arg8[%get3A_2352, %get3A_2353] {strides = array<i32>} : memref<26x512xf32, #tpu.memory_space<vmem>>, vector<16xf32>,
      %add3A_2355 = arith.addf %add3A_2348, %get3A_2354 : vector<16xf32>
      %mul3A_2356 = arith.constant 16 : i32
      %mul3A_2357 = arith.muli %add3A_2278, %mul3A_2356 : i32
      %get3A_2358 = arith.constant 11 : i32
      %get3A_2359 = arith.index_cast %get3A_2358 : i32 to index
      %get3A_2360 = arith.index_cast %mul3A_2357 : i32 to index
      %get3A_2361 = tpu.vector_load %arg8[%get3A_2359, %get3A_2360] {strides = array<i32>} : memref<26x512xf32, #tpu.memory_space<vmem>>, vector<16xf32>,
      %add3A_2362 = arith.addf %add3A_2355, %get3A_2361 : vector<16xf32>
      %mul3A_2363 = arith.constant 16 : i32
      %mul3A_2364 = arith.muli %add3A_2278, %mul3A_2363 : i32
      %get3A_2365 = arith.constant 12 : i32
      %get3A_2366 = arith.index_cast %get3A_2365 : i32 to index
      %get3A_2367 = arith.index_cast %mul3A_2364 : i32 to index
      %get3A_2368 = tpu.vector_load %arg8[%get3A_2366, %get3A_2367] {strides = array<i32>} : memref<26x512xf32, #tpu.memory_space<vmem>>, vector<16xf32>,
      %add3A_2369 = arith.addf %add3A_2362, %get3A_2368 : vector<16xf32>
      %mul3A_2370 = arith.constant 16 : i32
      %mul3A_2371 = arith.muli %add3A_2278, %mul3A_2370 : i32
      %get3A_2372 = arith.constant 13 : i32
      %get3A_2373 = arith.index_cast %get3A_2372 : i32 to index
      %get3A_2374 = arith.index_cast %mul3A_2371 : i32 to index
      %get3A_2375 = tpu.vector_load %arg8[%get3A_2373, %get3A_2374] {strides = array<i32>} : memref<26x512xf32, #tpu.memory_space<vmem>>, vector<16xf32>,
      %add3A_2376 = arith.addf %add3A_2369, %get3A_2375 : vector<16xf32>
      %mul3A_2377 = arith.constant 16 : i32
      %mul3A_2378 = arith.muli %add3A_2278, %mul3A_2377 : i32
      %get3A_2379 = arith.constant 14 : i32
      %get3A_2380 = arith.index_cast %get3A_2379 : i32 to index
      %get3A_2381 = arith.index_cast %mul3A_2378 : i32 to index
      %get3A_2382 = tpu.vector_load %arg8[%get3A_2380, %get3A_2381] {strides = array<i32>} : memref<26x512xf32, #tpu.memory_space<vmem>>, vector<16xf32>,
      %add3A_2383 = arith.addf %add3A_2376, %get3A_2382 : vector<16xf32>
      %mul3A_2384 = arith.constant 16 : i32
      %mul3A_2385 = arith.muli %add3A_2278, %mul3A_2384 : i32
      %get3A_2386 = arith.constant 15 : i32
      %get3A_2387 = arith.index_cast %get3A_2386 : i32 to index
      %get3A_2388 = arith.index_cast %mul3A_2385 : i32 to index
      %get3A_2389 = tpu.vector_load %arg8[%get3A_2387, %get3A_2388] {strides = array<i32>} : memref<26x512xf32, #tpu.memory_space<vmem>>, vector<16xf32>,
      %add3A_2390 = arith.addf %add3A_2383, %get3A_2389 : vector<16xf32>
      %mul3A_2391 = arith.constant 16 : i32
      %mul3A_2392 = arith.muli %add3A_2278, %mul3A_2391 : i32
      %get3A_2393 = arith.constant 16 : i32
      %get3A_2394 = arith.index_cast %get3A_2393 : i32 to index
      %get3A_2395 = arith.index_cast %mul3A_2392 : i32 to index
      %get3A_2396 = tpu.vector_load %arg8[%get3A_2394, %get3A_2395] {strides = array<i32>} : memref<26x512xf32, #tpu.memory_space<vmem>>, vector<16xf32>,
      %add3A_2397 = arith.addf %add3A_2390, %get3A_2396 : vector<16xf32>
      %mul3A_2398 = arith.constant 16 : i32
      %mul3A_2399 = arith.muli %add3A_2278, %mul3A_2398 : i32
      %get3A_2400 = arith.constant 17 : i32
      %get3A_2401 = arith.index_cast %get3A_2400 : i32 to index
      %get3A_2402 = arith.index_cast %mul3A_2399 : i32 to index
      %get3A_2403 = tpu.vector_load %arg8[%get3A_2401, %get3A_2402] {strides = array<i32>} : memref<26x512xf32, #tpu.memory_space<vmem>>, vector<16xf32>,
      %add3A_2404 = arith.addf %add3A_2397, %get3A_2403 : vector<16xf32>
      %mul3A_2405 = arith.constant 16 : i32
      %mul3A_2406 = arith.muli %add3A_2278, %mul3A_2405 : i32
      %get3A_2407 = arith.constant 18 : i32
      %get3A_2408 = arith.index_cast %get3A_2407 : i32 to index
      %get3A_2409 = arith.index_cast %mul3A_2406 : i32 to index
      %get3A_2410 = tpu.vector_load %arg8[%get3A_2408, %get3A_2409] {strides = array<i32>} : memref<26x512xf32, #tpu.memory_space<vmem>>, vector<16xf32>,
      %add3A_2411 = arith.addf %add3A_2404, %get3A_2410 : vector<16xf32>
      %mul3A_2412 = arith.constant 16 : i32
      %mul3A_2413 = arith.muli %add3A_2278, %mul3A_2412 : i32
      %get3A_2414 = arith.constant 19 : i32
      %get3A_2415 = arith.index_cast %get3A_2414 : i32 to index
      %get3A_2416 = arith.index_cast %mul3A_2413 : i32 to index
      %get3A_2417 = tpu.vector_load %arg8[%get3A_2415, %get3A_2416] {strides = array<i32>} : memref<26x512xf32, #tpu.memory_space<vmem>>, vector<16xf32>,
      %add3A_2418 = arith.addf %add3A_2411, %get3A_2417 : vector<16xf32>
      %mul3A_2419 = arith.constant 16 : i32
      %mul3A_2420 = arith.muli %add3A_2278, %mul3A_2419 : i32
      %get3A_2421 = arith.constant 20 : i32
      %get3A_2422 = arith.index_cast %get3A_2421 : i32 to index
      %get3A_2423 = arith.index_cast %mul3A_2420 : i32 to index
      %get3A_2424 = tpu.vector_load %arg8[%get3A_2422, %get3A_2423] {strides = array<i32>} : memref<26x512xf32, #tpu.memory_space<vmem>>, vector<16xf32>,
      %add3A_2425 = arith.addf %add3A_2418, %get3A_2424 : vector<16xf32>
      %mul3A_2426 = arith.constant 16 : i32
      %mul3A_2427 = arith.muli %add3A_2278, %mul3A_2426 : i32
      %get3A_2428 = arith.constant 21 : i32
      %get3A_2429 = arith.index_cast %get3A_2428 : i32 to index
      %get3A_2430 = arith.index_cast %mul3A_2427 : i32 to index
      %get3A_2431 = tpu.vector_load %arg8[%get3A_2429, %get3A_2430] {strides = array<i32>} : memref<26x512xf32, #tpu.memory_space<vmem>>, vector<16xf32>,
      %add3A_2432 = arith.addf %add3A_2425, %get3A_2431 : vector<16xf32>
      %mul3A_2433 = arith.constant 16 : i32
      %mul3A_2434 = arith.muli %add3A_2278, %mul3A_2433 : i32
      %get3A_2435 = arith.constant 22 : i32
      %get3A_2436 = arith.index_cast %get3A_2435 : i32 to index
      %get3A_2437 = arith.index_cast %mul3A_2434 : i32 to index
      %get3A_2438 = tpu.vector_load %arg8[%get3A_2436, %get3A_2437] {strides = array<i32>} : memref<26x512xf32, #tpu.memory_space<vmem>>, vector<16xf32>,
      %add3A_2439 = arith.addf %add3A_2432, %get3A_2438 : vector<16xf32>
      %mul3A_2440 = arith.constant 16 : i32
      %mul3A_2441 = arith.muli %add3A_2278, %mul3A_2440 : i32
      %get3A_2442 = arith.constant 23 : i32
      %get3A_2443 = arith.index_cast %get3A_2442 : i32 to index
      %get3A_2444 = arith.index_cast %mul3A_2441 : i32 to index
      %get3A_2445 = tpu.vector_load %arg8[%get3A_2443, %get3A_2444] {strides = array<i32>} : memref<26x512xf32, #tpu.memory_space<vmem>>, vector<16xf32>,
      %add3A_2446 = arith.addf %add3A_2439, %get3A_2445 : vector<16xf32>
      %mul3A_2447 = arith.constant 16 : i32
      %mul3A_2448 = arith.muli %add3A_2278, %mul3A_2447 : i32
      %get3A_2449 = arith.constant 24 : i32
      %get3A_2450 = arith.index_cast %get3A_2449 : i32 to index
      %get3A_2451 = arith.index_cast %mul3A_2448 : i32 to index
      %get3A_2452 = tpu.vector_load %arg8[%get3A_2450, %get3A_2451] {strides = array<i32>} : memref<26x512xf32, #tpu.memory_space<vmem>>, vector<16xf32>,
      %add3A_2453 = arith.addf %add3A_2446, %get3A_2452 : vector<16xf32>
      %mul3A_2454 = arith.constant 16 : i32
      %mul3A_2455 = arith.muli %add3A_2278, %mul3A_2454 : i32
      %get3A_2456 = arith.constant 25 : i32
      %get3A_2457 = arith.index_cast %get3A_2456 : i32 to index
      %get3A_2458 = arith.index_cast %mul3A_2455 : i32 to index
      %get3A_2459 = tpu.vector_load %arg8[%get3A_2457, %get3A_2458] {strides = array<i32>} : memref<26x512xf32, #tpu.memory_space<vmem>>, vector<16xf32>,
      %add3A_2460 = arith.addf %add3A_2453, %get3A_2459 : vector<16xf32>
      %mul3A_2461 = arith.constant 16 : i32
      %mul3A_2462 = arith.muli %add3A_2278, %mul3A_2461 : i32
      %get3A_2463 = arith.constant 0 : i32
      %get3A_2464 = arith.index_cast %get3A_2463 : i32 to index
      %get3A_2465 = arith.index_cast %mul3A_2462 : i32 to index
      %get3A_2466 = tpu.vector_load %arg9[%get3A_2464, %get3A_2465] {strides = array<i32>} : memref<13x512xf32, #tpu.memory_space<vmem>>, vector<16xf32>,
      %mul3A_2467 = arith.mulf %gather3A_1057, %get3A_2466 : vector<16xf32>
      %add3A_2468 = arith.addf %add3A_2460, %mul3A_2467 : vector<16xf32>
      %mul3A_2469 = arith.constant 16 : i32
      %mul3A_2470 = arith.muli %add3A_2278, %mul3A_2469 : i32
      %get3A_2471 = arith.constant 1 : i32
      %get3A_2472 = arith.index_cast %get3A_2471 : i32 to index
      %get3A_2473 = arith.index_cast %mul3A_2470 : i32 to index
      %get3A_2474 = tpu.vector_load %arg9[%get3A_2472, %get3A_2473] {strides = array<i32>} : memref<13x512xf32, #tpu.memory_space<vmem>>, vector<16xf32>,
      %mul3A_2475 = arith.mulf %gather3A_1069, %get3A_2474 : vector<16xf32>
      %add3A_2476 = arith.addf %add3A_2468, %mul3A_2475 : vector<16xf32>
      %mul3A_2477 = arith.constant 16 : i32
      %mul3A_2478 = arith.muli %add3A_2278, %mul3A_2477 : i32
      %get3A_2479 = arith.constant 2 : i32
      %get3A_2480 = arith.index_cast %get3A_2479 : i32 to index
      %get3A_2481 = arith.index_cast %mul3A_2478 : i32 to index
      %get3A_2482 = tpu.vector_load %arg9[%get3A_2480, %get3A_2481] {strides = array<i32>} : memref<13x512xf32, #tpu.memory_space<vmem>>, vector<16xf32>,
      %mul3A_2483 = arith.mulf %gather3A_1081, %get3A_2482 : vector<16xf32>
      %add3A_2484 = arith.addf %add3A_2476, %mul3A_2483 : vector<16xf32>
      %mul3A_2485 = arith.constant 16 : i32
      %mul3A_2486 = arith.muli %add3A_2278, %mul3A_2485 : i32
      %get3A_2487 = arith.constant 3 : i32
      %get3A_2488 = arith.index_cast %get3A_2487 : i32 to index
      %get3A_2489 = arith.index_cast %mul3A_2486 : i32 to index
      %get3A_2490 = tpu.vector_load %arg9[%get3A_2488, %get3A_2489] {strides = array<i32>} : memref<13x512xf32, #tpu.memory_space<vmem>>, vector<16xf32>,
      %mul3A_2491 = arith.mulf %gather3A_1093, %get3A_2490 : vector<16xf32>
      %add3A_2492 = arith.addf %add3A_2484, %mul3A_2491 : vector<16xf32>
      %mul3A_2493 = arith.constant 16 : i32
      %mul3A_2494 = arith.muli %add3A_2278, %mul3A_2493 : i32
      %get3A_2495 = arith.constant 4 : i32
      %get3A_2496 = arith.index_cast %get3A_2495 : i32 to index
      %get3A_2497 = arith.index_cast %mul3A_2494 : i32 to index
      %get3A_2498 = tpu.vector_load %arg9[%get3A_2496, %get3A_2497] {strides = array<i32>} : memref<13x512xf32, #tpu.memory_space<vmem>>, vector<16xf32>,
      %mul3A_2499 = arith.mulf %gather3A_1105, %get3A_2498 : vector<16xf32>
      %add3A_2500 = arith.addf %add3A_2492, %mul3A_2499 : vector<16xf32>
      %mul3A_2501 = arith.constant 16 : i32
      %mul3A_2502 = arith.muli %add3A_2278, %mul3A_2501 : i32
      %get3A_2503 = arith.constant 5 : i32
      %get3A_2504 = arith.index_cast %get3A_2503 : i32 to index
      %get3A_2505 = arith.index_cast %mul3A_2502 : i32 to index
      %get3A_2506 = tpu.vector_load %arg9[%get3A_2504, %get3A_2505] {strides = array<i32>} : memref<13x512xf32, #tpu.memory_space<vmem>>, vector<16xf32>,
      %mul3A_2507 = arith.mulf %gather3A_1117, %get3A_2506 : vector<16xf32>
      %add3A_2508 = arith.addf %add3A_2500, %mul3A_2507 : vector<16xf32>
      %mul3A_2509 = arith.constant 16 : i32
      %mul3A_2510 = arith.muli %add3A_2278, %mul3A_2509 : i32
      %get3A_2511 = arith.constant 6 : i32
      %get3A_2512 = arith.index_cast %get3A_2511 : i32 to index
      %get3A_2513 = arith.index_cast %mul3A_2510 : i32 to index
      %get3A_2514 = tpu.vector_load %arg9[%get3A_2512, %get3A_2513] {strides = array<i32>} : memref<13x512xf32, #tpu.memory_space<vmem>>, vector<16xf32>,
      %mul3A_2515 = arith.mulf %gather3A_1129, %get3A_2514 : vector<16xf32>
      %add3A_2516 = arith.addf %add3A_2508, %mul3A_2515 : vector<16xf32>
      %mul3A_2517 = arith.constant 16 : i32
      %mul3A_2518 = arith.muli %add3A_2278, %mul3A_2517 : i32
      %get3A_2519 = arith.constant 7 : i32
      %get3A_2520 = arith.index_cast %get3A_2519 : i32 to index
      %get3A_2521 = arith.index_cast %mul3A_2518 : i32 to index
      %get3A_2522 = tpu.vector_load %arg9[%get3A_2520, %get3A_2521] {strides = array<i32>} : memref<13x512xf32, #tpu.memory_space<vmem>>, vector<16xf32>,
      %mul3A_2523 = arith.mulf %gather3A_1141, %get3A_2522 : vector<16xf32>
      %add3A_2524 = arith.addf %add3A_2516, %mul3A_2523 : vector<16xf32>
      %mul3A_2525 = arith.constant 16 : i32
      %mul3A_2526 = arith.muli %add3A_2278, %mul3A_2525 : i32
      %get3A_2527 = arith.constant 8 : i32
      %get3A_2528 = arith.index_cast %get3A_2527 : i32 to index
      %get3A_2529 = arith.index_cast %mul3A_2526 : i32 to index
      %get3A_2530 = tpu.vector_load %arg9[%get3A_2528, %get3A_2529] {strides = array<i32>} : memref<13x512xf32, #tpu.memory_space<vmem>>, vector<16xf32>,
      %mul3A_2531 = arith.mulf %gather3A_1153, %get3A_2530 : vector<16xf32>
      %add3A_2532 = arith.addf %add3A_2524, %mul3A_2531 : vector<16xf32>
      %mul3A_2533 = arith.constant 16 : i32
      %mul3A_2534 = arith.muli %add3A_2278, %mul3A_2533 : i32
      %get3A_2535 = arith.constant 9 : i32
      %get3A_2536 = arith.index_cast %get3A_2535 : i32 to index
      %get3A_2537 = arith.index_cast %mul3A_2534 : i32 to index
      %get3A_2538 = tpu.vector_load %arg9[%get3A_2536, %get3A_2537] {strides = array<i32>} : memref<13x512xf32, #tpu.memory_space<vmem>>, vector<16xf32>,
      %mul3A_2539 = arith.mulf %gather3A_1165, %get3A_2538 : vector<16xf32>
      %add3A_2540 = arith.addf %add3A_2532, %mul3A_2539 : vector<16xf32>
      %mul3A_2541 = arith.constant 16 : i32
      %mul3A_2542 = arith.muli %add3A_2278, %mul3A_2541 : i32
      %get3A_2543 = arith.constant 10 : i32
      %get3A_2544 = arith.index_cast %get3A_2543 : i32 to index
      %get3A_2545 = arith.index_cast %mul3A_2542 : i32 to index
      %get3A_2546 = tpu.vector_load %arg9[%get3A_2544, %get3A_2545] {strides = array<i32>} : memref<13x512xf32, #tpu.memory_space<vmem>>, vector<16xf32>,
      %mul3A_2547 = arith.mulf %gather3A_1177, %get3A_2546 : vector<16xf32>
      %add3A_2548 = arith.addf %add3A_2540, %mul3A_2547 : vector<16xf32>
      %mul3A_2549 = arith.constant 16 : i32
      %mul3A_2550 = arith.muli %add3A_2278, %mul3A_2549 : i32
      %get3A_2551 = arith.constant 11 : i32
      %get3A_2552 = arith.index_cast %get3A_2551 : i32 to index
      %get3A_2553 = arith.index_cast %mul3A_2550 : i32 to index
      %get3A_2554 = tpu.vector_load %arg9[%get3A_2552, %get3A_2553] {strides = array<i32>} : memref<13x512xf32, #tpu.memory_space<vmem>>, vector<16xf32>,
      %mul3A_2555 = arith.mulf %gather3A_1189, %get3A_2554 : vector<16xf32>
      %add3A_2556 = arith.addf %add3A_2548, %mul3A_2555 : vector<16xf32>
      %mul3A_2557 = arith.constant 16 : i32
      %mul3A_2558 = arith.muli %add3A_2278, %mul3A_2557 : i32
      %get3A_2559 = arith.constant 12 : i32
      %get3A_2560 = arith.index_cast %get3A_2559 : i32 to index
      %get3A_2561 = arith.index_cast %mul3A_2558 : i32 to index
      %get3A_2562 = tpu.vector_load %arg9[%get3A_2560, %get3A_2561] {strides = array<i32>} : memref<13x512xf32, #tpu.memory_space<vmem>>, vector<16xf32>,
      %mul3A_2563 = arith.mulf %gather3A_1201, %get3A_2562 : vector<16xf32>
      %add3A_2564 = arith.addf %add3A_2556, %mul3A_2563 : vector<16xf32>
      %mul3A_2565 = arith.constant 16 : i32
      %mul3A_2566 = arith.muli %add3A_2278, %mul3A_2565 : i32
      %swap3A = arith.index_cast %mul3A_2566 : i32 to index
      %swap3A_2567 = tpu.vector_load %arg11[%swap3A] {strides = array<i32>} : memref<512xf32, #tpu.memory_space<vmem>>, vector<16xf32>,
      tpu.vector_store %arg11[%swap3A], %add3A_2564 {strides = array<i32>} : memref<512xf32, #tpu.memory_space<vmem>>, vector<16xf32>,
    }
    %scan3A_2006 = arith.constant 8 : i32
    %dma_wait3A_2007 = arith.constant 0 : i32
    %dma_wait3A_2008 = arith.constant 0 : i32
    %dma_wait3A_2009 = arith.constant 384 : i32
    %dma_wait3A_2010 = tpu.memref_slice %arg8[%dma_wait3A_2008, %dma_wait3A_2009] : memref<26x512xf32, #tpu.memory_space<vmem>> -> memref<1x128xf32, #tpu.memory_space<vmem>>
    %dma_wait3A_2011 = tpu.memref_squeeze %dma_wait3A_2010 : memref<1x128xf32, #tpu.memory_space<vmem>> -> memref<128xf32, #tpu.memory_space<vmem>>
    %dma_wait3A_2012 = arith.constant 384 : i32
    %dma_wait3A_2013 = tpu.memref_slice %arg7[%dma_wait3A_2007, %dma_wait3A_2012] : memref<26x512xi32, #tpu.memory_space<vmem>> -> memref<1x128xi32, #tpu.memory_space<vmem>>
    %dma_wait3A_2014 = tpu.memref_squeeze %dma_wait3A_2013 : memref<1x128xi32, #tpu.memory_space<vmem>> -> memref<128xi32, #tpu.memory_space<vmem>>
    %dma_wait3A_2015 = arith.constant 0 : i32
    %dma_wait3A_2016 = tpu.memref_slice %arg2[%dma_wait3A_2015] : memref<1000000xf32, #tpu.memory_space<hbm>> -> memref<1000000xf32, #tpu.memory_space<hbm>>
    tpu.wait_indirect_dma semaphore(%arg15 : memref<!tpu.dma_semaphore, #tpu.memory_space<semaphore_mem>>) src(%dma_wait3A_2016 : memref<1000000xf32, #tpu.memory_space<hbm>>) dst(%dma_wait3A_2011 : memref<128xf32, #tpu.memory_space<vmem>>)
    %dma_wait3A_2017 = arith.constant 1 : i32
    %dma_wait3A_2018 = arith.constant 1 : i32
    %dma_wait3A_2019 = arith.constant 384 : i32
    %dma_wait3A_2020 = tpu.memref_slice %arg8[%dma_wait3A_2018, %dma_wait3A_2019] : memref<26x512xf32, #tpu.memory_space<vmem>> -> memref<1x128xf32, #tpu.memory_space<vmem>>
    %dma_wait3A_2021 = tpu.memref_squeeze %dma_wait3A_2020 : memref<1x128xf32, #tpu.memory_space<vmem>> -> memref<128xf32, #tpu.memory_space<vmem>>
    %dma_wait3A_2022 = arith.constant 384 : i32
    %dma_wait3A_2023 = tpu.memref_slice %arg7[%dma_wait3A_2017, %dma_wait3A_2022] : memref<26x512xi32, #tpu.memory_space<vmem>> -> memref<1x128xi32, #tpu.memory_space<vmem>>
    %dma_wait3A_2024 = tpu.memref_squeeze %dma_wait3A_2023 : memref<1x128xi32, #tpu.memory_space<vmem>> -> memref<128xi32, #tpu.memory_space<vmem>>
    %dma_wait3A_2025 = arith.constant 0 : i32
    %dma_wait3A_2026 = tpu.memref_slice %arg2[%dma_wait3A_2025] : memref<1000000xf32, #tpu.memory_space<hbm>> -> memref<1000000xf32, #tpu.memory_space<hbm>>
    tpu.wait_indirect_dma semaphore(%arg15 : memref<!tpu.dma_semaphore, #tpu.memory_space<semaphore_mem>>) src(%dma_wait3A_2026 : memref<1000000xf32, #tpu.memory_space<hbm>>) dst(%dma_wait3A_2021 : memref<128xf32, #tpu.memory_space<vmem>>)
    %dma_wait3A_2027 = arith.constant 2 : i32
    %dma_wait3A_2028 = arith.constant 2 : i32
    %dma_wait3A_2029 = arith.constant 384 : i32
    %dma_wait3A_2030 = tpu.memref_slice %arg8[%dma_wait3A_2028, %dma_wait3A_2029] : memref<26x512xf32, #tpu.memory_space<vmem>> -> memref<1x128xf32, #tpu.memory_space<vmem>>
    %dma_wait3A_2031 = tpu.memref_squeeze %dma_wait3A_2030 : memref<1x128xf32, #tpu.memory_space<vmem>> -> memref<128xf32, #tpu.memory_space<vmem>>
    %dma_wait3A_2032 = arith.constant 384 : i32
    %dma_wait3A_2033 = tpu.memref_slice %arg7[%dma_wait3A_2027, %dma_wait3A_2032] : memref<26x512xi32, #tpu.memory_space<vmem>> -> memref<1x128xi32, #tpu.memory_space<vmem>>
    %dma_wait3A_2034 = tpu.memref_squeeze %dma_wait3A_2033 : memref<1x128xi32, #tpu.memory_space<vmem>> -> memref<128xi32, #tpu.memory_space<vmem>>
    %dma_wait3A_2035 = arith.constant 0 : i32
    %dma_wait3A_2036 = tpu.memref_slice %arg2[%dma_wait3A_2035] : memref<1000000xf32, #tpu.memory_space<hbm>> -> memref<1000000xf32, #tpu.memory_space<hbm>>
    tpu.wait_indirect_dma semaphore(%arg15 : memref<!tpu.dma_semaphore, #tpu.memory_space<semaphore_mem>>) src(%dma_wait3A_2036 : memref<1000000xf32, #tpu.memory_space<hbm>>) dst(%dma_wait3A_2031 : memref<128xf32, #tpu.memory_space<vmem>>)
    %dma_wait3A_2037 = arith.constant 3 : i32
    %dma_wait3A_2038 = arith.constant 3 : i32
    %dma_wait3A_2039 = arith.constant 384 : i32
    %dma_wait3A_2040 = tpu.memref_slice %arg8[%dma_wait3A_2038, %dma_wait3A_2039] : memref<26x512xf32, #tpu.memory_space<vmem>> -> memref<1x128xf32, #tpu.memory_space<vmem>>
    %dma_wait3A_2041 = tpu.memref_squeeze %dma_wait3A_2040 : memref<1x128xf32, #tpu.memory_space<vmem>> -> memref<128xf32, #tpu.memory_space<vmem>>
    %dma_wait3A_2042 = arith.constant 384 : i32
    %dma_wait3A_2043 = tpu.memref_slice %arg7[%dma_wait3A_2037, %dma_wait3A_2042] : memref<26x512xi32, #tpu.memory_space<vmem>> -> memref<1x128xi32, #tpu.memory_space<vmem>>
    %dma_wait3A_2044 = tpu.memref_squeeze %dma_wait3A_2043 : memref<1x128xi32, #tpu.memory_space<vmem>> -> memref<128xi32, #tpu.memory_space<vmem>>
    %dma_wait3A_2045 = arith.constant 0 : i32
    %dma_wait3A_2046 = tpu.memref_slice %arg2[%dma_wait3A_2045] : memref<1000000xf32, #tpu.memory_space<hbm>> -> memref<1000000xf32, #tpu.memory_space<hbm>>
    tpu.wait_indirect_dma semaphore(%arg15 : memref<!tpu.dma_semaphore, #tpu.memory_space<semaphore_mem>>) src(%dma_wait3A_2046 : memref<1000000xf32, #tpu.memory_space<hbm>>) dst(%dma_wait3A_2041 : memref<128xf32, #tpu.memory_space<vmem>>)
    %dma_wait3A_2047 = arith.constant 4 : i32
    %dma_wait3A_2048 = arith.constant 4 : i32
    %dma_wait3A_2049 = arith.constant 384 : i32
    %dma_wait3A_2050 = tpu.memref_slice %arg8[%dma_wait3A_2048, %dma_wait3A_2049] : memref<26x512xf32, #tpu.memory_space<vmem>> -> memref<1x128xf32, #tpu.memory_space<vmem>>
    %dma_wait3A_2051 = tpu.memref_squeeze %dma_wait3A_2050 : memref<1x128xf32, #tpu.memory_space<vmem>> -> memref<128xf32, #tpu.memory_space<vmem>>
    %dma_wait3A_2052 = arith.constant 384 : i32
    %dma_wait3A_2053 = tpu.memref_slice %arg7[%dma_wait3A_2047, %dma_wait3A_2052] : memref<26x512xi32, #tpu.memory_space<vmem>> -> memref<1x128xi32, #tpu.memory_space<vmem>>
    %dma_wait3A_2054 = tpu.memref_squeeze %dma_wait3A_2053 : memref<1x128xi32, #tpu.memory_space<vmem>> -> memref<128xi32, #tpu.memory_space<vmem>>
    %dma_wait3A_2055 = arith.constant 0 : i32
    %dma_wait3A_2056 = tpu.memref_slice %arg2[%dma_wait3A_2055] : memref<1000000xf32, #tpu.memory_space<hbm>> -> memref<1000000xf32, #tpu.memory_space<hbm>>
    tpu.wait_indirect_dma semaphore(%arg15 : memref<!tpu.dma_semaphore, #tpu.memory_space<semaphore_mem>>) src(%dma_wait3A_2056 : memref<1000000xf32, #tpu.memory_space<hbm>>) dst(%dma_wait3A_2051 : memref<128xf32, #tpu.memory_space<vmem>>)
    %dma_wait3A_2057 = arith.constant 5 : i32
    %dma_wait3A_2058 = arith.constant 5 : i32
    %dma_wait3A_2059 = arith.constant 384 : i32
    %dma_wait3A_2060 = tpu.memref_slice %arg8[%dma_wait3A_2058, %dma_wait3A_2059] : memref<26x512xf32, #tpu.memory_space<vmem>> -> memref<1x128xf32, #tpu.memory_space<vmem>>
    %dma_wait3A_2061 = tpu.memref_squeeze %dma_wait3A_2060 : memref<1x128xf32, #tpu.memory_space<vmem>> -> memref<128xf32, #tpu.memory_space<vmem>>
    %dma_wait3A_2062 = arith.constant 384 : i32
    %dma_wait3A_2063 = tpu.memref_slice %arg7[%dma_wait3A_2057, %dma_wait3A_2062] : memref<26x512xi32, #tpu.memory_space<vmem>> -> memref<1x128xi32, #tpu.memory_space<vmem>>
    %dma_wait3A_2064 = tpu.memref_squeeze %dma_wait3A_2063 : memref<1x128xi32, #tpu.memory_space<vmem>> -> memref<128xi32, #tpu.memory_space<vmem>>
    %dma_wait3A_2065 = arith.constant 0 : i32
    %dma_wait3A_2066 = tpu.memref_slice %arg2[%dma_wait3A_2065] : memref<1000000xf32, #tpu.memory_space<hbm>> -> memref<1000000xf32, #tpu.memory_space<hbm>>
    tpu.wait_indirect_dma semaphore(%arg15 : memref<!tpu.dma_semaphore, #tpu.memory_space<semaphore_mem>>) src(%dma_wait3A_2066 : memref<1000000xf32, #tpu.memory_space<hbm>>) dst(%dma_wait3A_2061 : memref<128xf32, #tpu.memory_space<vmem>>)
    %dma_wait3A_2067 = arith.constant 6 : i32
    %dma_wait3A_2068 = arith.constant 6 : i32
    %dma_wait3A_2069 = arith.constant 384 : i32
    %dma_wait3A_2070 = tpu.memref_slice %arg8[%dma_wait3A_2068, %dma_wait3A_2069] : memref<26x512xf32, #tpu.memory_space<vmem>> -> memref<1x128xf32, #tpu.memory_space<vmem>>
    %dma_wait3A_2071 = tpu.memref_squeeze %dma_wait3A_2070 : memref<1x128xf32, #tpu.memory_space<vmem>> -> memref<128xf32, #tpu.memory_space<vmem>>
    %dma_wait3A_2072 = arith.constant 384 : i32
    %dma_wait3A_2073 = tpu.memref_slice %arg7[%dma_wait3A_2067, %dma_wait3A_2072] : memref<26x512xi32, #tpu.memory_space<vmem>> -> memref<1x128xi32, #tpu.memory_space<vmem>>
    %dma_wait3A_2074 = tpu.memref_squeeze %dma_wait3A_2073 : memref<1x128xi32, #tpu.memory_space<vmem>> -> memref<128xi32, #tpu.memory_space<vmem>>
    %dma_wait3A_2075 = arith.constant 0 : i32
    %dma_wait3A_2076 = tpu.memref_slice %arg2[%dma_wait3A_2075] : memref<1000000xf32, #tpu.memory_space<hbm>> -> memref<1000000xf32, #tpu.memory_space<hbm>>
    tpu.wait_indirect_dma semaphore(%arg15 : memref<!tpu.dma_semaphore, #tpu.memory_space<semaphore_mem>>) src(%dma_wait3A_2076 : memref<1000000xf32, #tpu.memory_space<hbm>>) dst(%dma_wait3A_2071 : memref<128xf32, #tpu.memory_space<vmem>>)
    %dma_wait3A_2077 = arith.constant 7 : i32
    %dma_wait3A_2078 = arith.constant 7 : i32
    %dma_wait3A_2079 = arith.constant 384 : i32
    %dma_wait3A_2080 = tpu.memref_slice %arg8[%dma_wait3A_2078, %dma_wait3A_2079] : memref<26x512xf32, #tpu.memory_space<vmem>> -> memref<1x128xf32, #tpu.memory_space<vmem>>
    %dma_wait3A_2081 = tpu.memref_squeeze %dma_wait3A_2080 : memref<1x128xf32, #tpu.memory_space<vmem>> -> memref<128xf32, #tpu.memory_space<vmem>>
    %dma_wait3A_2082 = arith.constant 384 : i32
    %dma_wait3A_2083 = tpu.memref_slice %arg7[%dma_wait3A_2077, %dma_wait3A_2082] : memref<26x512xi32, #tpu.memory_space<vmem>> -> memref<1x128xi32, #tpu.memory_space<vmem>>
    %dma_wait3A_2084 = tpu.memref_squeeze %dma_wait3A_2083 : memref<1x128xi32, #tpu.memory_space<vmem>> -> memref<128xi32, #tpu.memory_space<vmem>>
    %dma_wait3A_2085 = arith.constant 0 : i32
    %dma_wait3A_2086 = tpu.memref_slice %arg2[%dma_wait3A_2085] : memref<1000000xf32, #tpu.memory_space<hbm>> -> memref<1000000xf32, #tpu.memory_space<hbm>>
    tpu.wait_indirect_dma semaphore(%arg15 : memref<!tpu.dma_semaphore, #tpu.memory_space<semaphore_mem>>) src(%dma_wait3A_2086 : memref<1000000xf32, #tpu.memory_space<hbm>>) dst(%dma_wait3A_2081 : memref<128xf32, #tpu.memory_space<vmem>>)
    %dma_wait3A_2087 = arith.constant 8 : i32
    %dma_wait3A_2088 = arith.constant 8 : i32
    %dma_wait3A_2089 = arith.constant 384 : i32
    %dma_wait3A_2090 = tpu.memref_slice %arg8[%dma_wait3A_2088, %dma_wait3A_2089] : memref<26x512xf32, #tpu.memory_space<vmem>> -> memref<1x128xf32, #tpu.memory_space<vmem>>
    %dma_wait3A_2091 = tpu.memref_squeeze %dma_wait3A_2090 : memref<1x128xf32, #tpu.memory_space<vmem>> -> memref<128xf32, #tpu.memory_space<vmem>>
    %dma_wait3A_2092 = arith.constant 384 : i32
    %dma_wait3A_2093 = tpu.memref_slice %arg7[%dma_wait3A_2087, %dma_wait3A_2092] : memref<26x512xi32, #tpu.memory_space<vmem>> -> memref<1x128xi32, #tpu.memory_space<vmem>>
    %dma_wait3A_2094 = tpu.memref_squeeze %dma_wait3A_2093 : memref<1x128xi32, #tpu.memory_space<vmem>> -> memref<128xi32, #tpu.memory_space<vmem>>
    %dma_wait3A_2095 = arith.constant 0 : i32
    %dma_wait3A_2096 = tpu.memref_slice %arg2[%dma_wait3A_2095] : memref<1000000xf32, #tpu.memory_space<hbm>> -> memref<1000000xf32, #tpu.memory_space<hbm>>
    tpu.wait_indirect_dma semaphore(%arg15 : memref<!tpu.dma_semaphore, #tpu.memory_space<semaphore_mem>>) src(%dma_wait3A_2096 : memref<1000000xf32, #tpu.memory_space<hbm>>) dst(%dma_wait3A_2091 : memref<128xf32, #tpu.memory_space<vmem>>)
    %dma_wait3A_2097 = arith.constant 9 : i32
    %dma_wait3A_2098 = arith.constant 9 : i32
    %dma_wait3A_2099 = arith.constant 384 : i32
    %dma_wait3A_2100 = tpu.memref_slice %arg8[%dma_wait3A_2098, %dma_wait3A_2099] : memref<26x512xf32, #tpu.memory_space<vmem>> -> memref<1x128xf32, #tpu.memory_space<vmem>>
    %dma_wait3A_2101 = tpu.memref_squeeze %dma_wait3A_2100 : memref<1x128xf32, #tpu.memory_space<vmem>> -> memref<128xf32, #tpu.memory_space<vmem>>
    %dma_wait3A_2102 = arith.constant 384 : i32
    %dma_wait3A_2103 = tpu.memref_slice %arg7[%dma_wait3A_2097, %dma_wait3A_2102] : memref<26x512xi32, #tpu.memory_space<vmem>> -> memref<1x128xi32, #tpu.memory_space<vmem>>
    %dma_wait3A_2104 = tpu.memref_squeeze %dma_wait3A_2103 : memref<1x128xi32, #tpu.memory_space<vmem>> -> memref<128xi32, #tpu.memory_space<vmem>>
    %dma_wait3A_2105 = arith.constant 0 : i32
    %dma_wait3A_2106 = tpu.memref_slice %arg2[%dma_wait3A_2105] : memref<1000000xf32, #tpu.memory_space<hbm>> -> memref<1000000xf32, #tpu.memory_space<hbm>>
    tpu.wait_indirect_dma semaphore(%arg15 : memref<!tpu.dma_semaphore, #tpu.memory_space<semaphore_mem>>) src(%dma_wait3A_2106 : memref<1000000xf32, #tpu.memory_space<hbm>>) dst(%dma_wait3A_2101 : memref<128xf32, #tpu.memory_space<vmem>>)
    %dma_wait3A_2107 = arith.constant 10 : i32
    %dma_wait3A_2108 = arith.constant 10 : i32
    %dma_wait3A_2109 = arith.constant 384 : i32
    %dma_wait3A_2110 = tpu.memref_slice %arg8[%dma_wait3A_2108, %dma_wait3A_2109] : memref<26x512xf32, #tpu.memory_space<vmem>> -> memref<1x128xf32, #tpu.memory_space<vmem>>
    %dma_wait3A_2111 = tpu.memref_squeeze %dma_wait3A_2110 : memref<1x128xf32, #tpu.memory_space<vmem>> -> memref<128xf32, #tpu.memory_space<vmem>>
    %dma_wait3A_2112 = arith.constant 384 : i32
    %dma_wait3A_2113 = tpu.memref_slice %arg7[%dma_wait3A_2107, %dma_wait3A_2112] : memref<26x512xi32, #tpu.memory_space<vmem>> -> memref<1x128xi32, #tpu.memory_space<vmem>>
    %dma_wait3A_2114 = tpu.memref_squeeze %dma_wait3A_2113 : memref<1x128xi32, #tpu.memory_space<vmem>> -> memref<128xi32, #tpu.memory_space<vmem>>
    %dma_wait3A_2115 = arith.constant 0 : i32
    %dma_wait3A_2116 = tpu.memref_slice %arg2[%dma_wait3A_2115] : memref<1000000xf32, #tpu.memory_space<hbm>> -> memref<1000000xf32, #tpu.memory_space<hbm>>
    tpu.wait_indirect_dma semaphore(%arg15 : memref<!tpu.dma_semaphore, #tpu.memory_space<semaphore_mem>>) src(%dma_wait3A_2116 : memref<1000000xf32, #tpu.memory_space<hbm>>) dst(%dma_wait3A_2111 : memref<128xf32, #tpu.memory_space<vmem>>)
    %dma_wait3A_2117 = arith.constant 11 : i32
    %dma_wait3A_2118 = arith.constant 11 : i32
    %dma_wait3A_2119 = arith.constant 384 : i32
    %dma_wait3A_2120 = tpu.memref_slice %arg8[%dma_wait3A_2118, %dma_wait3A_2119] : memref<26x512xf32, #tpu.memory_space<vmem>> -> memref<1x128xf32, #tpu.memory_space<vmem>>
    %dma_wait3A_2121 = tpu.memref_squeeze %dma_wait3A_2120 : memref<1x128xf32, #tpu.memory_space<vmem>> -> memref<128xf32, #tpu.memory_space<vmem>>
    %dma_wait3A_2122 = arith.constant 384 : i32
    %dma_wait3A_2123 = tpu.memref_slice %arg7[%dma_wait3A_2117, %dma_wait3A_2122] : memref<26x512xi32, #tpu.memory_space<vmem>> -> memref<1x128xi32, #tpu.memory_space<vmem>>
    %dma_wait3A_2124 = tpu.memref_squeeze %dma_wait3A_2123 : memref<1x128xi32, #tpu.memory_space<vmem>> -> memref<128xi32, #tpu.memory_space<vmem>>
    %dma_wait3A_2125 = arith.constant 0 : i32
    %dma_wait3A_2126 = tpu.memref_slice %arg2[%dma_wait3A_2125] : memref<1000000xf32, #tpu.memory_space<hbm>> -> memref<1000000xf32, #tpu.memory_space<hbm>>
    tpu.wait_indirect_dma semaphore(%arg15 : memref<!tpu.dma_semaphore, #tpu.memory_space<semaphore_mem>>) src(%dma_wait3A_2126 : memref<1000000xf32, #tpu.memory_space<hbm>>) dst(%dma_wait3A_2121 : memref<128xf32, #tpu.memory_space<vmem>>)
    %dma_wait3A_2127 = arith.constant 12 : i32
    %dma_wait3A_2128 = arith.constant 12 : i32
    %dma_wait3A_2129 = arith.constant 384 : i32
    %dma_wait3A_2130 = tpu.memref_slice %arg8[%dma_wait3A_2128, %dma_wait3A_2129] : memref<26x512xf32, #tpu.memory_space<vmem>> -> memref<1x128xf32, #tpu.memory_space<vmem>>
    %dma_wait3A_2131 = tpu.memref_squeeze %dma_wait3A_2130 : memref<1x128xf32, #tpu.memory_space<vmem>> -> memref<128xf32, #tpu.memory_space<vmem>>
    %dma_wait3A_2132 = arith.constant 384 : i32
    %dma_wait3A_2133 = tpu.memref_slice %arg7[%dma_wait3A_2127, %dma_wait3A_2132] : memref<26x512xi32, #tpu.memory_space<vmem>> -> memref<1x128xi32, #tpu.memory_space<vmem>>
    %dma_wait3A_2134 = tpu.memref_squeeze %dma_wait3A_2133 : memref<1x128xi32, #tpu.memory_space<vmem>> -> memref<128xi32, #tpu.memory_space<vmem>>
    %dma_wait3A_2135 = arith.constant 0 : i32
    %dma_wait3A_2136 = tpu.memref_slice %arg2[%dma_wait3A_2135] : memref<1000000xf32, #tpu.memory_space<hbm>> -> memref<1000000xf32, #tpu.memory_space<hbm>>
    tpu.wait_indirect_dma semaphore(%arg15 : memref<!tpu.dma_semaphore, #tpu.memory_space<semaphore_mem>>) src(%dma_wait3A_2136 : memref<1000000xf32, #tpu.memory_space<hbm>>) dst(%dma_wait3A_2131 : memref<128xf32, #tpu.memory_space<vmem>>)
    %dma_wait3A_2137 = arith.constant 13 : i32
    %dma_wait3A_2138 = arith.constant 13 : i32
    %dma_wait3A_2139 = arith.constant 384 : i32
    %dma_wait3A_2140 = tpu.memref_slice %arg8[%dma_wait3A_2138, %dma_wait3A_2139] : memref<26x512xf32, #tpu.memory_space<vmem>> -> memref<1x128xf32, #tpu.memory_space<vmem>>
    %dma_wait3A_2141 = tpu.memref_squeeze %dma_wait3A_2140 : memref<1x128xf32, #tpu.memory_space<vmem>> -> memref<128xf32, #tpu.memory_space<vmem>>
    %dma_wait3A_2142 = arith.constant 384 : i32
    %dma_wait3A_2143 = tpu.memref_slice %arg7[%dma_wait3A_2137, %dma_wait3A_2142] : memref<26x512xi32, #tpu.memory_space<vmem>> -> memref<1x128xi32, #tpu.memory_space<vmem>>
    %dma_wait3A_2144 = tpu.memref_squeeze %dma_wait3A_2143 : memref<1x128xi32, #tpu.memory_space<vmem>> -> memref<128xi32, #tpu.memory_space<vmem>>
    %dma_wait3A_2145 = arith.constant 0 : i32
    %dma_wait3A_2146 = tpu.memref_slice %arg2[%dma_wait3A_2145] : memref<1000000xf32, #tpu.memory_space<hbm>> -> memref<1000000xf32, #tpu.memory_space<hbm>>
    tpu.wait_indirect_dma semaphore(%arg15 : memref<!tpu.dma_semaphore, #tpu.memory_space<semaphore_mem>>) src(%dma_wait3A_2146 : memref<1000000xf32, #tpu.memory_space<hbm>>) dst(%dma_wait3A_2141 : memref<128xf32, #tpu.memory_space<vmem>>)
    %dma_wait3A_2147 = arith.constant 14 : i32
    %dma_wait3A_2148 = arith.constant 14 : i32
    %dma_wait3A_2149 = arith.constant 384 : i32
    %dma_wait3A_2150 = tpu.memref_slice %arg8[%dma_wait3A_2148, %dma_wait3A_2149] : memref<26x512xf32, #tpu.memory_space<vmem>> -> memref<1x128xf32, #tpu.memory_space<vmem>>
    %dma_wait3A_2151 = tpu.memref_squeeze %dma_wait3A_2150 : memref<1x128xf32, #tpu.memory_space<vmem>> -> memref<128xf32, #tpu.memory_space<vmem>>
    %dma_wait3A_2152 = arith.constant 384 : i32
    %dma_wait3A_2153 = tpu.memref_slice %arg7[%dma_wait3A_2147, %dma_wait3A_2152] : memref<26x512xi32, #tpu.memory_space<vmem>> -> memref<1x128xi32, #tpu.memory_space<vmem>>
    %dma_wait3A_2154 = tpu.memref_squeeze %dma_wait3A_2153 : memref<1x128xi32, #tpu.memory_space<vmem>> -> memref<128xi32, #tpu.memory_space<vmem>>
    %dma_wait3A_2155 = arith.constant 0 : i32
    %dma_wait3A_2156 = tpu.memref_slice %arg2[%dma_wait3A_2155] : memref<1000000xf32, #tpu.memory_space<hbm>> -> memref<1000000xf32, #tpu.memory_space<hbm>>
    tpu.wait_indirect_dma semaphore(%arg15 : memref<!tpu.dma_semaphore, #tpu.memory_space<semaphore_mem>>) src(%dma_wait3A_2156 : memref<1000000xf32, #tpu.memory_space<hbm>>) dst(%dma_wait3A_2151 : memref<128xf32, #tpu.memory_space<vmem>>)
    %dma_wait3A_2157 = arith.constant 15 : i32
    %dma_wait3A_2158 = arith.constant 15 : i32
    %dma_wait3A_2159 = arith.constant 384 : i32
    %dma_wait3A_2160 = tpu.memref_slice %arg8[%dma_wait3A_2158, %dma_wait3A_2159] : memref<26x512xf32, #tpu.memory_space<vmem>> -> memref<1x128xf32, #tpu.memory_space<vmem>>
    %dma_wait3A_2161 = tpu.memref_squeeze %dma_wait3A_2160 : memref<1x128xf32, #tpu.memory_space<vmem>> -> memref<128xf32, #tpu.memory_space<vmem>>
    %dma_wait3A_2162 = arith.constant 384 : i32
    %dma_wait3A_2163 = tpu.memref_slice %arg7[%dma_wait3A_2157, %dma_wait3A_2162] : memref<26x512xi32, #tpu.memory_space<vmem>> -> memref<1x128xi32, #tpu.memory_space<vmem>>
    %dma_wait3A_2164 = tpu.memref_squeeze %dma_wait3A_2163 : memref<1x128xi32, #tpu.memory_space<vmem>> -> memref<128xi32, #tpu.memory_space<vmem>>
    %dma_wait3A_2165 = arith.constant 0 : i32
    %dma_wait3A_2166 = tpu.memref_slice %arg2[%dma_wait3A_2165] : memref<1000000xf32, #tpu.memory_space<hbm>> -> memref<1000000xf32, #tpu.memory_space<hbm>>
    tpu.wait_indirect_dma semaphore(%arg15 : memref<!tpu.dma_semaphore, #tpu.memory_space<semaphore_mem>>) src(%dma_wait3A_2166 : memref<1000000xf32, #tpu.memory_space<hbm>>) dst(%dma_wait3A_2161 : memref<128xf32, #tpu.memory_space<vmem>>)
    %dma_wait3A_2167 = arith.constant 16 : i32
    %dma_wait3A_2168 = arith.constant 16 : i32
    %dma_wait3A_2169 = arith.constant 384 : i32
    %dma_wait3A_2170 = tpu.memref_slice %arg8[%dma_wait3A_2168, %dma_wait3A_2169] : memref<26x512xf32, #tpu.memory_space<vmem>> -> memref<1x128xf32, #tpu.memory_space<vmem>>
    %dma_wait3A_2171 = tpu.memref_squeeze %dma_wait3A_2170 : memref<1x128xf32, #tpu.memory_space<vmem>> -> memref<128xf32, #tpu.memory_space<vmem>>
    %dma_wait3A_2172 = arith.constant 384 : i32
    %dma_wait3A_2173 = tpu.memref_slice %arg7[%dma_wait3A_2167, %dma_wait3A_2172] : memref<26x512xi32, #tpu.memory_space<vmem>> -> memref<1x128xi32, #tpu.memory_space<vmem>>
    %dma_wait3A_2174 = tpu.memref_squeeze %dma_wait3A_2173 : memref<1x128xi32, #tpu.memory_space<vmem>> -> memref<128xi32, #tpu.memory_space<vmem>>
    %dma_wait3A_2175 = arith.constant 0 : i32
    %dma_wait3A_2176 = tpu.memref_slice %arg2[%dma_wait3A_2175] : memref<1000000xf32, #tpu.memory_space<hbm>> -> memref<1000000xf32, #tpu.memory_space<hbm>>
    tpu.wait_indirect_dma semaphore(%arg15 : memref<!tpu.dma_semaphore, #tpu.memory_space<semaphore_mem>>) src(%dma_wait3A_2176 : memref<1000000xf32, #tpu.memory_space<hbm>>) dst(%dma_wait3A_2171 : memref<128xf32, #tpu.memory_space<vmem>>)
    %dma_wait3A_2177 = arith.constant 17 : i32
    %dma_wait3A_2178 = arith.constant 17 : i32
    %dma_wait3A_2179 = arith.constant 384 : i32
    %dma_wait3A_2180 = tpu.memref_slice %arg8[%dma_wait3A_2178, %dma_wait3A_2179] : memref<26x512xf32, #tpu.memory_space<vmem>> -> memref<1x128xf32, #tpu.memory_space<vmem>>
    %dma_wait3A_2181 = tpu.memref_squeeze %dma_wait3A_2180 : memref<1x128xf32, #tpu.memory_space<vmem>> -> memref<128xf32, #tpu.memory_space<vmem>>
    %dma_wait3A_2182 = arith.constant 384 : i32
    %dma_wait3A_2183 = tpu.memref_slice %arg7[%dma_wait3A_2177, %dma_wait3A_2182] : memref<26x512xi32, #tpu.memory_space<vmem>> -> memref<1x128xi32, #tpu.memory_space<vmem>>
    %dma_wait3A_2184 = tpu.memref_squeeze %dma_wait3A_2183 : memref<1x128xi32, #tpu.memory_space<vmem>> -> memref<128xi32, #tpu.memory_space<vmem>>
    %dma_wait3A_2185 = arith.constant 0 : i32
    %dma_wait3A_2186 = tpu.memref_slice %arg2[%dma_wait3A_2185] : memref<1000000xf32, #tpu.memory_space<hbm>> -> memref<1000000xf32, #tpu.memory_space<hbm>>
    tpu.wait_indirect_dma semaphore(%arg15 : memref<!tpu.dma_semaphore, #tpu.memory_space<semaphore_mem>>) src(%dma_wait3A_2186 : memref<1000000xf32, #tpu.memory_space<hbm>>) dst(%dma_wait3A_2181 : memref<128xf32, #tpu.memory_space<vmem>>)
    %dma_wait3A_2187 = arith.constant 18 : i32
    %dma_wait3A_2188 = arith.constant 18 : i32
    %dma_wait3A_2189 = arith.constant 384 : i32
    %dma_wait3A_2190 = tpu.memref_slice %arg8[%dma_wait3A_2188, %dma_wait3A_2189] : memref<26x512xf32, #tpu.memory_space<vmem>> -> memref<1x128xf32, #tpu.memory_space<vmem>>
    %dma_wait3A_2191 = tpu.memref_squeeze %dma_wait3A_2190 : memref<1x128xf32, #tpu.memory_space<vmem>> -> memref<128xf32, #tpu.memory_space<vmem>>
    %dma_wait3A_2192 = arith.constant 384 : i32
    %dma_wait3A_2193 = tpu.memref_slice %arg7[%dma_wait3A_2187, %dma_wait3A_2192] : memref<26x512xi32, #tpu.memory_space<vmem>> -> memref<1x128xi32, #tpu.memory_space<vmem>>
    %dma_wait3A_2194 = tpu.memref_squeeze %dma_wait3A_2193 : memref<1x128xi32, #tpu.memory_space<vmem>> -> memref<128xi32, #tpu.memory_space<vmem>>
    %dma_wait3A_2195 = arith.constant 0 : i32
    %dma_wait3A_2196 = tpu.memref_slice %arg2[%dma_wait3A_2195] : memref<1000000xf32, #tpu.memory_space<hbm>> -> memref<1000000xf32, #tpu.memory_space<hbm>>
    tpu.wait_indirect_dma semaphore(%arg15 : memref<!tpu.dma_semaphore, #tpu.memory_space<semaphore_mem>>) src(%dma_wait3A_2196 : memref<1000000xf32, #tpu.memory_space<hbm>>) dst(%dma_wait3A_2191 : memref<128xf32, #tpu.memory_space<vmem>>)
    %dma_wait3A_2197 = arith.constant 19 : i32
    %dma_wait3A_2198 = arith.constant 19 : i32
    %dma_wait3A_2199 = arith.constant 384 : i32
    %dma_wait3A_2200 = tpu.memref_slice %arg8[%dma_wait3A_2198, %dma_wait3A_2199] : memref<26x512xf32, #tpu.memory_space<vmem>> -> memref<1x128xf32, #tpu.memory_space<vmem>>
    %dma_wait3A_2201 = tpu.memref_squeeze %dma_wait3A_2200 : memref<1x128xf32, #tpu.memory_space<vmem>> -> memref<128xf32, #tpu.memory_space<vmem>>
    %dma_wait3A_2202 = arith.constant 384 : i32
    %dma_wait3A_2203 = tpu.memref_slice %arg7[%dma_wait3A_2197, %dma_wait3A_2202] : memref<26x512xi32, #tpu.memory_space<vmem>> -> memref<1x128xi32, #tpu.memory_space<vmem>>
    %dma_wait3A_2204 = tpu.memref_squeeze %dma_wait3A_2203 : memref<1x128xi32, #tpu.memory_space<vmem>> -> memref<128xi32, #tpu.memory_space<vmem>>
    %dma_wait3A_2205 = arith.constant 0 : i32
    %dma_wait3A_2206 = tpu.memref_slice %arg2[%dma_wait3A_2205] : memref<1000000xf32, #tpu.memory_space<hbm>> -> memref<1000000xf32, #tpu.memory_space<hbm>>
    tpu.wait_indirect_dma semaphore(%arg15 : memref<!tpu.dma_semaphore, #tpu.memory_space<semaphore_mem>>) src(%dma_wait3A_2206 : memref<1000000xf32, #tpu.memory_space<hbm>>) dst(%dma_wait3A_2201 : memref<128xf32, #tpu.memory_space<vmem>>)
    %dma_wait3A_2207 = arith.constant 20 : i32
    %dma_wait3A_2208 = arith.constant 20 : i32
    %dma_wait3A_2209 = arith.constant 384 : i32
    %dma_wait3A_2210 = tpu.memref_slice %arg8[%dma_wait3A_2208, %dma_wait3A_2209] : memref<26x512xf32, #tpu.memory_space<vmem>> -> memref<1x128xf32, #tpu.memory_space<vmem>>
    %dma_wait3A_2211 = tpu.memref_squeeze %dma_wait3A_2210 : memref<1x128xf32, #tpu.memory_space<vmem>> -> memref<128xf32, #tpu.memory_space<vmem>>
    %dma_wait3A_2212 = arith.constant 384 : i32
    %dma_wait3A_2213 = tpu.memref_slice %arg7[%dma_wait3A_2207, %dma_wait3A_2212] : memref<26x512xi32, #tpu.memory_space<vmem>> -> memref<1x128xi32, #tpu.memory_space<vmem>>
    %dma_wait3A_2214 = tpu.memref_squeeze %dma_wait3A_2213 : memref<1x128xi32, #tpu.memory_space<vmem>> -> memref<128xi32, #tpu.memory_space<vmem>>
    %dma_wait3A_2215 = arith.constant 0 : i32
    %dma_wait3A_2216 = tpu.memref_slice %arg2[%dma_wait3A_2215] : memref<1000000xf32, #tpu.memory_space<hbm>> -> memref<1000000xf32, #tpu.memory_space<hbm>>
    tpu.wait_indirect_dma semaphore(%arg15 : memref<!tpu.dma_semaphore, #tpu.memory_space<semaphore_mem>>) src(%dma_wait3A_2216 : memref<1000000xf32, #tpu.memory_space<hbm>>) dst(%dma_wait3A_2211 : memref<128xf32, #tpu.memory_space<vmem>>)
    %dma_wait3A_2217 = arith.constant 21 : i32
    %dma_wait3A_2218 = arith.constant 21 : i32
    %dma_wait3A_2219 = arith.constant 384 : i32
    %dma_wait3A_2220 = tpu.memref_slice %arg8[%dma_wait3A_2218, %dma_wait3A_2219] : memref<26x512xf32, #tpu.memory_space<vmem>> -> memref<1x128xf32, #tpu.memory_space<vmem>>
    %dma_wait3A_2221 = tpu.memref_squeeze %dma_wait3A_2220 : memref<1x128xf32, #tpu.memory_space<vmem>> -> memref<128xf32, #tpu.memory_space<vmem>>
    %dma_wait3A_2222 = arith.constant 384 : i32
    %dma_wait3A_2223 = tpu.memref_slice %arg7[%dma_wait3A_2217, %dma_wait3A_2222] : memref<26x512xi32, #tpu.memory_space<vmem>> -> memref<1x128xi32, #tpu.memory_space<vmem>>
    %dma_wait3A_2224 = tpu.memref_squeeze %dma_wait3A_2223 : memref<1x128xi32, #tpu.memory_space<vmem>> -> memref<128xi32, #tpu.memory_space<vmem>>
    %dma_wait3A_2225 = arith.constant 0 : i32
    %dma_wait3A_2226 = tpu.memref_slice %arg2[%dma_wait3A_2225] : memref<1000000xf32, #tpu.memory_space<hbm>> -> memref<1000000xf32, #tpu.memory_space<hbm>>
    tpu.wait_indirect_dma semaphore(%arg15 : memref<!tpu.dma_semaphore, #tpu.memory_space<semaphore_mem>>) src(%dma_wait3A_2226 : memref<1000000xf32, #tpu.memory_space<hbm>>) dst(%dma_wait3A_2221 : memref<128xf32, #tpu.memory_space<vmem>>)
    %dma_wait3A_2227 = arith.constant 22 : i32
    %dma_wait3A_2228 = arith.constant 22 : i32
    %dma_wait3A_2229 = arith.constant 384 : i32
    %dma_wait3A_2230 = tpu.memref_slice %arg8[%dma_wait3A_2228, %dma_wait3A_2229] : memref<26x512xf32, #tpu.memory_space<vmem>> -> memref<1x128xf32, #tpu.memory_space<vmem>>
    %dma_wait3A_2231 = tpu.memref_squeeze %dma_wait3A_2230 : memref<1x128xf32, #tpu.memory_space<vmem>> -> memref<128xf32, #tpu.memory_space<vmem>>
    %dma_wait3A_2232 = arith.constant 384 : i32
    %dma_wait3A_2233 = tpu.memref_slice %arg7[%dma_wait3A_2227, %dma_wait3A_2232] : memref<26x512xi32, #tpu.memory_space<vmem>> -> memref<1x128xi32, #tpu.memory_space<vmem>>
    %dma_wait3A_2234 = tpu.memref_squeeze %dma_wait3A_2233 : memref<1x128xi32, #tpu.memory_space<vmem>> -> memref<128xi32, #tpu.memory_space<vmem>>
    %dma_wait3A_2235 = arith.constant 0 : i32
    %dma_wait3A_2236 = tpu.memref_slice %arg2[%dma_wait3A_2235] : memref<1000000xf32, #tpu.memory_space<hbm>> -> memref<1000000xf32, #tpu.memory_space<hbm>>
    tpu.wait_indirect_dma semaphore(%arg15 : memref<!tpu.dma_semaphore, #tpu.memory_space<semaphore_mem>>) src(%dma_wait3A_2236 : memref<1000000xf32, #tpu.memory_space<hbm>>) dst(%dma_wait3A_2231 : memref<128xf32, #tpu.memory_space<vmem>>)
    %dma_wait3A_2237 = arith.constant 23 : i32
    %dma_wait3A_2238 = arith.constant 23 : i32
    %dma_wait3A_2239 = arith.constant 384 : i32
    %dma_wait3A_2240 = tpu.memref_slice %arg8[%dma_wait3A_2238, %dma_wait3A_2239] : memref<26x512xf32, #tpu.memory_space<vmem>> -> memref<1x128xf32, #tpu.memory_space<vmem>>
    %dma_wait3A_2241 = tpu.memref_squeeze %dma_wait3A_2240 : memref<1x128xf32, #tpu.memory_space<vmem>> -> memref<128xf32, #tpu.memory_space<vmem>>
    %dma_wait3A_2242 = arith.constant 384 : i32
    %dma_wait3A_2243 = tpu.memref_slice %arg7[%dma_wait3A_2237, %dma_wait3A_2242] : memref<26x512xi32, #tpu.memory_space<vmem>> -> memref<1x128xi32, #tpu.memory_space<vmem>>
    %dma_wait3A_2244 = tpu.memref_squeeze %dma_wait3A_2243 : memref<1x128xi32, #tpu.memory_space<vmem>> -> memref<128xi32, #tpu.memory_space<vmem>>
    %dma_wait3A_2245 = arith.constant 0 : i32
    %dma_wait3A_2246 = tpu.memref_slice %arg2[%dma_wait3A_2245] : memref<1000000xf32, #tpu.memory_space<hbm>> -> memref<1000000xf32, #tpu.memory_space<hbm>>
    tpu.wait_indirect_dma semaphore(%arg15 : memref<!tpu.dma_semaphore, #tpu.memory_space<semaphore_mem>>) src(%dma_wait3A_2246 : memref<1000000xf32, #tpu.memory_space<hbm>>) dst(%dma_wait3A_2241 : memref<128xf32, #tpu.memory_space<vmem>>)
    %dma_wait3A_2247 = arith.constant 24 : i32
    %dma_wait3A_2248 = arith.constant 24 : i32
    %dma_wait3A_2249 = arith.constant 384 : i32
    %dma_wait3A_2250 = tpu.memref_slice %arg8[%dma_wait3A_2248, %dma_wait3A_2249] : memref<26x512xf32, #tpu.memory_space<vmem>> -> memref<1x128xf32, #tpu.memory_space<vmem>>
    %dma_wait3A_2251 = tpu.memref_squeeze %dma_wait3A_2250 : memref<1x128xf32, #tpu.memory_space<vmem>> -> memref<128xf32, #tpu.memory_space<vmem>>
    %dma_wait3A_2252 = arith.constant 384 : i32
    %dma_wait3A_2253 = tpu.memref_slice %arg7[%dma_wait3A_2247, %dma_wait3A_2252] : memref<26x512xi32, #tpu.memory_space<vmem>> -> memref<1x128xi32, #tpu.memory_space<vmem>>
    %dma_wait3A_2254 = tpu.memref_squeeze %dma_wait3A_2253 : memref<1x128xi32, #tpu.memory_space<vmem>> -> memref<128xi32, #tpu.memory_space<vmem>>
    %dma_wait3A_2255 = arith.constant 0 : i32
    %dma_wait3A_2256 = tpu.memref_slice %arg2[%dma_wait3A_2255] : memref<1000000xf32, #tpu.memory_space<hbm>> -> memref<1000000xf32, #tpu.memory_space<hbm>>
    tpu.wait_indirect_dma semaphore(%arg15 : memref<!tpu.dma_semaphore, #tpu.memory_space<semaphore_mem>>) src(%dma_wait3A_2256 : memref<1000000xf32, #tpu.memory_space<hbm>>) dst(%dma_wait3A_2251 : memref<128xf32, #tpu.memory_space<vmem>>)
    %dma_wait3A_2257 = arith.constant 25 : i32
    %dma_wait3A_2258 = arith.constant 25 : i32
    %dma_wait3A_2259 = arith.constant 384 : i32
    %dma_wait3A_2260 = tpu.memref_slice %arg8[%dma_wait3A_2258, %dma_wait3A_2259] : memref<26x512xf32, #tpu.memory_space<vmem>> -> memref<1x128xf32, #tpu.memory_space<vmem>>
    %dma_wait3A_2261 = tpu.memref_squeeze %dma_wait3A_2260 : memref<1x128xf32, #tpu.memory_space<vmem>> -> memref<128xf32, #tpu.memory_space<vmem>>
    %dma_wait3A_2262 = arith.constant 384 : i32
    %dma_wait3A_2263 = tpu.memref_slice %arg7[%dma_wait3A_2257, %dma_wait3A_2262] : memref<26x512xi32, #tpu.memory_space<vmem>> -> memref<1x128xi32, #tpu.memory_space<vmem>>
    %dma_wait3A_2264 = tpu.memref_squeeze %dma_wait3A_2263 : memref<1x128xi32, #tpu.memory_space<vmem>> -> memref<128xi32, #tpu.memory_space<vmem>>
    %dma_wait3A_2265 = arith.constant 0 : i32
    %dma_wait3A_2266 = tpu.memref_slice %arg2[%dma_wait3A_2265] : memref<1000000xf32, #tpu.memory_space<hbm>> -> memref<1000000xf32, #tpu.memory_space<hbm>>
    tpu.wait_indirect_dma semaphore(%arg15 : memref<!tpu.dma_semaphore, #tpu.memory_space<semaphore_mem>>) src(%dma_wait3A_2266 : memref<1000000xf32, #tpu.memory_space<hbm>>) dst(%dma_wait3A_2261 : memref<128xf32, #tpu.memory_space<vmem>>)
    %scan3A_2267 = arith.constant 0 : i32
    %scan3A_2268 = arith.constant 8 : i32
    %scan3A_2269 = arith.addi %scan3A_2267, %scan3A_2268 : i32
    %scan3A_2270 = arith.constant 1 : i32
    scf.for %scan3A_2272 = %scan3A_2267 to %scan3A_2269 step %scan3A_2270  : i32 {
      %mul3A_2273 = arith.constant 1 : i32
      %mul3A_2274 = arith.muli %scan3A_2272, %mul3A_2273 : i32
      %add3A_2275 = arith.constant 0 : i32
      %add3A_2276 = arith.addi %add3A_2275, %mul3A_2274 : i32
      %add3A_2277 = arith.constant 24 : i32
      %add3A_2278 = arith.addi %add3A_2277, %add3A_2276 : i32
      %mul3A_2279 = arith.constant 16 : i32
      %mul3A_2280 = arith.muli %add3A_2278, %mul3A_2279 : i32
      %get3A_2281 = arith.constant 0 : i32
      %get3A_2282 = arith.index_cast %get3A_2281 : i32 to index
      %get3A_2283 = arith.index_cast %mul3A_2280 : i32 to index
      %get3A_2284 = tpu.vector_load %arg8[%get3A_2282, %get3A_2283] {strides = array<i32>} : memref<26x512xf32, #tpu.memory_space<vmem>>, vector<16xf32>,
      %add3A_2285 = arith.addf %gather3A_1213, %get3A_2284 : vector<16xf32>
      %mul3A_2286 = arith.constant 16 : i32
      %mul3A_2287 = arith.muli %add3A_2278, %mul3A_2286 : i32
      %get3A_2288 = arith.constant 1 : i32
      %get3A_2289 = arith.index_cast %get3A_2288 : i32 to index
      %get3A_2290 = arith.index_cast %mul3A_2287 : i32 to index
      %get3A_2291 = tpu.vector_load %arg8[%get3A_2289, %get3A_2290] {strides = array<i32>} : memref<26x512xf32, #tpu.memory_space<vmem>>, vector<16xf32>,
      %add3A_2292 = arith.addf %add3A_2285, %get3A_2291 : vector<16xf32>
      %mul3A_2293 = arith.constant 16 : i32
      %mul3A_2294 = arith.muli %add3A_2278, %mul3A_2293 : i32
      %get3A_2295 = arith.constant 2 : i32
      %get3A_2296 = arith.index_cast %get3A_2295 : i32 to index
      %get3A_2297 = arith.index_cast %mul3A_2294 : i32 to index
      %get3A_2298 = tpu.vector_load %arg8[%get3A_2296, %get3A_2297] {strides = array<i32>} : memref<26x512xf32, #tpu.memory_space<vmem>>, vector<16xf32>,
      %add3A_2299 = arith.addf %add3A_2292, %get3A_2298 : vector<16xf32>
      %mul3A_2300 = arith.constant 16 : i32
      %mul3A_2301 = arith.muli %add3A_2278, %mul3A_2300 : i32
      %get3A_2302 = arith.constant 3 : i32
      %get3A_2303 = arith.index_cast %get3A_2302 : i32 to index
      %get3A_2304 = arith.index_cast %mul3A_2301 : i32 to index
      %get3A_2305 = tpu.vector_load %arg8[%get3A_2303, %get3A_2304] {strides = array<i32>} : memref<26x512xf32, #tpu.memory_space<vmem>>, vector<16xf32>,
      %add3A_2306 = arith.addf %add3A_2299, %get3A_2305 : vector<16xf32>
      %mul3A_2307 = arith.constant 16 : i32
      %mul3A_2308 = arith.muli %add3A_2278, %mul3A_2307 : i32
      %get3A_2309 = arith.constant 4 : i32
      %get3A_2310 = arith.index_cast %get3A_2309 : i32 to index
      %get3A_2311 = arith.index_cast %mul3A_2308 : i32 to index
      %get3A_2312 = tpu.vector_load %arg8[%get3A_2310, %get3A_2311] {strides = array<i32>} : memref<26x512xf32, #tpu.memory_space<vmem>>, vector<16xf32>,
      %add3A_2313 = arith.addf %add3A_2306, %get3A_2312 : vector<16xf32>
      %mul3A_2314 = arith.constant 16 : i32
      %mul3A_2315 = arith.muli %add3A_2278, %mul3A_2314 : i32
      %get3A_2316 = arith.constant 5 : i32
      %get3A_2317 = arith.index_cast %get3A_2316 : i32 to index
      %get3A_2318 = arith.index_cast %mul3A_2315 : i32 to index
      %get3A_2319 = tpu.vector_load %arg8[%get3A_2317, %get3A_2318] {strides = array<i32>} : memref<26x512xf32, #tpu.memory_space<vmem>>, vector<16xf32>,
      %add3A_2320 = arith.addf %add3A_2313, %get3A_2319 : vector<16xf32>
      %mul3A_2321 = arith.constant 16 : i32
      %mul3A_2322 = arith.muli %add3A_2278, %mul3A_2321 : i32
      %get3A_2323 = arith.constant 6 : i32
      %get3A_2324 = arith.index_cast %get3A_2323 : i32 to index
      %get3A_2325 = arith.index_cast %mul3A_2322 : i32 to index
      %get3A_2326 = tpu.vector_load %arg8[%get3A_2324, %get3A_2325] {strides = array<i32>} : memref<26x512xf32, #tpu.memory_space<vmem>>, vector<16xf32>,
      %add3A_2327 = arith.addf %add3A_2320, %get3A_2326 : vector<16xf32>
      %mul3A_2328 = arith.constant 16 : i32
      %mul3A_2329 = arith.muli %add3A_2278, %mul3A_2328 : i32
      %get3A_2330 = arith.constant 7 : i32
      %get3A_2331 = arith.index_cast %get3A_2330 : i32 to index
      %get3A_2332 = arith.index_cast %mul3A_2329 : i32 to index
      %get3A_2333 = tpu.vector_load %arg8[%get3A_2331, %get3A_2332] {strides = array<i32>} : memref<26x512xf32, #tpu.memory_space<vmem>>, vector<16xf32>,
      %add3A_2334 = arith.addf %add3A_2327, %get3A_2333 : vector<16xf32>
      %mul3A_2335 = arith.constant 16 : i32
      %mul3A_2336 = arith.muli %add3A_2278, %mul3A_2335 : i32
      %get3A_2337 = arith.constant 8 : i32
      %get3A_2338 = arith.index_cast %get3A_2337 : i32 to index
      %get3A_2339 = arith.index_cast %mul3A_2336 : i32 to index
      %get3A_2340 = tpu.vector_load %arg8[%get3A_2338, %get3A_2339] {strides = array<i32>} : memref<26x512xf32, #tpu.memory_space<vmem>>, vector<16xf32>,
      %add3A_2341 = arith.addf %add3A_2334, %get3A_2340 : vector<16xf32>
      %mul3A_2342 = arith.constant 16 : i32
      %mul3A_2343 = arith.muli %add3A_2278, %mul3A_2342 : i32
      %get3A_2344 = arith.constant 9 : i32
      %get3A_2345 = arith.index_cast %get3A_2344 : i32 to index
      %get3A_2346 = arith.index_cast %mul3A_2343 : i32 to index
      %get3A_2347 = tpu.vector_load %arg8[%get3A_2345, %get3A_2346] {strides = array<i32>} : memref<26x512xf32, #tpu.memory_space<vmem>>, vector<16xf32>,
      %add3A_2348 = arith.addf %add3A_2341, %get3A_2347 : vector<16xf32>
      %mul3A_2349 = arith.constant 16 : i32
      %mul3A_2350 = arith.muli %add3A_2278, %mul3A_2349 : i32
      %get3A_2351 = arith.constant 10 : i32
      %get3A_2352 = arith.index_cast %get3A_2351 : i32 to index
      %get3A_2353 = arith.index_cast %mul3A_2350 : i32 to index
      %get3A_2354 = tpu.vector_load %arg8[%get3A_2352, %get3A_2353] {strides = array<i32>} : memref<26x512xf32, #tpu.memory_space<vmem>>, vector<16xf32>,
      %add3A_2355 = arith.addf %add3A_2348, %get3A_2354 : vector<16xf32>
      %mul3A_2356 = arith.constant 16 : i32
      %mul3A_2357 = arith.muli %add3A_2278, %mul3A_2356 : i32
      %get3A_2358 = arith.constant 11 : i32
      %get3A_2359 = arith.index_cast %get3A_2358 : i32 to index
      %get3A_2360 = arith.index_cast %mul3A_2357 : i32 to index
      %get3A_2361 = tpu.vector_load %arg8[%get3A_2359, %get3A_2360] {strides = array<i32>} : memref<26x512xf32, #tpu.memory_space<vmem>>, vector<16xf32>,
      %add3A_2362 = arith.addf %add3A_2355, %get3A_2361 : vector<16xf32>
      %mul3A_2363 = arith.constant 16 : i32
      %mul3A_2364 = arith.muli %add3A_2278, %mul3A_2363 : i32
      %get3A_2365 = arith.constant 12 : i32
      %get3A_2366 = arith.index_cast %get3A_2365 : i32 to index
      %get3A_2367 = arith.index_cast %mul3A_2364 : i32 to index
      %get3A_2368 = tpu.vector_load %arg8[%get3A_2366, %get3A_2367] {strides = array<i32>} : memref<26x512xf32, #tpu.memory_space<vmem>>, vector<16xf32>,
      %add3A_2369 = arith.addf %add3A_2362, %get3A_2368 : vector<16xf32>
      %mul3A_2370 = arith.constant 16 : i32
      %mul3A_2371 = arith.muli %add3A_2278, %mul3A_2370 : i32
      %get3A_2372 = arith.constant 13 : i32
      %get3A_2373 = arith.index_cast %get3A_2372 : i32 to index
      %get3A_2374 = arith.index_cast %mul3A_2371 : i32 to index
      %get3A_2375 = tpu.vector_load %arg8[%get3A_2373, %get3A_2374] {strides = array<i32>} : memref<26x512xf32, #tpu.memory_space<vmem>>, vector<16xf32>,
      %add3A_2376 = arith.addf %add3A_2369, %get3A_2375 : vector<16xf32>
      %mul3A_2377 = arith.constant 16 : i32
      %mul3A_2378 = arith.muli %add3A_2278, %mul3A_2377 : i32
      %get3A_2379 = arith.constant 14 : i32
      %get3A_2380 = arith.index_cast %get3A_2379 : i32 to index
      %get3A_2381 = arith.index_cast %mul3A_2378 : i32 to index
      %get3A_2382 = tpu.vector_load %arg8[%get3A_2380, %get3A_2381] {strides = array<i32>} : memref<26x512xf32, #tpu.memory_space<vmem>>, vector<16xf32>,
      %add3A_2383 = arith.addf %add3A_2376, %get3A_2382 : vector<16xf32>
      %mul3A_2384 = arith.constant 16 : i32
      %mul3A_2385 = arith.muli %add3A_2278, %mul3A_2384 : i32
      %get3A_2386 = arith.constant 15 : i32
      %get3A_2387 = arith.index_cast %get3A_2386 : i32 to index
      %get3A_2388 = arith.index_cast %mul3A_2385 : i32 to index
      %get3A_2389 = tpu.vector_load %arg8[%get3A_2387, %get3A_2388] {strides = array<i32>} : memref<26x512xf32, #tpu.memory_space<vmem>>, vector<16xf32>,
      %add3A_2390 = arith.addf %add3A_2383, %get3A_2389 : vector<16xf32>
      %mul3A_2391 = arith.constant 16 : i32
      %mul3A_2392 = arith.muli %add3A_2278, %mul3A_2391 : i32
      %get3A_2393 = arith.constant 16 : i32
      %get3A_2394 = arith.index_cast %get3A_2393 : i32 to index
      %get3A_2395 = arith.index_cast %mul3A_2392 : i32 to index
      %get3A_2396 = tpu.vector_load %arg8[%get3A_2394, %get3A_2395] {strides = array<i32>} : memref<26x512xf32, #tpu.memory_space<vmem>>, vector<16xf32>,
      %add3A_2397 = arith.addf %add3A_2390, %get3A_2396 : vector<16xf32>
      %mul3A_2398 = arith.constant 16 : i32
      %mul3A_2399 = arith.muli %add3A_2278, %mul3A_2398 : i32
      %get3A_2400 = arith.constant 17 : i32
      %get3A_2401 = arith.index_cast %get3A_2400 : i32 to index
      %get3A_2402 = arith.index_cast %mul3A_2399 : i32 to index
      %get3A_2403 = tpu.vector_load %arg8[%get3A_2401, %get3A_2402] {strides = array<i32>} : memref<26x512xf32, #tpu.memory_space<vmem>>, vector<16xf32>,
      %add3A_2404 = arith.addf %add3A_2397, %get3A_2403 : vector<16xf32>
      %mul3A_2405 = arith.constant 16 : i32
      %mul3A_2406 = arith.muli %add3A_2278, %mul3A_2405 : i32
      %get3A_2407 = arith.constant 18 : i32
      %get3A_2408 = arith.index_cast %get3A_2407 : i32 to index
      %get3A_2409 = arith.index_cast %mul3A_2406 : i32 to index
      %get3A_2410 = tpu.vector_load %arg8[%get3A_2408, %get3A_2409] {strides = array<i32>} : memref<26x512xf32, #tpu.memory_space<vmem>>, vector<16xf32>,
      %add3A_2411 = arith.addf %add3A_2404, %get3A_2410 : vector<16xf32>
      %mul3A_2412 = arith.constant 16 : i32
      %mul3A_2413 = arith.muli %add3A_2278, %mul3A_2412 : i32
      %get3A_2414 = arith.constant 19 : i32
      %get3A_2415 = arith.index_cast %get3A_2414 : i32 to index
      %get3A_2416 = arith.index_cast %mul3A_2413 : i32 to index
      %get3A_2417 = tpu.vector_load %arg8[%get3A_2415, %get3A_2416] {strides = array<i32>} : memref<26x512xf32, #tpu.memory_space<vmem>>, vector<16xf32>,
      %add3A_2418 = arith.addf %add3A_2411, %get3A_2417 : vector<16xf32>
      %mul3A_2419 = arith.constant 16 : i32
      %mul3A_2420 = arith.muli %add3A_2278, %mul3A_2419 : i32
      %get3A_2421 = arith.constant 20 : i32
      %get3A_2422 = arith.index_cast %get3A_2421 : i32 to index
      %get3A_2423 = arith.index_cast %mul3A_2420 : i32 to index
      %get3A_2424 = tpu.vector_load %arg8[%get3A_2422, %get3A_2423] {strides = array<i32>} : memref<26x512xf32, #tpu.memory_space<vmem>>, vector<16xf32>,
      %add3A_2425 = arith.addf %add3A_2418, %get3A_2424 : vector<16xf32>
      %mul3A_2426 = arith.constant 16 : i32
      %mul3A_2427 = arith.muli %add3A_2278, %mul3A_2426 : i32
      %get3A_2428 = arith.constant 21 : i32
      %get3A_2429 = arith.index_cast %get3A_2428 : i32 to index
      %get3A_2430 = arith.index_cast %mul3A_2427 : i32 to index
      %get3A_2431 = tpu.vector_load %arg8[%get3A_2429, %get3A_2430] {strides = array<i32>} : memref<26x512xf32, #tpu.memory_space<vmem>>, vector<16xf32>,
      %add3A_2432 = arith.addf %add3A_2425, %get3A_2431 : vector<16xf32>
      %mul3A_2433 = arith.constant 16 : i32
      %mul3A_2434 = arith.muli %add3A_2278, %mul3A_2433 : i32
      %get3A_2435 = arith.constant 22 : i32
      %get3A_2436 = arith.index_cast %get3A_2435 : i32 to index
      %get3A_2437 = arith.index_cast %mul3A_2434 : i32 to index
      %get3A_2438 = tpu.vector_load %arg8[%get3A_2436, %get3A_2437] {strides = array<i32>} : memref<26x512xf32, #tpu.memory_space<vmem>>, vector<16xf32>,
      %add3A_2439 = arith.addf %add3A_2432, %get3A_2438 : vector<16xf32>
      %mul3A_2440 = arith.constant 16 : i32
      %mul3A_2441 = arith.muli %add3A_2278, %mul3A_2440 : i32
      %get3A_2442 = arith.constant 23 : i32
      %get3A_2443 = arith.index_cast %get3A_2442 : i32 to index
      %get3A_2444 = arith.index_cast %mul3A_2441 : i32 to index
      %get3A_2445 = tpu.vector_load %arg8[%get3A_2443, %get3A_2444] {strides = array<i32>} : memref<26x512xf32, #tpu.memory_space<vmem>>, vector<16xf32>,
      %add3A_2446 = arith.addf %add3A_2439, %get3A_2445 : vector<16xf32>
      %mul3A_2447 = arith.constant 16 : i32
      %mul3A_2448 = arith.muli %add3A_2278, %mul3A_2447 : i32
      %get3A_2449 = arith.constant 24 : i32
      %get3A_2450 = arith.index_cast %get3A_2449 : i32 to index
      %get3A_2451 = arith.index_cast %mul3A_2448 : i32 to index
      %get3A_2452 = tpu.vector_load %arg8[%get3A_2450, %get3A_2451] {strides = array<i32>} : memref<26x512xf32, #tpu.memory_space<vmem>>, vector<16xf32>,
      %add3A_2453 = arith.addf %add3A_2446, %get3A_2452 : vector<16xf32>
      %mul3A_2454 = arith.constant 16 : i32
      %mul3A_2455 = arith.muli %add3A_2278, %mul3A_2454 : i32
      %get3A_2456 = arith.constant 25 : i32
      %get3A_2457 = arith.index_cast %get3A_2456 : i32 to index
      %get3A_2458 = arith.index_cast %mul3A_2455 : i32 to index
      %get3A_2459 = tpu.vector_load %arg8[%get3A_2457, %get3A_2458] {strides = array<i32>} : memref<26x512xf32, #tpu.memory_space<vmem>>, vector<16xf32>,
      %add3A_2460 = arith.addf %add3A_2453, %get3A_2459 : vector<16xf32>
      %mul3A_2461 = arith.constant 16 : i32
      %mul3A_2462 = arith.muli %add3A_2278, %mul3A_2461 : i32
      %get3A_2463 = arith.constant 0 : i32
      %get3A_2464 = arith.index_cast %get3A_2463 : i32 to index
      %get3A_2465 = arith.index_cast %mul3A_2462 : i32 to index
      %get3A_2466 = tpu.vector_load %arg9[%get3A_2464, %get3A_2465] {strides = array<i32>} : memref<13x512xf32, #tpu.memory_space<vmem>>, vector<16xf32>,
      %mul3A_2467 = arith.mulf %gather3A_1057, %get3A_2466 : vector<16xf32>
      %add3A_2468 = arith.addf %add3A_2460, %mul3A_2467 : vector<16xf32>
      %mul3A_2469 = arith.constant 16 : i32
      %mul3A_2470 = arith.muli %add3A_2278, %mul3A_2469 : i32
      %get3A_2471 = arith.constant 1 : i32
      %get3A_2472 = arith.index_cast %get3A_2471 : i32 to index
      %get3A_2473 = arith.index_cast %mul3A_2470 : i32 to index
      %get3A_2474 = tpu.vector_load %arg9[%get3A_2472, %get3A_2473] {strides = array<i32>} : memref<13x512xf32, #tpu.memory_space<vmem>>, vector<16xf32>,
      %mul3A_2475 = arith.mulf %gather3A_1069, %get3A_2474 : vector<16xf32>
      %add3A_2476 = arith.addf %add3A_2468, %mul3A_2475 : vector<16xf32>
      %mul3A_2477 = arith.constant 16 : i32
      %mul3A_2478 = arith.muli %add3A_2278, %mul3A_2477 : i32
      %get3A_2479 = arith.constant 2 : i32
      %get3A_2480 = arith.index_cast %get3A_2479 : i32 to index
      %get3A_2481 = arith.index_cast %mul3A_2478 : i32 to index
      %get3A_2482 = tpu.vector_load %arg9[%get3A_2480, %get3A_2481] {strides = array<i32>} : memref<13x512xf32, #tpu.memory_space<vmem>>, vector<16xf32>,
      %mul3A_2483 = arith.mulf %gather3A_1081, %get3A_2482 : vector<16xf32>
      %add3A_2484 = arith.addf %add3A_2476, %mul3A_2483 : vector<16xf32>
      %mul3A_2485 = arith.constant 16 : i32
      %mul3A_2486 = arith.muli %add3A_2278, %mul3A_2485 : i32
      %get3A_2487 = arith.constant 3 : i32
      %get3A_2488 = arith.index_cast %get3A_2487 : i32 to index
      %get3A_2489 = arith.index_cast %mul3A_2486 : i32 to index
      %get3A_2490 = tpu.vector_load %arg9[%get3A_2488, %get3A_2489] {strides = array<i32>} : memref<13x512xf32, #tpu.memory_space<vmem>>, vector<16xf32>,
      %mul3A_2491 = arith.mulf %gather3A_1093, %get3A_2490 : vector<16xf32>
      %add3A_2492 = arith.addf %add3A_2484, %mul3A_2491 : vector<16xf32>
      %mul3A_2493 = arith.constant 16 : i32
      %mul3A_2494 = arith.muli %add3A_2278, %mul3A_2493 : i32
      %get3A_2495 = arith.constant 4 : i32
      %get3A_2496 = arith.index_cast %get3A_2495 : i32 to index
      %get3A_2497 = arith.index_cast %mul3A_2494 : i32 to index
      %get3A_2498 = tpu.vector_load %arg9[%get3A_2496, %get3A_2497] {strides = array<i32>} : memref<13x512xf32, #tpu.memory_space<vmem>>, vector<16xf32>,
      %mul3A_2499 = arith.mulf %gather3A_1105, %get3A_2498 : vector<16xf32>
      %add3A_2500 = arith.addf %add3A_2492, %mul3A_2499 : vector<16xf32>
      %mul3A_2501 = arith.constant 16 : i32
      %mul3A_2502 = arith.muli %add3A_2278, %mul3A_2501 : i32
      %get3A_2503 = arith.constant 5 : i32
      %get3A_2504 = arith.index_cast %get3A_2503 : i32 to index
      %get3A_2505 = arith.index_cast %mul3A_2502 : i32 to index
      %get3A_2506 = tpu.vector_load %arg9[%get3A_2504, %get3A_2505] {strides = array<i32>} : memref<13x512xf32, #tpu.memory_space<vmem>>, vector<16xf32>,
      %mul3A_2507 = arith.mulf %gather3A_1117, %get3A_2506 : vector<16xf32>
      %add3A_2508 = arith.addf %add3A_2500, %mul3A_2507 : vector<16xf32>
      %mul3A_2509 = arith.constant 16 : i32
      %mul3A_2510 = arith.muli %add3A_2278, %mul3A_2509 : i32
      %get3A_2511 = arith.constant 6 : i32
      %get3A_2512 = arith.index_cast %get3A_2511 : i32 to index
      %get3A_2513 = arith.index_cast %mul3A_2510 : i32 to index
      %get3A_2514 = tpu.vector_load %arg9[%get3A_2512, %get3A_2513] {strides = array<i32>} : memref<13x512xf32, #tpu.memory_space<vmem>>, vector<16xf32>,
      %mul3A_2515 = arith.mulf %gather3A_1129, %get3A_2514 : vector<16xf32>
      %add3A_2516 = arith.addf %add3A_2508, %mul3A_2515 : vector<16xf32>
      %mul3A_2517 = arith.constant 16 : i32
      %mul3A_2518 = arith.muli %add3A_2278, %mul3A_2517 : i32
      %get3A_2519 = arith.constant 7 : i32
      %get3A_2520 = arith.index_cast %get3A_2519 : i32 to index
      %get3A_2521 = arith.index_cast %mul3A_2518 : i32 to index
      %get3A_2522 = tpu.vector_load %arg9[%get3A_2520, %get3A_2521] {strides = array<i32>} : memref<13x512xf32, #tpu.memory_space<vmem>>, vector<16xf32>,
      %mul3A_2523 = arith.mulf %gather3A_1141, %get3A_2522 : vector<16xf32>
      %add3A_2524 = arith.addf %add3A_2516, %mul3A_2523 : vector<16xf32>
      %mul3A_2525 = arith.constant 16 : i32
      %mul3A_2526 = arith.muli %add3A_2278, %mul3A_2525 : i32
      %get3A_2527 = arith.constant 8 : i32
      %get3A_2528 = arith.index_cast %get3A_2527 : i32 to index
      %get3A_2529 = arith.index_cast %mul3A_2526 : i32 to index
      %get3A_2530 = tpu.vector_load %arg9[%get3A_2528, %get3A_2529] {strides = array<i32>} : memref<13x512xf32, #tpu.memory_space<vmem>>, vector<16xf32>,
      %mul3A_2531 = arith.mulf %gather3A_1153, %get3A_2530 : vector<16xf32>
      %add3A_2532 = arith.addf %add3A_2524, %mul3A_2531 : vector<16xf32>
      %mul3A_2533 = arith.constant 16 : i32
      %mul3A_2534 = arith.muli %add3A_2278, %mul3A_2533 : i32
      %get3A_2535 = arith.constant 9 : i32
      %get3A_2536 = arith.index_cast %get3A_2535 : i32 to index
      %get3A_2537 = arith.index_cast %mul3A_2534 : i32 to index
      %get3A_2538 = tpu.vector_load %arg9[%get3A_2536, %get3A_2537] {strides = array<i32>} : memref<13x512xf32, #tpu.memory_space<vmem>>, vector<16xf32>,
      %mul3A_2539 = arith.mulf %gather3A_1165, %get3A_2538 : vector<16xf32>
      %add3A_2540 = arith.addf %add3A_2532, %mul3A_2539 : vector<16xf32>
      %mul3A_2541 = arith.constant 16 : i32
      %mul3A_2542 = arith.muli %add3A_2278, %mul3A_2541 : i32
      %get3A_2543 = arith.constant 10 : i32
      %get3A_2544 = arith.index_cast %get3A_2543 : i32 to index
      %get3A_2545 = arith.index_cast %mul3A_2542 : i32 to index
      %get3A_2546 = tpu.vector_load %arg9[%get3A_2544, %get3A_2545] {strides = array<i32>} : memref<13x512xf32, #tpu.memory_space<vmem>>, vector<16xf32>,
      %mul3A_2547 = arith.mulf %gather3A_1177, %get3A_2546 : vector<16xf32>
      %add3A_2548 = arith.addf %add3A_2540, %mul3A_2547 : vector<16xf32>
      %mul3A_2549 = arith.constant 16 : i32
      %mul3A_2550 = arith.muli %add3A_2278, %mul3A_2549 : i32
      %get3A_2551 = arith.constant 11 : i32
      %get3A_2552 = arith.index_cast %get3A_2551 : i32 to index
      %get3A_2553 = arith.index_cast %mul3A_2550 : i32 to index
      %get3A_2554 = tpu.vector_load %arg9[%get3A_2552, %get3A_2553] {strides = array<i32>} : memref<13x512xf32, #tpu.memory_space<vmem>>, vector<16xf32>,
      %mul3A_2555 = arith.mulf %gather3A_1189, %get3A_2554 : vector<16xf32>
      %add3A_2556 = arith.addf %add3A_2548, %mul3A_2555 : vector<16xf32>
      %mul3A_2557 = arith.constant 16 : i32
      %mul3A_2558 = arith.muli %add3A_2278, %mul3A_2557 : i32
      %get3A_2559 = arith.constant 12 : i32
      %get3A_2560 = arith.index_cast %get3A_2559 : i32 to index
      %get3A_2561 = arith.index_cast %mul3A_2558 : i32 to index
      %get3A_2562 = tpu.vector_load %arg9[%get3A_2560, %get3A_2561] {strides = array<i32>} : memref<13x512xf32, #tpu.memory_space<vmem>>, vector<16xf32>,
      %mul3A_2563 = arith.mulf %gather3A_1201, %get3A_2562 : vector<16xf32>
      %add3A_2564 = arith.addf %add3A_2556, %mul3A_2563 : vector<16xf32>
      %mul3A_2565 = arith.constant 16 : i32
      %mul3A_2566 = arith.muli %add3A_2278, %mul3A_2565 : i32
      %swap3A = arith.index_cast %mul3A_2566 : i32 to index
      %swap3A_2567 = tpu.vector_load %arg11[%swap3A] {strides = array<i32>} : memref<512xf32, #tpu.memory_space<vmem>>, vector<16xf32>,
      tpu.vector_store %arg11[%swap3A], %add3A_2564 {strides = array<i32>} : memref<512xf32, #tpu.memory_space<vmem>>, vector<16xf32>,
    }
    %scan3A_2271 = arith.constant 8 : i32
    "tpu.region"() ({
      %run_scoped3A = tpu.sem_alloc : memref<!tpu.dma_semaphore, #tpu.memory_space<semaphore_mem>>
      %dma_start3A_2272 = tpu.memref_slice %arg6[%mul3A_2] : memref<16384xf32, #tpu.memory_space<hbm>> -> memref<512xf32, #tpu.memory_space<hbm>>
      %dma_start3A_2273 = tpu.memref_slice %arg6[%mul3A_2] : memref<16384xf32, #tpu.memory_space<hbm>> -> memref<512xf32, #tpu.memory_space<hbm>>
      tpu.enqueue_dma source(%arg11 : memref<512xf32, #tpu.memory_space<vmem>>) target(%dma_start3A_2273 : memref<512xf32, #tpu.memory_space<hbm>>) target_semaphore(%run_scoped3A : memref<!tpu.dma_semaphore, #tpu.memory_space<semaphore_mem>>)
      %dma_wait3A_2274 = tpu.memref_slice %arg6[%mul3A_2] : memref<16384xf32, #tpu.memory_space<hbm>> -> memref<512xf32, #tpu.memory_space<hbm>>
      %dma_wait3A_2275 = tpu.memref_slice %arg6[%mul3A_2] : memref<16384xf32, #tpu.memory_space<hbm>> -> memref<512xf32, #tpu.memory_space<hbm>>
      tpu.wait_dma2 semaphore(%run_scoped3A : memref<!tpu.dma_semaphore, #tpu.memory_space<semaphore_mem>>) src(%arg11 : memref<512xf32, #tpu.memory_space<vmem>>) dst(%dma_wait3A_2275 : memref<512xf32, #tpu.memory_space<hbm>>)
      tpu.yield
    }) : () -> ()
    return
  }
}

</mosaic_0001>

<sc_bundles>
// kernel: _lr_sc.3.cloned.1.call-start
scs
__scs_entry_jumppad:
0x0: {  	(pc) =	sbr.rel $0x88, $3  }
0x1: {  	(tag) =	ssettag $0x0;
	lr =	simm.s32 $0x1  }
0x2: {  	[smem:$0x3F9D] =	sst lr;
	_ =	strace $0xD0000000  }
0x3: {  	_ = 	snop  }
0x4: {  	_ = 	snop  }
0x5: {  	_ = 	snop  }
0x6: {  	_ = 	snop  }
0x7: {  	_ = 	snop  }
__scs_overlays_trampoline_lowered:
0x8: {  	[smem:$0x3FAC] =	sst s0  }
0x9: {  	[smem:$0x3FAD] =	sst s1  }
0xa: {  	[smem:$0x3FAE] =	sst s2  }
0xb: {  	[smem:$0x3FAF] =	sst s3  }
0xc: {  	[smem:$0x3FB0] =	sst s4  }
0xd: {  	[smem:$0x3FB1] =	sst s5  }
0xe: {  	[smem:$0x3FB2] =	sst s6  }
0xf: {  	[smem:$0x3FB3] =	sst s7  }
0x10: {  	[smem:$0x3FB4] =	sst s8  }
0x11: {  	[smem:$0x3FB5] =	sst s9;
	s0 =	simm.s32 @!p0 $0x0  }
0x12: {  	s1 =	sld [smem:$0x3F9B];
	s0 =	simm.s32 @p0 $0x1  }
0x13: {  	[smem:$0x3FB6] =	sst s0;
	s0 =	simm.s32 @!p1 $0x0  }
0x14: {  	s2 =	sld [smem:$0x3F9A];
	s0 =	simm.s32 @p1 $0x1  }
0x15: {  	[smem:$0x3FB7] =	sst s0;
	s0 =	simm.s32 @!p2 $0x0  }
0x16: {  	s3 =	sld [smem:$0x3FDB];
	s0 =	simm.s32 @p2 $0x1  }
0x17: {  	s4 =	simm.s32 $0x1BF5;
	[smem:$0x3FB9] =	sst s0  }
0x18: {  	s0 =	sld [smem:$0x3F9C];
	_ =	swait.ge [sflag:s4], $0x0  }
0x19: {  	s7 =	sld [smem:$0x3F9D]  }
0x1a: {  	s8 =	sadd.s32 $0xFFFFE003, lr  }
0x1b: {  	s9 =	sadd.s32 $0xFFFFFEF7, lr;
	s5 =	simm.s32 $0xFFFFFFFF;
	p2 =	slt.u32 s8, $0xFFFFF086  }
0x1c: {  	p1 =	slt.u32 s9, $0xF7A;
	s5 =	simm.s32 @!p2 $0x0  }
0x1d: {  	s5 =	simm.s32 @p1 $0x1;
	p0 =	seq.s32 s7, s2  }
0x1e: {  	s7 =	smul.u32 @!p0 $0xF7A, s2;
	p2 =	seq.s32 @!p0 s5, $0x0  }
0x1f: {  	s9 =	smul.u32 $0xF7A, s1;
	s8 =	simm.s32 @!p0 $0x1BF5;
	p2 =	por !p2, p0  }
0x20: {  	[sflag:s8] =	ssyncset.s32 @!p0 $0xFFFFF086;
	s6 =	sadd.s32 @!p0 s3, s7;
	s7 =	simm.s32 @!p0 $0x108  }
0x21: {  	s3 =	sadd.s32 s3, s9;
	s6 =	sadd.s32 @!p0 $0x88, s6;
	s7 =	simm.s32 @p2 $0x1082  }
0x22: {  	[simem:s7], [sflag:s8] =	dma.local @!p0 [hbm:s6], $0xF7A  }
0x23: {  	s9 =	sor.u32 $0xD0000000, s2;
	s6 =	simm.s32 $0x108;
	_ =	swait.ge @!p0 [sflag:s8], $0x0  }
0x24: {  	s3 =	sadd.s32 $0x88, s3;
	s6 =	simm.s32 @!p1 $0x1082;
	[sflag:s4] =	ssyncset.s32 $0xFFFFF086  }
0x25: {  	[simem:s6], [sflag:s4] =	dma.local [hbm:s3], $0xF7A  }
0x26: {  	[smem:$0x3F9D] =	sst s1;
	(tag) =	ssettag s2;
	_ =	strace s9  }
0x27: {  	s1 =	sld [smem:$0x3FAD]  }
0x28: {  	s2 =	sld [smem:$0x3FAE]  }
0x29: {  	s4 =	sld [smem:$0x3FB0]  }
0x2a: {  	p0 =	seq.s32 s5, $0x0;
	s5 =	sld [smem:$0x3FB1]  }
0x2b: {  	s6 =	sld [smem:$0x3FB2]  }
0x2c: {  	s7 =	sld [smem:$0x3FB3]  }
0x2d: {  	s3 =	simm.s32 $0x108;
	s8 =	sld [smem:$0x3FB4]  }
0x2e: {  	s3 =	simm.s32 @!p0 $0x1082;
	s9 =	sld [smem:$0x3FB5]  }
0x2f: {  	lr =	sadd.s32 s0, s3;
	s0 =	sld [smem:$0x3FAC]  }
0x30: {  	s3 =	sld [smem:$0x3FAF]  }
0x31: {  	[smem:$0x3FB8] =	sst s10  }
0x32: {  	s10 =	sld [smem:$0x3FB6];
	_ =	sdelay $0x3  }
0x33: {  	p0 =	seq.s32 s10, $0x1;
	s10 =	sld [smem:$0x3FB8];
	_ =	sdelay $0x3  }
0x34: {  	[smem:$0x3FB8] =	sst s10  }
0x35: {  	s10 =	sld [smem:$0x3FB7];
	_ =	sdelay $0x3  }
0x36: {  	p1 =	seq.s32 s10, $0x1;
	s10 =	sld [smem:$0x3FB8];
	_ =	sdelay $0x3  }
0x37: {  	[smem:$0x3FB8] =	sst s10  }
0x38: {  	s10 =	sld [smem:$0x3FB9]  }
0x39: {  	_ = 	snop;
	(pc) =	sbr.ind lr, $3  }
0x3a: {  	_ = 	snop  }
0x3b: {  	_ = 	snop  }
0x3c: {  	p2 =	seq.s32 s10, $0x1;
	s10 =	sld [smem:$0x3FB8]  }
0x3d: {  	_ =	shalt  }
0x3e: {  	_ =	shalt  }
0x3f: {  	_ =	shalt  }
0x40: {  	_ =	shalt  }
0x41: {  	_ =	shalt  }
0x42: {  	_ =	shalt  }
0x43: {  	_ =	shalt  }
0x44: {  	_ =	shalt  }
0x45: {  	_ =	shalt  }
0x46: {  	_ =	shalt  }
0x47: {  	_ =	shalt  }
0x48: {  	_ =	shalt  }
0x49: {  	_ =	shalt  }
0x4a: {  	_ =	shalt  }
0x4b: {  	_ =	shalt  }
0x4c: {  	_ =	shalt  }
0x4d: {  	_ =	shalt  }
0x4e: {  	_ =	shalt  }
0x4f: {  	_ =	shalt  }
0x50: {  	_ =	shalt  }
0x51: {  	_ =	shalt  }
0x52: {  	_ =	shalt  }
0x53: {  	_ =	shalt  }
0x54: {  	_ =	shalt  }
0x55: {  	_ =	shalt  }
0x56: {  	_ =	shalt  }
0x57: {  	_ =	shalt  }
0x58: {  	_ =	shalt  }
0x59: {  	_ =	shalt  }
0x5a: {  	_ =	shalt  }
0x5b: {  	_ =	shalt  }
0x5c: {  	_ =	shalt  }
0x5d: {  	_ =	shalt  }
0x5e: {  	_ =	shalt  }
0x5f: {  	_ =	shalt  }
0x60: {  	_ =	shalt  }
0x61: {  	_ =	shalt  }
0x62: {  	_ =	shalt  }
0x63: {  	_ =	shalt  }
0x64: {  	_ =	shalt  }
0x65: {  	_ =	shalt  }
0x66: {  	_ =	shalt  }
0x67: {  	_ =	shalt  }
0x68: {  	_ =	shalt  }
0x69: {  	_ =	shalt  }
0x6a: {  	_ =	shalt  }
0x6b: {  	_ =	shalt  }
0x6c: {  	_ =	shalt  }
0x6d: {  	_ =	shalt  }
0x6e: {  	_ =	shalt  }
0x6f: {  	_ =	shalt  }
0x70: {  	_ =	shalt  }
0x71: {  	_ =	shalt  }
0x72: {  	_ =	shalt  }
0x73: {  	_ =	shalt  }
0x74: {  	_ =	shalt  }
0x75: {  	_ =	shalt  }
0x76: {  	_ =	shalt  }
0x77: {  	_ =	shalt  }
0x78: {  	_ =	shalt  }
0x79: {  	_ =	shalt  }
0x7a: {  	_ =	shalt  }
0x7b: {  	_ =	shalt  }
0x7c: {  	_ =	shalt  }
0x7d: {  	_ =	shalt  }
0x7e: {  	_ =	shalt  }
0x7f: {  	_ =	shalt  }
0x80: {  	_ =	shalt  }
0x81: {  	_ =	shalt  }
0x82: {  	_ =	shalt  }
0x83: {  	_ =	shalt  }
0x84: {  	_ =	shalt  }
0x85: {  	_ =	shalt  }
0x86: {  	_ =	shalt  }
0x87: {  	_ =	shalt  }
.Lfunc_end0:
.L_simem_size_0:
called_computation_lowered:
.L_overlay_start_0:
0x88: {  	s2 =	sld [smem:$0x3FD9]  }
0x89: {  	s3 =	sld [smem:$0x3FFE];
	_ =	sdelay $0x1  }
0x8a: {  	s1 =	srdreg.scid  }
0x8b: {  	s0 =	sand.u32 $0x1, s1  }
0x8c: {  	s18 =	sshll.u32 s0, $0xA;
	s2 =	sadd.s32 s3, s2  }
0x8d: {  	s2 =	sadd.s32 s2, s18  }
0x8e: {  	[smem:$0x3FC4] =	sst s2  }
0x8f: {  	_ = 	snop  }
0x90: {  	s2 =	sld [smem:$0x3FC9]  }
0x91: {  	s19 =	sld [smem:$0x3FC8]  }
0x92: {  	s4 =	sld [smem:$0x3FC7]  }
0x93: {  	s5 =	sld [smem:$0x3FC6]  }
0x94: {  	s6 =	sld [smem:$0x3FD0];
	(tm) =	ssettm $0x1  }
0x95: {  	s7 =	sld [smem:$0x3FFB];
	_ =	sdelay $0x3  }
0x96: {  	_ =	strace s7  }
0x97: {  	s7 =	sld [smem:$0x3FFC];
	_ =	sdelay $0x3  }
0x98: {  	_ =	strace s7  }
0x99: {  	s7 =	sld [smem:$0x3FFD];
	_ =	sdelay $0x3  }
0x9a: {  	_ =	strace s7  }
0x9b: {  	_ =	strace $0x8FFFFFFF  }
0x9c: {  	s20 =	sld [smem:$0x3FDB];
	_ =	sdelay $0x1  }
0x9d: {  	s8 =	simm.s32 $_scs_section_size  }
0x9e: {  	s9 =	simm.s32 $_size__tile_overlayer_lowered;
	s10 =	simm.s32 $_tile_overlayer_lowered  }
0x9f: {  	s23 =	simm.s32 $0x1BFF;
	s22 =	sshll.u32 s10, $0x1;
	s7 =	sadd.s32 s8, s20  }
0xa0: {  	s11 =	simm.s32 $0x0;
	s21 =	sshll.u32 s9, $0x1;
	s9 =	sadd.s32 s22, s7  }
0xa1: {  	[timem:s11], [sflag:s23] =	dma.local [hbm:s9], s21  }
0xa2: {  	_ =	swait.ge [sflag:s23], s21  }
0xa3: {  	s8 =	ssub.s32 $0x0, s21;
	[sflag:s23] =	ssyncset.done $0x0  }
0xa4: {  	[sflag:s23] =	ssyncadd.s32 s8;
	_ =	sdelay $0x1  }
0xa5: {  	s24 =	simm.s32 $0x1B8B  }
0xa6: {  	_ =	swait.ge [sflag:s24], $0x1  }
0xa7: {  	[sflag:s24] =	ssyncset.done $0x0  }
0xa8: {  	s25 =	simm.s32 $0x1B8E;
	[sflag:s24] =	ssyncadd.s32 $0xFFFFFFFF  }
0xa9: {  	s26 =	simm.s32 $execute0_lowered;
	[smem:$0x3FD2] =	sst s25  }
0xaa: {  	s8 =	sshll.u32 s26, $0x1;
	_ =	strace $0x80000046;
	[dreg:$0x1] =	wrdreg $0xFFFFFFFF  }
0xab: {  	s28 =	simm.s32 $_size_execute0_lowered;
	s7 =	sadd.s32 s7, s8;
	[dreg:$0x0] =	wrdreg $0x0  }
0xac: {  	s8 =	sshll.u32 s28, $0x1;
	[dreg:$0x2] =	wrdreg s7  }
0xad: {  	[dreg:$0x3] =	wrdreg s8  }
0xae: {  	[dreg:$0x4] =	wrdreg $0xC0  }
0xaf: {  	_ =	task [dreg:s11], $0x5FFFF  }
0xb0: {  	[dreg:$0x1] =	wrdreg $0xFFFFFFFF  }
0xb1: {  	[dreg:$0x0] =	wrdreg $0x60  }
0xb2: {  	[dreg:$0x2] =	wrdreg s2  }
0xb3: {  	[dreg:$0x3] =	wrdreg s19  }
0xb4: {  	[dreg:$0x4] =	wrdreg s4  }
0xb5: {  	[dreg:$0x5] =	wrdreg s5  }
0xb6: {  	[dreg:$0x6] =	wrdreg s6  }
0xb7: {  	[dreg:$0x7] =	wrdreg $0x9  }
0xb8: {  	_ =	task.clear_ibuf [dreg:s11], $0x8FFFF;
	_ =	strace $0x90000046  }
0xb9: {  	s29 =	simm.s32 $0x9;
	_ =	strace $0x80000048  }
0xba: {  	_ =	swait.ge [sflag:s29], $0x1  }
0xbb: {  	[sflag:s29] =	ssyncadd.s32 $0xFFFFFFFF  }
0xbc: {  	_ =	strace $0x90000048  }
0xbd: {  	_ =	sfence  }
0xbe: {  	s30 =	sld [smem:$0x0];
	_ =	sdelay $0x2  }
0xbf: {  	s31 =	sshll.u32 s1, $0xD;
	s1 =	sshrl.u32 s1, $0x2  }
0xc0: {  	s3 =	sand.u32 $0x4000, s31;
	s1 =	sadd.s32 s1, s30  }
0xc1: {  	s0 =	sor.u32 s3, s0;
	s1 =	sshll.u32 s1, $0x11  }
0xc2: {  	s0 =	sor.u32 s1, s0  }
0xc3: {  	s0 =	sadd.s32 $0x8F2B, s0  }
0xc4: {  	[sflag:s0] =	ssyncadd.remote.s32 $0x1  }
0xc5: {  	_ =	sfence.sel $0xFFFF  }
0xc6: {  	[dreg:$0x0] =	wrdreg $0xFFFFFFFF;
	(pc) =	sbr.abs _section_cstart, $3  }
0xc7: {  	[dreg:$0x1] =	wrdreg $0xFFFFFFFF  }
0xc8: {  	_ =	task.clear_ibuf [dreg:s11], $0x2FFFF;
	_ =	strace $0x9FFFFFFF  }
0xc9: {  	(tm) =	ssettm $0x7FFFFFFF  }
tec
execute0_lowered:
.L_overlay_start_1:
0x0: {  	(tag) =	ssettag $0x1  }
0x1: {  	s1 =	rddreg [dreg:$0x0]  }
0x2: {  	s0 =	rddreg [dreg:$0x1]  }
0x3: {  	s2 =	rddreg [dreg:$0x2]  }
0x4: {  	s3 =	rddreg [dreg:$0x4]  }
0x5: {  	s4 =	srdreg.scid;
	s6 =	stileid.u32;
	s15 =	simm.s32 $0x1000  }
0x6: {  	s18 =	simm.s32 $0x5;
	s19 =	simm.s32 $0x80;
	s28 =	simm.s32 $0x2400  }
0x7: {  	s29 =	simm.s32 $0x3400;
	s30 =	simm.s32 $0x2800;
	s31 =	simm.s32 $0x3800  }
0x8: {  	s20 =	simm.s32 $0x3C00;
	s21 =	simm.s32 $0x2;
	s16 =	simm.s32 $0x3  }
0x9: {  	s17 =	simm.s32 $0x4;
	s5 =	sand.u32 $0x1, s4;
	s4 =	simm.s32 $0x0  }
0xa: {  	s6 =	sshll.u32 s6, $0xA;
	s7 =	sshll.u32 s5, $0x9;
	s8 =	ssub.s32 $0x2, s5  }
0xb: {  	[smem:$0x7FF] =	sst s4;
	s9 =	sor.u32 s7, s6;
	s22 =	sshrl.u32 s8, $0x1  }
0xc: {  	_ =	strace $0x80000047;
	s5 =	sadd.s32 s0, s9;
	s23 =	ssub.s32 s8, s22  }
0xd: {  	s2 =	sadd.s32 s2, s9;
	s24 =	sshrl.u32 s9, $0x3;
	s22 =	simm.s32 $0x1  }
0xe: {  	s9 =	simm.s32 $0x0;
	s6 =	sadd.s32 $0x80, s5;
	s7 =	sadd.s32 $0x100, s5  }
0xf: {  	s8 =	sadd.s32 $0x180, s5;
	[dreg:$0x6] =	wrdreg s2;
	s2 =	sadd.s32 s3, s24  }
0x10: {  	v0 =	vimm.s32 $0x0;
	v1 =	vimm.s32 $0x1;
	s0 =	smax.u32 s23, $0x1;
	s25 =	sadd.s32 $0x4000, s5;
	[dreg:$0x7] =	wrdreg s2  }
0x11: {  	v2 =	vimm.s32 $0x2;
	v3 =	vimm.s32 $0x3;
	v4 =	vimm.s32 $0x4;
	s26 =	sadd.s32 $0x8000, s5;
	s14 =	sadd.s32 $0xC000, s5;
	[dreg:$0x8] =	wrdreg s0  }
0x12: {  	v5 =	vimm.s32 $0x5;
	v6 =	vimm.s32 $0x6;
	v7 =	vimm.s32 $0x7;
	s23 =	simm.s32 $0x800;
	s24 =	simm.s32 $0x1800;
	[dreg:$0x9] =	wrdreg s25  }
0x13: {  	v8 =	vimm.s32 $0x8;
	v9 =	vimm.s32 $0x9;
	v10 =	vimm.s32 $0xA;
	s3 =	simm.s32 $0x2C00;
	[dreg:$0xa] =	wrdreg s26;
	s25 =	simm.s32 $0x400  }
0x14: {  	v11 =	vimm.s32 $0xB;
	v12 =	vimm.s32 $0xC;
	v13 =	vimm.s32 $0xD;
	s26 =	simm.s32 $0x1400;
	s0 =	simm.s32 $0xC00;
	s2 =	simm.s32 $0x1C00  }
.LBB2_1:
0x15: {  	[tilespmem:s4], [sflag:$0x5] =	stream.linear.gather [hbm4b:s5+s4], $0x400, $0x38;
	[tilespmem:$0xA280] =	vst v63  }
0x16: {  	s10 =	rddreg [dreg:$0x9]  }
0x17: {  	[tilespmem:s15], [sflag:$0x5] =	stream.linear.gather [hbm4b:s10+s4], $0x400, $0x38;
	[tilespmem:$0xA280] =	vst v63  }
0x18: {  	s12 =	rddreg [dreg:$0xa];
	s11 =	simm.s32 $0x2000  }
0x19: {  	[tilespmem:s11], [sflag:$0x5] =	stream.linear.gather [hbm4b:s12+s4], $0x400, $0x38;
	[tilespmem:$0xA280] =	vst v63  }
0x1a: {  	s10 =	simm.s32 $0x3000  }
0x1b: {  	[tilespmem:s10], [sflag:$0x5] =	stream.linear.gather [hbm4b:s14+s4], $0x400, $0x38;
	[tilespmem:$0xA280] =	vst v63  }
0x1c: {  	_ =	swait.ge [sflag:s18], $0x1000  }
0x1d: {  	[sflag:s18] =	ssyncset.done $0x0  }
0x1e: {  	s12 =	simm.s32 $0x4000;
	[sflag:s18] =	ssyncadd.s32 $0xFFFFF000  }
0x1f: {  	[tilespmem:s12], [sflag:$0x1] =	stream.indirect.gather [hbm4b:s1+s19], $0x1, s4, s19, $0xb8;
	[tilespmem:$0xA280] =	vst v63  }
0x20: {  	s13 =	simm.s32 $0x4080  }
0x21: {  	[tilespmem:s13], [sflag:$0x1] =	stream.indirect.gather [hbm4b:s1+s19], $0x1, s19, s19, $0xb8;
	[tilespmem:$0xA280] =	vst v63  }
0x22: {  	s12 =	simm.s32 $0x100;
	s13 =	simm.s32 $0x4100  }
0x23: {  	[tilespmem:s13], [sflag:$0x1] =	stream.indirect.gather [hbm4b:s1+s19], $0x1, s12, s19, $0xb8;
	[tilespmem:$0xA280] =	vst v63  }
0x24: {  	s12 =	simm.s32 $0x180;
	s13 =	simm.s32 $0x4180  }
0x25: {  	[tilespmem:s13], [sflag:$0x1] =	stream.indirect.gather [hbm4b:s1+s19], $0x1, s12, s19, $0xb8;
	[tilespmem:$0xA280] =	vst v63  }
0x26: {  	s12 =	simm.s32 $0x200;
	s13 =	simm.s32 $0x4200  }
0x27: {  	[tilespmem:s13], [sflag:$0x1] =	stream.indirect.gather [hbm4b:s1+s19], $0x1, s12, s19, $0xb8;
	[tilespmem:$0xA280] =	vst v63  }
0x28: {  	s12 =	simm.s32 $0x280;
	s13 =	simm.s32 $0x4280  }
0x29: {  	[tilespmem:s13], [sflag:$0x1] =	stream.indirect.gather [hbm4b:s1+s19], $0x1, s12, s19, $0xb8;
	[tilespmem:$0xA280] =	vst v63  }
0x2a: {  	s12 =	simm.s32 $0x300;
	s13 =	simm.s32 $0x4300  }
0x2b: {  	[tilespmem:s13], [sflag:$0x1] =	stream.indirect.gather [hbm4b:s1+s19], $0x1, s12, s19, $0xb8;
	[tilespmem:$0xA280] =	vst v63  }
0x2c: {  	s12 =	simm.s32 $0x380;
	s13 =	simm.s32 $0x4380  }
0x2d: {  	[tilespmem:s13], [sflag:$0x1] =	stream.indirect.gather [hbm4b:s1+s19], $0x1, s12, s19, $0xb8;
	[tilespmem:$0xA280] =	vst v63  }
0x2e: {  	s13 =	simm.s32 $0x5000  }
0x2f: {  	[tilespmem:s13], [sflag:$0x1] =	stream.indirect.gather [hbm4b:s1+s19], $0x1, s15, s19, $0xb8;
	[tilespmem:$0xA280] =	vst v63  }
0x30: {  	s12 =	simm.s32 $0x1080;
	s13 =	simm.s32 $0x5080  }
0x31: {  	[tilespmem:s13], [sflag:$0x1] =	stream.indirect.gather [hbm4b:s1+s19], $0x1, s12, s19, $0xb8;
	[tilespmem:$0xA280] =	vst v63  }
0x32: {  	s12 =	simm.s32 $0x1100;
	s13 =	simm.s32 $0x5100  }
0x33: {  	[tilespmem:s13], [sflag:$0x1] =	stream.indirect.gather [hbm4b:s1+s19], $0x1, s12, s19, $0xb8;
	[tilespmem:$0xA280] =	vst v63  }
0x34: {  	s12 =	simm.s32 $0x1180;
	s13 =	simm.s32 $0x5180  }
0x35: {  	[tilespmem:s13], [sflag:$0x1] =	stream.indirect.gather [hbm4b:s1+s19], $0x1, s12, s19, $0xb8;
	[tilespmem:$0xA280] =	vst v63  }
0x36: {  	s12 =	simm.s32 $0x1200;
	s13 =	simm.s32 $0x5200  }
0x37: {  	[tilespmem:s13], [sflag:$0x1] =	stream.indirect.gather [hbm4b:s1+s19], $0x1, s12, s19, $0xb8;
	[tilespmem:$0xA280] =	vst v63  }
0x38: {  	s12 =	simm.s32 $0x1280;
	s13 =	simm.s32 $0x5280  }
0x39: {  	[tilespmem:s13], [sflag:$0x1] =	stream.indirect.gather [hbm4b:s1+s19], $0x1, s12, s19, $0xb8;
	[tilespmem:$0xA280] =	vst v63  }
0x3a: {  	s12 =	simm.s32 $0x1300;
	s13 =	simm.s32 $0x5300  }
0x3b: {  	[tilespmem:s13], [sflag:$0x1] =	stream.indirect.gather [hbm4b:s1+s19], $0x1, s12, s19, $0xb8;
	[tilespmem:$0xA280] =	vst v63  }
0x3c: {  	s12 =	simm.s32 $0x1380;
	s13 =	simm.s32 $0x5380  }
0x3d: {  	[tilespmem:s13], [sflag:$0x1] =	stream.indirect.gather [hbm4b:s1+s19], $0x1, s12, s19, $0xb8;
	[tilespmem:$0xA280] =	vst v63  }
0x3e: {  	s13 =	simm.s32 $0x6000  }
0x3f: {  	[tilespmem:s13], [sflag:$0x1] =	stream.indirect.gather [hbm4b:s1+s19], $0x1, s11, s19, $0xb8;
	[tilespmem:$0xA280] =	vst v63  }
0x40: {  	s12 =	simm.s32 $0x2080;
	s13 =	simm.s32 $0x6080  }
0x41: {  	[tilespmem:s13], [sflag:$0x1] =	stream.indirect.gather [hbm4b:s1+s19], $0x1, s12, s19, $0xb8;
	[tilespmem:$0xA280] =	vst v63  }
0x42: {  	s12 =	simm.s32 $0x2100;
	s13 =	simm.s32 $0x6100  }
0x43: {  	[tilespmem:s13], [sflag:$0x1] =	stream.indirect.gather [hbm4b:s1+s19], $0x1, s12, s19, $0xb8;
	[tilespmem:$0xA280] =	vst v63  }
0x44: {  	s12 =	simm.s32 $0x2180;
	s13 =	simm.s32 $0x6180  }
0x45: {  	[tilespmem:s13], [sflag:$0x1] =	stream.indirect.gather [hbm4b:s1+s19], $0x1, s12, s19, $0xb8;
	[tilespmem:$0xA280] =	vst v63  }
0x46: {  	s12 =	simm.s32 $0x2200;
	s13 =	simm.s32 $0x6200  }
0x47: {  	[tilespmem:s13], [sflag:$0x1] =	stream.indirect.gather [hbm4b:s1+s19], $0x1, s12, s19, $0xb8;
	[tilespmem:$0xA280] =	vst v63  }
0x48: {  	s12 =	simm.s32 $0x2280;
	s13 =	simm.s32 $0x6280  }
0x49: {  	[tilespmem:s13], [sflag:$0x1] =	stream.indirect.gather [hbm4b:s1+s19], $0x1, s12, s19, $0xb8;
	[tilespmem:$0xA280] =	vst v63  }
0x4a: {  	s12 =	simm.s32 $0x2300;
	s13 =	simm.s32 $0x6300  }
0x4b: {  	[tilespmem:s13], [sflag:$0x1] =	stream.indirect.gather [hbm4b:s1+s19], $0x1, s12, s19, $0xb8;
	[tilespmem:$0xA280] =	vst v63  }
0x4c: {  	s12 =	simm.s32 $0x2380;
	s13 =	simm.s32 $0x6380  }
0x4d: {  	[tilespmem:s13], [sflag:$0x1] =	stream.indirect.gather [hbm4b:s1+s19], $0x1, s12, s19, $0xb8;
	[tilespmem:$0xA280] =	vst v63  }
0x4e: {  	s13 =	simm.s32 $0x7000  }
0x4f: {  	[tilespmem:s13], [sflag:$0x1] =	stream.indirect.gather [hbm4b:s1+s19], $0x1, s10, s19, $0xb8;
	[tilespmem:$0xA280] =	vst v63  }
0x50: {  	s12 =	simm.s32 $0x3080;
	s13 =	simm.s32 $0x7080  }
0x51: {  	[tilespmem:s13], [sflag:$0x1] =	stream.indirect.gather [hbm4b:s1+s19], $0x1, s12, s19, $0xb8;
	[tilespmem:$0xA280] =	vst v63  }
0x52: {  	_ = 	snop  }
0x53: {  	[tilespmem:s25], [sflag:$0x5] =	stream.linear.gather [hbm4b:s6+s4], $0x400, $0x38;
	[tilespmem:$0xA280] =	vst v63  }
0x54: {  	s11 =	sadd.s32 $0x4000, s6  }
0x55: {  	[tilespmem:s26], [sflag:$0x5] =	stream.linear.gather [hbm4b:s11+s4], $0x400, $0x38;
	[tilespmem:$0xA280] =	vst v63  }
0x56: {  	s12 =	sadd.s32 $0x8000, s6  }
0x57: {  	[tilespmem:s28], [sflag:$0x5] =	stream.linear.gather [hbm4b:s12+s4], $0x400, $0x38;
	[tilespmem:$0xA280] =	vst v63  }
0x58: {  	s13 =	sadd.s32 $0xC000, s6  }
0x59: {  	[tilespmem:s29], [sflag:$0x5] =	stream.linear.gather [hbm4b:s13+s4], $0x400, $0x38;
	[tilespmem:$0xA280] =	vst v63  }
0x5a: {  	_ =	swait.ge [sflag:s18], $0x1000  }
0x5b: {  	[sflag:s18] =	ssyncset.done $0x0  }
0x5c: {  	s11 =	simm.s32 $0x4400;
	[sflag:s18] =	ssyncadd.s32 $0xFFFFF000  }
0x5d: {  	[tilespmem:s11], [sflag:$0x2] =	stream.indirect.gather [hbm4b:s1+s19], $0x1, s25, s19, $0xb8;
	[tilespmem:$0xA280] =	vst v63  }
0x5e: {  	s12 =	simm.s32 $0x480;
	s13 =	simm.s32 $0x4480  }
0x5f: {  	[tilespmem:s13], [sflag:$0x2] =	stream.indirect.gather [hbm4b:s1+s19], $0x1, s12, s19, $0xb8;
	[tilespmem:$0xA280] =	vst v63  }
0x60: {  	s12 =	simm.s32 $0x500;
	s13 =	simm.s32 $0x4500  }
0x61: {  	[tilespmem:s13], [sflag:$0x2] =	stream.indirect.gather [hbm4b:s1+s19], $0x1, s12, s19, $0xb8;
	[tilespmem:$0xA280] =	vst v63  }
0x62: {  	s12 =	simm.s32 $0x580;
	s13 =	simm.s32 $0x4580  }
0x63: {  	[tilespmem:s13], [sflag:$0x2] =	stream.indirect.gather [hbm4b:s1+s19], $0x1, s12, s19, $0xb8;
	[tilespmem:$0xA280] =	vst v63  }
0x64: {  	s12 =	simm.s32 $0x600;
	s13 =	simm.s32 $0x4600  }
0x65: {  	[tilespmem:s13], [sflag:$0x2] =	stream.indirect.gather [hbm4b:s1+s19], $0x1, s12, s19, $0xb8;
	[tilespmem:$0xA280] =	vst v63  }
0x66: {  	s12 =	simm.s32 $0x680;
	s13 =	simm.s32 $0x4680  }
0x67: {  	[tilespmem:s13], [sflag:$0x2] =	stream.indirect.gather [hbm4b:s1+s19], $0x1, s12, s19, $0xb8;
	[tilespmem:$0xA280] =	vst v63  }
0x68: {  	s12 =	simm.s32 $0x700;
	s13 =	simm.s32 $0x4700  }
0x69: {  	[tilespmem:s13], [sflag:$0x2] =	stream.indirect.gather [hbm4b:s1+s19], $0x1, s12, s19, $0xb8;
	[tilespmem:$0xA280] =	vst v63  }
0x6a: {  	s12 =	simm.s32 $0x780;
	s13 =	simm.s32 $0x4780  }
0x6b: {  	[tilespmem:s13], [sflag:$0x2] =	stream.indirect.gather [hbm4b:s1+s19], $0x1, s12, s19, $0xb8;
	[tilespmem:$0xA280] =	vst v63  }
0x6c: {  	s11 =	simm.s32 $0x5400  }
0x6d: {  	[tilespmem:s11], [sflag:$0x2] =	stream.indirect.gather [hbm4b:s1+s19], $0x1, s26, s19, $0xb8;
	[tilespmem:$0xA280] =	vst v63  }
0x6e: {  	s12 =	simm.s32 $0x1480;
	s13 =	simm.s32 $0x5480  }
0x6f: {  	[tilespmem:s13], [sflag:$0x2] =	stream.indirect.gather [hbm4b:s1+s19], $0x1, s12, s19, $0xb8;
	[tilespmem:$0xA280] =	vst v63  }
0x70: {  	s12 =	simm.s32 $0x1500;
	s13 =	simm.s32 $0x5500  }
0x71: {  	[tilespmem:s13], [sflag:$0x2] =	stream.indirect.gather [hbm4b:s1+s19], $0x1, s12, s19, $0xb8;
	[tilespmem:$0xA280] =	vst v63  }
0x72: {  	s12 =	simm.s32 $0x1580;
	s13 =	simm.s32 $0x5580  }
0x73: {  	[tilespmem:s13], [sflag:$0x2] =	stream.indirect.gather [hbm4b:s1+s19], $0x1, s12, s19, $0xb8;
	[tilespmem:$0xA280] =	vst v63  }
0x74: {  	s12 =	simm.s32 $0x1600;
	s13 =	simm.s32 $0x5600  }
0x75: {  	[tilespmem:s13], [sflag:$0x2] =	stream.indirect.gather [hbm4b:s1+s19], $0x1, s12, s19, $0xb8;
	[tilespmem:$0xA280] =	vst v63  }
0x76: {  	s12 =	simm.s32 $0x1680;
	s13 =	simm.s32 $0x5680  }
0x77: {  	[tilespmem:s13], [sflag:$0x2] =	stream.indirect.gather [hbm4b:s1+s19], $0x1, s12, s19, $0xb8;
	[tilespmem:$0xA280] =	vst v63  }
0x78: {  	s12 =	simm.s32 $0x1700;
	s13 =	simm.s32 $0x5700  }
0x79: {  	[tilespmem:s13], [sflag:$0x2] =	stream.indirect.gather [hbm4b:s1+s19], $0x1, s12, s19, $0xb8;
	[tilespmem:$0xA280] =	vst v63  }
0x7a: {  	s12 =	simm.s32 $0x1780;
	s13 =	simm.s32 $0x5780  }
0x7b: {  	[tilespmem:s13], [sflag:$0x2] =	stream.indirect.gather [hbm4b:s1+s19], $0x1, s12, s19, $0xb8;
	[tilespmem:$0xA280] =	vst v63  }
0x7c: {  	s11 =	simm.s32 $0x6400  }
0x7d: {  	[tilespmem:s11], [sflag:$0x2] =	stream.indirect.gather [hbm4b:s1+s19], $0x1, s28, s19, $0xb8;
	[tilespmem:$0xA280] =	vst v63  }
0x7e: {  	s12 =	simm.s32 $0x2480;
	s13 =	simm.s32 $0x6480  }
0x7f: {  	[tilespmem:s13], [sflag:$0x2] =	stream.indirect.gather [hbm4b:s1+s19], $0x1, s12, s19, $0xb8;
	[tilespmem:$0xA280] =	vst v63  }
0x80: {  	s12 =	simm.s32 $0x2500;
	s13 =	simm.s32 $0x6500  }
0x81: {  	[tilespmem:s13], [sflag:$0x2] =	stream.indirect.gather [hbm4b:s1+s19], $0x1, s12, s19, $0xb8;
	[tilespmem:$0xA280] =	vst v63  }
0x82: {  	s12 =	simm.s32 $0x2580;
	s13 =	simm.s32 $0x6580  }
0x83: {  	[tilespmem:s13], [sflag:$0x2] =	stream.indirect.gather [hbm4b:s1+s19], $0x1, s12, s19, $0xb8;
	[tilespmem:$0xA280] =	vst v63  }
0x84: {  	s12 =	simm.s32 $0x2600;
	s13 =	simm.s32 $0x6600  }
0x85: {  	[tilespmem:s13], [sflag:$0x2] =	stream.indirect.gather [hbm4b:s1+s19], $0x1, s12, s19, $0xb8;
	[tilespmem:$0xA280] =	vst v63  }
0x86: {  	s12 =	simm.s32 $0x2680;
	s13 =	simm.s32 $0x6680  }
0x87: {  	[tilespmem:s13], [sflag:$0x2] =	stream.indirect.gather [hbm4b:s1+s19], $0x1, s12, s19, $0xb8;
	[tilespmem:$0xA280] =	vst v63  }
0x88: {  	s12 =	simm.s32 $0x2700;
	s13 =	simm.s32 $0x6700  }
0x89: {  	[tilespmem:s13], [sflag:$0x2] =	stream.indirect.gather [hbm4b:s1+s19], $0x1, s12, s19, $0xb8;
	[tilespmem:$0xA280] =	vst v63  }
0x8a: {  	s12 =	simm.s32 $0x2780;
	s13 =	simm.s32 $0x6780  }
0x8b: {  	[tilespmem:s13], [sflag:$0x2] =	stream.indirect.gather [hbm4b:s1+s19], $0x1, s12, s19, $0xb8;
	[tilespmem:$0xA280] =	vst v63  }
0x8c: {  	s11 =	simm.s32 $0x7400  }
0x8d: {  	[tilespmem:s11], [sflag:$0x2] =	stream.indirect.gather [hbm4b:s1+s19], $0x1, s29, s19, $0xb8;
	[tilespmem:$0xA280] =	vst v63  }
0x8e: {  	s12 =	simm.s32 $0x3480;
	s13 =	simm.s32 $0x7480  }
0x8f: {  	[tilespmem:s13], [sflag:$0x2] =	stream.indirect.gather [hbm4b:s1+s19], $0x1, s12, s19, $0xb8;
	[tilespmem:$0xA280] =	vst v63  }
0x90: {  	_ = 	snop  }
0x91: {  	[tilespmem:s23], [sflag:$0x5] =	stream.linear.gather [hbm4b:s7+s4], $0x400, $0x38;
	[tilespmem:$0xA280] =	vst v63  }
0x92: {  	s11 =	sadd.s32 $0x4000, s7  }
0x93: {  	[tilespmem:s24], [sflag:$0x5] =	stream.linear.gather [hbm4b:s11+s4], $0x400, $0x38;
	[tilespmem:$0xA280] =	vst v63  }
0x94: {  	s12 =	sadd.s32 $0x8000, s7  }
0x95: {  	[tilespmem:s30], [sflag:$0x5] =	stream.linear.gather [hbm4b:s12+s4], $0x400, $0x38;
	[tilespmem:$0xA280] =	vst v63  }
0x96: {  	s13 =	sadd.s32 $0xC000, s7  }
0x97: {  	[tilespmem:s31], [sflag:$0x5] =	stream.linear.gather [hbm4b:s13+s4], $0x400, $0x38;
	[tilespmem:$0xA280] =	vst v63  }
0x98: {  	_ =	swait.ge [sflag:s18], $0x1000  }
0x99: {  	[sflag:s18] =	ssyncset.done $0x0  }
0x9a: {  	s11 =	simm.s32 $0x4800;
	[sflag:s18] =	ssyncadd.s32 $0xFFFFF000  }
0x9b: {  	[tilespmem:s11], [sflag:$0x3] =	stream.indirect.gather [hbm4b:s1+s19], $0x1, s23, s19, $0xb8;
	[tilespmem:$0xA280] =	vst v63  }
0x9c: {  	s12 =	simm.s32 $0x880;
	s13 =	simm.s32 $0x4880  }
0x9d: {  	[tilespmem:s13], [sflag:$0x3] =	stream.indirect.gather [hbm4b:s1+s19], $0x1, s12, s19, $0xb8;
	[tilespmem:$0xA280] =	vst v63  }
0x9e: {  	s12 =	simm.s32 $0x900;
	s13 =	simm.s32 $0x4900  }
0x9f: {  	[tilespmem:s13], [sflag:$0x3] =	stream.indirect.gather [hbm4b:s1+s19], $0x1, s12, s19, $0xb8;
	[tilespmem:$0xA280] =	vst v63  }
0xa0: {  	s12 =	simm.s32 $0x980;
	s13 =	simm.s32 $0x4980  }
0xa1: {  	[tilespmem:s13], [sflag:$0x3] =	stream.indirect.gather [hbm4b:s1+s19], $0x1, s12, s19, $0xb8;
	[tilespmem:$0xA280] =	vst v63  }
0xa2: {  	s12 =	simm.s32 $0xA00;
	s13 =	simm.s32 $0x4A00  }
0xa3: {  	[tilespmem:s13], [sflag:$0x3] =	stream.indirect.gather [hbm4b:s1+s19], $0x1, s12, s19, $0xb8;
	[tilespmem:$0xA280] =	vst v63  }
0xa4: {  	s12 =	simm.s32 $0xA80;
	s13 =	simm.s32 $0x4A80  }
0xa5: {  	[tilespmem:s13], [sflag:$0x3] =	stream.indirect.gather [hbm4b:s1+s19], $0x1, s12, s19, $0xb8;
	[tilespmem:$0xA280] =	vst v63  }
0xa6: {  	s12 =	simm.s32 $0xB00;
	s13 =	simm.s32 $0x4B00  }
0xa7: {  	[tilespmem:s13], [sflag:$0x3] =	stream.indirect.gather [hbm4b:s1+s19], $0x1, s12, s19, $0xb8;
	[tilespmem:$0xA280] =	vst v63  }
0xa8: {  	s12 =	simm.s32 $0xB80;
	s13 =	simm.s32 $0x4B80  }
0xa9: {  	[tilespmem:s13], [sflag:$0x3] =	stream.indirect.gather [hbm4b:s1+s19], $0x1, s12, s19, $0xb8;
	[tilespmem:$0xA280] =	vst v63  }
0xaa: {  	s11 =	simm.s32 $0x5800  }
0xab: {  	[tilespmem:s11], [sflag:$0x3] =	stream.indirect.gather [hbm4b:s1+s19], $0x1, s24, s19, $0xb8;
	[tilespmem:$0xA280] =	vst v63  }
0xac: {  	s12 =	simm.s32 $0x1880;
	s13 =	simm.s32 $0x5880  }
0xad: {  	[tilespmem:s13], [sflag:$0x3] =	stream.indirect.gather [hbm4b:s1+s19], $0x1, s12, s19, $0xb8;
	[tilespmem:$0xA280] =	vst v63  }
0xae: {  	s12 =	simm.s32 $0x1900;
	s13 =	simm.s32 $0x5900  }
0xaf: {  	[tilespmem:s13], [sflag:$0x3] =	stream.indirect.gather [hbm4b:s1+s19], $0x1, s12, s19, $0xb8;
	[tilespmem:$0xA280] =	vst v63  }
0xb0: {  	s12 =	simm.s32 $0x1980;
	s13 =	simm.s32 $0x5980  }
0xb1: {  	[tilespmem:s13], [sflag:$0x3] =	stream.indirect.gather [hbm4b:s1+s19], $0x1, s12, s19, $0xb8;
	[tilespmem:$0xA280] =	vst v63  }
0xb2: {  	s12 =	simm.s32 $0x1A00;
	s13 =	simm.s32 $0x5A00  }
0xb3: {  	[tilespmem:s13], [sflag:$0x3] =	stream.indirect.gather [hbm4b:s1+s19], $0x1, s12, s19, $0xb8;
	[tilespmem:$0xA280] =	vst v63  }
0xb4: {  	s12 =	simm.s32 $0x1A80;
	s13 =	simm.s32 $0x5A80  }
0xb5: {  	[tilespmem:s13], [sflag:$0x3] =	stream.indirect.gather [hbm4b:s1+s19], $0x1, s12, s19, $0xb8;
	[tilespmem:$0xA280] =	vst v63  }
0xb6: {  	s12 =	simm.s32 $0x1B00;
	s13 =	simm.s32 $0x5B00  }
0xb7: {  	[tilespmem:s13], [sflag:$0x3] =	stream.indirect.gather [hbm4b:s1+s19], $0x1, s12, s19, $0xb8;
	[tilespmem:$0xA280] =	vst v63  }
0xb8: {  	s12 =	simm.s32 $0x1B80;
	s13 =	simm.s32 $0x5B80  }
0xb9: {  	[tilespmem:s13], [sflag:$0x3] =	stream.indirect.gather [hbm4b:s1+s19], $0x1, s12, s19, $0xb8;
	[tilespmem:$0xA280] =	vst v63  }
0xba: {  	s11 =	simm.s32 $0x6800  }
0xbb: {  	[tilespmem:s11], [sflag:$0x3] =	stream.indirect.gather [hbm4b:s1+s19], $0x1, s30, s19, $0xb8;
	[tilespmem:$0xA280] =	vst v63  }
0xbc: {  	s12 =	simm.s32 $0x2880;
	s13 =	simm.s32 $0x6880  }
0xbd: {  	[tilespmem:s13], [sflag:$0x3] =	stream.indirect.gather [hbm4b:s1+s19], $0x1, s12, s19, $0xb8;
	[tilespmem:$0xA280] =	vst v63  }
0xbe: {  	s12 =	simm.s32 $0x2900;
	s13 =	simm.s32 $0x6900  }
0xbf: {  	[tilespmem:s13], [sflag:$0x3] =	stream.indirect.gather [hbm4b:s1+s19], $0x1, s12, s19, $0xb8;
	[tilespmem:$0xA280] =	vst v63  }
0xc0: {  	s12 =	simm.s32 $0x2980;
	s13 =	simm.s32 $0x6980  }
0xc1: {  	[tilespmem:s13], [sflag:$0x3] =	stream.indirect.gather [hbm4b:s1+s19], $0x1, s12, s19, $0xb8;
	[tilespmem:$0xA280] =	vst v63  }
0xc2: {  	s12 =	simm.s32 $0x2A00;
	s13 =	simm.s32 $0x6A00  }
0xc3: {  	[tilespmem:s13], [sflag:$0x3] =	stream.indirect.gather [hbm4b:s1+s19], $0x1, s12, s19, $0xb8;
	[tilespmem:$0xA280] =	vst v63  }
0xc4: {  	s12 =	simm.s32 $0x2A80;
	s13 =	simm.s32 $0x6A80  }
0xc5: {  	[tilespmem:s13], [sflag:$0x3] =	stream.indirect.gather [hbm4b:s1+s19], $0x1, s12, s19, $0xb8;
	[tilespmem:$0xA280] =	vst v63  }
0xc6: {  	s12 =	simm.s32 $0x2B00;
	s13 =	simm.s32 $0x6B00  }
0xc7: {  	[tilespmem:s13], [sflag:$0x3] =	stream.indirect.gather [hbm4b:s1+s19], $0x1, s12, s19, $0xb8;
	[tilespmem:$0xA280] =	vst v63  }
0xc8: {  	s12 =	simm.s32 $0x2B80;
	s13 =	simm.s32 $0x6B80  }
0xc9: {  	[tilespmem:s13], [sflag:$0x3] =	stream.indirect.gather [hbm4b:s1+s19], $0x1, s12, s19, $0xb8;
	[tilespmem:$0xA280] =	vst v63  }
0xca: {  	s11 =	simm.s32 $0x7800  }
0xcb: {  	[tilespmem:s11], [sflag:$0x3] =	stream.indirect.gather [hbm4b:s1+s19], $0x1, s31, s19, $0xb8;
	[tilespmem:$0xA280] =	vst v63  }
0xcc: {  	s12 =	simm.s32 $0x3880;
	s13 =	simm.s32 $0x7880  }
0xcd: {  	[tilespmem:s13], [sflag:$0x3] =	stream.indirect.gather [hbm4b:s1+s19], $0x1, s12, s19, $0xb8;
	[tilespmem:$0xA280] =	vst v63  }
0xce: {  	_ = 	snop  }
0xcf: {  	[tilespmem:s0], [sflag:$0x5] =	stream.linear.gather [hbm4b:s8+s4], $0x400, $0x38;
	[tilespmem:$0xA280] =	vst v63  }
0xd0: {  	s11 =	sadd.s32 $0x4000, s8  }
0xd1: {  	[tilespmem:s2], [sflag:$0x5] =	stream.linear.gather [hbm4b:s11+s4], $0x400, $0x38;
	[tilespmem:$0xA280] =	vst v63  }
0xd2: {  	s12 =	sadd.s32 $0x8000, s8  }
0xd3: {  	[tilespmem:s3], [sflag:$0x5] =	stream.linear.gather [hbm4b:s12+s4], $0x400, $0x38;
	[tilespmem:$0xA280] =	vst v63  }
0xd4: {  	s13 =	sadd.s32 $0xC000, s8  }
0xd5: {  	[tilespmem:s20], [sflag:$0x5] =	stream.linear.gather [hbm4b:s13+s4], $0x400, $0x38;
	[tilespmem:$0xA280] =	vst v63  }
0xd6: {  	_ =	swait.ge [sflag:s18], $0x1000  }
0xd7: {  	[sflag:s18] =	ssyncset.done $0x0  }
0xd8: {  	s11 =	simm.s32 $0x4C00;
	[sflag:s18] =	ssyncadd.s32 $0xFFFFF000  }
0xd9: {  	[tilespmem:s11], [sflag:$0x4] =	stream.indirect.gather [hbm4b:s1+s19], $0x1, s0, s19, $0xb8;
	[tilespmem:$0xA280] =	vst v63  }
0xda: {  	s12 =	simm.s32 $0xC80;
	s13 =	simm.s32 $0x4C80  }
0xdb: {  	[tilespmem:s13], [sflag:$0x4] =	stream.indirect.gather [hbm4b:s1+s19], $0x1, s12, s19, $0xb8;
	[tilespmem:$0xA280] =	vst v63  }
0xdc: {  	s12 =	simm.s32 $0xD00;
	s13 =	simm.s32 $0x4D00  }
0xdd: {  	[tilespmem:s13], [sflag:$0x4] =	stream.indirect.gather [hbm4b:s1+s19], $0x1, s12, s19, $0xb8;
	[tilespmem:$0xA280] =	vst v63  }
0xde: {  	s12 =	simm.s32 $0xD80;
	s13 =	simm.s32 $0x4D80  }
0xdf: {  	[tilespmem:s13], [sflag:$0x4] =	stream.indirect.gather [hbm4b:s1+s19], $0x1, s12, s19, $0xb8;
	[tilespmem:$0xA280] =	vst v63  }
0xe0: {  	s12 =	simm.s32 $0xE00;
	s13 =	simm.s32 $0x4E00  }
0xe1: {  	[tilespmem:s13], [sflag:$0x4] =	stream.indirect.gather [hbm4b:s1+s19], $0x1, s12, s19, $0xb8;
	[tilespmem:$0xA280] =	vst v63  }
0xe2: {  	s12 =	simm.s32 $0xE80;
	s13 =	simm.s32 $0x4E80  }
0xe3: {  	[tilespmem:s13], [sflag:$0x4] =	stream.indirect.gather [hbm4b:s1+s19], $0x1, s12, s19, $0xb8;
	[tilespmem:$0xA280] =	vst v63  }
0xe4: {  	s12 =	simm.s32 $0xF00;
	s13 =	simm.s32 $0x4F00  }
0xe5: {  	[tilespmem:s13], [sflag:$0x4] =	stream.indirect.gather [hbm4b:s1+s19], $0x1, s12, s19, $0xb8;
	[tilespmem:$0xA280] =	vst v63  }
0xe6: {  	s12 =	simm.s32 $0xF80;
	s13 =	simm.s32 $0x4F80  }
0xe7: {  	[tilespmem:s13], [sflag:$0x4] =	stream.indirect.gather [hbm4b:s1+s19], $0x1, s12, s19, $0xb8;
	[tilespmem:$0xA280] =	vst v63  }
0xe8: {  	s11 =	simm.s32 $0x5C00  }
0xe9: {  	[tilespmem:s11], [sflag:$0x4] =	stream.indirect.gather [hbm4b:s1+s19], $0x1, s2, s19, $0xb8;
	[tilespmem:$0xA280] =	vst v63  }
0xea: {  	s12 =	simm.s32 $0x1C80;
	s13 =	simm.s32 $0x5C80  }
0xeb: {  	[tilespmem:s13], [sflag:$0x4] =	stream.indirect.gather [hbm4b:s1+s19], $0x1, s12, s19, $0xb8;
	[tilespmem:$0xA280] =	vst v63  }
0xec: {  	s12 =	simm.s32 $0x1D00;
	s13 =	simm.s32 $0x5D00  }
0xed: {  	[tilespmem:s13], [sflag:$0x4] =	stream.indirect.gather [hbm4b:s1+s19], $0x1, s12, s19, $0xb8;
	[tilespmem:$0xA280] =	vst v63  }
0xee: {  	s12 =	simm.s32 $0x1D80;
	s13 =	simm.s32 $0x5D80  }
0xef: {  	[tilespmem:s13], [sflag:$0x4] =	stream.indirect.gather [hbm4b:s1+s19], $0x1, s12, s19, $0xb8;
	[tilespmem:$0xA280] =	vst v63  }
0xf0: {  	s12 =	simm.s32 $0x1E00;
	s13 =	simm.s32 $0x5E00  }
0xf1: {  	[tilespmem:s13], [sflag:$0x4] =	stream.indirect.gather [hbm4b:s1+s19], $0x1, s12, s19, $0xb8;
	[tilespmem:$0xA280] =	vst v63  }
0xf2: {  	s12 =	simm.s32 $0x1E80;
	s13 =	simm.s32 $0x5E80  }
0xf3: {  	[tilespmem:s13], [sflag:$0x4] =	stream.indirect.gather [hbm4b:s1+s19], $0x1, s12, s19, $0xb8;
	[tilespmem:$0xA280] =	vst v63  }
0xf4: {  	s12 =	simm.s32 $0x1F00;
	s13 =	simm.s32 $0x5F00  }
0xf5: {  	[tilespmem:s13], [sflag:$0x4] =	stream.indirect.gather [hbm4b:s1+s19], $0x1, s12, s19, $0xb8;
	[tilespmem:$0xA280] =	vst v63  }
0xf6: {  	s12 =	simm.s32 $0x1F80;
	s13 =	simm.s32 $0x5F80  }
0xf7: {  	[tilespmem:s13], [sflag:$0x4] =	stream.indirect.gather [hbm4b:s1+s19], $0x1, s12, s19, $0xb8;
	[tilespmem:$0xA280] =	vst v63  }
0xf8: {  	s11 =	simm.s32 $0x6C00  }
0xf9: {  	[tilespmem:s11], [sflag:$0x4] =	stream.indirect.gather [hbm4b:s1+s19], $0x1, s3, s19, $0xb8;
	[tilespmem:$0xA280] =	vst v63  }
0xfa: {  	s12 =	simm.s32 $0x2C80;
	s13 =	simm.s32 $0x6C80  }
0xfb: {  	[tilespmem:s13], [sflag:$0x4] =	stream.indirect.gather [hbm4b:s1+s19], $0x1, s12, s19, $0xb8;
	[tilespmem:$0xA280] =	vst v63  }
0xfc: {  	s12 =	simm.s32 $0x2D00;
	s13 =	simm.s32 $0x6D00  }
0xfd: {  	[tilespmem:s13], [sflag:$0x4] =	stream.indirect.gather [hbm4b:s1+s19], $0x1, s12, s19, $0xb8;
	[tilespmem:$0xA280] =	vst v63  }
0xfe: {  	s12 =	simm.s32 $0x2D80;
	s13 =	simm.s32 $0x6D80  }
0xff: {  	[tilespmem:s13], [sflag:$0x4] =	stream.indirect.gather [hbm4b:s1+s19], $0x1, s12, s19, $0xb8;
	[tilespmem:$0xA280] =	vst v63  }
0x100: {  	s12 =	simm.s32 $0x2E00;
	s13 =	simm.s32 $0x6E00  }
0x101: {  	[tilespmem:s13], [sflag:$0x4] =	stream.indirect.gather [hbm4b:s1+s19], $0x1, s12, s19, $0xb8;
	[tilespmem:$0xA280] =	vst v63  }
0x102: {  	s12 =	simm.s32 $0x2E80;
	s13 =	simm.s32 $0x6E80  }
0x103: {  	[tilespmem:s13], [sflag:$0x4] =	stream.indirect.gather [hbm4b:s1+s19], $0x1, s12, s19, $0xb8;
	[tilespmem:$0xA280] =	vst v63  }
0x104: {  	s12 =	simm.s32 $0x2F00;
	s13 =	simm.s32 $0x6F00  }
0x105: {  	[tilespmem:s13], [sflag:$0x4] =	stream.indirect.gather [hbm4b:s1+s19], $0x1, s12, s19, $0xb8;
	[tilespmem:$0xA280] =	vst v63  }
0x106: {  	s12 =	simm.s32 $0x2F80;
	s13 =	simm.s32 $0x6F80  }
0x107: {  	[tilespmem:s13], [sflag:$0x4] =	stream.indirect.gather [hbm4b:s1+s19], $0x1, s12, s19, $0xb8;
	[tilespmem:$0xA280] =	vst v63  }
0x108: {  	s11 =	simm.s32 $0x7C00  }
0x109: {  	[tilespmem:s11], [sflag:$0x4] =	stream.indirect.gather [hbm4b:s1+s19], $0x1, s20, s19, $0xb8;
	[tilespmem:$0xA280] =	vst v63  }
0x10a: {  	s12 =	simm.s32 $0x3C80;
	s13 =	simm.s32 $0x7C80  }
0x10b: {  	[tilespmem:s13], [sflag:$0x4] =	stream.indirect.gather [hbm4b:s1+s19], $0x1, s12, s19, $0xb8;
	[tilespmem:$0xA280] =	vst v63  }
0x10c: {  	s11 =	rddreg [dreg:$0x6];
	s12 =	simm.s32 $0x20000;
	s13 =	simm.s32 $0x8000  }
0x10d: {  	[tilespmem:s13], [sflag:$0x5] =	stream.strided.gather [hbm4b:s11+s15], $0x2000, s12, s15, $0x38;
	[tilespmem:$0xA280] =	vst v63  }
0x10e: {  	_ =	swait.ge [sflag:s18], $0x2000  }
0x10f: {  	[sflag:s18] =	ssyncset.done $0x0  }
0x110: {  	[sflag:s18] =	ssyncadd.s32 $0xFFFFE000  }
0x111: {  	s13 =	simm.s32 $0xA000;
	s12 =	rddreg [dreg:$0x3]  }
0x112: {  	[tilespmem:s13], [sflag:$0x5] =	stream.linear.gather [hbm4b:s12+s4], $0x80, $0x38;
	[tilespmem:$0xA280] =	vst v63  }
0x113: {  	_ =	swait.ge [sflag:s18], $0x80  }
0x114: {  	[sflag:s18] =	ssyncset.done $0x0  }
0x115: {  	[sflag:s18] =	ssyncadd.s32 $0xFFFFFF80  }
0x116: {  	v26 =	vld [tilespmem:$0xA000];
	_ =	swait.ge [sflag:s22], $0x80  }
0x117: {  	[sflag:s22] =	ssyncset.done $0x0  }
0x118: {  	[sflag:s22] =	ssyncadd.s32 $0xFFFFFF80  }
0x119: {  	_ =	swait.ge [sflag:s22], $0x80  }
0x11a: {  	[sflag:s22] =	ssyncset.done $0x0  }
0x11b: {  	[sflag:s22] =	ssyncadd.s32 $0xFFFFFF80  }
0x11c: {  	_ =	swait.ge [sflag:s22], $0x80  }
0x11d: {  	[sflag:s22] =	ssyncset.done $0x0  }
0x11e: {  	[sflag:s22] =	ssyncadd.s32 $0xFFFFFF80  }
0x11f: {  	_ =	swait.ge [sflag:s22], $0x80  }
0x120: {  	[sflag:s22] =	ssyncset.done $0x0  }
0x121: {  	[sflag:s22] =	ssyncadd.s32 $0xFFFFFF80  }
0x122: {  	_ =	swait.ge [sflag:s22], $0x80  }
0x123: {  	[sflag:s22] =	ssyncset.done $0x0  }
0x124: {  	[sflag:s22] =	ssyncadd.s32 $0xFFFFFF80  }
0x125: {  	_ =	swait.ge [sflag:s22], $0x80  }
0x126: {  	[sflag:s22] =	ssyncset.done $0x0  }
0x127: {  	[sflag:s22] =	ssyncadd.s32 $0xFFFFFF80  }
0x128: {  	_ =	swait.ge [sflag:s22], $0x80  }
0x129: {  	[sflag:s22] =	ssyncset.done $0x0  }
0x12a: {  	[sflag:s22] =	ssyncadd.s32 $0xFFFFFF80  }
0x12b: {  	_ =	swait.ge [sflag:s22], $0x80  }
0x12c: {  	[sflag:s22] =	ssyncset.done $0x0  }
0x12d: {  	[sflag:s22] =	ssyncadd.s32 $0xFFFFFF80  }
0x12e: {  	_ =	swait.ge [sflag:s22], $0x80  }
0x12f: {  	[sflag:s22] =	ssyncset.done $0x0  }
0x130: {  	[sflag:s22] =	ssyncadd.s32 $0xFFFFFF80  }
0x131: {  	_ =	swait.ge [sflag:s22], $0x80  }
0x132: {  	[sflag:s22] =	ssyncset.done $0x0  }
0x133: {  	[sflag:s22] =	ssyncadd.s32 $0xFFFFFF80  }
0x134: {  	_ =	swait.ge [sflag:s22], $0x80  }
0x135: {  	[sflag:s22] =	ssyncset.done $0x0  }
0x136: {  	[sflag:s22] =	ssyncadd.s32 $0xFFFFFF80  }
0x137: {  	_ =	swait.ge [sflag:s22], $0x80  }
0x138: {  	[sflag:s22] =	ssyncset.done $0x0  }
0x139: {  	[sflag:s22] =	ssyncadd.s32 $0xFFFFFF80  }
0x13a: {  	_ =	swait.ge [sflag:s22], $0x80  }
0x13b: {  	[sflag:s22] =	ssyncset.done $0x0  }
0x13c: {  	[sflag:s22] =	ssyncadd.s32 $0xFFFFFF80  }
0x13d: {  	_ =	swait.ge [sflag:s22], $0x80  }
0x13e: {  	[sflag:s22] =	ssyncset.done $0x0  }
0x13f: {  	[sflag:s22] =	ssyncadd.s32 $0xFFFFFF80  }
0x140: {  	_ =	swait.ge [sflag:s22], $0x80  }
0x141: {  	[sflag:s22] =	ssyncset.done $0x0  }
0x142: {  	[sflag:s22] =	ssyncadd.s32 $0xFFFFFF80  }
0x143: {  	_ =	swait.ge [sflag:s22], $0x80  }
0x144: {  	[sflag:s22] =	ssyncset.done $0x0  }
0x145: {  	[sflag:s22] =	ssyncadd.s32 $0xFFFFFF80  }
0x146: {  	_ =	swait.ge [sflag:s22], $0x80  }
0x147: {  	[sflag:s22] =	ssyncset.done $0x0  }
0x148: {  	[sflag:s22] =	ssyncadd.s32 $0xFFFFFF80  }
0x149: {  	_ =	swait.ge [sflag:s22], $0x80  }
0x14a: {  	[sflag:s22] =	ssyncset.done $0x0  }
0x14b: {  	[sflag:s22] =	ssyncadd.s32 $0xFFFFFF80  }
0x14c: {  	_ =	swait.ge [sflag:s22], $0x80  }
0x14d: {  	[sflag:s22] =	ssyncset.done $0x0  }
0x14e: {  	[sflag:s22] =	ssyncadd.s32 $0xFFFFFF80  }
0x14f: {  	_ =	swait.ge [sflag:s22], $0x80  }
0x150: {  	[sflag:s22] =	ssyncset.done $0x0  }
0x151: {  	[sflag:s22] =	ssyncadd.s32 $0xFFFFFF80  }
0x152: {  	_ =	swait.ge [sflag:s22], $0x80  }
0x153: {  	[sflag:s22] =	ssyncset.done $0x0  }
0x154: {  	[sflag:s22] =	ssyncadd.s32 $0xFFFFFF80  }
0x155: {  	_ =	swait.ge [sflag:s22], $0x80  }
0x156: {  	[sflag:s22] =	ssyncset.done $0x0  }
0x157: {  	[sflag:s22] =	ssyncadd.s32 $0xFFFFFF80  }
0x158: {  	_ =	swait.ge [sflag:s22], $0x80  }
0x159: {  	[sflag:s22] =	ssyncset.done $0x0  }
0x15a: {  	[sflag:s22] =	ssyncadd.s32 $0xFFFFFF80  }
0x15b: {  	_ =	swait.ge [sflag:s22], $0x80  }
0x15c: {  	[sflag:s22] =	ssyncset.done $0x0  }
0x15d: {  	[sflag:s22] =	ssyncadd.s32 $0xFFFFFF80  }
0x15e: {  	_ =	swait.ge [sflag:s22], $0x80  }
0x15f: {  	[sflag:s22] =	ssyncset.done $0x0  }
0x160: {  	[sflag:s22] =	ssyncadd.s32 $0xFFFFFF80  }
0x161: {  	_ =	swait.ge [sflag:s22], $0x80  }
0x162: {  	[sflag:s22] =	ssyncset.done $0x0  }
0x163: {  	s11 =	simm.s32 $0x0;
	[sflag:s22] =	ssyncadd.s32 $0xFFFFFF80  }
0x164: {  	v14 =	vld [tilespmem:s11+$0x4000];
	_ =	sdelay $0x1  }
0x165: {  	v15 =	vld [tilespmem:s11+$0x4080]  }
0x166: {  	v27 =	vperm.xlane v26, v13  }
0x167: {  	v16 =	vld [tilespmem:s11+$0x4100]  }
0x168: {  	v14 =	vadd.f32 v14, v27  }
0x169: {  	v17 =	vld [tilespmem:s11+$0x4180]  }
0x16a: {  	v14 =	vadd.f32 v15, v14  }
0x16b: {  	v15 =	vld [tilespmem:s11+$0x4200]  }
0x16c: {  	v14 =	vadd.f32 v16, v14  }
0x16d: {  	v16 =	vld [tilespmem:s11+$0x4280]  }
0x16e: {  	v14 =	vadd.f32 v17, v14  }
0x16f: {  	v17 =	vld [tilespmem:s11+$0x4300]  }
0x170: {  	v14 =	vadd.f32 v15, v14  }
0x171: {  	v15 =	vld [tilespmem:s11+$0x4380]  }
0x172: {  	v14 =	vadd.f32 v16, v14  }
0x173: {  	v16 =	vld [tilespmem:s11+$0x5000]  }
0x174: {  	v14 =	vadd.f32 v17, v14  }
0x175: {  	v17 =	vld [tilespmem:s11+$0x5080]  }
0x176: {  	v14 =	vadd.f32 v15, v14  }
0x177: {  	v15 =	vld [tilespmem:s11+$0x5100]  }
0x178: {  	v14 =	vadd.f32 v16, v14  }
0x179: {  	v16 =	vld [tilespmem:s11+$0x5180]  }
0x17a: {  	v14 =	vadd.f32 v17, v14  }
0x17b: {  	v17 =	vld [tilespmem:s11+$0x5200]  }
0x17c: {  	v14 =	vadd.f32 v15, v14  }
0x17d: {  	v15 =	vld [tilespmem:s11+$0x5280]  }
0x17e: {  	v14 =	vadd.f32 v16, v14  }
0x17f: {  	v16 =	vld [tilespmem:s11+$0x5300]  }
0x180: {  	v14 =	vadd.f32 v17, v14  }
0x181: {  	v17 =	vld [tilespmem:s11+$0x5380]  }
0x182: {  	v14 =	vadd.f32 v15, v14  }
0x183: {  	v15 =	vld [tilespmem:s11+$0x6000]  }
0x184: {  	v14 =	vadd.f32 v16, v14  }
0x185: {  	v16 =	vld [tilespmem:s11+$0x6080]  }
0x186: {  	v14 =	vadd.f32 v17, v14  }
0x187: {  	v17 =	vld [tilespmem:s11+$0x6100]  }
0x188: {  	v18 =	vld [tilespmem:s11+$0x7080];
	v14 =	vadd.f32 v15, v14  }
0x189: {  	s10 =	simm.s32 $0x10;
	v15 =	vld [tilespmem:s11+$0x6180]  }
0x18a: {  	v19 =	vld [tilespmem:s10+$0x4000];
	v14 =	vadd.f32 v16, v14  }
0x18b: {  	v16 =	vld [tilespmem:s11+$0x6200]  }
0x18c: {  	v20 =	vld [tilespmem:s10+$0x4080];
	v14 =	vadd.f32 v17, v14  }
0x18d: {  	v17 =	vld [tilespmem:s11+$0x6280]  }
0x18e: {  	v21 =	vld [tilespmem:s10+$0x4100];
	v14 =	vadd.f32 v15, v14  }
0x18f: {  	v19 =	vadd.f32 v19, v27;
	v15 =	vld [tilespmem:s11+$0x6300]  }
0x190: {  	v22 =	vld [tilespmem:s10+$0x4180];
	v14 =	vadd.f32 v16, v14  }
0x191: {  	v19 =	vadd.f32 v20, v19;
	v16 =	vld [tilespmem:s11+$0x6380]  }
0x192: {  	v20 =	vld [tilespmem:s10+$0x4200];
	v14 =	vadd.f32 v17, v14  }
0x193: {  	v19 =	vadd.f32 v21, v19;
	v17 =	vld [tilespmem:s11+$0x7000]  }
0x194: {  	v21 =	vld [tilespmem:s10+$0x4280];
	v14 =	vadd.f32 v15, v14  }
0x195: {  	v23 =	vld [tilespmem:s11+$0x8000];
	v15 =	vadd.f32 v22, v19  }
0x196: {  	v19 =	vld [tilespmem:s10+$0x4300];
	v16 =	vadd.f32 v16, v14  }
0x197: {  	v22 =	vld [tilespmem:s11+$0x8080];
	v20 =	vadd.f32 v20, v15  }
0x198: {  	v24 =	vld [tilespmem:s10+$0x4380];
	v14 =	vperm.xlane v26, v0;
	v16 =	vadd.f32 v17, v16  }
0x199: {  	v25 =	vld [tilespmem:s11+$0x8100];
	v17 =	vadd.f32 v21, v20  }
0x19a: {  	v15 =	vperm.xlane v26, v1;
	v20 =	vld [tilespmem:s10+$0x5000];
	v21 =	vmul.f32 v23, v14;
	v18 =	vadd.f32 v18, v16  }
0x19b: {  	v23 =	vld [tilespmem:s11+$0x8180];
	v19 =	vadd.f32 v19, v17  }
0x19c: {  	v28 =	vld [tilespmem:s10+$0x5080];
	v16 =	vperm.xlane v26, v2;
	v18 =	vadd.f32 v21, v18;
	v21 =	vmul.f32 v22, v15  }
0x19d: {  	v22 =	vld [tilespmem:s11+$0x8200];
	v19 =	vadd.f32 v24, v19  }
0x19e: {  	v17 =	vperm.xlane v26, v3;
	v24 =	vld [tilespmem:s10+$0x5100];
	v25 =	vmul.f32 v25, v16;
	v21 =	vadd.f32 v21, v18  }
0x19f: {  	v29 =	vld [tilespmem:s11+$0x8280];
	v20 =	vadd.f32 v20, v19  }
0x1a0: {  	v30 =	vld [tilespmem:s10+$0x5180];
	v23 =	vmul.f32 v23, v17;
	v18 =	vperm.xlane v26, v4;
	v21 =	vadd.f32 v25, v21  }
0x1a1: {  	v25 =	vld [tilespmem:s11+$0x8300];
	v28 =	vadd.f32 v28, v20  }
0x1a2: {  	v31 =	vld [tilespmem:s10+$0x5200];
	v19 =	vperm.xlane v26, v5;
	v22 =	vmul.f32 v22, v18;
	v21 =	vadd.f32 v23, v21  }
0x1a3: {  	v23 =	vld [tilespmem:s11+$0x8380];
	v24 =	vadd.f32 v24, v28  }
0x1a4: {  	v20 =	vperm.xlane v26, v6;
	v29 =	vmul.f32 v29, v19;
	v28 =	vld [tilespmem:s10+$0x5280];
	v22 =	vadd.f32 v22, v21  }
0x1a5: {  	v32 =	vld [tilespmem:s11+$0x9000];
	v24 =	vadd.f32 v30, v24  }
0x1a6: {  	v21 =	vperm.xlane v26, v7;
	v30 =	vld [tilespmem:s10+$0x5300];
	v25 =	vmul.f32 v25, v20;
	v29 =	vadd.f32 v29, v22  }
0x1a7: {  	v33 =	vld [tilespmem:s11+$0x9080];
	v24 =	vadd.f32 v31, v24  }
0x1a8: {  	v34 =	vld [tilespmem:s10+$0x5380];
	v22 =	vperm.xlane v26, v8;
	v25 =	vadd.f32 v25, v29;
	v29 =	vmul.f32 v23, v21  }
0x1a9: {  	v35 =	vld [tilespmem:s11+$0x9100];
	v28 =	vadd.f32 v28, v24  }
0x1aa: {  	v36 =	vld [tilespmem:s10+$0x6000];
	v23 =	vperm.xlane v26, v9;
	v31 =	vmul.f32 v32, v22;
	v25 =	vadd.f32 v29, v25  }
0x1ab: {  	v37 =	vld [tilespmem:s11+$0x9180];
	v28 =	vadd.f32 v30, v28  }
0x1ac: {  	v24 =	vperm.xlane v26, v10;
	v29 =	vld [tilespmem:s10+$0x6080];
	v33 =	vmul.f32 v33, v23;
	v32 =	vadd.f32 v31, v25  }
0x1ad: {  	v31 =	vld [tilespmem:s11+$0x9200];
	v34 =	vadd.f32 v34, v28  }
0x1ae: {  	v30 =	vld [tilespmem:s10+$0x6100];
	v35 =	vmul.f32 v35, v24;
	v25 =	vperm.xlane v26, v11;
	v38 =	vadd.f32 v33, v32  }
0x1af: {  	v28 =	vld [tilespmem:s10+$0x7080];
	v33 =	vadd.f32 v36, v34  }
0x1b0: {  	s12 =	simm.s32 $0x20;
	s13 =	simm.s32 $0xC0;
	v26 =	vperm.xlane v26, v12;
	v32 =	vld [tilespmem:s10+$0x6180];
	v34 =	vadd.f32 v35, v38;
	v35 =	vmul.f32 v37, v25  }
.LBB2_2:
0x1b1: {  	p0 =	sne.s32 s13, $0x1C0;
	v36 =	vld [tilespmem:s12+$0x4000];
	v29 =	vadd.f32 v29, v33  }
0x1b2: {  	v33 =	vld [tilespmem:s10+$0x6200];
	v34 =	vadd.f32 v35, v34;
	v31 =	vmul.f32 v31, v26  }
0x1b3: {  	v35 =	vld [tilespmem:s12+$0x4080];
	v29 =	vadd.f32 v30, v29  }
0x1b4: {  	v30 =	vld [tilespmem:s10+$0x6280];
	v31 =	vadd.f32 v31, v34  }
0x1b5: {  	v34 =	vld [tilespmem:s12+$0x4100];
	v29 =	vadd.f32 v32, v29  }
0x1b6: {  	v32 =	vadd.f32 v36, v27;
	v36 =	vld [tilespmem:s10+$0x6300];
	[tilespmem:s11+$0xA080] =	vst v31;
	s11 =	smov.u32 s10;
	s10 =	smov.u32 s12  }
0x1b7: {  	v31 =	vld [tilespmem:s10+$0x4180];
	v29 =	vadd.f32 v33, v29  }
0x1b8: {  	v32 =	vadd.f32 v35, v32;
	v33 =	vld [tilespmem:s11+$0x6380]  }
0x1b9: {  	v35 =	vld [tilespmem:s10+$0x4200];
	v29 =	vadd.f32 v30, v29  }
0x1ba: {  	v30 =	vadd.f32 v34, v32;
	v32 =	vld [tilespmem:s11+$0x7000]  }
0x1bb: {  	v34 =	vld [tilespmem:s10+$0x4280];
	v29 =	vadd.f32 v36, v29  }
0x1bc: {  	v30 =	vadd.f32 v31, v30;
	v31 =	vld [tilespmem:s11+$0x8000]  }
0x1bd: {  	v36 =	vld [tilespmem:s10+$0x4300];
	v29 =	vadd.f32 v33, v29  }
0x1be: {  	v30 =	vadd.f32 v35, v30;
	v33 =	vld [tilespmem:s11+$0x8080]  }
0x1bf: {  	v35 =	vld [tilespmem:s10+$0x4380];
	v29 =	vadd.f32 v32, v29  }
0x1c0: {  	v30 =	vadd.f32 v34, v30;
	v32 =	vld [tilespmem:s11+$0x8100]  }
0x1c1: {  	v34 =	vld [tilespmem:s10+$0x5000];
	v28 =	vadd.f32 v28, v29;
	v29 =	vmul.f32 v31, v14  }
0x1c2: {  	v30 =	vadd.f32 v36, v30;
	v31 =	vld [tilespmem:s11+$0x8180]  }
0x1c3: {  	v36 =	vld [tilespmem:s10+$0x5080];
	v28 =	vadd.f32 v29, v28;
	v29 =	vmul.f32 v33, v15  }
0x1c4: {  	v30 =	vadd.f32 v35, v30;
	v33 =	vld [tilespmem:s11+$0x8200]  }
0x1c5: {  	v35 =	vld [tilespmem:s10+$0x5100];
	v28 =	vadd.f32 v29, v28;
	v29 =	vmul.f32 v32, v16  }
0x1c6: {  	v30 =	vadd.f32 v34, v30;
	v32 =	vld [tilespmem:s11+$0x8280]  }
0x1c7: {  	v34 =	vld [tilespmem:s10+$0x5180];
	v28 =	vadd.f32 v29, v28;
	v29 =	vmul.f32 v31, v17  }
0x1c8: {  	v30 =	vadd.f32 v36, v30;
	v31 =	vld [tilespmem:s11+$0x8300]  }
0x1c9: {  	v36 =	vld [tilespmem:s10+$0x5200];
	v28 =	vadd.f32 v29, v28;
	v29 =	vmul.f32 v33, v18  }
0x1ca: {  	v30 =	vadd.f32 v35, v30;
	v33 =	vld [tilespmem:s11+$0x8380]  }
0x1cb: {  	v35 =	vld [tilespmem:s10+$0x5280];
	v28 =	vadd.f32 v29, v28;
	v29 =	vmul.f32 v32, v19  }
0x1cc: {  	v30 =	vadd.f32 v34, v30;
	v32 =	vld [tilespmem:s11+$0x9000]  }
0x1cd: {  	v34 =	vld [tilespmem:s10+$0x5300];
	v28 =	vadd.f32 v29, v28;
	v29 =	vmul.f32 v31, v20  }
0x1ce: {  	v30 =	vadd.f32 v36, v30;
	v31 =	vld [tilespmem:s11+$0x9080]  }
0x1cf: {  	v36 =	vld [tilespmem:s10+$0x5380];
	v28 =	vadd.f32 v29, v28;
	v29 =	vmul.f32 v33, v21  }
0x1d0: {  	v30 =	vadd.f32 v35, v30;
	v33 =	vld [tilespmem:s11+$0x9100]  }
0x1d1: {  	v35 =	vld [tilespmem:s10+$0x6000];
	v28 =	vadd.f32 v29, v28;
	v32 =	vmul.f32 v32, v22  }
0x1d2: {  	v30 =	vadd.f32 v34, v30;
	v37 =	vld [tilespmem:s11+$0x9180]  }
.Ltmp0:
0x1d3: {  	v29 =	vld [tilespmem:s10+$0x6080];
	v28 =	vadd.f32 v32, v28;
	v32 =	vmul.f32 v31, v23;
	(pc) =	sbr.rel @p0 .LBB2_2-.Ltmp0, $4  }
0x1d4: {  	v34 =	vadd.f32 v36, v30;
	v31 =	vld [tilespmem:s11+$0x9200]  }
0x1d5: {  	v30 =	vld [tilespmem:s10+$0x6100];
	v36 =	vadd.f32 v32, v28;
	v38 =	vmul.f32 v33, v24  }
0x1d6: {  	v33 =	vadd.f32 v35, v34;
	v28 =	vld [tilespmem:s10+$0x7080]  }
0x1d7: {  	s12 =	sshra.s32 s13, $0x2;
	s13 =	sadd.s32 $0x40, s13;
	v32 =	vld [tilespmem:s10+$0x6180];
	v34 =	vadd.f32 v38, v36;
	v35 =	vmul.f32 v37, v25  }
0x1d8: {  	v36 =	vld [tilespmem:s12+$0x4000]  }
0x1d9: {  	v37 =	vld [tilespmem:s10+$0x6200];
	v29 =	vadd.f32 v29, v33;
	v48 =	vadd.f32 v35, v34;
	v31 =	vmul.f32 v31, v26  }
0x1da: {  	v49 =	vld [tilespmem:s12+$0x4080]  }
0x1db: {  	v50 =	vld [tilespmem:s10+$0x6280];
	v29 =	vadd.f32 v30, v29;
	v30 =	vadd.f32 v31, v48  }
0x1dc: {  	v31 =	vld [tilespmem:s12+$0x4100]  }
0x1dd: {  	v51 =	vld [tilespmem:s10+$0x6300];
	v29 =	vadd.f32 v32, v29;
	v52 =	vadd.f32 v36, v27;
	[tilespmem:s11+$0xA080] =	vst v30  }
0x1de: {  	v30 =	vld [tilespmem:s12+$0x4180]  }
0x1df: {  	v29 =	vadd.f32 v37, v29;
	v53 =	vld [tilespmem:s10+$0x6380];
	v32 =	vadd.f32 v49, v52  }
0x1e0: {  	v54 =	vld [tilespmem:s12+$0x4200]  }
0x1e1: {  	v55 =	vld [tilespmem:s10+$0x7000];
	v29 =	vadd.f32 v50, v29;
	v31 =	vadd.f32 v31, v32  }
0x1e2: {  	v56 =	vld [tilespmem:s12+$0x4280]  }
0x1e3: {  	v57 =	vld [tilespmem:s12+$0x4300];
	v29 =	vadd.f32 v51, v29;
	v30 =	vadd.f32 v30, v31  }
0x1e4: {  	v31 =	vld [tilespmem:s10+$0x8000]  }
0x1e5: {  	v58 =	vld [tilespmem:s10+$0x8080];
	v29 =	vadd.f32 v53, v29;
	v30 =	vadd.f32 v54, v30  }
0x1e6: {  	v59 =	vld [tilespmem:s12+$0x4380]  }
0x1e7: {  	v60 =	vld [tilespmem:s10+$0x8100];
	v29 =	vadd.f32 v55, v29;
	v30 =	vadd.f32 v56, v30  }
0x1e8: {  	v61 =	vld [tilespmem:s12+$0x5000]  }
0x1e9: {  	v62 =	vld [tilespmem:s12+$0x5080];
	v28 =	vadd.f32 v28, v29;
	v29 =	vmul.f32 v31, v14;
	v30 =	vadd.f32 v57, v30  }
0x1ea: {  	v31 =	vld [tilespmem:s10+$0x8180]  }
0x1eb: {  	v63 =	vld [tilespmem:s10+$0x8200];
	v28 =	vadd.f32 v29, v28;
	v29 =	vmul.f32 v58, v15;
	v30 =	vadd.f32 v59, v30  }
0x1ec: {  	v40 =	vld [tilespmem:s12+$0x5100]  }
0x1ed: {  	v41 =	vld [tilespmem:s10+$0x8280];
	v28 =	vadd.f32 v29, v28;
	v29 =	vmul.f32 v60, v16;
	v30 =	vadd.f32 v61, v30  }
0x1ee: {  	v42 =	vld [tilespmem:s12+$0x5180]  }
0x1ef: {  	v43 =	vld [tilespmem:s12+$0x5200];
	v28 =	vadd.f32 v29, v28;
	v29 =	vmul.f32 v31, v17;
	v30 =	vadd.f32 v62, v30  }
0x1f0: {  	v31 =	vld [tilespmem:s10+$0x8300]  }
0x1f1: {  	v44 =	vld [tilespmem:s10+$0x8380];
	v28 =	vadd.f32 v29, v28;
	v29 =	vmul.f32 v63, v18;
	v30 =	vadd.f32 v40, v30  }
0x1f2: {  	v45 =	vld [tilespmem:s12+$0x5280]  }
0x1f3: {  	v46 =	vld [tilespmem:s10+$0x9000];
	v28 =	vadd.f32 v29, v28;
	v29 =	vmul.f32 v41, v19;
	v30 =	vadd.f32 v42, v30  }
0x1f4: {  	v47 =	vld [tilespmem:s12+$0x5300]  }
0x1f5: {  	v48 =	vld [tilespmem:s12+$0x5380];
	v28 =	vadd.f32 v29, v28;
	v29 =	vmul.f32 v31, v20;
	v30 =	vadd.f32 v43, v30  }
0x1f6: {  	v31 =	vld [tilespmem:s10+$0x9080]  }
0x1f7: {  	v49 =	vld [tilespmem:s10+$0x9100];
	v28 =	vadd.f32 v29, v28;
	v29 =	vmul.f32 v44, v21;
	v30 =	vadd.f32 v45, v30  }
0x1f8: {  	v50 =	vld [tilespmem:s12+$0x6000]  }
0x1f9: {  	v52 =	vld [tilespmem:s12+$0x6080];
	v28 =	vadd.f32 v29, v28;
	v29 =	vmul.f32 v46, v22;
	v30 =	vadd.f32 v47, v30  }
0x1fa: {  	v51 =	vld [tilespmem:s10+$0x9180]  }
0x1fb: {  	v53 =	vld [tilespmem:s12+$0x6100];
	v28 =	vadd.f32 v29, v28;
	v29 =	vmul.f32 v31, v23;
	v30 =	vadd.f32 v48, v30  }
0x1fc: {  	v31 =	vld [tilespmem:s10+$0x9200]  }
0x1fd: {  	v28 =	vadd.f32 v29, v28;
	v29 =	vmul.f32 v49, v24;
	v30 =	vadd.f32 v50, v30  }
0x1fe: {  	v54 =	vld [tilespmem:s12+$0x6180]  }
0x1ff: {  	v28 =	vadd.f32 v29, v28;
	v29 =	vmul.f32 v51, v25;
	v30 =	vadd.f32 v52, v30  }
0x200: {  	v55 =	vld [tilespmem:s12+$0x6200]  }
0x201: {  	v28 =	vadd.f32 v29, v28;
	v29 =	vmul.f32 v31, v26;
	v30 =	vadd.f32 v53, v30  }
0x202: {  	v31 =	vld [tilespmem:s12+$0x6280]  }
0x203: {  	v28 =	vadd.f32 v29, v28;
	v29 =	vadd.f32 v54, v30  }
0x204: {  	v30 =	vld [tilespmem:s12+$0x6300]  }
0x205: {  	v56 =	vld [tilespmem:s12+$0x7080];
	[tilespmem:s10+$0xA080] =	vst v28;
	v28 =	vadd.f32 v55, v29  }
0x206: {  	v29 =	vld [tilespmem:s12+$0x6380]  }
0x207: {  	v28 =	vadd.f32 v31, v28  }
0x208: {  	v31 =	vld [tilespmem:s12+$0x7000]  }
0x209: {  	v28 =	vadd.f32 v30, v28  }
0x20a: {  	v30 =	vld [tilespmem:s12+$0x8000]  }
0x20b: {  	v28 =	vadd.f32 v29, v28  }
0x20c: {  	v29 =	vld [tilespmem:s12+$0x8080]  }
0x20d: {  	v28 =	vadd.f32 v31, v28  }
0x20e: {  	v31 =	vld [tilespmem:s12+$0x8100]  }
0x20f: {  	v30 =	vmul.f32 v30, v14;
	v28 =	vadd.f32 v56, v28  }
0x210: {  	v57 =	vld [tilespmem:s12+$0x8180]  }
0x211: {  	v29 =	vmul.f32 v29, v15;
	v28 =	vadd.f32 v30, v28  }
0x212: {  	v30 =	vld [tilespmem:s12+$0x8200]  }
0x213: {  	v28 =	vadd.f32 v29, v28;
	v29 =	vmul.f32 v31, v16  }
0x214: {  	v31 =	vld [tilespmem:s12+$0x8280]  }
0x215: {  	v28 =	vadd.f32 v29, v28;
	v29 =	vmul.f32 v57, v17  }
0x216: {  	v58 =	vld [tilespmem:s12+$0x8300]  }
0x217: {  	v28 =	vadd.f32 v29, v28;
	v29 =	vmul.f32 v30, v18  }
0x218: {  	v30 =	vld [tilespmem:s12+$0x8380]  }
0x219: {  	v28 =	vadd.f32 v29, v28;
	v29 =	vmul.f32 v31, v19  }
0x21a: {  	v31 =	vld [tilespmem:s12+$0x9000]  }
0x21b: {  	v28 =	vadd.f32 v29, v28;
	v29 =	vmul.f32 v58, v20  }
0x21c: {  	v59 =	vld [tilespmem:s12+$0x9080]  }
0x21d: {  	v28 =	vadd.f32 v29, v28;
	v29 =	vmul.f32 v30, v21  }
0x21e: {  	v30 =	vld [tilespmem:s12+$0x9100]  }
0x21f: {  	v28 =	vadd.f32 v29, v28;
	v29 =	vmul.f32 v31, v22  }
0x220: {  	v31 =	vld [tilespmem:s12+$0x9180]  }
0x221: {  	v28 =	vadd.f32 v29, v28;
	v29 =	vmul.f32 v59, v23  }
0x222: {  	v60 =	vld [tilespmem:s12+$0x9200]  }
0x223: {  	v28 =	vadd.f32 v29, v28;
	v29 =	vmul.f32 v30, v24;
	_ =	sdelay $0x1  }
0x224: {  	v28 =	vadd.f32 v29, v28;
	v29 =	vmul.f32 v31, v25;
	_ =	sdelay $0x1  }
0x225: {  	v28 =	vadd.f32 v29, v28;
	v29 =	vmul.f32 v60, v26;
	_ =	sdelay $0x1  }
0x226: {  	v28 =	vadd.f32 v29, v28;
	_ =	sdelay $0x1  }
0x227: {  	[tilespmem:s12+$0xA080] =	vst v28  }
0x228: {  	_ =	swait.ge [sflag:s21], $0x80  }
0x229: {  	[sflag:s21] =	ssyncset.done $0x0  }
0x22a: {  	[sflag:s21] =	ssyncadd.s32 $0xFFFFFF80  }
0x22b: {  	_ =	swait.ge [sflag:s21], $0x80  }
0x22c: {  	[sflag:s21] =	ssyncset.done $0x0  }
0x22d: {  	[sflag:s21] =	ssyncadd.s32 $0xFFFFFF80  }
0x22e: {  	_ =	swait.ge [sflag:s21], $0x80  }
0x22f: {  	[sflag:s21] =	ssyncset.done $0x0  }
0x230: {  	[sflag:s21] =	ssyncadd.s32 $0xFFFFFF80  }
0x231: {  	_ =	swait.ge [sflag:s21], $0x80  }
0x232: {  	[sflag:s21] =	ssyncset.done $0x0  }
0x233: {  	[sflag:s21] =	ssyncadd.s32 $0xFFFFFF80  }
0x234: {  	_ =	swait.ge [sflag:s21], $0x80  }
0x235: {  	[sflag:s21] =	ssyncset.done $0x0  }
0x236: {  	[sflag:s21] =	ssyncadd.s32 $0xFFFFFF80  }
0x237: {  	_ =	swait.ge [sflag:s21], $0x80  }
0x238: {  	[sflag:s21] =	ssyncset.done $0x0  }
0x239: {  	[sflag:s21] =	ssyncadd.s32 $0xFFFFFF80  }
0x23a: {  	_ =	swait.ge [sflag:s21], $0x80  }
0x23b: {  	[sflag:s21] =	ssyncset.done $0x0  }
0x23c: {  	[sflag:s21] =	ssyncadd.s32 $0xFFFFFF80  }
0x23d: {  	_ =	swait.ge [sflag:s21], $0x80  }
0x23e: {  	[sflag:s21] =	ssyncset.done $0x0  }
0x23f: {  	[sflag:s21] =	ssyncadd.s32 $0xFFFFFF80  }
0x240: {  	_ =	swait.ge [sflag:s21], $0x80  }
0x241: {  	[sflag:s21] =	ssyncset.done $0x0  }
0x242: {  	[sflag:s21] =	ssyncadd.s32 $0xFFFFFF80  }
0x243: {  	_ =	swait.ge [sflag:s21], $0x80  }
0x244: {  	[sflag:s21] =	ssyncset.done $0x0  }
0x245: {  	[sflag:s21] =	ssyncadd.s32 $0xFFFFFF80  }
0x246: {  	_ =	swait.ge [sflag:s21], $0x80  }
0x247: {  	[sflag:s21] =	ssyncset.done $0x0  }
0x248: {  	[sflag:s21] =	ssyncadd.s32 $0xFFFFFF80  }
0x249: {  	_ =	swait.ge [sflag:s21], $0x80  }
0x24a: {  	[sflag:s21] =	ssyncset.done $0x0  }
0x24b: {  	[sflag:s21] =	ssyncadd.s32 $0xFFFFFF80  }
0x24c: {  	_ =	swait.ge [sflag:s21], $0x80  }
0x24d: {  	[sflag:s21] =	ssyncset.done $0x0  }
0x24e: {  	[sflag:s21] =	ssyncadd.s32 $0xFFFFFF80  }
0x24f: {  	_ =	swait.ge [sflag:s21], $0x80  }
0x250: {  	[sflag:s21] =	ssyncset.done $0x0  }
0x251: {  	[sflag:s21] =	ssyncadd.s32 $0xFFFFFF80  }
0x252: {  	_ =	swait.ge [sflag:s21], $0x80  }
0x253: {  	[sflag:s21] =	ssyncset.done $0x0  }
0x254: {  	[sflag:s21] =	ssyncadd.s32 $0xFFFFFF80  }
0x255: {  	_ =	swait.ge [sflag:s21], $0x80  }
0x256: {  	[sflag:s21] =	ssyncset.done $0x0  }
0x257: {  	[sflag:s21] =	ssyncadd.s32 $0xFFFFFF80  }
0x258: {  	_ =	swait.ge [sflag:s21], $0x80  }
0x259: {  	[sflag:s21] =	ssyncset.done $0x0  }
0x25a: {  	[sflag:s21] =	ssyncadd.s32 $0xFFFFFF80  }
0x25b: {  	_ =	swait.ge [sflag:s21], $0x80  }
0x25c: {  	[sflag:s21] =	ssyncset.done $0x0  }
0x25d: {  	[sflag:s21] =	ssyncadd.s32 $0xFFFFFF80  }
0x25e: {  	_ =	swait.ge [sflag:s21], $0x80  }
0x25f: {  	[sflag:s21] =	ssyncset.done $0x0  }
0x260: {  	[sflag:s21] =	ssyncadd.s32 $0xFFFFFF80  }
0x261: {  	_ =	swait.ge [sflag:s21], $0x80  }
0x262: {  	[sflag:s21] =	ssyncset.done $0x0  }
0x263: {  	[sflag:s21] =	ssyncadd.s32 $0xFFFFFF80  }
0x264: {  	_ =	swait.ge [sflag:s21], $0x80  }
0x265: {  	[sflag:s21] =	ssyncset.done $0x0  }
0x266: {  	[sflag:s21] =	ssyncadd.s32 $0xFFFFFF80  }
0x267: {  	_ =	swait.ge [sflag:s21], $0x80  }
0x268: {  	[sflag:s21] =	ssyncset.done $0x0  }
0x269: {  	[sflag:s21] =	ssyncadd.s32 $0xFFFFFF80  }
0x26a: {  	_ =	swait.ge [sflag:s21], $0x80  }
0x26b: {  	[sflag:s21] =	ssyncset.done $0x0  }
0x26c: {  	[sflag:s21] =	ssyncadd.s32 $0xFFFFFF80  }
0x26d: {  	_ =	swait.ge [sflag:s21], $0x80  }
0x26e: {  	[sflag:s21] =	ssyncset.done $0x0  }
0x26f: {  	[sflag:s21] =	ssyncadd.s32 $0xFFFFFF80  }
0x270: {  	_ =	swait.ge [sflag:s21], $0x80  }
0x271: {  	[sflag:s21] =	ssyncset.done $0x0  }
0x272: {  	[sflag:s21] =	ssyncadd.s32 $0xFFFFFF80  }
0x273: {  	_ =	swait.ge [sflag:s21], $0x80  }
0x274: {  	[sflag:s21] =	ssyncset.done $0x0  }
0x275: {  	s11 =	simm.s32 $0x0;
	[sflag:s21] =	ssyncadd.s32 $0xFFFFFF80  }
0x276: {  	v28 =	vld [tilespmem:s11+$0x4400];
	_ =	sdelay $0x1  }
0x277: {  	v29 =	vld [tilespmem:s11+$0x4480];
	_ =	sdelay $0x1  }
0x278: {  	v30 =	vld [tilespmem:s11+$0x4500]  }
0x279: {  	v28 =	vadd.f32 v28, v27  }
0x27a: {  	v31 =	vld [tilespmem:s11+$0x4580]  }
0x27b: {  	v28 =	vadd.f32 v29, v28  }
0x27c: {  	v29 =	vld [tilespmem:s11+$0x4600]  }
0x27d: {  	v28 =	vadd.f32 v30, v28  }
0x27e: {  	v30 =	vld [tilespmem:s11+$0x4680]  }
0x27f: {  	v28 =	vadd.f32 v31, v28  }
0x280: {  	v31 =	vld [tilespmem:s11+$0x4700]  }
0x281: {  	v28 =	vadd.f32 v29, v28  }
0x282: {  	v29 =	vld [tilespmem:s11+$0x4780]  }
0x283: {  	v28 =	vadd.f32 v30, v28  }
0x284: {  	v30 =	vld [tilespmem:s11+$0x5400]  }
0x285: {  	v28 =	vadd.f32 v31, v28  }
0x286: {  	v31 =	vld [tilespmem:s11+$0x5480]  }
0x287: {  	v28 =	vadd.f32 v29, v28  }
0x288: {  	v29 =	vld [tilespmem:s11+$0x5500]  }
0x289: {  	v28 =	vadd.f32 v30, v28  }
0x28a: {  	v30 =	vld [tilespmem:s11+$0x5580]  }
0x28b: {  	v28 =	vadd.f32 v31, v28  }
0x28c: {  	v31 =	vld [tilespmem:s11+$0x5600]  }
0x28d: {  	v28 =	vadd.f32 v29, v28  }
0x28e: {  	v29 =	vld [tilespmem:s11+$0x5680]  }
0x28f: {  	v28 =	vadd.f32 v30, v28  }
0x290: {  	v30 =	vld [tilespmem:s11+$0x5700]  }
0x291: {  	v28 =	vadd.f32 v31, v28  }
0x292: {  	v31 =	vld [tilespmem:s11+$0x5780]  }
0x293: {  	v28 =	vadd.f32 v29, v28  }
0x294: {  	v29 =	vld [tilespmem:s11+$0x6400]  }
0x295: {  	v28 =	vadd.f32 v30, v28  }
0x296: {  	v30 =	vld [tilespmem:s11+$0x6480]  }
0x297: {  	v28 =	vadd.f32 v31, v28  }
0x298: {  	v31 =	vld [tilespmem:s11+$0x6500]  }
0x299: {  	s10 =	simm.s32 $0x10;
	v61 =	vld [tilespmem:s11+$0x6580];
	v28 =	vadd.f32 v29, v28  }
0x29a: {  	v62 =	vld [tilespmem:s10+$0x4400]  }
0x29b: {  	v63 =	vld [tilespmem:s10+$0x4480];
	v28 =	vadd.f32 v30, v28  }
0x29c: {  	v30 =	vld [tilespmem:s11+$0x6600]  }
0x29d: {  	v40 =	vld [tilespmem:s10+$0x4500];
	v28 =	vadd.f32 v31, v28  }
0x29e: {  	v31 =	vld [tilespmem:s11+$0x6680]  }
0x29f: {  	v41 =	vld [tilespmem:s11+$0x6700];
	v28 =	vadd.f32 v61, v28  }
0x2a0: {  	v42 =	vld [tilespmem:s10+$0x4580];
	v33 =	vadd.f32 v62, v27  }
0x2a1: {  	v43 =	vld [tilespmem:s10+$0x4600];
	v28 =	vadd.f32 v30, v28  }
0x2a2: {  	v33 =	vadd.f32 v63, v33;
	v30 =	vld [tilespmem:s11+$0x6780]  }
0x2a3: {  	v44 =	vld [tilespmem:s10+$0x4680];
	v28 =	vadd.f32 v31, v28  }
0x2a4: {  	v33 =	vadd.f32 v40, v33;
	v31 =	vld [tilespmem:s11+$0x7400]  }
0x2a5: {  	v45 =	vld [tilespmem:s11+$0x8400];
	v28 =	vadd.f32 v41, v28  }
0x2a6: {  	v33 =	vadd.f32 v42, v33;
	v29 =	vld [tilespmem:s11+$0x7480]  }
0x2a7: {  	v46 =	vld [tilespmem:s10+$0x4700];
	v28 =	vadd.f32 v30, v28  }
0x2a8: {  	v33 =	vadd.f32 v43, v33;
	v30 =	vld [tilespmem:s11+$0x8480]  }
0x2a9: {  	v47 =	vld [tilespmem:s10+$0x4780];
	v28 =	vadd.f32 v31, v28  }
0x2aa: {  	v33 =	vadd.f32 v44, v33;
	v31 =	vld [tilespmem:s11+$0x8500]  }
0x2ab: {  	v48 =	vld [tilespmem:s10+$0x5400];
	v28 =	vadd.f32 v29, v28;
	v29 =	vmul.f32 v45, v14  }
0x2ac: {  	v49 =	vld [tilespmem:s11+$0x8580];
	v33 =	vadd.f32 v46, v33  }
0x2ad: {  	v50 =	vld [tilespmem:s10+$0x5480];
	v28 =	vadd.f32 v29, v28;
	v29 =	vmul.f32 v30, v15  }
0x2ae: {  	v33 =	vadd.f32 v47, v33;
	v30 =	vld [tilespmem:s11+$0x8600]  }
0x2af: {  	v51 =	vld [tilespmem:s10+$0x5500];
	v28 =	vadd.f32 v29, v28;
	v29 =	vmul.f32 v31, v16  }
0x2b0: {  	v33 =	vadd.f32 v48, v33;
	v31 =	vld [tilespmem:s11+$0x8680]  }
0x2b1: {  	v52 =	vld [tilespmem:s10+$0x5580];
	v28 =	vadd.f32 v29, v28;
	v29 =	vmul.f32 v49, v17  }
0x2b2: {  	v53 =	vld [tilespmem:s11+$0x8700];
	v33 =	vadd.f32 v50, v33  }
0x2b3: {  	v54 =	vld [tilespmem:s10+$0x5600];
	v28 =	vadd.f32 v29, v28;
	v29 =	vmul.f32 v30, v18  }
0x2b4: {  	v33 =	vadd.f32 v51, v33;
	v30 =	vld [tilespmem:s11+$0x8780]  }
0x2b5: {  	v55 =	vld [tilespmem:s10+$0x5680];
	v28 =	vadd.f32 v29, v28;
	v29 =	vmul.f32 v31, v19  }
0x2b6: {  	v33 =	vadd.f32 v52, v33;
	v31 =	vld [tilespmem:s11+$0x9400]  }
0x2b7: {  	v56 =	vld [tilespmem:s10+$0x5700];
	v28 =	vadd.f32 v29, v28;
	v29 =	vmul.f32 v53, v20  }
0x2b8: {  	v57 =	vld [tilespmem:s11+$0x9480];
	v33 =	vadd.f32 v54, v33  }
0x2b9: {  	v58 =	vld [tilespmem:s10+$0x5780];
	v28 =	vadd.f32 v29, v28;
	v29 =	vmul.f32 v30, v21  }
0x2ba: {  	v59 =	vld [tilespmem:s11+$0x9500];
	v30 =	vadd.f32 v55, v33  }
0x2bb: {  	v60 =	vld [tilespmem:s10+$0x6400];
	v31 =	vmul.f32 v31, v22;
	v28 =	vadd.f32 v29, v28  }
0x2bc: {  	v38 =	vld [tilespmem:s11+$0x9580];
	v30 =	vadd.f32 v56, v30  }
0x2bd: {  	v32 =	vmul.f32 v57, v23;
	v29 =	vld [tilespmem:s10+$0x6480];
	v28 =	vadd.f32 v31, v28  }
0x2be: {  	v31 =	vld [tilespmem:s11+$0x9600];
	v61 =	vadd.f32 v58, v30  }
0x2bf: {  	v63 =	vmul.f32 v59, v24;
	v30 =	vld [tilespmem:s10+$0x6500];
	v62 =	vadd.f32 v32, v28  }
0x2c0: {  	v28 =	vld [tilespmem:s10+$0x7480];
	v33 =	vadd.f32 v60, v61  }
0x2c1: {  	s13 =	simm.s32 $0xC0;
	s12 =	simm.s32 $0x20;
	v35 =	vmul.f32 v38, v25;
	v32 =	vld [tilespmem:s10+$0x6580];
	v34 =	vadd.f32 v63, v62  }
.LBB2_4:
0x2c2: {  	p0 =	sne.s32 s13, $0x1C0;
	v36 =	vld [tilespmem:s12+$0x4400];
	v29 =	vadd.f32 v29, v33  }
0x2c3: {  	v33 =	vld [tilespmem:s10+$0x6600];
	v34 =	vadd.f32 v35, v34;
	v31 =	vmul.f32 v31, v26  }
0x2c4: {  	v35 =	vld [tilespmem:s12+$0x4480];
	v29 =	vadd.f32 v30, v29  }
0x2c5: {  	v30 =	vld [tilespmem:s10+$0x6680];
	v31 =	vadd.f32 v31, v34  }
0x2c6: {  	v34 =	vld [tilespmem:s12+$0x4500];
	v29 =	vadd.f32 v32, v29  }
0x2c7: {  	v32 =	vadd.f32 v36, v27;
	v36 =	vld [tilespmem:s10+$0x6700];
	[tilespmem:s11+$0xA100] =	vst v31;
	s11 =	smov.u32 s10;
	s10 =	smov.u32 s12  }
0x2c8: {  	v31 =	vld [tilespmem:s10+$0x4580];
	v29 =	vadd.f32 v33, v29  }
0x2c9: {  	v32 =	vadd.f32 v35, v32;
	v33 =	vld [tilespmem:s11+$0x6780]  }
0x2ca: {  	v35 =	vld [tilespmem:s10+$0x4600];
	v29 =	vadd.f32 v30, v29  }
0x2cb: {  	v30 =	vadd.f32 v34, v32;
	v32 =	vld [tilespmem:s11+$0x7400]  }
0x2cc: {  	v34 =	vld [tilespmem:s10+$0x4680];
	v29 =	vadd.f32 v36, v29  }
0x2cd: {  	v30 =	vadd.f32 v31, v30;
	v31 =	vld [tilespmem:s11+$0x8400]  }
0x2ce: {  	v36 =	vld [tilespmem:s10+$0x4700];
	v29 =	vadd.f32 v33, v29  }
0x2cf: {  	v30 =	vadd.f32 v35, v30;
	v33 =	vld [tilespmem:s11+$0x8480]  }
0x2d0: {  	v35 =	vld [tilespmem:s10+$0x4780];
	v29 =	vadd.f32 v32, v29  }
0x2d1: {  	v30 =	vadd.f32 v34, v30;
	v32 =	vld [tilespmem:s11+$0x8500]  }
0x2d2: {  	v34 =	vld [tilespmem:s10+$0x5400];
	v28 =	vadd.f32 v28, v29;
	v29 =	vmul.f32 v31, v14  }
0x2d3: {  	v30 =	vadd.f32 v36, v30;
	v31 =	vld [tilespmem:s11+$0x8580]  }
0x2d4: {  	v36 =	vld [tilespmem:s10+$0x5480];
	v28 =	vadd.f32 v29, v28;
	v29 =	vmul.f32 v33, v15  }
0x2d5: {  	v30 =	vadd.f32 v35, v30;
	v33 =	vld [tilespmem:s11+$0x8600]  }
0x2d6: {  	v35 =	vld [tilespmem:s10+$0x5500];
	v28 =	vadd.f32 v29, v28;
	v29 =	vmul.f32 v32, v16  }
0x2d7: {  	v30 =	vadd.f32 v34, v30;
	v32 =	vld [tilespmem:s11+$0x8680]  }
0x2d8: {  	v34 =	vld [tilespmem:s10+$0x5580];
	v28 =	vadd.f32 v29, v28;
	v29 =	vmul.f32 v31, v17  }
0x2d9: {  	v30 =	vadd.f32 v36, v30;
	v31 =	vld [tilespmem:s11+$0x8700]  }
0x2da: {  	v36 =	vld [tilespmem:s10+$0x5600];
	v28 =	vadd.f32 v29, v28;
	v29 =	vmul.f32 v33, v18  }
0x2db: {  	v30 =	vadd.f32 v35, v30;
	v33 =	vld [tilespmem:s11+$0x8780]  }
0x2dc: {  	v35 =	vld [tilespmem:s10+$0x5680];
	v28 =	vadd.f32 v29, v28;
	v29 =	vmul.f32 v32, v19  }
0x2dd: {  	v30 =	vadd.f32 v34, v30;
	v32 =	vld [tilespmem:s11+$0x9400]  }
0x2de: {  	v34 =	vld [tilespmem:s10+$0x5700];
	v28 =	vadd.f32 v29, v28;
	v29 =	vmul.f32 v31, v20  }
0x2df: {  	v30 =	vadd.f32 v36, v30;
	v31 =	vld [tilespmem:s11+$0x9480]  }
0x2e0: {  	v36 =	vld [tilespmem:s10+$0x5780];
	v28 =	vadd.f32 v29, v28;
	v29 =	vmul.f32 v33, v21  }
0x2e1: {  	v30 =	vadd.f32 v35, v30;
	v33 =	vld [tilespmem:s11+$0x9500]  }
0x2e2: {  	v35 =	vld [tilespmem:s10+$0x6400];
	v28 =	vadd.f32 v29, v28;
	v32 =	vmul.f32 v32, v22  }
0x2e3: {  	v30 =	vadd.f32 v34, v30;
	v37 =	vld [tilespmem:s11+$0x9580]  }
.Ltmp1:
0x2e4: {  	v29 =	vld [tilespmem:s10+$0x6480];
	v28 =	vadd.f32 v32, v28;
	v32 =	vmul.f32 v31, v23;
	(pc) =	sbr.rel @p0 .LBB2_4-.Ltmp1, $4  }
0x2e5: {  	v34 =	vadd.f32 v36, v30;
	v31 =	vld [tilespmem:s11+$0x9600]  }
0x2e6: {  	v30 =	vld [tilespmem:s10+$0x6500];
	v36 =	vadd.f32 v32, v28;
	v38 =	vmul.f32 v33, v24  }
0x2e7: {  	v33 =	vadd.f32 v35, v34;
	v28 =	vld [tilespmem:s10+$0x7480]  }
0x2e8: {  	s12 =	sshra.s32 s13, $0x2;
	s13 =	sadd.s32 $0x40, s13;
	v32 =	vld [tilespmem:s10+$0x6580];
	v34 =	vadd.f32 v38, v36;
	v35 =	vmul.f32 v37, v25  }
0x2e9: {  	v36 =	vld [tilespmem:s12+$0x4400]  }
0x2ea: {  	v37 =	vld [tilespmem:s10+$0x6600];
	v29 =	vadd.f32 v29, v33;
	v48 =	vadd.f32 v35, v34;
	v31 =	vmul.f32 v31, v26  }
0x2eb: {  	v49 =	vld [tilespmem:s12+$0x4480]  }
0x2ec: {  	v50 =	vld [tilespmem:s10+$0x6680];
	v29 =	vadd.f32 v30, v29;
	v30 =	vadd.f32 v31, v48  }
0x2ed: {  	v31 =	vld [tilespmem:s12+$0x4500]  }
0x2ee: {  	v51 =	vld [tilespmem:s10+$0x6700];
	v29 =	vadd.f32 v32, v29;
	v52 =	vadd.f32 v36, v27;
	[tilespmem:s11+$0xA100] =	vst v30  }
0x2ef: {  	v30 =	vld [tilespmem:s12+$0x4580]  }
0x2f0: {  	v29 =	vadd.f32 v37, v29;
	v53 =	vld [tilespmem:s10+$0x6780];
	v32 =	vadd.f32 v49, v52  }
0x2f1: {  	v54 =	vld [tilespmem:s12+$0x4600]  }
0x2f2: {  	v55 =	vld [tilespmem:s10+$0x7400];
	v29 =	vadd.f32 v50, v29;
	v31 =	vadd.f32 v31, v32  }
0x2f3: {  	v56 =	vld [tilespmem:s12+$0x4680]  }
0x2f4: {  	v57 =	vld [tilespmem:s12+$0x4700];
	v29 =	vadd.f32 v51, v29;
	v30 =	vadd.f32 v30, v31  }
0x2f5: {  	v31 =	vld [tilespmem:s10+$0x8400]  }
0x2f6: {  	v58 =	vld [tilespmem:s10+$0x8480];
	v29 =	vadd.f32 v53, v29;
	v30 =	vadd.f32 v54, v30  }
0x2f7: {  	v59 =	vld [tilespmem:s12+$0x4780]  }
0x2f8: {  	v60 =	vld [tilespmem:s10+$0x8500];
	v29 =	vadd.f32 v55, v29;
	v30 =	vadd.f32 v56, v30  }
0x2f9: {  	v61 =	vld [tilespmem:s12+$0x5400]  }
0x2fa: {  	v62 =	vld [tilespmem:s12+$0x5480];
	v28 =	vadd.f32 v28, v29;
	v29 =	vmul.f32 v31, v14;
	v30 =	vadd.f32 v57, v30  }
0x2fb: {  	v31 =	vld [tilespmem:s10+$0x8580]  }
0x2fc: {  	v63 =	vld [tilespmem:s10+$0x8600];
	v28 =	vadd.f32 v29, v28;
	v29 =	vmul.f32 v58, v15;
	v30 =	vadd.f32 v59, v30  }
0x2fd: {  	v40 =	vld [tilespmem:s12+$0x5500]  }
0x2fe: {  	v41 =	vld [tilespmem:s10+$0x8680];
	v28 =	vadd.f32 v29, v28;
	v29 =	vmul.f32 v60, v16;
	v30 =	vadd.f32 v61, v30  }
0x2ff: {  	v42 =	vld [tilespmem:s12+$0x5580]  }
0x300: {  	v43 =	vld [tilespmem:s12+$0x5600];
	v28 =	vadd.f32 v29, v28;
	v29 =	vmul.f32 v31, v17;
	v30 =	vadd.f32 v62, v30  }
0x301: {  	v31 =	vld [tilespmem:s10+$0x8700]  }
0x302: {  	v44 =	vld [tilespmem:s10+$0x8780];
	v28 =	vadd.f32 v29, v28;
	v29 =	vmul.f32 v63, v18;
	v30 =	vadd.f32 v40, v30  }
0x303: {  	v45 =	vld [tilespmem:s12+$0x5680]  }
0x304: {  	v46 =	vld [tilespmem:s10+$0x9400];
	v28 =	vadd.f32 v29, v28;
	v29 =	vmul.f32 v41, v19;
	v30 =	vadd.f32 v42, v30  }
0x305: {  	v47 =	vld [tilespmem:s12+$0x5700]  }
0x306: {  	v48 =	vld [tilespmem:s12+$0x5780];
	v28 =	vadd.f32 v29, v28;
	v29 =	vmul.f32 v31, v20;
	v30 =	vadd.f32 v43, v30  }
0x307: {  	v31 =	vld [tilespmem:s10+$0x9480]  }
0x308: {  	v49 =	vld [tilespmem:s10+$0x9500];
	v28 =	vadd.f32 v29, v28;
	v29 =	vmul.f32 v44, v21;
	v30 =	vadd.f32 v45, v30  }
0x309: {  	v50 =	vld [tilespmem:s12+$0x6400]  }
0x30a: {  	v52 =	vld [tilespmem:s12+$0x6480];
	v28 =	vadd.f32 v29, v28;
	v29 =	vmul.f32 v46, v22;
	v30 =	vadd.f32 v47, v30  }
0x30b: {  	v51 =	vld [tilespmem:s10+$0x9580]  }
0x30c: {  	v53 =	vld [tilespmem:s12+$0x6500];
	v28 =	vadd.f32 v29, v28;
	v29 =	vmul.f32 v31, v23;
	v30 =	vadd.f32 v48, v30  }
0x30d: {  	v31 =	vld [tilespmem:s10+$0x9600]  }
0x30e: {  	v28 =	vadd.f32 v29, v28;
	v29 =	vmul.f32 v49, v24;
	v30 =	vadd.f32 v50, v30  }
0x30f: {  	v54 =	vld [tilespmem:s12+$0x6580]  }
0x310: {  	v28 =	vadd.f32 v29, v28;
	v29 =	vmul.f32 v51, v25;
	v30 =	vadd.f32 v52, v30  }
0x311: {  	v55 =	vld [tilespmem:s12+$0x6600]  }
0x312: {  	v28 =	vadd.f32 v29, v28;
	v29 =	vmul.f32 v31, v26;
	v30 =	vadd.f32 v53, v30  }
0x313: {  	v31 =	vld [tilespmem:s12+$0x6680]  }
0x314: {  	v28 =	vadd.f32 v29, v28;
	v29 =	vadd.f32 v54, v30  }
0x315: {  	v30 =	vld [tilespmem:s12+$0x6700]  }
0x316: {  	v56 =	vld [tilespmem:s12+$0x7480];
	[tilespmem:s10+$0xA100] =	vst v28;
	v28 =	vadd.f32 v55, v29  }
0x317: {  	v29 =	vld [tilespmem:s12+$0x6780]  }
0x318: {  	v28 =	vadd.f32 v31, v28  }
0x319: {  	v31 =	vld [tilespmem:s12+$0x7400]  }
0x31a: {  	v28 =	vadd.f32 v30, v28  }
0x31b: {  	v30 =	vld [tilespmem:s12+$0x8400]  }
0x31c: {  	v28 =	vadd.f32 v29, v28  }
0x31d: {  	v29 =	vld [tilespmem:s12+$0x8480]  }
0x31e: {  	v28 =	vadd.f32 v31, v28  }
0x31f: {  	v31 =	vld [tilespmem:s12+$0x8500]  }
0x320: {  	v30 =	vmul.f32 v30, v14;
	v28 =	vadd.f32 v56, v28  }
0x321: {  	v57 =	vld [tilespmem:s12+$0x8580]  }
0x322: {  	v29 =	vmul.f32 v29, v15;
	v28 =	vadd.f32 v30, v28  }
0x323: {  	v30 =	vld [tilespmem:s12+$0x8600]  }
0x324: {  	v28 =	vadd.f32 v29, v28;
	v29 =	vmul.f32 v31, v16  }
0x325: {  	v31 =	vld [tilespmem:s12+$0x8680]  }
0x326: {  	v28 =	vadd.f32 v29, v28;
	v29 =	vmul.f32 v57, v17  }
0x327: {  	v58 =	vld [tilespmem:s12+$0x8700]  }
0x328: {  	v28 =	vadd.f32 v29, v28;
	v29 =	vmul.f32 v30, v18  }
0x329: {  	v30 =	vld [tilespmem:s12+$0x8780]  }
0x32a: {  	v28 =	vadd.f32 v29, v28;
	v29 =	vmul.f32 v31, v19  }
0x32b: {  	v31 =	vld [tilespmem:s12+$0x9400]  }
0x32c: {  	v28 =	vadd.f32 v29, v28;
	v29 =	vmul.f32 v58, v20  }
0x32d: {  	v59 =	vld [tilespmem:s12+$0x9480]  }
0x32e: {  	v28 =	vadd.f32 v29, v28;
	v29 =	vmul.f32 v30, v21  }
0x32f: {  	v30 =	vld [tilespmem:s12+$0x9500]  }
0x330: {  	v28 =	vadd.f32 v29, v28;
	v29 =	vmul.f32 v31, v22  }
0x331: {  	v31 =	vld [tilespmem:s12+$0x9580]  }
0x332: {  	v28 =	vadd.f32 v29, v28;
	v29 =	vmul.f32 v59, v23  }
0x333: {  	v60 =	vld [tilespmem:s12+$0x9600]  }
0x334: {  	v28 =	vadd.f32 v29, v28;
	v29 =	vmul.f32 v30, v24;
	_ =	sdelay $0x1  }
0x335: {  	v28 =	vadd.f32 v29, v28;
	v29 =	vmul.f32 v31, v25;
	_ =	sdelay $0x1  }
0x336: {  	v28 =	vadd.f32 v29, v28;
	v29 =	vmul.f32 v60, v26;
	_ =	sdelay $0x1  }
0x337: {  	v28 =	vadd.f32 v29, v28;
	_ =	sdelay $0x1  }
0x338: {  	[tilespmem:s12+$0xA100] =	vst v28  }
0x339: {  	_ =	swait.ge [sflag:s16], $0x80  }
0x33a: {  	[sflag:s16] =	ssyncset.done $0x0  }
0x33b: {  	[sflag:s16] =	ssyncadd.s32 $0xFFFFFF80  }
0x33c: {  	_ =	swait.ge [sflag:s16], $0x80  }
0x33d: {  	[sflag:s16] =	ssyncset.done $0x0  }
0x33e: {  	[sflag:s16] =	ssyncadd.s32 $0xFFFFFF80  }
0x33f: {  	_ =	swait.ge [sflag:s16], $0x80  }
0x340: {  	[sflag:s16] =	ssyncset.done $0x0  }
0x341: {  	[sflag:s16] =	ssyncadd.s32 $0xFFFFFF80  }
0x342: {  	_ =	swait.ge [sflag:s16], $0x80  }
0x343: {  	[sflag:s16] =	ssyncset.done $0x0  }
0x344: {  	[sflag:s16] =	ssyncadd.s32 $0xFFFFFF80  }
0x345: {  	_ =	swait.ge [sflag:s16], $0x80  }
0x346: {  	[sflag:s16] =	ssyncset.done $0x0  }
0x347: {  	[sflag:s16] =	ssyncadd.s32 $0xFFFFFF80  }
0x348: {  	_ =	swait.ge [sflag:s16], $0x80  }
0x349: {  	[sflag:s16] =	ssyncset.done $0x0  }
0x34a: {  	[sflag:s16] =	ssyncadd.s32 $0xFFFFFF80  }
0x34b: {  	_ =	swait.ge [sflag:s16], $0x80  }
0x34c: {  	[sflag:s16] =	ssyncset.done $0x0  }
0x34d: {  	[sflag:s16] =	ssyncadd.s32 $0xFFFFFF80  }
0x34e: {  	_ =	swait.ge [sflag:s16], $0x80  }
0x34f: {  	[sflag:s16] =	ssyncset.done $0x0  }
0x350: {  	[sflag:s16] =	ssyncadd.s32 $0xFFFFFF80  }
0x351: {  	_ =	swait.ge [sflag:s16], $0x80  }
0x352: {  	[sflag:s16] =	ssyncset.done $0x0  }
0x353: {  	[sflag:s16] =	ssyncadd.s32 $0xFFFFFF80  }
0x354: {  	_ =	swait.ge [sflag:s16], $0x80  }
0x355: {  	[sflag:s16] =	ssyncset.done $0x0  }
0x356: {  	[sflag:s16] =	ssyncadd.s32 $0xFFFFFF80  }
0x357: {  	_ =	swait.ge [sflag:s16], $0x80  }
0x358: {  	[sflag:s16] =	ssyncset.done $0x0  }
0x359: {  	[sflag:s16] =	ssyncadd.s32 $0xFFFFFF80  }
0x35a: {  	_ =	swait.ge [sflag:s16], $0x80  }
0x35b: {  	[sflag:s16] =	ssyncset.done $0x0  }
0x35c: {  	[sflag:s16] =	ssyncadd.s32 $0xFFFFFF80  }
0x35d: {  	_ =	swait.ge [sflag:s16], $0x80  }
0x35e: {  	[sflag:s16] =	ssyncset.done $0x0  }
0x35f: {  	[sflag:s16] =	ssyncadd.s32 $0xFFFFFF80  }
0x360: {  	_ =	swait.ge [sflag:s16], $0x80  }
0x361: {  	[sflag:s16] =	ssyncset.done $0x0  }
0x362: {  	[sflag:s16] =	ssyncadd.s32 $0xFFFFFF80  }
0x363: {  	_ =	swait.ge [sflag:s16], $0x80  }
0x364: {  	[sflag:s16] =	ssyncset.done $0x0  }
0x365: {  	[sflag:s16] =	ssyncadd.s32 $0xFFFFFF80  }
0x366: {  	_ =	swait.ge [sflag:s16], $0x80  }
0x367: {  	[sflag:s16] =	ssyncset.done $0x0  }
0x368: {  	[sflag:s16] =	ssyncadd.s32 $0xFFFFFF80  }
0x369: {  	_ =	swait.ge [sflag:s16], $0x80  }
0x36a: {  	[sflag:s16] =	ssyncset.done $0x0  }
0x36b: {  	[sflag:s16] =	ssyncadd.s32 $0xFFFFFF80  }
0x36c: {  	_ =	swait.ge [sflag:s16], $0x80  }
0x36d: {  	[sflag:s16] =	ssyncset.done $0x0  }
0x36e: {  	[sflag:s16] =	ssyncadd.s32 $0xFFFFFF80  }
0x36f: {  	_ =	swait.ge [sflag:s16], $0x80  }
0x370: {  	[sflag:s16] =	ssyncset.done $0x0  }
0x371: {  	[sflag:s16] =	ssyncadd.s32 $0xFFFFFF80  }
0x372: {  	_ =	swait.ge [sflag:s16], $0x80  }
0x373: {  	[sflag:s16] =	ssyncset.done $0x0  }
0x374: {  	[sflag:s16] =	ssyncadd.s32 $0xFFFFFF80  }
0x375: {  	_ =	swait.ge [sflag:s16], $0x80  }
0x376: {  	[sflag:s16] =	ssyncset.done $0x0  }
0x377: {  	[sflag:s16] =	ssyncadd.s32 $0xFFFFFF80  }
0x378: {  	_ =	swait.ge [sflag:s16], $0x80  }
0x379: {  	[sflag:s16] =	ssyncset.done $0x0  }
0x37a: {  	[sflag:s16] =	ssyncadd.s32 $0xFFFFFF80  }
0x37b: {  	_ =	swait.ge [sflag:s16], $0x80  }
0x37c: {  	[sflag:s16] =	ssyncset.done $0x0  }
0x37d: {  	[sflag:s16] =	ssyncadd.s32 $0xFFFFFF80  }
0x37e: {  	_ =	swait.ge [sflag:s16], $0x80  }
0x37f: {  	[sflag:s16] =	ssyncset.done $0x0  }
0x380: {  	[sflag:s16] =	ssyncadd.s32 $0xFFFFFF80  }
0x381: {  	_ =	swait.ge [sflag:s16], $0x80  }
0x382: {  	[sflag:s16] =	ssyncset.done $0x0  }
0x383: {  	[sflag:s16] =	ssyncadd.s32 $0xFFFFFF80  }
0x384: {  	_ =	swait.ge [sflag:s16], $0x80  }
0x385: {  	[sflag:s16] =	ssyncset.done $0x0  }
0x386: {  	s11 =	simm.s32 $0x0;
	[sflag:s16] =	ssyncadd.s32 $0xFFFFFF80  }
0x387: {  	v28 =	vld [tilespmem:s11+$0x4800];
	_ =	sdelay $0x1  }
0x388: {  	v29 =	vld [tilespmem:s11+$0x4880];
	_ =	sdelay $0x1  }
0x389: {  	v30 =	vld [tilespmem:s11+$0x4900]  }
0x38a: {  	v28 =	vadd.f32 v28, v27  }
0x38b: {  	v31 =	vld [tilespmem:s11+$0x4980]  }
0x38c: {  	v28 =	vadd.f32 v29, v28  }
0x38d: {  	v29 =	vld [tilespmem:s11+$0x4A00]  }
0x38e: {  	v28 =	vadd.f32 v30, v28  }
0x38f: {  	v30 =	vld [tilespmem:s11+$0x4A80]  }
0x390: {  	v28 =	vadd.f32 v31, v28  }
0x391: {  	v31 =	vld [tilespmem:s11+$0x4B00]  }
0x392: {  	v28 =	vadd.f32 v29, v28  }
0x393: {  	v29 =	vld [tilespmem:s11+$0x4B80]  }
0x394: {  	v28 =	vadd.f32 v30, v28  }
0x395: {  	v30 =	vld [tilespmem:s11+$0x5800]  }
0x396: {  	v28 =	vadd.f32 v31, v28  }
0x397: {  	v31 =	vld [tilespmem:s11+$0x5880]  }
0x398: {  	v28 =	vadd.f32 v29, v28  }
0x399: {  	v29 =	vld [tilespmem:s11+$0x5900]  }
0x39a: {  	v28 =	vadd.f32 v30, v28  }
0x39b: {  	v30 =	vld [tilespmem:s11+$0x5980]  }
0x39c: {  	v28 =	vadd.f32 v31, v28  }
0x39d: {  	v31 =	vld [tilespmem:s11+$0x5A00]  }
0x39e: {  	v28 =	vadd.f32 v29, v28  }
0x39f: {  	v29 =	vld [tilespmem:s11+$0x5A80]  }
0x3a0: {  	v28 =	vadd.f32 v30, v28  }
0x3a1: {  	v30 =	vld [tilespmem:s11+$0x5B00]  }
0x3a2: {  	v28 =	vadd.f32 v31, v28  }
0x3a3: {  	v31 =	vld [tilespmem:s11+$0x5B80]  }
0x3a4: {  	v28 =	vadd.f32 v29, v28  }
0x3a5: {  	v29 =	vld [tilespmem:s11+$0x6800]  }
0x3a6: {  	v28 =	vadd.f32 v30, v28  }
0x3a7: {  	v30 =	vld [tilespmem:s11+$0x6880]  }
0x3a8: {  	v28 =	vadd.f32 v31, v28  }
0x3a9: {  	v31 =	vld [tilespmem:s11+$0x6900]  }
0x3aa: {  	s10 =	simm.s32 $0x10;
	v61 =	vld [tilespmem:s11+$0x6980];
	v28 =	vadd.f32 v29, v28  }
0x3ab: {  	v62 =	vld [tilespmem:s10+$0x4800]  }
0x3ac: {  	v63 =	vld [tilespmem:s10+$0x4880];
	v28 =	vadd.f32 v30, v28  }
0x3ad: {  	v30 =	vld [tilespmem:s11+$0x6A00]  }
0x3ae: {  	v40 =	vld [tilespmem:s10+$0x4900];
	v28 =	vadd.f32 v31, v28  }
0x3af: {  	v31 =	vld [tilespmem:s11+$0x6A80]  }
0x3b0: {  	v41 =	vld [tilespmem:s11+$0x6B00];
	v28 =	vadd.f32 v61, v28  }
0x3b1: {  	v42 =	vld [tilespmem:s10+$0x4980];
	v33 =	vadd.f32 v62, v27  }
0x3b2: {  	v43 =	vld [tilespmem:s10+$0x4A00];
	v28 =	vadd.f32 v30, v28  }
0x3b3: {  	v33 =	vadd.f32 v63, v33;
	v30 =	vld [tilespmem:s11+$0x6B80]  }
0x3b4: {  	v44 =	vld [tilespmem:s10+$0x4A80];
	v28 =	vadd.f32 v31, v28  }
0x3b5: {  	v33 =	vadd.f32 v40, v33;
	v31 =	vld [tilespmem:s11+$0x7800]  }
0x3b6: {  	v45 =	vld [tilespmem:s11+$0x8800];
	v28 =	vadd.f32 v41, v28  }
0x3b7: {  	v33 =	vadd.f32 v42, v33;
	v29 =	vld [tilespmem:s11+$0x7880]  }
0x3b8: {  	v46 =	vld [tilespmem:s10+$0x4B00];
	v28 =	vadd.f32 v30, v28  }
0x3b9: {  	v33 =	vadd.f32 v43, v33;
	v30 =	vld [tilespmem:s11+$0x8880]  }
0x3ba: {  	v47 =	vld [tilespmem:s10+$0x4B80];
	v28 =	vadd.f32 v31, v28  }
0x3bb: {  	v33 =	vadd.f32 v44, v33;
	v31 =	vld [tilespmem:s11+$0x8900]  }
0x3bc: {  	v48 =	vld [tilespmem:s10+$0x5800];
	v28 =	vadd.f32 v29, v28;
	v29 =	vmul.f32 v45, v14  }
0x3bd: {  	v49 =	vld [tilespmem:s11+$0x8980];
	v33 =	vadd.f32 v46, v33  }
0x3be: {  	v50 =	vld [tilespmem:s10+$0x5880];
	v28 =	vadd.f32 v29, v28;
	v29 =	vmul.f32 v30, v15  }
0x3bf: {  	v33 =	vadd.f32 v47, v33;
	v30 =	vld [tilespmem:s11+$0x8A00]  }
0x3c0: {  	v51 =	vld [tilespmem:s10+$0x5900];
	v28 =	vadd.f32 v29, v28;
	v29 =	vmul.f32 v31, v16  }
0x3c1: {  	v33 =	vadd.f32 v48, v33;
	v31 =	vld [tilespmem:s11+$0x8A80]  }
0x3c2: {  	v52 =	vld [tilespmem:s10+$0x5980];
	v28 =	vadd.f32 v29, v28;
	v29 =	vmul.f32 v49, v17  }
0x3c3: {  	v53 =	vld [tilespmem:s11+$0x8B00];
	v33 =	vadd.f32 v50, v33  }
0x3c4: {  	v54 =	vld [tilespmem:s10+$0x5A00];
	v28 =	vadd.f32 v29, v28;
	v29 =	vmul.f32 v30, v18  }
0x3c5: {  	v33 =	vadd.f32 v51, v33;
	v30 =	vld [tilespmem:s11+$0x8B80]  }
0x3c6: {  	v55 =	vld [tilespmem:s10+$0x5A80];
	v28 =	vadd.f32 v29, v28;
	v29 =	vmul.f32 v31, v19  }
0x3c7: {  	v33 =	vadd.f32 v52, v33;
	v31 =	vld [tilespmem:s11+$0x9800]  }
0x3c8: {  	v56 =	vld [tilespmem:s10+$0x5B00];
	v28 =	vadd.f32 v29, v28;
	v29 =	vmul.f32 v53, v20  }
0x3c9: {  	v57 =	vld [tilespmem:s11+$0x9880];
	v33 =	vadd.f32 v54, v33  }
0x3ca: {  	v58 =	vld [tilespmem:s10+$0x5B80];
	v28 =	vadd.f32 v29, v28;
	v29 =	vmul.f32 v30, v21  }
0x3cb: {  	v59 =	vld [tilespmem:s11+$0x9900];
	v30 =	vadd.f32 v55, v33  }
0x3cc: {  	v60 =	vld [tilespmem:s10+$0x6800];
	v31 =	vmul.f32 v31, v22;
	v28 =	vadd.f32 v29, v28  }
0x3cd: {  	v38 =	vld [tilespmem:s11+$0x9980];
	v30 =	vadd.f32 v56, v30  }
0x3ce: {  	v32 =	vmul.f32 v57, v23;
	v29 =	vld [tilespmem:s10+$0x6880];
	v28 =	vadd.f32 v31, v28  }
0x3cf: {  	v31 =	vld [tilespmem:s11+$0x9A00];
	v61 =	vadd.f32 v58, v30  }
0x3d0: {  	v63 =	vmul.f32 v59, v24;
	v30 =	vld [tilespmem:s10+$0x6900];
	v62 =	vadd.f32 v32, v28  }
0x3d1: {  	v28 =	vld [tilespmem:s10+$0x7880];
	v33 =	vadd.f32 v60, v61  }
0x3d2: {  	s13 =	simm.s32 $0xC0;
	s12 =	simm.s32 $0x20;
	v35 =	vmul.f32 v38, v25;
	v32 =	vld [tilespmem:s10+$0x6980];
	v34 =	vadd.f32 v63, v62  }
.LBB2_6:
0x3d3: {  	p0 =	sne.s32 s13, $0x1C0;
	v36 =	vld [tilespmem:s12+$0x4800];
	v29 =	vadd.f32 v29, v33  }
0x3d4: {  	v33 =	vld [tilespmem:s10+$0x6A00];
	v34 =	vadd.f32 v35, v34;
	v31 =	vmul.f32 v31, v26  }
0x3d5: {  	v35 =	vld [tilespmem:s12+$0x4880];
	v29 =	vadd.f32 v30, v29  }
0x3d6: {  	v30 =	vld [tilespmem:s10+$0x6A80];
	v31 =	vadd.f32 v31, v34  }
0x3d7: {  	v34 =	vld [tilespmem:s12+$0x4900];
	v29 =	vadd.f32 v32, v29  }
0x3d8: {  	v32 =	vadd.f32 v36, v27;
	v36 =	vld [tilespmem:s10+$0x6B00];
	[tilespmem:s11+$0xA180] =	vst v31;
	s11 =	smov.u32 s10;
	s10 =	smov.u32 s12  }
0x3d9: {  	v31 =	vld [tilespmem:s10+$0x4980];
	v29 =	vadd.f32 v33, v29  }
0x3da: {  	v32 =	vadd.f32 v35, v32;
	v33 =	vld [tilespmem:s11+$0x6B80]  }
0x3db: {  	v35 =	vld [tilespmem:s10+$0x4A00];
	v29 =	vadd.f32 v30, v29  }
0x3dc: {  	v30 =	vadd.f32 v34, v32;
	v32 =	vld [tilespmem:s11+$0x7800]  }
0x3dd: {  	v34 =	vld [tilespmem:s10+$0x4A80];
	v29 =	vadd.f32 v36, v29  }
0x3de: {  	v30 =	vadd.f32 v31, v30;
	v31 =	vld [tilespmem:s11+$0x8800]  }
0x3df: {  	v36 =	vld [tilespmem:s10+$0x4B00];
	v29 =	vadd.f32 v33, v29  }
0x3e0: {  	v30 =	vadd.f32 v35, v30;
	v33 =	vld [tilespmem:s11+$0x8880]  }
0x3e1: {  	v35 =	vld [tilespmem:s10+$0x4B80];
	v29 =	vadd.f32 v32, v29  }
0x3e2: {  	v30 =	vadd.f32 v34, v30;
	v32 =	vld [tilespmem:s11+$0x8900]  }
0x3e3: {  	v34 =	vld [tilespmem:s10+$0x5800];
	v28 =	vadd.f32 v28, v29;
	v29 =	vmul.f32 v31, v14  }
0x3e4: {  	v30 =	vadd.f32 v36, v30;
	v31 =	vld [tilespmem:s11+$0x8980]  }
0x3e5: {  	v36 =	vld [tilespmem:s10+$0x5880];
	v28 =	vadd.f32 v29, v28;
	v29 =	vmul.f32 v33, v15  }
0x3e6: {  	v30 =	vadd.f32 v35, v30;
	v33 =	vld [tilespmem:s11+$0x8A00]  }
0x3e7: {  	v35 =	vld [tilespmem:s10+$0x5900];
	v28 =	vadd.f32 v29, v28;
	v29 =	vmul.f32 v32, v16  }
0x3e8: {  	v30 =	vadd.f32 v34, v30;
	v32 =	vld [tilespmem:s11+$0x8A80]  }
0x3e9: {  	v34 =	vld [tilespmem:s10+$0x5980];
	v28 =	vadd.f32 v29, v28;
	v29 =	vmul.f32 v31, v17  }
0x3ea: {  	v30 =	vadd.f32 v36, v30;
	v31 =	vld [tilespmem:s11+$0x8B00]  }
0x3eb: {  	v36 =	vld [tilespmem:s10+$0x5A00];
	v28 =	vadd.f32 v29, v28;
	v29 =	vmul.f32 v33, v18  }
0x3ec: {  	v30 =	vadd.f32 v35, v30;
	v33 =	vld [tilespmem:s11+$0x8B80]  }
0x3ed: {  	v35 =	vld [tilespmem:s10+$0x5A80];
	v28 =	vadd.f32 v29, v28;
	v29 =	vmul.f32 v32, v19  }
0x3ee: {  	v30 =	vadd.f32 v34, v30;
	v32 =	vld [tilespmem:s11+$0x9800]  }
0x3ef: {  	v34 =	vld [tilespmem:s10+$0x5B00];
	v28 =	vadd.f32 v29, v28;
	v29 =	vmul.f32 v31, v20  }
0x3f0: {  	v30 =	vadd.f32 v36, v30;
	v31 =	vld [tilespmem:s11+$0x9880]  }
0x3f1: {  	v36 =	vld [tilespmem:s10+$0x5B80];
	v28 =	vadd.f32 v29, v28;
	v29 =	vmul.f32 v33, v21  }
0x3f2: {  	v30 =	vadd.f32 v35, v30;
	v33 =	vld [tilespmem:s11+$0x9900]  }
0x3f3: {  	v35 =	vld [tilespmem:s10+$0x6800];
	v28 =	vadd.f32 v29, v28;
	v32 =	vmul.f32 v32, v22  }
0x3f4: {  	v30 =	vadd.f32 v34, v30;
	v37 =	vld [tilespmem:s11+$0x9980]  }
.Ltmp2:
0x3f5: {  	v29 =	vld [tilespmem:s10+$0x6880];
	v28 =	vadd.f32 v32, v28;
	v32 =	vmul.f32 v31, v23;
	(pc) =	sbr.rel @p0 .LBB2_6-.Ltmp2, $4  }
0x3f6: {  	v34 =	vadd.f32 v36, v30;
	v31 =	vld [tilespmem:s11+$0x9A00]  }
0x3f7: {  	v30 =	vld [tilespmem:s10+$0x6900];
	v36 =	vadd.f32 v32, v28;
	v38 =	vmul.f32 v33, v24  }
0x3f8: {  	v33 =	vadd.f32 v35, v34;
	v28 =	vld [tilespmem:s10+$0x7880]  }
0x3f9: {  	s12 =	sshra.s32 s13, $0x2;
	s13 =	sadd.s32 $0x40, s13;
	v32 =	vld [tilespmem:s10+$0x6980];
	v34 =	vadd.f32 v38, v36;
	v35 =	vmul.f32 v37, v25  }
0x3fa: {  	v36 =	vld [tilespmem:s12+$0x4800]  }
0x3fb: {  	v37 =	vld [tilespmem:s10+$0x6A00];
	v29 =	vadd.f32 v29, v33;
	v48 =	vadd.f32 v35, v34;
	v31 =	vmul.f32 v31, v26  }
0x3fc: {  	v49 =	vld [tilespmem:s12+$0x4880]  }
0x3fd: {  	v50 =	vld [tilespmem:s10+$0x6A80];
	v29 =	vadd.f32 v30, v29;
	v30 =	vadd.f32 v31, v48  }
0x3fe: {  	v31 =	vld [tilespmem:s12+$0x4900]  }
0x3ff: {  	v51 =	vld [tilespmem:s10+$0x6B00];
	v29 =	vadd.f32 v32, v29;
	v52 =	vadd.f32 v36, v27;
	[tilespmem:s11+$0xA180] =	vst v30  }
0x400: {  	v30 =	vld [tilespmem:s12+$0x4980]  }
0x401: {  	v29 =	vadd.f32 v37, v29;
	v53 =	vld [tilespmem:s10+$0x6B80];
	v32 =	vadd.f32 v49, v52  }
0x402: {  	v54 =	vld [tilespmem:s12+$0x4A00]  }
0x403: {  	v55 =	vld [tilespmem:s10+$0x7800];
	v29 =	vadd.f32 v50, v29;
	v31 =	vadd.f32 v31, v32  }
0x404: {  	v56 =	vld [tilespmem:s12+$0x4A80]  }
0x405: {  	v57 =	vld [tilespmem:s12+$0x4B00];
	v29 =	vadd.f32 v51, v29;
	v30 =	vadd.f32 v30, v31  }
0x406: {  	v31 =	vld [tilespmem:s10+$0x8800]  }
0x407: {  	v58 =	vld [tilespmem:s10+$0x8880];
	v29 =	vadd.f32 v53, v29;
	v30 =	vadd.f32 v54, v30  }
0x408: {  	v59 =	vld [tilespmem:s12+$0x4B80]  }
0x409: {  	v60 =	vld [tilespmem:s10+$0x8900];
	v29 =	vadd.f32 v55, v29;
	v30 =	vadd.f32 v56, v30  }
0x40a: {  	v61 =	vld [tilespmem:s12+$0x5800]  }
0x40b: {  	v62 =	vld [tilespmem:s12+$0x5880];
	v28 =	vadd.f32 v28, v29;
	v29 =	vmul.f32 v31, v14;
	v30 =	vadd.f32 v57, v30  }
0x40c: {  	v31 =	vld [tilespmem:s10+$0x8980]  }
0x40d: {  	v63 =	vld [tilespmem:s10+$0x8A00];
	v28 =	vadd.f32 v29, v28;
	v29 =	vmul.f32 v58, v15;
	v30 =	vadd.f32 v59, v30  }
0x40e: {  	v40 =	vld [tilespmem:s12+$0x5900]  }
0x40f: {  	v41 =	vld [tilespmem:s10+$0x8A80];
	v28 =	vadd.f32 v29, v28;
	v29 =	vmul.f32 v60, v16;
	v30 =	vadd.f32 v61, v30  }
0x410: {  	v42 =	vld [tilespmem:s12+$0x5980]  }
0x411: {  	v43 =	vld [tilespmem:s12+$0x5A00];
	v28 =	vadd.f32 v29, v28;
	v29 =	vmul.f32 v31, v17;
	v30 =	vadd.f32 v62, v30  }
0x412: {  	v31 =	vld [tilespmem:s10+$0x8B00]  }
0x413: {  	v44 =	vld [tilespmem:s10+$0x8B80];
	v28 =	vadd.f32 v29, v28;
	v29 =	vmul.f32 v63, v18;
	v30 =	vadd.f32 v40, v30  }
0x414: {  	v45 =	vld [tilespmem:s12+$0x5A80]  }
0x415: {  	v46 =	vld [tilespmem:s10+$0x9800];
	v28 =	vadd.f32 v29, v28;
	v29 =	vmul.f32 v41, v19;
	v30 =	vadd.f32 v42, v30  }
0x416: {  	v47 =	vld [tilespmem:s12+$0x5B00]  }
0x417: {  	v48 =	vld [tilespmem:s12+$0x5B80];
	v28 =	vadd.f32 v29, v28;
	v29 =	vmul.f32 v31, v20;
	v30 =	vadd.f32 v43, v30  }
0x418: {  	v31 =	vld [tilespmem:s10+$0x9880]  }
0x419: {  	v49 =	vld [tilespmem:s10+$0x9900];
	v28 =	vadd.f32 v29, v28;
	v29 =	vmul.f32 v44, v21;
	v30 =	vadd.f32 v45, v30  }
0x41a: {  	v50 =	vld [tilespmem:s12+$0x6800]  }
0x41b: {  	v52 =	vld [tilespmem:s12+$0x6880];
	v28 =	vadd.f32 v29, v28;
	v29 =	vmul.f32 v46, v22;
	v30 =	vadd.f32 v47, v30  }
0x41c: {  	v51 =	vld [tilespmem:s10+$0x9980]  }
0x41d: {  	v53 =	vld [tilespmem:s12+$0x6900];
	v28 =	vadd.f32 v29, v28;
	v29 =	vmul.f32 v31, v23;
	v30 =	vadd.f32 v48, v30  }
0x41e: {  	v31 =	vld [tilespmem:s10+$0x9A00]  }
0x41f: {  	v28 =	vadd.f32 v29, v28;
	v29 =	vmul.f32 v49, v24;
	v30 =	vadd.f32 v50, v30  }
0x420: {  	v54 =	vld [tilespmem:s12+$0x6980]  }
0x421: {  	v28 =	vadd.f32 v29, v28;
	v29 =	vmul.f32 v51, v25;
	v30 =	vadd.f32 v52, v30  }
0x422: {  	v55 =	vld [tilespmem:s12+$0x6A00]  }
0x423: {  	v28 =	vadd.f32 v29, v28;
	v29 =	vmul.f32 v31, v26;
	v30 =	vadd.f32 v53, v30  }
0x424: {  	v31 =	vld [tilespmem:s12+$0x6A80]  }
0x425: {  	v28 =	vadd.f32 v29, v28;
	v29 =	vadd.f32 v54, v30  }
0x426: {  	v30 =	vld [tilespmem:s12+$0x6B00]  }
0x427: {  	v56 =	vld [tilespmem:s12+$0x7880];
	[tilespmem:s10+$0xA180] =	vst v28;
	v28 =	vadd.f32 v55, v29  }
0x428: {  	v29 =	vld [tilespmem:s12+$0x6B80]  }
0x429: {  	v28 =	vadd.f32 v31, v28  }
0x42a: {  	v31 =	vld [tilespmem:s12+$0x7800]  }
0x42b: {  	v28 =	vadd.f32 v30, v28  }
0x42c: {  	v30 =	vld [tilespmem:s12+$0x8800]  }
0x42d: {  	v28 =	vadd.f32 v29, v28  }
0x42e: {  	v29 =	vld [tilespmem:s12+$0x8880]  }
0x42f: {  	v28 =	vadd.f32 v31, v28  }
0x430: {  	v31 =	vld [tilespmem:s12+$0x8900]  }
0x431: {  	v30 =	vmul.f32 v30, v14;
	v28 =	vadd.f32 v56, v28  }
0x432: {  	v57 =	vld [tilespmem:s12+$0x8980]  }
0x433: {  	v29 =	vmul.f32 v29, v15;
	v28 =	vadd.f32 v30, v28  }
0x434: {  	v30 =	vld [tilespmem:s12+$0x8A00]  }
0x435: {  	v28 =	vadd.f32 v29, v28;
	v29 =	vmul.f32 v31, v16  }
0x436: {  	v31 =	vld [tilespmem:s12+$0x8A80]  }
0x437: {  	v28 =	vadd.f32 v29, v28;
	v29 =	vmul.f32 v57, v17  }
0x438: {  	v58 =	vld [tilespmem:s12+$0x8B00]  }
0x439: {  	v28 =	vadd.f32 v29, v28;
	v29 =	vmul.f32 v30, v18  }
0x43a: {  	v30 =	vld [tilespmem:s12+$0x8B80]  }
0x43b: {  	v28 =	vadd.f32 v29, v28;
	v29 =	vmul.f32 v31, v19  }
0x43c: {  	v31 =	vld [tilespmem:s12+$0x9800]  }
0x43d: {  	v28 =	vadd.f32 v29, v28;
	v29 =	vmul.f32 v58, v20  }
0x43e: {  	v59 =	vld [tilespmem:s12+$0x9880]  }
0x43f: {  	v28 =	vadd.f32 v29, v28;
	v29 =	vmul.f32 v30, v21  }
0x440: {  	v30 =	vld [tilespmem:s12+$0x9900]  }
0x441: {  	v28 =	vadd.f32 v29, v28;
	v29 =	vmul.f32 v31, v22  }
0x442: {  	v31 =	vld [tilespmem:s12+$0x9980]  }
0x443: {  	v28 =	vadd.f32 v29, v28;
	v29 =	vmul.f32 v59, v23  }
0x444: {  	v60 =	vld [tilespmem:s12+$0x9A00]  }
0x445: {  	v28 =	vadd.f32 v29, v28;
	v29 =	vmul.f32 v30, v24;
	_ =	sdelay $0x1  }
0x446: {  	v28 =	vadd.f32 v29, v28;
	v29 =	vmul.f32 v31, v25;
	_ =	sdelay $0x1  }
0x447: {  	v28 =	vadd.f32 v29, v28;
	v29 =	vmul.f32 v60, v26;
	_ =	sdelay $0x1  }
0x448: {  	v28 =	vadd.f32 v29, v28;
	_ =	sdelay $0x1  }
0x449: {  	[tilespmem:s12+$0xA180] =	vst v28  }
0x44a: {  	_ =	swait.ge [sflag:s17], $0x80  }
0x44b: {  	[sflag:s17] =	ssyncset.done $0x0  }
0x44c: {  	[sflag:s17] =	ssyncadd.s32 $0xFFFFFF80  }
0x44d: {  	_ =	swait.ge [sflag:s17], $0x80  }
0x44e: {  	[sflag:s17] =	ssyncset.done $0x0  }
0x44f: {  	[sflag:s17] =	ssyncadd.s32 $0xFFFFFF80  }
0x450: {  	_ =	swait.ge [sflag:s17], $0x80  }
0x451: {  	[sflag:s17] =	ssyncset.done $0x0  }
0x452: {  	[sflag:s17] =	ssyncadd.s32 $0xFFFFFF80  }
0x453: {  	_ =	swait.ge [sflag:s17], $0x80  }
0x454: {  	[sflag:s17] =	ssyncset.done $0x0  }
0x455: {  	[sflag:s17] =	ssyncadd.s32 $0xFFFFFF80  }
0x456: {  	_ =	swait.ge [sflag:s17], $0x80  }
0x457: {  	[sflag:s17] =	ssyncset.done $0x0  }
0x458: {  	[sflag:s17] =	ssyncadd.s32 $0xFFFFFF80  }
0x459: {  	_ =	swait.ge [sflag:s17], $0x80  }
0x45a: {  	[sflag:s17] =	ssyncset.done $0x0  }
0x45b: {  	[sflag:s17] =	ssyncadd.s32 $0xFFFFFF80  }
0x45c: {  	_ =	swait.ge [sflag:s17], $0x80  }
0x45d: {  	[sflag:s17] =	ssyncset.done $0x0  }
0x45e: {  	[sflag:s17] =	ssyncadd.s32 $0xFFFFFF80  }
0x45f: {  	_ =	swait.ge [sflag:s17], $0x80  }
0x460: {  	[sflag:s17] =	ssyncset.done $0x0  }
0x461: {  	[sflag:s17] =	ssyncadd.s32 $0xFFFFFF80  }
0x462: {  	_ =	swait.ge [sflag:s17], $0x80  }
0x463: {  	[sflag:s17] =	ssyncset.done $0x0  }
0x464: {  	[sflag:s17] =	ssyncadd.s32 $0xFFFFFF80  }
0x465: {  	_ =	swait.ge [sflag:s17], $0x80  }
0x466: {  	[sflag:s17] =	ssyncset.done $0x0  }
0x467: {  	[sflag:s17] =	ssyncadd.s32 $0xFFFFFF80  }
0x468: {  	_ =	swait.ge [sflag:s17], $0x80  }
0x469: {  	[sflag:s17] =	ssyncset.done $0x0  }
0x46a: {  	[sflag:s17] =	ssyncadd.s32 $0xFFFFFF80  }
0x46b: {  	_ =	swait.ge [sflag:s17], $0x80  }
0x46c: {  	[sflag:s17] =	ssyncset.done $0x0  }
0x46d: {  	[sflag:s17] =	ssyncadd.s32 $0xFFFFFF80  }
0x46e: {  	_ =	swait.ge [sflag:s17], $0x80  }
0x46f: {  	[sflag:s17] =	ssyncset.done $0x0  }
0x470: {  	[sflag:s17] =	ssyncadd.s32 $0xFFFFFF80  }
0x471: {  	_ =	swait.ge [sflag:s17], $0x80  }
0x472: {  	[sflag:s17] =	ssyncset.done $0x0  }
0x473: {  	[sflag:s17] =	ssyncadd.s32 $0xFFFFFF80  }
0x474: {  	_ =	swait.ge [sflag:s17], $0x80  }
0x475: {  	[sflag:s17] =	ssyncset.done $0x0  }
0x476: {  	[sflag:s17] =	ssyncadd.s32 $0xFFFFFF80  }
0x477: {  	_ =	swait.ge [sflag:s17], $0x80  }
0x478: {  	[sflag:s17] =	ssyncset.done $0x0  }
0x479: {  	[sflag:s17] =	ssyncadd.s32 $0xFFFFFF80  }
0x47a: {  	_ =	swait.ge [sflag:s17], $0x80  }
0x47b: {  	[sflag:s17] =	ssyncset.done $0x0  }
0x47c: {  	[sflag:s17] =	ssyncadd.s32 $0xFFFFFF80  }
0x47d: {  	_ =	swait.ge [sflag:s17], $0x80  }
0x47e: {  	[sflag:s17] =	ssyncset.done $0x0  }
0x47f: {  	[sflag:s17] =	ssyncadd.s32 $0xFFFFFF80  }
0x480: {  	_ =	swait.ge [sflag:s17], $0x80  }
0x481: {  	[sflag:s17] =	ssyncset.done $0x0  }
0x482: {  	[sflag:s17] =	ssyncadd.s32 $0xFFFFFF80  }
0x483: {  	_ =	swait.ge [sflag:s17], $0x80  }
0x484: {  	[sflag:s17] =	ssyncset.done $0x0  }
0x485: {  	[sflag:s17] =	ssyncadd.s32 $0xFFFFFF80  }
0x486: {  	_ =	swait.ge [sflag:s17], $0x80  }
0x487: {  	[sflag:s17] =	ssyncset.done $0x0  }
0x488: {  	[sflag:s17] =	ssyncadd.s32 $0xFFFFFF80  }
0x489: {  	_ =	swait.ge [sflag:s17], $0x80  }
0x48a: {  	[sflag:s17] =	ssyncset.done $0x0  }
0x48b: {  	[sflag:s17] =	ssyncadd.s32 $0xFFFFFF80  }
0x48c: {  	_ =	swait.ge [sflag:s17], $0x80  }
0x48d: {  	[sflag:s17] =	ssyncset.done $0x0  }
0x48e: {  	[sflag:s17] =	ssyncadd.s32 $0xFFFFFF80  }
0x48f: {  	_ =	swait.ge [sflag:s17], $0x80  }
0x490: {  	[sflag:s17] =	ssyncset.done $0x0  }
0x491: {  	[sflag:s17] =	ssyncadd.s32 $0xFFFFFF80  }
0x492: {  	_ =	swait.ge [sflag:s17], $0x80  }
0x493: {  	[sflag:s17] =	ssyncset.done $0x0  }
0x494: {  	[sflag:s17] =	ssyncadd.s32 $0xFFFFFF80  }
0x495: {  	_ =	swait.ge [sflag:s17], $0x80  }
0x496: {  	[sflag:s17] =	ssyncset.done $0x0  }
0x497: {  	s11 =	simm.s32 $0x0;
	[sflag:s17] =	ssyncadd.s32 $0xFFFFFF80  }
0x498: {  	v28 =	vld [tilespmem:s11+$0x4C00];
	_ =	sdelay $0x1  }
0x499: {  	v29 =	vld [tilespmem:s11+$0x4C80];
	_ =	sdelay $0x1  }
0x49a: {  	v30 =	vld [tilespmem:s11+$0x4D00]  }
0x49b: {  	v28 =	vadd.f32 v28, v27  }
0x49c: {  	v31 =	vld [tilespmem:s11+$0x4D80]  }
0x49d: {  	v28 =	vadd.f32 v29, v28  }
0x49e: {  	v29 =	vld [tilespmem:s11+$0x4E00]  }
0x49f: {  	v28 =	vadd.f32 v30, v28  }
0x4a0: {  	v30 =	vld [tilespmem:s11+$0x4E80]  }
0x4a1: {  	v28 =	vadd.f32 v31, v28  }
0x4a2: {  	v31 =	vld [tilespmem:s11+$0x4F00]  }
0x4a3: {  	v28 =	vadd.f32 v29, v28  }
0x4a4: {  	v29 =	vld [tilespmem:s11+$0x4F80]  }
0x4a5: {  	v28 =	vadd.f32 v30, v28  }
0x4a6: {  	v30 =	vld [tilespmem:s11+$0x5C00]  }
0x4a7: {  	v28 =	vadd.f32 v31, v28  }
0x4a8: {  	v31 =	vld [tilespmem:s11+$0x5C80]  }
0x4a9: {  	v28 =	vadd.f32 v29, v28  }
0x4aa: {  	v29 =	vld [tilespmem:s11+$0x5D00]  }
0x4ab: {  	v28 =	vadd.f32 v30, v28  }
0x4ac: {  	v30 =	vld [tilespmem:s11+$0x5D80]  }
0x4ad: {  	v28 =	vadd.f32 v31, v28  }
0x4ae: {  	v31 =	vld [tilespmem:s11+$0x5E00]  }
0x4af: {  	v28 =	vadd.f32 v29, v28  }
0x4b0: {  	v29 =	vld [tilespmem:s11+$0x5E80]  }
0x4b1: {  	v28 =	vadd.f32 v30, v28  }
0x4b2: {  	v30 =	vld [tilespmem:s11+$0x5F00]  }
0x4b3: {  	v28 =	vadd.f32 v31, v28  }
0x4b4: {  	v31 =	vld [tilespmem:s11+$0x5F80]  }
0x4b5: {  	v28 =	vadd.f32 v29, v28  }
0x4b6: {  	v29 =	vld [tilespmem:s11+$0x6C00]  }
0x4b7: {  	v28 =	vadd.f32 v30, v28  }
0x4b8: {  	v30 =	vld [tilespmem:s11+$0x6C80]  }
0x4b9: {  	v28 =	vadd.f32 v31, v28  }
0x4ba: {  	v31 =	vld [tilespmem:s11+$0x6D00]  }
0x4bb: {  	s10 =	simm.s32 $0x10;
	v61 =	vld [tilespmem:s11+$0x6D80];
	v28 =	vadd.f32 v29, v28  }
0x4bc: {  	v62 =	vld [tilespmem:s10+$0x4C00]  }
0x4bd: {  	v63 =	vld [tilespmem:s10+$0x4C80];
	v28 =	vadd.f32 v30, v28  }
0x4be: {  	v30 =	vld [tilespmem:s11+$0x6E00]  }
0x4bf: {  	v40 =	vld [tilespmem:s10+$0x4D00];
	v28 =	vadd.f32 v31, v28  }
0x4c0: {  	v31 =	vld [tilespmem:s11+$0x6E80]  }
0x4c1: {  	v41 =	vld [tilespmem:s11+$0x6F00];
	v28 =	vadd.f32 v61, v28  }
0x4c2: {  	v42 =	vld [tilespmem:s10+$0x4D80];
	v33 =	vadd.f32 v62, v27  }
0x4c3: {  	v43 =	vld [tilespmem:s10+$0x4E00];
	v28 =	vadd.f32 v30, v28  }
0x4c4: {  	v33 =	vadd.f32 v63, v33;
	v30 =	vld [tilespmem:s11+$0x6F80]  }
0x4c5: {  	v44 =	vld [tilespmem:s10+$0x4E80];
	v28 =	vadd.f32 v31, v28  }
0x4c6: {  	v33 =	vadd.f32 v40, v33;
	v31 =	vld [tilespmem:s11+$0x7C00]  }
0x4c7: {  	v45 =	vld [tilespmem:s11+$0x8C00];
	v28 =	vadd.f32 v41, v28  }
0x4c8: {  	v33 =	vadd.f32 v42, v33;
	v29 =	vld [tilespmem:s11+$0x7C80]  }
0x4c9: {  	v46 =	vld [tilespmem:s10+$0x4F00];
	v28 =	vadd.f32 v30, v28  }
0x4ca: {  	v33 =	vadd.f32 v43, v33;
	v30 =	vld [tilespmem:s11+$0x8C80]  }
0x4cb: {  	v47 =	vld [tilespmem:s10+$0x4F80];
	v28 =	vadd.f32 v31, v28  }
0x4cc: {  	v33 =	vadd.f32 v44, v33;
	v31 =	vld [tilespmem:s11+$0x8D00]  }
0x4cd: {  	v48 =	vld [tilespmem:s10+$0x5C00];
	v28 =	vadd.f32 v29, v28;
	v29 =	vmul.f32 v45, v14  }
0x4ce: {  	v49 =	vld [tilespmem:s11+$0x8D80];
	v33 =	vadd.f32 v46, v33  }
0x4cf: {  	v50 =	vld [tilespmem:s10+$0x5C80];
	v28 =	vadd.f32 v29, v28;
	v29 =	vmul.f32 v30, v15  }
0x4d0: {  	v33 =	vadd.f32 v47, v33;
	v30 =	vld [tilespmem:s11+$0x8E00]  }
0x4d1: {  	v51 =	vld [tilespmem:s10+$0x5D00];
	v28 =	vadd.f32 v29, v28;
	v29 =	vmul.f32 v31, v16  }
0x4d2: {  	v33 =	vadd.f32 v48, v33;
	v31 =	vld [tilespmem:s11+$0x8E80]  }
0x4d3: {  	v52 =	vld [tilespmem:s10+$0x5D80];
	v28 =	vadd.f32 v29, v28;
	v29 =	vmul.f32 v49, v17  }
0x4d4: {  	v53 =	vld [tilespmem:s11+$0x8F00];
	v33 =	vadd.f32 v50, v33  }
0x4d5: {  	v54 =	vld [tilespmem:s10+$0x5E00];
	v28 =	vadd.f32 v29, v28;
	v29 =	vmul.f32 v30, v18  }
0x4d6: {  	v33 =	vadd.f32 v51, v33;
	v30 =	vld [tilespmem:s11+$0x8F80]  }
0x4d7: {  	v55 =	vld [tilespmem:s10+$0x5E80];
	v28 =	vadd.f32 v29, v28;
	v29 =	vmul.f32 v31, v19  }
0x4d8: {  	v33 =	vadd.f32 v52, v33;
	v31 =	vld [tilespmem:s11+$0x9C00]  }
0x4d9: {  	v56 =	vld [tilespmem:s10+$0x5F00];
	v28 =	vadd.f32 v29, v28;
	v29 =	vmul.f32 v53, v20  }
0x4da: {  	v57 =	vld [tilespmem:s11+$0x9C80];
	v33 =	vadd.f32 v54, v33  }
0x4db: {  	v58 =	vld [tilespmem:s10+$0x5F80];
	v28 =	vadd.f32 v29, v28;
	v29 =	vmul.f32 v30, v21  }
0x4dc: {  	v59 =	vld [tilespmem:s11+$0x9D00];
	v30 =	vadd.f32 v55, v33  }
0x4dd: {  	v60 =	vld [tilespmem:s10+$0x6C00];
	v31 =	vmul.f32 v31, v22;
	v28 =	vadd.f32 v29, v28  }
0x4de: {  	v38 =	vld [tilespmem:s11+$0x9D80];
	v30 =	vadd.f32 v56, v30  }
0x4df: {  	v32 =	vmul.f32 v57, v23;
	v29 =	vld [tilespmem:s10+$0x6C80];
	v28 =	vadd.f32 v31, v28  }
0x4e0: {  	v31 =	vld [tilespmem:s11+$0x9E00];
	v61 =	vadd.f32 v58, v30  }
0x4e1: {  	v63 =	vmul.f32 v59, v24;
	v30 =	vld [tilespmem:s10+$0x6D00];
	v62 =	vadd.f32 v32, v28  }
0x4e2: {  	v28 =	vld [tilespmem:s10+$0x7C80];
	v33 =	vadd.f32 v60, v61  }
0x4e3: {  	s13 =	simm.s32 $0xC0;
	s12 =	simm.s32 $0x20;
	v35 =	vmul.f32 v38, v25;
	v32 =	vld [tilespmem:s10+$0x6D80];
	v34 =	vadd.f32 v63, v62  }
.LBB2_8:
0x4e4: {  	p0 =	sne.s32 s13, $0x1C0;
	v36 =	vld [tilespmem:s12+$0x4C00];
	v29 =	vadd.f32 v29, v33  }
0x4e5: {  	v33 =	vld [tilespmem:s10+$0x6E00];
	v34 =	vadd.f32 v35, v34;
	v31 =	vmul.f32 v31, v26  }
0x4e6: {  	v35 =	vld [tilespmem:s12+$0x4C80];
	v29 =	vadd.f32 v30, v29  }
0x4e7: {  	v30 =	vld [tilespmem:s10+$0x6E80];
	v31 =	vadd.f32 v31, v34  }
0x4e8: {  	v34 =	vld [tilespmem:s12+$0x4D00];
	v29 =	vadd.f32 v32, v29  }
0x4e9: {  	v32 =	vadd.f32 v36, v27;
	v36 =	vld [tilespmem:s10+$0x6F00];
	[tilespmem:s11+$0xA200] =	vst v31;
	s11 =	smov.u32 s10;
	s10 =	smov.u32 s12  }
0x4ea: {  	v31 =	vld [tilespmem:s10+$0x4D80];
	v29 =	vadd.f32 v33, v29  }
0x4eb: {  	v32 =	vadd.f32 v35, v32;
	v33 =	vld [tilespmem:s11+$0x6F80]  }
0x4ec: {  	v35 =	vld [tilespmem:s10+$0x4E00];
	v29 =	vadd.f32 v30, v29  }
0x4ed: {  	v30 =	vadd.f32 v34, v32;
	v32 =	vld [tilespmem:s11+$0x7C00]  }
0x4ee: {  	v34 =	vld [tilespmem:s10+$0x4E80];
	v29 =	vadd.f32 v36, v29  }
0x4ef: {  	v30 =	vadd.f32 v31, v30;
	v31 =	vld [tilespmem:s11+$0x8C00]  }
0x4f0: {  	v36 =	vld [tilespmem:s10+$0x4F00];
	v29 =	vadd.f32 v33, v29  }
0x4f1: {  	v30 =	vadd.f32 v35, v30;
	v33 =	vld [tilespmem:s11+$0x8C80]  }
0x4f2: {  	v35 =	vld [tilespmem:s10+$0x4F80];
	v29 =	vadd.f32 v32, v29  }
0x4f3: {  	v30 =	vadd.f32 v34, v30;
	v32 =	vld [tilespmem:s11+$0x8D00]  }
0x4f4: {  	v34 =	vld [tilespmem:s10+$0x5C00];
	v28 =	vadd.f32 v28, v29;
	v29 =	vmul.f32 v31, v14  }
0x4f5: {  	v30 =	vadd.f32 v36, v30;
	v31 =	vld [tilespmem:s11+$0x8D80]  }
0x4f6: {  	v36 =	vld [tilespmem:s10+$0x5C80];
	v28 =	vadd.f32 v29, v28;
	v29 =	vmul.f32 v33, v15  }
0x4f7: {  	v30 =	vadd.f32 v35, v30;
	v33 =	vld [tilespmem:s11+$0x8E00]  }
0x4f8: {  	v35 =	vld [tilespmem:s10+$0x5D00];
	v28 =	vadd.f32 v29, v28;
	v29 =	vmul.f32 v32, v16  }
0x4f9: {  	v30 =	vadd.f32 v34, v30;
	v32 =	vld [tilespmem:s11+$0x8E80]  }
0x4fa: {  	v34 =	vld [tilespmem:s10+$0x5D80];
	v28 =	vadd.f32 v29, v28;
	v29 =	vmul.f32 v31, v17  }
0x4fb: {  	v30 =	vadd.f32 v36, v30;
	v31 =	vld [tilespmem:s11+$0x8F00]  }
0x4fc: {  	v36 =	vld [tilespmem:s10+$0x5E00];
	v28 =	vadd.f32 v29, v28;
	v29 =	vmul.f32 v33, v18  }
0x4fd: {  	v30 =	vadd.f32 v35, v30;
	v33 =	vld [tilespmem:s11+$0x8F80]  }
0x4fe: {  	v35 =	vld [tilespmem:s10+$0x5E80];
	v28 =	vadd.f32 v29, v28;
	v29 =	vmul.f32 v32, v19  }
0x4ff: {  	v30 =	vadd.f32 v34, v30;
	v32 =	vld [tilespmem:s11+$0x9C00]  }
0x500: {  	v34 =	vld [tilespmem:s10+$0x5F00];
	v28 =	vadd.f32 v29, v28;
	v29 =	vmul.f32 v31, v20  }
0x501: {  	v30 =	vadd.f32 v36, v30;
	v31 =	vld [tilespmem:s11+$0x9C80]  }
0x502: {  	v36 =	vld [tilespmem:s10+$0x5F80];
	v28 =	vadd.f32 v29, v28;
	v29 =	vmul.f32 v33, v21  }
0x503: {  	v30 =	vadd.f32 v35, v30;
	v33 =	vld [tilespmem:s11+$0x9D00]  }
0x504: {  	v35 =	vld [tilespmem:s10+$0x6C00];
	v28 =	vadd.f32 v29, v28;
	v32 =	vmul.f32 v32, v22  }
0x505: {  	v30 =	vadd.f32 v34, v30;
	v37 =	vld [tilespmem:s11+$0x9D80]  }
.Ltmp3:
0x506: {  	v29 =	vld [tilespmem:s10+$0x6C80];
	v28 =	vadd.f32 v32, v28;
	v32 =	vmul.f32 v31, v23;
	(pc) =	sbr.rel @p0 .LBB2_8-.Ltmp3, $4  }
0x507: {  	v34 =	vadd.f32 v36, v30;
	v31 =	vld [tilespmem:s11+$0x9E00]  }
0x508: {  	v30 =	vld [tilespmem:s10+$0x6D00];
	v36 =	vadd.f32 v32, v28;
	v38 =	vmul.f32 v33, v24  }
0x509: {  	v33 =	vadd.f32 v35, v34;
	v28 =	vld [tilespmem:s10+$0x7C80]  }
0x50a: {  	s12 =	sshra.s32 s13, $0x2;
	s13 =	sadd.s32 $0x40, s13;
	v32 =	vld [tilespmem:s10+$0x6D80];
	v34 =	vadd.f32 v38, v36;
	v35 =	vmul.f32 v37, v25  }
0x50b: {  	v36 =	vld [tilespmem:s12+$0x4C00]  }
0x50c: {  	v37 =	vld [tilespmem:s10+$0x6E00];
	v29 =	vadd.f32 v29, v33;
	v52 =	vadd.f32 v35, v34;
	v31 =	vmul.f32 v31, v26  }
0x50d: {  	v53 =	vld [tilespmem:s12+$0x4C80]  }
0x50e: {  	v54 =	vld [tilespmem:s10+$0x6E80];
	v29 =	vadd.f32 v30, v29;
	v55 =	vadd.f32 v31, v52  }
0x50f: {  	v56 =	vld [tilespmem:s12+$0x4D00]  }
0x510: {  	v57 =	vld [tilespmem:s10+$0x6F00];
	v29 =	vadd.f32 v32, v29;
	v27 =	vadd.f32 v36, v27;
	[tilespmem:s11+$0xA200] =	vst v55  }
0x511: {  	v30 =	vld [tilespmem:s12+$0x4D80]  }
0x512: {  	v29 =	vadd.f32 v37, v29;
	v58 =	vld [tilespmem:s10+$0x6F80];
	v27 =	vadd.f32 v53, v27  }
0x513: {  	v59 =	vld [tilespmem:s12+$0x4E00]  }
0x514: {  	v60 =	vld [tilespmem:s10+$0x7C00];
	v29 =	vadd.f32 v54, v29;
	v27 =	vadd.f32 v56, v27  }
0x515: {  	v61 =	vld [tilespmem:s12+$0x4E80]  }
0x516: {  	v62 =	vld [tilespmem:s10+$0x8C00];
	v29 =	vadd.f32 v57, v29;
	v27 =	vadd.f32 v30, v27  }
0x517: {  	v63 =	vld [tilespmem:s12+$0x4F00]  }
0x518: {  	v36 =	vld [tilespmem:s10+$0x8C80];
	v29 =	vadd.f32 v58, v29;
	v27 =	vadd.f32 v59, v27  }
0x519: {  	v37 =	vld [tilespmem:s12+$0x4F80]  }
0x51a: {  	v38 =	vld [tilespmem:s10+$0x8D00];
	v29 =	vadd.f32 v60, v29;
	v27 =	vadd.f32 v61, v27  }
0x51b: {  	v39 =	vld [tilespmem:s12+$0x5C00]  }
0x51c: {  	v41 =	vld [tilespmem:s10+$0x8D80];
	v40 =	vmul.f32 v62, v14;
	v28 =	vadd.f32 v28, v29;
	v27 =	vadd.f32 v63, v27  }
0x51d: {  	v42 =	vld [tilespmem:s12+$0x5C80]  }
0x51e: {  	v44 =	vld [tilespmem:s10+$0x8E00];
	v43 =	vmul.f32 v36, v15;
	v28 =	vadd.f32 v40, v28;
	v27 =	vadd.f32 v37, v27  }
0x51f: {  	v45 =	vld [tilespmem:s12+$0x5D00]  }
0x520: {  	v47 =	vld [tilespmem:s10+$0x8E80];
	v46 =	vmul.f32 v38, v16;
	v28 =	vadd.f32 v43, v28;
	v27 =	vadd.f32 v39, v27  }
0x521: {  	v48 =	vld [tilespmem:s12+$0x5D80]  }
0x522: {  	v50 =	vld [tilespmem:s10+$0x8F00];
	v49 =	vmul.f32 v41, v17;
	v28 =	vadd.f32 v46, v28;
	v27 =	vadd.f32 v42, v27  }
0x523: {  	v51 =	vld [tilespmem:s12+$0x5E00]  }
0x524: {  	v53 =	vld [tilespmem:s10+$0x8F80];
	v52 =	vmul.f32 v44, v18;
	v28 =	vadd.f32 v49, v28;
	v27 =	vadd.f32 v45, v27  }
0x525: {  	v54 =	vld [tilespmem:s12+$0x5E80]  }
0x526: {  	v56 =	vld [tilespmem:s10+$0x9C00];
	v55 =	vmul.f32 v47, v19;
	v28 =	vadd.f32 v52, v28;
	v27 =	vadd.f32 v48, v27  }
0x527: {  	v57 =	vld [tilespmem:s12+$0x5F00]  }
0x528: {  	v58 =	vmul.f32 v50, v20;
	v59 =	vld [tilespmem:s10+$0x9C80];
	v28 =	vadd.f32 v55, v28;
	v27 =	vadd.f32 v51, v27  }
0x529: {  	v60 =	vld [tilespmem:s12+$0x5F80]  }
0x52a: {  	v62 =	vld [tilespmem:s10+$0x9D00];
	v61 =	vmul.f32 v53, v21;
	v28 =	vadd.f32 v58, v28;
	v27 =	vadd.f32 v54, v27  }
0x52b: {  	v63 =	vld [tilespmem:s12+$0x6C00]  }
0x52c: {  	v38 =	vld [tilespmem:s12+$0x6C80];
	v36 =	vmul.f32 v56, v22;
	v28 =	vadd.f32 v61, v28;
	v27 =	vadd.f32 v57, v27  }
0x52d: {  	v37 =	vld [tilespmem:s10+$0x9D80]  }
0x52e: {  	v41 =	vld [tilespmem:s12+$0x6D00];
	v39 =	vmul.f32 v59, v23;
	v28 =	vadd.f32 v36, v28;
	v27 =	vadd.f32 v60, v27  }
0x52f: {  	v40 =	vld [tilespmem:s10+$0x9E00]  }
0x530: {  	v42 =	vmul.f32 v62, v24;
	v28 =	vadd.f32 v39, v28;
	v27 =	vadd.f32 v63, v27  }
0x531: {  	v43 =	vld [tilespmem:s12+$0x6D80]  }
0x532: {  	v44 =	vmul.f32 v37, v25;
	v28 =	vadd.f32 v42, v28;
	v27 =	vadd.f32 v38, v27  }
0x533: {  	v45 =	vld [tilespmem:s12+$0x6E00]  }
0x534: {  	v46 =	vmul.f32 v40, v26;
	v28 =	vadd.f32 v44, v28;
	v27 =	vadd.f32 v41, v27  }
0x535: {  	v47 =	vld [tilespmem:s12+$0x6E80]  }
0x536: {  	v28 =	vadd.f32 v46, v28;
	v27 =	vadd.f32 v43, v27  }
0x537: {  	v49 =	vld [tilespmem:s12+$0x6F00]  }
0x538: {  	v48 =	vld [tilespmem:s12+$0x7C80];
	[tilespmem:s10+$0xA200] =	vst v28;
	v27 =	vadd.f32 v45, v27  }
0x539: {  	v28 =	vld [tilespmem:s12+$0x6F80]  }
0x53a: {  	v27 =	vadd.f32 v47, v27  }
0x53b: {  	v50 =	vld [tilespmem:s12+$0x7C00]  }
0x53c: {  	v27 =	vadd.f32 v49, v27  }
0x53d: {  	v51 =	vld [tilespmem:s12+$0x8C00]  }
0x53e: {  	v27 =	vadd.f32 v28, v27  }
0x53f: {  	v52 =	vld [tilespmem:s12+$0x8C80]  }
0x540: {  	v27 =	vadd.f32 v50, v27  }
0x541: {  	v53 =	vld [tilespmem:s12+$0x8D00]  }
0x542: {  	v14 =	vmul.f32 v51, v14;
	v27 =	vadd.f32 v48, v27  }
0x543: {  	v54 =	vld [tilespmem:s12+$0x8D80]  }
0x544: {  	v15 =	vmul.f32 v52, v15;
	v14 =	vadd.f32 v14, v27  }
0x545: {  	v55 =	vld [tilespmem:s12+$0x8E00]  }
0x546: {  	v14 =	vadd.f32 v15, v14;
	v15 =	vmul.f32 v53, v16  }
0x547: {  	v56 =	vld [tilespmem:s12+$0x8E80]  }
0x548: {  	v14 =	vadd.f32 v15, v14;
	v15 =	vmul.f32 v54, v17  }
0x549: {  	v57 =	vld [tilespmem:s12+$0x8F00]  }
0x54a: {  	v14 =	vadd.f32 v15, v14;
	v15 =	vmul.f32 v55, v18  }
0x54b: {  	v58 =	vld [tilespmem:s12+$0x8F80]  }
0x54c: {  	v14 =	vadd.f32 v15, v14;
	v15 =	vmul.f32 v56, v19  }
0x54d: {  	v59 =	vld [tilespmem:s12+$0x9C00]  }
0x54e: {  	v14 =	vadd.f32 v15, v14;
	v15 =	vmul.f32 v57, v20  }
0x54f: {  	v60 =	vld [tilespmem:s12+$0x9C80]  }
0x550: {  	v14 =	vadd.f32 v15, v14;
	v15 =	vmul.f32 v58, v21  }
0x551: {  	v61 =	vld [tilespmem:s12+$0x9D00]  }
0x552: {  	v14 =	vadd.f32 v15, v14;
	v15 =	vmul.f32 v59, v22  }
0x553: {  	v62 =	vld [tilespmem:s12+$0x9D80]  }
0x554: {  	v14 =	vadd.f32 v15, v14;
	v15 =	vmul.f32 v60, v23  }
0x555: {  	v63 =	vld [tilespmem:s12+$0x9E00]  }
0x556: {  	v14 =	vadd.f32 v15, v14;
	v15 =	vmul.f32 v61, v24;
	_ =	sdelay $0x1  }
0x557: {  	v14 =	vadd.f32 v15, v14;
	v15 =	vmul.f32 v62, v25;
	_ =	sdelay $0x1  }
0x558: {  	v14 =	vadd.f32 v15, v14;
	v15 =	vmul.f32 v63, v26;
	_ =	sdelay $0x1  }
0x559: {  	v14 =	vadd.f32 v15, v14;
	_ =	sdelay $0x1  }
0x55a: {  	s11 =	rddreg [dreg:$0x7];
	[tilespmem:s12+$0xA200] =	vst v14;
	s12 =	simm.s32 $0xA080  }
0x55b: {  	[hbm4b:s11+s4] =	stream.linear.scatter [tilespmem:s12], [sflag:$0x5], $0x200, $0x38;
	[tilespmem:$0xA280] =	vst v63  }
0x55c: {  	_ =	swait.ge [sflag:s18], $0x200  }
0x55d: {  	s9 =	sadd.s32 $0x1, s9;
	s13 =	rddreg [dreg:$0x8]  }
0x55e: {  	p0 =	sne.s32 s9, s13  }
.Ltmp4:
0x55f: {  	_ = 	snop;
	(pc) =	sbr.rel @p0 .LBB2_1-.Ltmp4, $3  }
0x560: {  	_ =	sdelay $0x1  }
0x561: {  	[sflag:s18] =	ssyncset.done $0x0  }
0x562: {  	[sflag:s18] =	ssyncadd.s32 $0xFFFFFE00  }
0x563: {  	_ =	sfence.sel $0x180000  }
0x564: {  	[bflag:$0x0] =	sbarrier.arrive $0xFFFF  }
0x565: {  	_ =	strace $0x90000047  }
0x566: {  	s0 =	stileid.u32;
	[bflag:$0x2] =	sbarrier.arrive $0xFFFF  }
0x567: {  	p0 =	sne.s32 s0, $0x0;
	s0 =	rddreg [dreg:$0x5]  }
0x568: {  	s0 =	sadd.s32 @!p0 $0x100000, s0  }
0x569: {  	[sflag:s0] =	ssyncadd.tile.s32 @!p0 $0x1;
	_ =	shalt  }
.Lfunc_end2:
_tile_overlayer_lowered:
.L_overlay_start_2:
0x56a: {  	(tag) =	ssettag $0x2  }
0x56b: {  	s0 =	rddreg [dreg:$0x0];
	s2 =	stileid.u32  }
0x56c: {  	s1 =	rddreg [dreg:$0x1];
	p0 =	sne.s32 s2, $0x0  }
0x56d: {  	s3 =	rddreg [dreg:$0x2];
	[bflag:$0x3] =	sbarrier.arrive $0xFFFF;
	s2 =	simm.s32 @!p0 $0x1C05  }
0x56e: {  	[timem:s3], [sflag:s2] =	dma.local @!p0 [hbm:s0], s1  }
0x56f: {  	s0 =	simm.s32 @!p0 $0x5  }
0x570: {  	_ =	swait.ge @!p0 [sflag:s0], s1  }
0x571: {  	s1 =	ssub.s32 @!p0 $0x0, s1;
	[sflag:s0] =	ssyncset.done @!p0 $0x0  }
0x572: {  	[sflag:s0] =	ssyncadd.s32 @!p0 s1  }
0x573: {  	[bflag:$0x3] =	sbarrier.arrive $0xFFFF  }
0x574: {  	_ =	shalt  }

</sc_bundles>
